<compile_context>
chip_gen: v7x
topology: tpu7x:2x2x1
jax: 0.10.2.dev20260603
libtpu: 0.0.44.dev20260713+nightly
codegen_flags: <defaults>
</compile_context>

<pallas_src>
import functools

import jax
import jax.numpy as jnp
from jax import lax
from jax.experimental import pallas as pl
from jax.experimental.pallas import tpu as pltpu
from jax.experimental.pallas import tpu_sc as plsc

_R, _C = 32, 128



def _scores_sort_body(f_ref, si_ref, sc, *, tblk, nb, tb):
    bb = pl.program_id(0)
    t = pl.program_id(1)

    @pl.when(t < tb)
    def _sc():
        rows = []
        for i in range(tblk // 128):
            x = f_ref[0, pl.ds(128 * i, 128), :]
            c = x * x
            acc = c[:, 0:128]
            for q in range(1, 8):
                acc = acc + c[:, 128 * q:128 * (q + 1)]
            at = jnp.swapaxes(acc, 0, 1)
            s = at[0:8]
            for g in range(1, 16):
                s = s + at[8 * g:8 * (g + 1)]
            u = s[0:4] + s[4:8]
            v = u[0:2] + u[2:4]
            w = v[0:1] + v[1:2]
            rows.append(jnp.sqrt(w))
        sc[bb, pl.ds((tblk // 128) * t, tblk // 128)] = jnp.concatenate(
            rows, axis=0)

    @pl.when((t == tb) & (bb == nb - 1))
    def _srt():
        key = sc[...]
        idx = (lax.broadcasted_iota(jnp.int32, key.shape, 1) * _C +
               lax.broadcasted_iota(jnp.int32, key.shape, 2))
        for tt in range(1, 13):
            K = 2 ** tt
            j = K // 2
            while j >= 1:
                key, idx = _sort_stage(key, idx, K, j)
                j //= 2
        si_ref[...] = idx


def _scores_sort(feat, tblk):
    b, n, c = feat.shape
    tb = n // tblk
    body = functools.partial(_scores_sort_body, tblk=tblk, nb=b, tb=tb)
    return pl.pallas_call(
        body,
        grid=(b, tb + 1),
        in_specs=[pl.BlockSpec(
            (1, tblk, c),
            lambda i, t, tb=tb: (i, jnp.where(t < tb, t, tb - 1), 0))],
        out_specs=pl.BlockSpec((b, n // 128, 128), lambda i, t: (0, 0, 0)),
        out_shape=jax.ShapeDtypeStruct((b, n // 128, 128), jnp.int32),
        scratch_shapes=[pltpu.VMEM((b, n // 128, 128), jnp.float32)],
    )(feat)


def _scores_body(f_ref, s_ref, *, tblk):
    rows = []
    for i in range(tblk // 128):
        x = f_ref[0, pl.ds(128 * i, 128), :]
        c = x * x
        acc = c[:, 0:128]
        for q in range(1, 8):
            acc = acc + c[:, 128 * q:128 * (q + 1)]
        at = jnp.swapaxes(acc, 0, 1)
        s = at[0:8]
        for g in range(1, 16):
            s = s + at[8 * g:8 * (g + 1)]
        u = s[0:4] + s[4:8]
        v = u[0:2] + u[2:4]
        w = v[0:1] + v[1:2]
        rows.append(jnp.sqrt(w))
    s_ref[0] = jnp.concatenate(rows, axis=0)


def _scores(feat, tblk):
    b, n, c = feat.shape
    body = functools.partial(_scores_body, tblk=tblk)
    return pl.pallas_call(
        body,
        grid=(b, n // tblk),
        in_specs=[pl.BlockSpec((1, tblk, c), lambda i, t: (i, t, 0))],
        out_specs=pl.BlockSpec((1, tblk // 128, 128), lambda i, t: (i, t, 0)),
        out_shape=jax.ShapeDtypeStruct((b, n // 128, 128), jnp.float32),
    )(feat)



def _xor_lane(x, j):
    lo = pltpu.roll(x, _C - j, x.ndim - 1)
    hi = pltpu.roll(x, j, x.ndim - 1)
    bit = (lax.broadcasted_iota(jnp.int32, x.shape, x.ndim - 1) & j) == 0
    return jnp.where(bit, lo, hi)


def _xor_row(x, m):
    b = x.shape[0]
    x5 = x.reshape(b, _R // (2 * m), 2, m, _C)
    sw = jnp.concatenate([x5[:, :, 1:2], x5[:, :, 0:1]], axis=2)
    return sw.reshape(b, _R, _C)


def _sort_stage(key, idx, K, j):
    if j < _C:
        kp = _xor_lane(key, j)
        xp = _xor_lane(idx, j)
        lower = (lax.broadcasted_iota(jnp.int32, key.shape, 2) & j) == 0
    else:
        m = j // _C
        kp = _xor_row(key, m)
        xp = _xor_row(idx, m)
        lower = (lax.broadcasted_iota(jnp.int32, key.shape, 1) & m) == 0
    if K < _C:
        dird = (lax.broadcasted_iota(jnp.int32, key.shape, 2) & K) == 0
    else:
        dird = (lax.broadcasted_iota(jnp.int32, key.shape, 1) & (K // _C)) == 0
    cmp = (key > kp) | ((key == kp) & (idx < xp))
    take_own = cmp == (lower == dird)
    return jnp.where(take_own, key, kp), jnp.where(take_own, idx, xp)


def _sort_body(s_ref, si_ref):
    key = s_ref[...]
    idx = (lax.broadcasted_iota(jnp.int32, key.shape, 1) * _C +
           lax.broadcasted_iota(jnp.int32, key.shape, 2))
    for t in range(1, 13):
        K = 2 ** t
        j = K // 2
        while j >= 1:
            key, idx = _sort_stage(key, idx, K, j)
            j //= 2
    si_ref[...] = idx


def _sort(scores3):
    b = scores3.shape[0]
    return pl.pallas_call(
        _sort_body,
        in_specs=[pl.BlockSpec((b, _R, _C), lambda: (0, 0, 0))],
        out_specs=pl.BlockSpec((b, _R, _C), lambda: (0, 0, 0)),
        out_shape=jax.ShapeDtypeStruct((b, _R, _C), jnp.int32),
    )(scores3)



def _make_sc_invert(b, n):
    mesh = plsc.VectorSubcoreMesh(core_axis_name="c", subcore_axis_name="s")

    @functools.partial(
        pl.kernel,
        mesh=mesh,
        out_type=jax.ShapeDtypeStruct((b, n), jnp.int32),
        scratch_types=[
            pltpu.VMEM((n,), jnp.int32),
            pltpu.VMEM((n,), jnp.int32),
        ],
        compiler_params=pltpu.CompilerParams(needs_layout_passes=False),
    )
    def sc_invert(sidx_hbm, out_hbm, sidx_v, row_v):
        wid = lax.axis_index("s") * 2 + lax.axis_index("c")

        @pl.when(wid < b)
        def _():
            pltpu.sync_copy(sidx_hbm.at[wid], sidx_v)

            def body(v, carry):
                tok = sidx_v[pl.ds(v * 16, 16)]
                pos = lax.iota(jnp.int32, 16) + v * 16
                plsc.store_scatter(row_v, [tok], pos)
                return carry

            lax.fori_loop(0, n // 16, body, 0)
            pltpu.sync_copy(row_v, out_hbm.at[wid])

    return sc_invert



def _add_body(f_ref, r_ref, e_ref, o_ref, *, k):
    x = f_ref[0]
    r = r_ref[0]
    e = e_ref[0]
    o_ref[0] = x + jnp.where(r < k, 1.0, 0.0) * e


def _masked_add(feat, ranks_col, emb, k, tblk):
    b, n, c = feat.shape
    body = functools.partial(_add_body, k=k)
    return pl.pallas_call(
        body,
        grid=(b, n // tblk),
        in_specs=[
            pl.BlockSpec((1, tblk, c), lambda i, t: (i, t, 0)),
            pl.BlockSpec((1, tblk, 1), lambda i, t: (i, t, 0)),
            pl.BlockSpec((1, 1, c), lambda i, t: (0, 0, 0)),
        ],
        out_specs=pl.BlockSpec((1, tblk, c), lambda i, t: (i, t, 0)),
        out_shape=jax.ShapeDtypeStruct((b, n, c), jnp.float32),
    )(feat, ranks_col, emb)



def kernel(feat, emb):
    b, n, c = feat.shape
    k = int(0.4 * n)

    sorted_idx = _scores_sort(feat, tblk=2048)
    sorted_idx = sorted_idx.reshape(b, n)
    indices = sorted_idx[:, :k]
    ranks = _make_sc_invert(b, n)(sorted_idx)
    feat_out = _masked_add(feat, ranks.reshape(b, n, 1), emb, k, tblk=1024)
    return (feat_out, indices)

# --- scband reference (transcript-rebuilt; emitter-appended) ---
"""Pipeline reference for scband-l2-norm-merging-14620068675724 (READ-ONLY COPY).

The authoritative reference and input builder live on the scoring server;
editing this copy changes nothing except your own understanding.
"""

import jax, jax.numpy as jnp
import numpy as np

DS_RATE = 0.4

def setup_inputs(seed: int = 0) -> dict:
    key = jax.random.key(seed)
    k1, k2 = jax.random.split(key)
    feat = jax.random.normal(k1, (4, 4096, 1024), dtype=jnp.float32)
    # learned parameter: token_selection_embedding [1, 1, dim], init normal std=0.02
    emb = jax.random.normal(k2, (1, 1, 1024), dtype=jnp.float32) * 0.02
    return {"feat": feat, "emb": emb}

def reference(feat, emb):
    b, n, c = feat.shape
    k = int(DS_RATE * n)
    scores = jnp.sqrt(jnp.sum(feat * feat, axis=-1))  # L2 norm over channel dim -> [b, n]
    _, indices = jax.lax.top_k(scores, k)  # [b, k]
    mask = jnp.zeros_like(scores)
    batch_idx = jnp.arange(b)[:, None]
    mask = mask.at[batch_idx, indices].set(1.0)  # scatter 1.0 along token dim
    feat_out = feat + mask[..., None] * emb
    return (feat_out, indices)

if __name__ == "__main__":
    import jax
    _d = setup_inputs()
    print(jax.jit(kernel)(*tuple(_d.values())))

</pallas_src>

<mosaic_0001>
#map = affine_map<(d0, d1) -> (0, 0)>
module attributes {stable_mosaic.version = 14 : i64} {
  func.func @sc_invert(%arg0: i32, %arg1: i32, %arg2: memref<4x4096xi32, #tpu.memory_space<hbm>>, %arg3: memref<4x4096xi32, #tpu.memory_space<hbm>>, %arg4: memref<4096xi32, #tpu.memory_space<vmem>>, %arg5: memref<4096xi32, #tpu.memory_space<vmem>>) attributes {dimension_semantics = [#tpu.dimension_semantics<core_parallel>, #tpu.dimension_semantics<subcore_parallel>], iteration_bounds = array<i64: 2, 16>, scalar_prefetch = 0 : i64, scratch_operands = 2 : i64, tpu.core_type = #tpu.core_type<sc_vector_subcore>, window_params = [{transform_indices = #map}, {transform_indices = #map}]} {
    %mul3A = arith.constant 2 : i32
    %mul3A_0 = arith.muli %arg1, %mul3A : i32
    %add3A = arith.addi %mul3A_0, %arg0 : i32
    %lt3A = arith.constant 4 : i32
    %lt3A_1 = arith.cmpi slt, %add3A, %lt3A : i32
    %convert_element_type3A = arith.extui %lt3A_1 : i1 to i32
    %cond3A = arith.constant 0 : i32
    %cond3A_2 = arith.cmpi ne, %convert_element_type3A, %cond3A : i32
    scf.if %cond3A_2 {
      "tpu.region"() ({
        %run_scoped3A = tpu.sem_alloc : memref<!tpu.dma_semaphore, #tpu.memory_space<semaphore_mem>>
        %dma_start3A = arith.constant 0 : i32
        %dma_start3A_8 = tpu.memref_slice %arg2[%add3A, %dma_start3A] : memref<4x4096xi32, #tpu.memory_space<hbm>> -> memref<1x4096xi32, #tpu.memory_space<hbm>>
        %dma_start3A_9 = tpu.memref_squeeze %dma_start3A_8 : memref<1x4096xi32, #tpu.memory_space<hbm>> -> memref<4096xi32, #tpu.memory_space<hbm>>
        %dma_start3A_10 = arith.constant 0 : i32
        %dma_start3A_11 = tpu.memref_slice %arg2[%add3A, %dma_start3A_10] : memref<4x4096xi32, #tpu.memory_space<hbm>> -> memref<1x4096xi32, #tpu.memory_space<hbm>>
        %dma_start3A_12 = tpu.memref_squeeze %dma_start3A_11 : memref<1x4096xi32, #tpu.memory_space<hbm>> -> memref<4096xi32, #tpu.memory_space<hbm>>
        tpu.enqueue_dma source(%dma_start3A_12 : memref<4096xi32, #tpu.memory_space<hbm>>) target(%arg4 : memref<4096xi32, #tpu.memory_space<vmem>>) target_semaphore(%run_scoped3A : memref<!tpu.dma_semaphore, #tpu.memory_space<semaphore_mem>>)
        %dma_wait3A = arith.constant 0 : i32
        %dma_wait3A_13 = tpu.memref_slice %arg2[%add3A, %dma_wait3A] : memref<4x4096xi32, #tpu.memory_space<hbm>> -> memref<1x4096xi32, #tpu.memory_space<hbm>>
        %dma_wait3A_14 = tpu.memref_squeeze %dma_wait3A_13 : memref<1x4096xi32, #tpu.memory_space<hbm>> -> memref<4096xi32, #tpu.memory_space<hbm>>
        %dma_wait3A_15 = arith.constant 0 : i32
        %dma_wait3A_16 = tpu.memref_slice %arg2[%add3A, %dma_wait3A_15] : memref<4x4096xi32, #tpu.memory_space<hbm>> -> memref<1x4096xi32, #tpu.memory_space<hbm>>
        %dma_wait3A_17 = tpu.memref_squeeze %dma_wait3A_16 : memref<1x4096xi32, #tpu.memory_space<hbm>> -> memref<4096xi32, #tpu.memory_space<hbm>>
        tpu.wait_dma2 semaphore(%run_scoped3A : memref<!tpu.dma_semaphore, #tpu.memory_space<semaphore_mem>>) src(%dma_wait3A_17 : memref<4096xi32, #tpu.memory_space<hbm>>) dst(%arg4 : memref<4096xi32, #tpu.memory_space<vmem>>)
        tpu.yield
      }) : () -> ()
      %scan3A = arith.constant 0 : i32
      %scan3A_3 = arith.constant 0 : i32
      %scan3A_4 = arith.constant 256 : i32
      %scan3A_5 = arith.addi %scan3A_3, %scan3A_4 : i32
      %scan3A_6 = arith.constant 1 : i32
      scf.for %scan3A_8 = %scan3A_3 to %scan3A_5 step %scan3A_6  : i32 {
        %mul3A_9 = arith.constant 16 : i32
        %mul3A_10 = arith.muli %scan3A_8, %mul3A_9 : i32
        %get3A = arith.index_cast %mul3A_10 : i32 to index
        %get3A_11 = tpu.vector_load %arg4[%get3A] {strides = array<i32>} : memref<4096xi32, #tpu.memory_space<vmem>>, vector<16xi32>,
        %iota3A = tpu.iota {dimensions = array<i32: 0>} : vector<16xi32>
        %mul3A_12 = arith.constant 16 : i32
        %mul3A_13 = arith.muli %scan3A_8, %mul3A_12 : i32
        %add3A_14 = vector.broadcast %mul3A_13 : i32 to vector<16xi32>
        %add3A_15 = arith.addi %iota3A, %add3A_14 : vector<16xi32>
        tpu.vector_store_idx %arg5[%get3A_11], %add3A_15 : memref<4096xi32, #tpu.memory_space<vmem>>[vector<16xi32>], vector<16xi32>,
      }
      %scan3A_7 = arith.constant 256 : i32
      "tpu.region"() ({
        %run_scoped3A = tpu.sem_alloc : memref<!tpu.dma_semaphore, #tpu.memory_space<semaphore_mem>>
        %dma_start3A = arith.constant 0 : i32
        %dma_start3A_8 = tpu.memref_slice %arg3[%add3A, %dma_start3A] : memref<4x4096xi32, #tpu.memory_space<hbm>> -> memref<1x4096xi32, #tpu.memory_space<hbm>>
        %dma_start3A_9 = tpu.memref_squeeze %dma_start3A_8 : memref<1x4096xi32, #tpu.memory_space<hbm>> -> memref<4096xi32, #tpu.memory_space<hbm>>
        %dma_start3A_10 = arith.constant 0 : i32
        %dma_start3A_11 = tpu.memref_slice %arg3[%add3A, %dma_start3A_10] : memref<4x4096xi32, #tpu.memory_space<hbm>> -> memref<1x4096xi32, #tpu.memory_space<hbm>>
        %dma_start3A_12 = tpu.memref_squeeze %dma_start3A_11 : memref<1x4096xi32, #tpu.memory_space<hbm>> -> memref<4096xi32, #tpu.memory_space<hbm>>
        tpu.enqueue_dma source(%arg5 : memref<4096xi32, #tpu.memory_space<vmem>>) target(%dma_start3A_12 : memref<4096xi32, #tpu.memory_space<hbm>>) target_semaphore(%run_scoped3A : memref<!tpu.dma_semaphore, #tpu.memory_space<semaphore_mem>>)
        %dma_wait3A = arith.constant 0 : i32
        %dma_wait3A_13 = tpu.memref_slice %arg3[%add3A, %dma_wait3A] : memref<4x4096xi32, #tpu.memory_space<hbm>> -> memref<1x4096xi32, #tpu.memory_space<hbm>>
        %dma_wait3A_14 = tpu.memref_squeeze %dma_wait3A_13 : memref<1x4096xi32, #tpu.memory_space<hbm>> -> memref<4096xi32, #tpu.memory_space<hbm>>
        %dma_wait3A_15 = arith.constant 0 : i32
        %dma_wait3A_16 = tpu.memref_slice %arg3[%add3A, %dma_wait3A_15] : memref<4x4096xi32, #tpu.memory_space<hbm>> -> memref<1x4096xi32, #tpu.memory_space<hbm>>
        %dma_wait3A_17 = tpu.memref_squeeze %dma_wait3A_16 : memref<1x4096xi32, #tpu.memory_space<hbm>> -> memref<4096xi32, #tpu.memory_space<hbm>>
        tpu.wait_dma2 semaphore(%run_scoped3A : memref<!tpu.dma_semaphore, #tpu.memory_space<semaphore_mem>>) src(%arg5 : memref<4096xi32, #tpu.memory_space<vmem>>) dst(%dma_wait3A_17 : memref<4096xi32, #tpu.memory_space<hbm>>)
        tpu.yield
      }) : () -> ()
    } else {
    }
    return
  }
}

module attributes {stable_mosaic.version = 14 : i64} {
  func.func @_add_body(%arg0: i32, %arg1: i32, %arg2: memref<1x1024x1024xf32, #tpu.memory_space<vmem>>, %arg3: memref<1x1024x1xi32, #tpu.memory_space<vmem>>, %arg4: memref<1x1x1024xf32, #tpu.memory_space<vmem>>, %arg5: memref<1x1024x1024xf32, #tpu.memory_space<vmem>>) attributes {dimension_semantics = [#tpu.dimension_semantics<arbitrary>, #tpu.dimension_semantics<arbitrary>], iteration_bounds = array<i64: 4, 4>, scalar_prefetch = 0 : i64, scratch_operands = 0 : i64, tpu.core_type = #tpu.core_type<tc>, window_params = [{transform_indices = @transform_0, window_bounds = array<i64: 1, 1024, 1024>}, {transform_indices = @transform_1, window_bounds = array<i64: 1, 1024, 1>}, {pipeline_mode = #tpu.pipeline_mode<synchronous>, transform_indices = @transform_2, window_bounds = array<i64: 1, 1, 1024>}, {transform_indices = @transform_3, window_bounds = array<i64: 1, 1024, 1024>}]} {
    %get3A = arith.constant 0 : index
    %get3A_0 = arith.constant 0 : index
    %get3A_1 = arith.constant 0 : index
    %get3A_2 = vector.load %arg2[%get3A, %get3A_0, %get3A_1] : memref<1x1024x1024xf32, #tpu.memory_space<vmem>>, vector<1x1024x1024xf32>
    %get3A_3 = vector.shape_cast %get3A_2 : vector<1x1024x1024xf32> to vector<1024x1024xf32>
    %get3A_4 = arith.constant 0 : index
    %get3A_5 = arith.constant 0 : index
    %get3A_6 = arith.constant 0 : index
    %get3A_7 = vector.load %arg3[%get3A_4, %get3A_5, %get3A_6] : memref<1x1024x1xi32, #tpu.memory_space<vmem>>, vector<1x1024x1xi32>
    %get3A_8 = vector.shape_cast %get3A_7 : vector<1x1024x1xi32> to vector<1024x1xi32>
    %get3A_9 = arith.constant 0 : index
    %get3A_10 = arith.constant 0 : index
    %get3A_11 = arith.constant 0 : index
    %get3A_12 = vector.load %arg4[%get3A_9, %get3A_10, %get3A_11] : memref<1x1x1024xf32, #tpu.memory_space<vmem>>, vector<1x1x1024xf32>
    %get3A_13 = vector.shape_cast %get3A_12 : vector<1x1x1024xf32> to vector<1x1024xf32>
    %lt3A = arith.constant 1638 : i32
    %lt3A_14 = vector.broadcast %lt3A : i32 to vector<1024x1xi32>
    %lt3A_15 = arith.cmpi slt, %get3A_8, %lt3A_14 : vector<1024x1xi32>
    %jit3A = arith.constant 1.000000e+00 : f32
    %jit3A_16 = arith.constant 0.000000e+00 : f32
    %broadcast_in_dim3A = vector.broadcast %jit3A : f32 to vector<1024x1xf32>
    %broadcast_in_dim3A_17 = vector.broadcast %jit3A_16 : f32 to vector<1024x1xf32>
    %select_n3A = arith.select %lt3A_15, %broadcast_in_dim3A, %broadcast_in_dim3A_17 : vector<1024x1xi1>, vector<1024x1xf32>
    %mul3A = vector.broadcast %select_n3A : vector<1024x1xf32> to vector<1024x1024xf32>
    %mul3A_18 = vector.broadcast %get3A_13 : vector<1x1024xf32> to vector<1024x1024xf32>
    %mul3A_19 = arith.mulf %mul3A, %mul3A_18 : vector<1024x1024xf32>
    %add3A = arith.addf %get3A_3, %mul3A_19 : vector<1024x1024xf32>
    %swap3A = arith.constant 0 : index
    %swap3A_20 = arith.constant 0 : index
    %swap3A_21 = arith.constant 0 : index
    %swap3A_22 = vector.load %arg5[%swap3A, %swap3A_20, %swap3A_21] : memref<1x1024x1024xf32, #tpu.memory_space<vmem>>, vector<1x1024x1024xf32>
    %swap3A_23 = vector.shape_cast %swap3A_22 : vector<1x1024x1024xf32> to vector<1024x1024xf32>
    %swap3A_24 = vector.shape_cast %add3A : vector<1024x1024xf32> to vector<1x1024x1024xf32>
    tpu.vector_store %arg5[%swap3A, %swap3A_20, %swap3A_21], %swap3A_24 {strides = array<i32>} : memref<1x1024x1024xf32, #tpu.memory_space<vmem>>, vector<1x1024x1024xf32>,
    return
  }
  func.func @transform_0(%arg0: i32, %arg1: i32) -> (i32, i32, i32) {
    %c0_i32 = arith.constant 0 : i32
    %c0_i32_0 = arith.constant 0 : i32
    return %arg0, %arg1, %c0_i32 : i32, i32, i32
  }
  func.func @transform_1(%arg0: i32, %arg1: i32) -> (i32, i32, i32) {
    %c0_i32 = arith.constant 0 : i32
    %c0_i32_0 = arith.constant 0 : i32
    return %arg0, %arg1, %c0_i32 : i32, i32, i32
  }
  func.func @transform_2(%arg0: i32, %arg1: i32) -> (i32, i32, i32) {
    %c0_i32 = arith.constant 0 : i32
    %c0_i32_0 = arith.constant 0 : i32
    %c0_i32_1 = arith.constant 0 : i32
    %c0_i32_2 = arith.constant 0 : i32
    return %c0_i32, %c0_i32_0, %c0_i32_1 : i32, i32, i32
  }
  func.func @transform_3(%arg0: i32, %arg1: i32) -> (i32, i32, i32) {
    %c0_i32 = arith.constant 0 : i32
    %c0_i32_0 = arith.constant 0 : i32
    return %arg0, %arg1, %c0_i32 : i32, i32, i32
  }
}

module attributes {stable_mosaic.version = 14 : i64} {
  func.func @_scores_sort_body(%arg0: i32, %arg1: i32, %arg2: memref<1x2048x1024xf32, #tpu.memory_space<vmem>>, %arg3: memref<4x32x128xi32, #tpu.memory_space<vmem>>, %arg4: memref<4x32x128xf32, #tpu.memory_space<vmem>>) attributes {dimension_semantics = [#tpu.dimension_semantics<arbitrary>, #tpu.dimension_semantics<arbitrary>], iteration_bounds = array<i64: 4, 3>, scalar_prefetch = 0 : i64, scratch_operands = 1 : i64, tpu.core_type = #tpu.core_type<tc>, window_params = [{transform_indices = @transform_0, window_bounds = array<i64: 1, 2048, 1024>}, {pipeline_mode = #tpu.pipeline_mode<synchronous>, transform_indices = @transform_1, window_bounds = array<i64: 4, 32, 128>}]} {
    %lt3A = arith.constant 2 : i32
    %lt3A_0 = arith.cmpi slt, %arg1, %lt3A : i32
    %convert_element_type3A = arith.extui %lt3A_0 : i1 to i32
    %cond3A = arith.constant 0 : i32
    %cond3A_1 = arith.cmpi ne, %convert_element_type3A, %cond3A : i32
    scf.if %cond3A_1 {
      %get3A = arith.constant 0 : index
      %get3A_8 = arith.constant 0 : index
      %get3A_9 = arith.constant 0 : index
      %get3A_10 = vector.load %arg2[%get3A, %get3A_8, %get3A_9] : memref<1x2048x1024xf32, #tpu.memory_space<vmem>>, vector<1x128x1024xf32>
      %get3A_11 = vector.shape_cast %get3A_10 : vector<1x128x1024xf32> to vector<128x1024xf32>
      %mul3A = arith.mulf %get3A_11, %get3A_11 : vector<128x1024xf32>
      %slice3A = vector.extract_strided_slice %mul3A {offsets = [0, 0], sizes = [128, 128], strides = [1, 1]} : vector<128x1024xf32> to vector<128x128xf32>
      %slice3A_12 = vector.extract_strided_slice %mul3A {offsets = [0, 128], sizes = [128, 128], strides = [1, 1]} : vector<128x1024xf32> to vector<128x128xf32>
      %add3A = arith.addf %slice3A, %slice3A_12 : vector<128x128xf32>
      %slice3A_13 = vector.extract_strided_slice %mul3A {offsets = [0, 256], sizes = [128, 128], strides = [1, 1]} : vector<128x1024xf32> to vector<128x128xf32>
      %add3A_14 = arith.addf %add3A, %slice3A_13 : vector<128x128xf32>
      %slice3A_15 = vector.extract_strided_slice %mul3A {offsets = [0, 384], sizes = [128, 128], strides = [1, 1]} : vector<128x1024xf32> to vector<128x128xf32>
      %add3A_16 = arith.addf %add3A_14, %slice3A_15 : vector<128x128xf32>
      %slice3A_17 = vector.extract_strided_slice %mul3A {offsets = [0, 512], sizes = [128, 128], strides = [1, 1]} : vector<128x1024xf32> to vector<128x128xf32>
      %add3A_18 = arith.addf %add3A_16, %slice3A_17 : vector<128x128xf32>
      %slice3A_19 = vector.extract_strided_slice %mul3A {offsets = [0, 640], sizes = [128, 128], strides = [1, 1]} : vector<128x1024xf32> to vector<128x128xf32>
      %add3A_20 = arith.addf %add3A_18, %slice3A_19 : vector<128x128xf32>
      %slice3A_21 = vector.extract_strided_slice %mul3A {offsets = [0, 768], sizes = [128, 128], strides = [1, 1]} : vector<128x1024xf32> to vector<128x128xf32>
      %add3A_22 = arith.addf %add3A_20, %slice3A_21 : vector<128x128xf32>
      %slice3A_23 = vector.extract_strided_slice %mul3A {offsets = [0, 896], sizes = [128, 128], strides = [1, 1]} : vector<128x1024xf32> to vector<128x128xf32>
      %add3A_24 = arith.addf %add3A_22, %slice3A_23 : vector<128x128xf32>
      %transpose3A = tpu.transpose %add3A_24, [1, 0] : vector<128x128xf32> -> vector<128x128xf32>
      %slice3A_25 = vector.extract_strided_slice %transpose3A {offsets = [0, 0], sizes = [8, 128], strides = [1, 1]} : vector<128x128xf32> to vector<8x128xf32>
      %slice3A_26 = vector.extract_strided_slice %transpose3A {offsets = [8, 0], sizes = [8, 128], strides = [1, 1]} : vector<128x128xf32> to vector<8x128xf32>
      %add3A_27 = arith.addf %slice3A_25, %slice3A_26 : vector<8x128xf32>
      %slice3A_28 = vector.extract_strided_slice %transpose3A {offsets = [16, 0], sizes = [8, 128], strides = [1, 1]} : vector<128x128xf32> to vector<8x128xf32>
      %add3A_29 = arith.addf %add3A_27, %slice3A_28 : vector<8x128xf32>
      %slice3A_30 = vector.extract_strided_slice %transpose3A {offsets = [24, 0], sizes = [8, 128], strides = [1, 1]} : vector<128x128xf32> to vector<8x128xf32>
      %add3A_31 = arith.addf %add3A_29, %slice3A_30 : vector<8x128xf32>
      %slice3A_32 = vector.extract_strided_slice %transpose3A {offsets = [32, 0], sizes = [8, 128], strides = [1, 1]} : vector<128x128xf32> to vector<8x128xf32>
      %add3A_33 = arith.addf %add3A_31, %slice3A_32 : vector<8x128xf32>
      %slice3A_34 = vector.extract_strided_slice %transpose3A {offsets = [40, 0], sizes = [8, 128], strides = [1, 1]} : vector<128x128xf32> to vector<8x128xf32>
      %add3A_35 = arith.addf %add3A_33, %slice3A_34 : vector<8x128xf32>
      %slice3A_36 = vector.extract_strided_slice %transpose3A {offsets = [48, 0], sizes = [8, 128], strides = [1, 1]} : vector<128x128xf32> to vector<8x128xf32>
      %add3A_37 = arith.addf %add3A_35, %slice3A_36 : vector<8x128xf32>
      %slice3A_38 = vector.extract_strided_slice %transpose3A {offsets = [56, 0], sizes = [8, 128], strides = [1, 1]} : vector<128x128xf32> to vector<8x128xf32>
      %add3A_39 = arith.addf %add3A_37, %slice3A_38 : vector<8x128xf32>
      %slice3A_40 = vector.extract_strided_slice %transpose3A {offsets = [64, 0], sizes = [8, 128], strides = [1, 1]} : vector<128x128xf32> to vector<8x128xf32>
      %add3A_41 = arith.addf %add3A_39, %slice3A_40 : vector<8x128xf32>
      %slice3A_42 = vector.extract_strided_slice %transpose3A {offsets = [72, 0], sizes = [8, 128], strides = [1, 1]} : vector<128x128xf32> to vector<8x128xf32>
      %add3A_43 = arith.addf %add3A_41, %slice3A_42 : vector<8x128xf32>
      %slice3A_44 = vector.extract_strided_slice %transpose3A {offsets = [80, 0], sizes = [8, 128], strides = [1, 1]} : vector<128x128xf32> to vector<8x128xf32>
      %add3A_45 = arith.addf %add3A_43, %slice3A_44 : vector<8x128xf32>
      %slice3A_46 = vector.extract_strided_slice %transpose3A {offsets = [88, 0], sizes = [8, 128], strides = [1, 1]} : vector<128x128xf32> to vector<8x128xf32>
      %add3A_47 = arith.addf %add3A_45, %slice3A_46 : vector<8x128xf32>
      %slice3A_48 = vector.extract_strided_slice %transpose3A {offsets = [96, 0], sizes = [8, 128], strides = [1, 1]} : vector<128x128xf32> to vector<8x128xf32>
      %add3A_49 = arith.addf %add3A_47, %slice3A_48 : vector<8x128xf32>
      %slice3A_50 = vector.extract_strided_slice %transpose3A {offsets = [104, 0], sizes = [8, 128], strides = [1, 1]} : vector<128x128xf32> to vector<8x128xf32>
      %add3A_51 = arith.addf %add3A_49, %slice3A_50 : vector<8x128xf32>
      %slice3A_52 = vector.extract_strided_slice %transpose3A {offsets = [112, 0], sizes = [8, 128], strides = [1, 1]} : vector<128x128xf32> to vector<8x128xf32>
      %add3A_53 = arith.addf %add3A_51, %slice3A_52 : vector<8x128xf32>
      %slice3A_54 = vector.extract_strided_slice %transpose3A {offsets = [120, 0], sizes = [8, 128], strides = [1, 1]} : vector<128x128xf32> to vector<8x128xf32>
      %add3A_55 = arith.addf %add3A_53, %slice3A_54 : vector<8x128xf32>
      %slice3A_56 = vector.extract_strided_slice %add3A_55 {offsets = [0, 0], sizes = [4, 128], strides = [1, 1]} : vector<8x128xf32> to vector<4x128xf32>
      %slice3A_57 = vector.extract_strided_slice %add3A_55 {offsets = [4, 0], sizes = [4, 128], strides = [1, 1]} : vector<8x128xf32> to vector<4x128xf32>
      %add3A_58 = arith.addf %slice3A_56, %slice3A_57 : vector<4x128xf32>
      %slice3A_59 = vector.extract_strided_slice %add3A_58 {offsets = [0, 0], sizes = [2, 128], strides = [1, 1]} : vector<4x128xf32> to vector<2x128xf32>
      %slice3A_60 = vector.extract_strided_slice %add3A_58 {offsets = [2, 0], sizes = [2, 128], strides = [1, 1]} : vector<4x128xf32> to vector<2x128xf32>
      %add3A_61 = arith.addf %slice3A_59, %slice3A_60 : vector<2x128xf32>
      %slice3A_62 = vector.extract_strided_slice %add3A_61 {offsets = [0, 0], sizes = [1, 128], strides = [1, 1]} : vector<2x128xf32> to vector<1x128xf32>
      %slice3A_63 = vector.extract_strided_slice %add3A_61 {offsets = [1, 0], sizes = [1, 128], strides = [1, 1]} : vector<2x128xf32> to vector<1x128xf32>
      %add3A_64 = arith.addf %slice3A_62, %slice3A_63 : vector<1x128xf32>
      %sqrt3A = math.sqrt %add3A_64 : vector<1x128xf32>
      %get3A_65 = arith.constant 0 : index
      %get3A_66 = arith.constant 128 : index
      %get3A_67 = arith.constant 0 : index
      %get3A_68 = vector.load %arg2[%get3A_65, %get3A_66, %get3A_67] : memref<1x2048x1024xf32, #tpu.memory_space<vmem>>, vector<1x128x1024xf32>
      %get3A_69 = vector.shape_cast %get3A_68 : vector<1x128x1024xf32> to vector<128x1024xf32>
      %mul3A_70 = arith.mulf %get3A_69, %get3A_69 : vector<128x1024xf32>
      %slice3A_71 = vector.extract_strided_slice %mul3A_70 {offsets = [0, 0], sizes = [128, 128], strides = [1, 1]} : vector<128x1024xf32> to vector<128x128xf32>
      %slice3A_72 = vector.extract_strided_slice %mul3A_70 {offsets = [0, 128], sizes = [128, 128], strides = [1, 1]} : vector<128x1024xf32> to vector<128x128xf32>
      %add3A_73 = arith.addf %slice3A_71, %slice3A_72 : vector<128x128xf32>
      %slice3A_74 = vector.extract_strided_slice %mul3A_70 {offsets = [0, 256], sizes = [128, 128], strides = [1, 1]} : vector<128x1024xf32> to vector<128x128xf32>
      %add3A_75 = arith.addf %add3A_73, %slice3A_74 : vector<128x128xf32>
      %slice3A_76 = vector.extract_strided_slice %mul3A_70 {offsets = [0, 384], sizes = [128, 128], strides = [1, 1]} : vector<128x1024xf32> to vector<128x128xf32>
      %add3A_77 = arith.addf %add3A_75, %slice3A_76 : vector<128x128xf32>
      %slice3A_78 = vector.extract_strided_slice %mul3A_70 {offsets = [0, 512], sizes = [128, 128], strides = [1, 1]} : vector<128x1024xf32> to vector<128x128xf32>
      %add3A_79 = arith.addf %add3A_77, %slice3A_78 : vector<128x128xf32>
      %slice3A_80 = vector.extract_strided_slice %mul3A_70 {offsets = [0, 640], sizes = [128, 128], strides = [1, 1]} : vector<128x1024xf32> to vector<128x128xf32>
      %add3A_81 = arith.addf %add3A_79, %slice3A_80 : vector<128x128xf32>
      %slice3A_82 = vector.extract_strided_slice %mul3A_70 {offsets = [0, 768], sizes = [128, 128], strides = [1, 1]} : vector<128x1024xf32> to vector<128x128xf32>
      %add3A_83 = arith.addf %add3A_81, %slice3A_82 : vector<128x128xf32>
      %slice3A_84 = vector.extract_strided_slice %mul3A_70 {offsets = [0, 896], sizes = [128, 128], strides = [1, 1]} : vector<128x1024xf32> to vector<128x128xf32>
      %add3A_85 = arith.addf %add3A_83, %slice3A_84 : vector<128x128xf32>
      %transpose3A_86 = tpu.transpose %add3A_85, [1, 0] : vector<128x128xf32> -> vector<128x128xf32>
      %slice3A_87 = vector.extract_strided_slice %transpose3A_86 {offsets = [0, 0], sizes = [8, 128], strides = [1, 1]} : vector<128x128xf32> to vector<8x128xf32>
      %slice3A_88 = vector.extract_strided_slice %transpose3A_86 {offsets = [8, 0], sizes = [8, 128], strides = [1, 1]} : vector<128x128xf32> to vector<8x128xf32>
      %add3A_89 = arith.addf %slice3A_87, %slice3A_88 : vector<8x128xf32>
      %slice3A_90 = vector.extract_strided_slice %transpose3A_86 {offsets = [16, 0], sizes = [8, 128], strides = [1, 1]} : vector<128x128xf32> to vector<8x128xf32>
      %add3A_91 = arith.addf %add3A_89, %slice3A_90 : vector<8x128xf32>
      %slice3A_92 = vector.extract_strided_slice %transpose3A_86 {offsets = [24, 0], sizes = [8, 128], strides = [1, 1]} : vector<128x128xf32> to vector<8x128xf32>
      %add3A_93 = arith.addf %add3A_91, %slice3A_92 : vector<8x128xf32>
      %slice3A_94 = vector.extract_strided_slice %transpose3A_86 {offsets = [32, 0], sizes = [8, 128], strides = [1, 1]} : vector<128x128xf32> to vector<8x128xf32>
      %add3A_95 = arith.addf %add3A_93, %slice3A_94 : vector<8x128xf32>
      %slice3A_96 = vector.extract_strided_slice %transpose3A_86 {offsets = [40, 0], sizes = [8, 128], strides = [1, 1]} : vector<128x128xf32> to vector<8x128xf32>
      %add3A_97 = arith.addf %add3A_95, %slice3A_96 : vector<8x128xf32>
      %slice3A_98 = vector.extract_strided_slice %transpose3A_86 {offsets = [48, 0], sizes = [8, 128], strides = [1, 1]} : vector<128x128xf32> to vector<8x128xf32>
      %add3A_99 = arith.addf %add3A_97, %slice3A_98 : vector<8x128xf32>
      %slice3A_100 = vector.extract_strided_slice %transpose3A_86 {offsets = [56, 0], sizes = [8, 128], strides = [1, 1]} : vector<128x128xf32> to vector<8x128xf32>
      %add3A_101 = arith.addf %add3A_99, %slice3A_100 : vector<8x128xf32>
      %slice3A_102 = vector.extract_strided_slice %transpose3A_86 {offsets = [64, 0], sizes = [8, 128], strides = [1, 1]} : vector<128x128xf32> to vector<8x128xf32>
      %add3A_103 = arith.addf %add3A_101, %slice3A_102 : vector<8x128xf32>
      %slice3A_104 = vector.extract_strided_slice %transpose3A_86 {offsets = [72, 0], sizes = [8, 128], strides = [1, 1]} : vector<128x128xf32> to vector<8x128xf32>
      %add3A_105 = arith.addf %add3A_103, %slice3A_104 : vector<8x128xf32>
      %slice3A_106 = vector.extract_strided_slice %transpose3A_86 {offsets = [80, 0], sizes = [8, 128], strides = [1, 1]} : vector<128x128xf32> to vector<8x128xf32>
      %add3A_107 = arith.addf %add3A_105, %slice3A_106 : vector<8x128xf32>
      %slice3A_108 = vector.extract_strided_slice %transpose3A_86 {offsets = [88, 0], sizes = [8, 128], strides = [1, 1]} : vector<128x128xf32> to vector<8x128xf32>
      %add3A_109 = arith.addf %add3A_107, %slice3A_108 : vector<8x128xf32>
      %slice3A_110 = vector.extract_strided_slice %transpose3A_86 {offsets = [96, 0], sizes = [8, 128], strides = [1, 1]} : vector<128x128xf32> to vector<8x128xf32>
      %add3A_111 = arith.addf %add3A_109, %slice3A_110 : vector<8x128xf32>
      %slice3A_112 = vector.extract_strided_slice %transpose3A_86 {offsets = [104, 0], sizes = [8, 128], strides = [1, 1]} : vector<128x128xf32> to vector<8x128xf32>
      %add3A_113 = arith.addf %add3A_111, %slice3A_112 : vector<8x128xf32>
      %slice3A_114 = vector.extract_strided_slice %transpose3A_86 {offsets = [112, 0], sizes = [8, 128], strides = [1, 1]} : vector<128x128xf32> to vector<8x128xf32>
      %add3A_115 = arith.addf %add3A_113, %slice3A_114 : vector<8x128xf32>
      %slice3A_116 = vector.extract_strided_slice %transpose3A_86 {offsets = [120, 0], sizes = [8, 128], strides = [1, 1]} : vector<128x128xf32> to vector<8x128xf32>
      %add3A_117 = arith.addf %add3A_115, %slice3A_116 : vector<8x128xf32>
      %slice3A_118 = vector.extract_strided_slice %add3A_117 {offsets = [0, 0], sizes = [4, 128], strides = [1, 1]} : vector<8x128xf32> to vector<4x128xf32>
      %slice3A_119 = vector.extract_strided_slice %add3A_117 {offsets = [4, 0], sizes = [4, 128], strides = [1, 1]} : vector<8x128xf32> to vector<4x128xf32>
      %add3A_120 = arith.addf %slice3A_118, %slice3A_119 : vector<4x128xf32>
      %slice3A_121 = vector.extract_strided_slice %add3A_120 {offsets = [0, 0], sizes = [2, 128], strides = [1, 1]} : vector<4x128xf32> to vector<2x128xf32>
      %slice3A_122 = vector.extract_strided_slice %add3A_120 {offsets = [2, 0], sizes = [2, 128], strides = [1, 1]} : vector<4x128xf32> to vector<2x128xf32>
      %add3A_123 = arith.addf %slice3A_121, %slice3A_122 : vector<2x128xf32>
      %slice3A_124 = vector.extract_strided_slice %add3A_123 {offsets = [0, 0], sizes = [1, 128], strides = [1, 1]} : vector<2x128xf32> to vector<1x128xf32>
      %slice3A_125 = vector.extract_strided_slice %add3A_123 {offsets = [1, 0], sizes = [1, 128], strides = [1, 1]} : vector<2x128xf32> to vector<1x128xf32>
      %add3A_126 = arith.addf %slice3A_124, %slice3A_125 : vector<1x128xf32>
      %sqrt3A_127 = math.sqrt %add3A_126 : vector<1x128xf32>
      %get3A_128 = arith.constant 0 : index
      %get3A_129 = arith.constant 256 : index
      %get3A_130 = arith.constant 0 : index
      %get3A_131 = vector.load %arg2[%get3A_128, %get3A_129, %get3A_130] : memref<1x2048x1024xf32, #tpu.memory_space<vmem>>, vector<1x128x1024xf32>
      %get3A_132 = vector.shape_cast %get3A_131 : vector<1x128x1024xf32> to vector<128x1024xf32>
      %mul3A_133 = arith.mulf %get3A_132, %get3A_132 : vector<128x1024xf32>
      %slice3A_134 = vector.extract_strided_slice %mul3A_133 {offsets = [0, 0], sizes = [128, 128], strides = [1, 1]} : vector<128x1024xf32> to vector<128x128xf32>
      %slice3A_135 = vector.extract_strided_slice %mul3A_133 {offsets = [0, 128], sizes = [128, 128], strides = [1, 1]} : vector<128x1024xf32> to vector<128x128xf32>
      %add3A_136 = arith.addf %slice3A_134, %slice3A_135 : vector<128x128xf32>
      %slice3A_137 = vector.extract_strided_slice %mul3A_133 {offsets = [0, 256], sizes = [128, 128], strides = [1, 1]} : vector<128x1024xf32> to vector<128x128xf32>
      %add3A_138 = arith.addf %add3A_136, %slice3A_137 : vector<128x128xf32>
      %slice3A_139 = vector.extract_strided_slice %mul3A_133 {offsets = [0, 384], sizes = [128, 128], strides = [1, 1]} : vector<128x1024xf32> to vector<128x128xf32>
      %add3A_140 = arith.addf %add3A_138, %slice3A_139 : vector<128x128xf32>
      %slice3A_141 = vector.extract_strided_slice %mul3A_133 {offsets = [0, 512], sizes = [128, 128], strides = [1, 1]} : vector<128x1024xf32> to vector<128x128xf32>
      %add3A_142 = arith.addf %add3A_140, %slice3A_141 : vector<128x128xf32>
      %slice3A_143 = vector.extract_strided_slice %mul3A_133 {offsets = [0, 640], sizes = [128, 128], strides = [1, 1]} : vector<128x1024xf32> to vector<128x128xf32>
      %add3A_144 = arith.addf %add3A_142, %slice3A_143 : vector<128x128xf32>
      %slice3A_145 = vector.extract_strided_slice %mul3A_133 {offsets = [0, 768], sizes = [128, 128], strides = [1, 1]} : vector<128x1024xf32> to vector<128x128xf32>
      %add3A_146 = arith.addf %add3A_144, %slice3A_145 : vector<128x128xf32>
      %slice3A_147 = vector.extract_strided_slice %mul3A_133 {offsets = [0, 896], sizes = [128, 128], strides = [1, 1]} : vector<128x1024xf32> to vector<128x128xf32>
      %add3A_148 = arith.addf %add3A_146, %slice3A_147 : vector<128x128xf32>
      %transpose3A_149 = tpu.transpose %add3A_148, [1, 0] : vector<128x128xf32> -> vector<128x128xf32>
      %slice3A_150 = vector.extract_strided_slice %transpose3A_149 {offsets = [0, 0], sizes = [8, 128], strides = [1, 1]} : vector<128x128xf32> to vector<8x128xf32>
      %slice3A_151 = vector.extract_strided_slice %transpose3A_149 {offsets = [8, 0], sizes = [8, 128], strides = [1, 1]} : vector<128x128xf32> to vector<8x128xf32>
      %add3A_152 = arith.addf %slice3A_150, %slice3A_151 : vector<8x128xf32>
      %slice3A_153 = vector.extract_strided_slice %transpose3A_149 {offsets = [16, 0], sizes = [8, 128], strides = [1, 1]} : vector<128x128xf32> to vector<8x128xf32>
      %add3A_154 = arith.addf %add3A_152, %slice3A_153 : vector<8x128xf32>
      %slice3A_155 = vector.extract_strided_slice %transpose3A_149 {offsets = [24, 0], sizes = [8, 128], strides = [1, 1]} : vector<128x128xf32> to vector<8x128xf32>
      %add3A_156 = arith.addf %add3A_154, %slice3A_155 : vector<8x128xf32>
      %slice3A_157 = vector.extract_strided_slice %transpose3A_149 {offsets = [32, 0], sizes = [8, 128], strides = [1, 1]} : vector<128x128xf32> to vector<8x128xf32>
      %add3A_158 = arith.addf %add3A_156, %slice3A_157 : vector<8x128xf32>
      %slice3A_159 = vector.extract_strided_slice %transpose3A_149 {offsets = [40, 0], sizes = [8, 128], strides = [1, 1]} : vector<128x128xf32> to vector<8x128xf32>
      %add3A_160 = arith.addf %add3A_158, %slice3A_159 : vector<8x128xf32>
      %slice3A_161 = vector.extract_strided_slice %transpose3A_149 {offsets = [48, 0], sizes = [8, 128], strides = [1, 1]} : vector<128x128xf32> to vector<8x128xf32>
      %add3A_162 = arith.addf %add3A_160, %slice3A_161 : vector<8x128xf32>
      %slice3A_163 = vector.extract_strided_slice %transpose3A_149 {offsets = [56, 0], sizes = [8, 128], strides = [1, 1]} : vector<128x128xf32> to vector<8x128xf32>
      %add3A_164 = arith.addf %add3A_162, %slice3A_163 : vector<8x128xf32>
      %slice3A_165 = vector.extract_strided_slice %transpose3A_149 {offsets = [64, 0], sizes = [8, 128], strides = [1, 1]} : vector<128x128xf32> to vector<8x128xf32>
      %add3A_166 = arith.addf %add3A_164, %slice3A_165 : vector<8x128xf32>
      %slice3A_167 = vector.extract_strided_slice %transpose3A_149 {offsets = [72, 0], sizes = [8, 128], strides = [1, 1]} : vector<128x128xf32> to vector<8x128xf32>
      %add3A_168 = arith.addf %add3A_166, %slice3A_167 : vector<8x128xf32>
      %slice3A_169 = vector.extract_strided_slice %transpose3A_149 {offsets = [80, 0], sizes = [8, 128], strides = [1, 1]} : vector<128x128xf32> to vector<8x128xf32>
      %add3A_170 = arith.addf %add3A_168, %slice3A_169 : vector<8x128xf32>
      %slice3A_171 = vector.extract_strided_slice %transpose3A_149 {offsets = [88, 0], sizes = [8, 128], strides = [1, 1]} : vector<128x128xf32> to vector<8x128xf32>
      %add3A_172 = arith.addf %add3A_170, %slice3A_171 : vector<8x128xf32>
      %slice3A_173 = vector.extract_strided_slice %transpose3A_149 {offsets = [96, 0], sizes = [8, 128], strides = [1, 1]} : vector<128x128xf32> to vector<8x128xf32>
      %add3A_174 = arith.addf %add3A_172, %slice3A_173 : vector<8x128xf32>
      %slice3A_175 = vector.extract_strided_slice %transpose3A_149 {offsets = [104, 0], sizes = [8, 128], strides = [1, 1]} : vector<128x128xf32> to vector<8x128xf32>
      %add3A_176 = arith.addf %add3A_174, %slice3A_175 : vector<8x128xf32>
      %slice3A_177 = vector.extract_strided_slice %transpose3A_149 {offsets = [112, 0], sizes = [8, 128], strides = [1, 1]} : vector<128x128xf32> to vector<8x128xf32>
      %add3A_178 = arith.addf %add3A_176, %slice3A_177 : vector<8x128xf32>
      %slice3A_179 = vector.extract_strided_slice %transpose3A_149 {offsets = [120, 0], sizes = [8, 128], strides = [1, 1]} : vector<128x128xf32> to vector<8x128xf32>
      %add3A_180 = arith.addf %add3A_178, %slice3A_179 : vector<8x128xf32>
      %slice3A_181 = vector.extract_strided_slice %add3A_180 {offsets = [0, 0], sizes = [4, 128], strides = [1, 1]} : vector<8x128xf32> to vector<4x128xf32>
      %slice3A_182 = vector.extract_strided_slice %add3A_180 {offsets = [4, 0], sizes = [4, 128], strides = [1, 1]} : vector<8x128xf32> to vector<4x128xf32>
      %add3A_183 = arith.addf %slice3A_181, %slice3A_182 : vector<4x128xf32>
      %slice3A_184 = vector.extract_strided_slice %add3A_183 {offsets = [0, 0], sizes = [2, 128], strides = [1, 1]} : vector<4x128xf32> to vector<2x128xf32>
      %slice3A_185 = vector.extract_strided_slice %add3A_183 {offsets = [2, 0], sizes = [2, 128], strides = [1, 1]} : vector<4x128xf32> to vector<2x128xf32>
      %add3A_186 = arith.addf %slice3A_184, %slice3A_185 : vector<2x128xf32>
      %slice3A_187 = vector.extract_strided_slice %add3A_186 {offsets = [0, 0], sizes = [1, 128], strides = [1, 1]} : vector<2x128xf32> to vector<1x128xf32>
      %slice3A_188 = vector.extract_strided_slice %add3A_186 {offsets = [1, 0], sizes = [1, 128], strides = [1, 1]} : vector<2x128xf32> to vector<1x128xf32>
      %add3A_189 = arith.addf %slice3A_187, %slice3A_188 : vector<1x128xf32>
      %sqrt3A_190 = math.sqrt %add3A_189 : vector<1x128xf32>
      %get3A_191 = arith.constant 0 : index
      %get3A_192 = arith.constant 384 : index
      %get3A_193 = arith.constant 0 : index
      %get3A_194 = vector.load %arg2[%get3A_191, %get3A_192, %get3A_193] : memref<1x2048x1024xf32, #tpu.memory_space<vmem>>, vector<1x128x1024xf32>
      %get3A_195 = vector.shape_cast %get3A_194 : vector<1x128x1024xf32> to vector<128x1024xf32>
      %mul3A_196 = arith.mulf %get3A_195, %get3A_195 : vector<128x1024xf32>
      %slice3A_197 = vector.extract_strided_slice %mul3A_196 {offsets = [0, 0], sizes = [128, 128], strides = [1, 1]} : vector<128x1024xf32> to vector<128x128xf32>
      %slice3A_198 = vector.extract_strided_slice %mul3A_196 {offsets = [0, 128], sizes = [128, 128], strides = [1, 1]} : vector<128x1024xf32> to vector<128x128xf32>
      %add3A_199 = arith.addf %slice3A_197, %slice3A_198 : vector<128x128xf32>
      %slice3A_200 = vector.extract_strided_slice %mul3A_196 {offsets = [0, 256], sizes = [128, 128], strides = [1, 1]} : vector<128x1024xf32> to vector<128x128xf32>
      %add3A_201 = arith.addf %add3A_199, %slice3A_200 : vector<128x128xf32>
      %slice3A_202 = vector.extract_strided_slice %mul3A_196 {offsets = [0, 384], sizes = [128, 128], strides = [1, 1]} : vector<128x1024xf32> to vector<128x128xf32>
      %add3A_203 = arith.addf %add3A_201, %slice3A_202 : vector<128x128xf32>
      %slice3A_204 = vector.extract_strided_slice %mul3A_196 {offsets = [0, 512], sizes = [128, 128], strides = [1, 1]} : vector<128x1024xf32> to vector<128x128xf32>
      %add3A_205 = arith.addf %add3A_203, %slice3A_204 : vector<128x128xf32>
      %slice3A_206 = vector.extract_strided_slice %mul3A_196 {offsets = [0, 640], sizes = [128, 128], strides = [1, 1]} : vector<128x1024xf32> to vector<128x128xf32>
      %add3A_207 = arith.addf %add3A_205, %slice3A_206 : vector<128x128xf32>
      %slice3A_208 = vector.extract_strided_slice %mul3A_196 {offsets = [0, 768], sizes = [128, 128], strides = [1, 1]} : vector<128x1024xf32> to vector<128x128xf32>
      %add3A_209 = arith.addf %add3A_207, %slice3A_208 : vector<128x128xf32>
      %slice3A_210 = vector.extract_strided_slice %mul3A_196 {offsets = [0, 896], sizes = [128, 128], strides = [1, 1]} : vector<128x1024xf32> to vector<128x128xf32>
      %add3A_211 = arith.addf %add3A_209, %slice3A_210 : vector<128x128xf32>
      %transpose3A_212 = tpu.transpose %add3A_211, [1, 0] : vector<128x128xf32> -> vector<128x128xf32>
      %slice3A_213 = vector.extract_strided_slice %transpose3A_212 {offsets = [0, 0], sizes = [8, 128], strides = [1, 1]} : vector<128x128xf32> to vector<8x128xf32>
      %slice3A_214 = vector.extract_strided_slice %transpose3A_212 {offsets = [8, 0], sizes = [8, 128], strides = [1, 1]} : vector<128x128xf32> to vector<8x128xf32>
      %add3A_215 = arith.addf %slice3A_213, %slice3A_214 : vector<8x128xf32>
      %slice3A_216 = vector.extract_strided_slice %transpose3A_212 {offsets = [16, 0], sizes = [8, 128], strides = [1, 1]} : vector<128x128xf32> to vector<8x128xf32>
      %add3A_217 = arith.addf %add3A_215, %slice3A_216 : vector<8x128xf32>
      %slice3A_218 = vector.extract_strided_slice %transpose3A_212 {offsets = [24, 0], sizes = [8, 128], strides = [1, 1]} : vector<128x128xf32> to vector<8x128xf32>
      %add3A_219 = arith.addf %add3A_217, %slice3A_218 : vector<8x128xf32>
      %slice3A_220 = vector.extract_strided_slice %transpose3A_212 {offsets = [32, 0], sizes = [8, 128], strides = [1, 1]} : vector<128x128xf32> to vector<8x128xf32>
      %add3A_221 = arith.addf %add3A_219, %slice3A_220 : vector<8x128xf32>
      %slice3A_222 = vector.extract_strided_slice %transpose3A_212 {offsets = [40, 0], sizes = [8, 128], strides = [1, 1]} : vector<128x128xf32> to vector<8x128xf32>
      %add3A_223 = arith.addf %add3A_221, %slice3A_222 : vector<8x128xf32>
      %slice3A_224 = vector.extract_strided_slice %transpose3A_212 {offsets = [48, 0], sizes = [8, 128], strides = [1, 1]} : vector<128x128xf32> to vector<8x128xf32>
      %add3A_225 = arith.addf %add3A_223, %slice3A_224 : vector<8x128xf32>
      %slice3A_226 = vector.extract_strided_slice %transpose3A_212 {offsets = [56, 0], sizes = [8, 128], strides = [1, 1]} : vector<128x128xf32> to vector<8x128xf32>
      %add3A_227 = arith.addf %add3A_225, %slice3A_226 : vector<8x128xf32>
      %slice3A_228 = vector.extract_strided_slice %transpose3A_212 {offsets = [64, 0], sizes = [8, 128], strides = [1, 1]} : vector<128x128xf32> to vector<8x128xf32>
      %add3A_229 = arith.addf %add3A_227, %slice3A_228 : vector<8x128xf32>
      %slice3A_230 = vector.extract_strided_slice %transpose3A_212 {offsets = [72, 0], sizes = [8, 128], strides = [1, 1]} : vector<128x128xf32> to vector<8x128xf32>
      %add3A_231 = arith.addf %add3A_229, %slice3A_230 : vector<8x128xf32>
      %slice3A_232 = vector.extract_strided_slice %transpose3A_212 {offsets = [80, 0], sizes = [8, 128], strides = [1, 1]} : vector<128x128xf32> to vector<8x128xf32>
      %add3A_233 = arith.addf %add3A_231, %slice3A_232 : vector<8x128xf32>
      %slice3A_234 = vector.extract_strided_slice %transpose3A_212 {offsets = [88, 0], sizes = [8, 128], strides = [1, 1]} : vector<128x128xf32> to vector<8x128xf32>
      %add3A_235 = arith.addf %add3A_233, %slice3A_234 : vector<8x128xf32>
      %slice3A_236 = vector.extract_strided_slice %transpose3A_212 {offsets = [96, 0], sizes = [8, 128], strides = [1, 1]} : vector<128x128xf32> to vector<8x128xf32>
      %add3A_237 = arith.addf %add3A_235, %slice3A_236 : vector<8x128xf32>
      %slice3A_238 = vector.extract_strided_slice %transpose3A_212 {offsets = [104, 0], sizes = [8, 128], strides = [1, 1]} : vector<128x128xf32> to vector<8x128xf32>
      %add3A_239 = arith.addf %add3A_237, %slice3A_238 : vector<8x128xf32>
      %slice3A_240 = vector.extract_strided_slice %transpose3A_212 {offsets = [112, 0], sizes = [8, 128], strides = [1, 1]} : vector<128x128xf32> to vector<8x128xf32>
      %add3A_241 = arith.addf %add3A_239, %slice3A_240 : vector<8x128xf32>
      %slice3A_242 = vector.extract_strided_slice %transpose3A_212 {offsets = [120, 0], sizes = [8, 128], strides = [1, 1]} : vector<128x128xf32> to vector<8x128xf32>
      %add3A_243 = arith.addf %add3A_241, %slice3A_242 : vector<8x128xf32>
      %slice3A_244 = vector.extract_strided_slice %add3A_243 {offsets = [0, 0], sizes = [4, 128], strides = [1, 1]} : vector<8x128xf32> to vector<4x128xf32>
      %slice3A_245 = vector.extract_strided_slice %add3A_243 {offsets = [4, 0], sizes = [4, 128], strides = [1, 1]} : vector<8x128xf32> to vector<4x128xf32>
      %add3A_246 = arith.addf %slice3A_244, %slice3A_245 : vector<4x128xf32>
      %slice3A_247 = vector.extract_strided_slice %add3A_246 {offsets = [0, 0], sizes = [2, 128], strides = [1, 1]} : vector<4x128xf32> to vector<2x128xf32>
      %slice3A_248 = vector.extract_strided_slice %add3A_246 {offsets = [2, 0], sizes = [2, 128], strides = [1, 1]} : vector<4x128xf32> to vector<2x128xf32>
      %add3A_249 = arith.addf %slice3A_247, %slice3A_248 : vector<2x128xf32>
      %slice3A_250 = vector.extract_strided_slice %add3A_249 {offsets = [0, 0], sizes = [1, 128], strides = [1, 1]} : vector<2x128xf32> to vector<1x128xf32>
      %slice3A_251 = vector.extract_strided_slice %add3A_249 {offsets = [1, 0], sizes = [1, 128], strides = [1, 1]} : vector<2x128xf32> to vector<1x128xf32>
      %add3A_252 = arith.addf %slice3A_250, %slice3A_251 : vector<1x128xf32>
      %sqrt3A_253 = math.sqrt %add3A_252 : vector<1x128xf32>
      %get3A_254 = arith.constant 0 : index
      %get3A_255 = arith.constant 512 : index
      %get3A_256 = arith.constant 0 : index
      %get3A_257 = vector.load %arg2[%get3A_254, %get3A_255, %get3A_256] : memref<1x2048x1024xf32, #tpu.memory_space<vmem>>, vector<1x128x1024xf32>
      %get3A_258 = vector.shape_cast %get3A_257 : vector<1x128x1024xf32> to vector<128x1024xf32>
      %mul3A_259 = arith.mulf %get3A_258, %get3A_258 : vector<128x1024xf32>
      %slice3A_260 = vector.extract_strided_slice %mul3A_259 {offsets = [0, 0], sizes = [128, 128], strides = [1, 1]} : vector<128x1024xf32> to vector<128x128xf32>
      %slice3A_261 = vector.extract_strided_slice %mul3A_259 {offsets = [0, 128], sizes = [128, 128], strides = [1, 1]} : vector<128x1024xf32> to vector<128x128xf32>
      %add3A_262 = arith.addf %slice3A_260, %slice3A_261 : vector<128x128xf32>
      %slice3A_263 = vector.extract_strided_slice %mul3A_259 {offsets = [0, 256], sizes = [128, 128], strides = [1, 1]} : vector<128x1024xf32> to vector<128x128xf32>
      %add3A_264 = arith.addf %add3A_262, %slice3A_263 : vector<128x128xf32>
      %slice3A_265 = vector.extract_strided_slice %mul3A_259 {offsets = [0, 384], sizes = [128, 128], strides = [1, 1]} : vector<128x1024xf32> to vector<128x128xf32>
      %add3A_266 = arith.addf %add3A_264, %slice3A_265 : vector<128x128xf32>
      %slice3A_267 = vector.extract_strided_slice %mul3A_259 {offsets = [0, 512], sizes = [128, 128], strides = [1, 1]} : vector<128x1024xf32> to vector<128x128xf32>
      %add3A_268 = arith.addf %add3A_266, %slice3A_267 : vector<128x128xf32>
      %slice3A_269 = vector.extract_strided_slice %mul3A_259 {offsets = [0, 640], sizes = [128, 128], strides = [1, 1]} : vector<128x1024xf32> to vector<128x128xf32>
      %add3A_270 = arith.addf %add3A_268, %slice3A_269 : vector<128x128xf32>
      %slice3A_271 = vector.extract_strided_slice %mul3A_259 {offsets = [0, 768], sizes = [128, 128], strides = [1, 1]} : vector<128x1024xf32> to vector<128x128xf32>
      %add3A_272 = arith.addf %add3A_270, %slice3A_271 : vector<128x128xf32>
      %slice3A_273 = vector.extract_strided_slice %mul3A_259 {offsets = [0, 896], sizes = [128, 128], strides = [1, 1]} : vector<128x1024xf32> to vector<128x128xf32>
      %add3A_274 = arith.addf %add3A_272, %slice3A_273 : vector<128x128xf32>
      %transpose3A_275 = tpu.transpose %add3A_274, [1, 0] : vector<128x128xf32> -> vector<128x128xf32>
      %slice3A_276 = vector.extract_strided_slice %transpose3A_275 {offsets = [0, 0], sizes = [8, 128], strides = [1, 1]} : vector<128x128xf32> to vector<8x128xf32>
      %slice3A_277 = vector.extract_strided_slice %transpose3A_275 {offsets = [8, 0], sizes = [8, 128], strides = [1, 1]} : vector<128x128xf32> to vector<8x128xf32>
      %add3A_278 = arith.addf %slice3A_276, %slice3A_277 : vector<8x128xf32>
      %slice3A_279 = vector.extract_strided_slice %transpose3A_275 {offsets = [16, 0], sizes = [8, 128], strides = [1, 1]} : vector<128x128xf32> to vector<8x128xf32>
      %add3A_280 = arith.addf %add3A_278, %slice3A_279 : vector<8x128xf32>
      %slice3A_281 = vector.extract_strided_slice %transpose3A_275 {offsets = [24, 0], sizes = [8, 128], strides = [1, 1]} : vector<128x128xf32> to vector<8x128xf32>
      %add3A_282 = arith.addf %add3A_280, %slice3A_281 : vector<8x128xf32>
      %slice3A_283 = vector.extract_strided_slice %transpose3A_275 {offsets = [32, 0], sizes = [8, 128], strides = [1, 1]} : vector<128x128xf32> to vector<8x128xf32>
      %add3A_284 = arith.addf %add3A_282, %slice3A_283 : vector<8x128xf32>
      %slice3A_285 = vector.extract_strided_slice %transpose3A_275 {offsets = [40, 0], sizes = [8, 128], strides = [1, 1]} : vector<128x128xf32> to vector<8x128xf32>
      %add3A_286 = arith.addf %add3A_284, %slice3A_285 : vector<8x128xf32>
      %slice3A_287 = vector.extract_strided_slice %transpose3A_275 {offsets = [48, 0], sizes = [8, 128], strides = [1, 1]} : vector<128x128xf32> to vector<8x128xf32>
      %add3A_288 = arith.addf %add3A_286, %slice3A_287 : vector<8x128xf32>
      %slice3A_289 = vector.extract_strided_slice %transpose3A_275 {offsets = [56, 0], sizes = [8, 128], strides = [1, 1]} : vector<128x128xf32> to vector<8x128xf32>
      %add3A_290 = arith.addf %add3A_288, %slice3A_289 : vector<8x128xf32>
      %slice3A_291 = vector.extract_strided_slice %transpose3A_275 {offsets = [64, 0], sizes = [8, 128], strides = [1, 1]} : vector<128x128xf32> to vector<8x128xf32>
      %add3A_292 = arith.addf %add3A_290, %slice3A_291 : vector<8x128xf32>
      %slice3A_293 = vector.extract_strided_slice %transpose3A_275 {offsets = [72, 0], sizes = [8, 128], strides = [1, 1]} : vector<128x128xf32> to vector<8x128xf32>
      %add3A_294 = arith.addf %add3A_292, %slice3A_293 : vector<8x128xf32>
      %slice3A_295 = vector.extract_strided_slice %transpose3A_275 {offsets = [80, 0], sizes = [8, 128], strides = [1, 1]} : vector<128x128xf32> to vector<8x128xf32>
      %add3A_296 = arith.addf %add3A_294, %slice3A_295 : vector<8x128xf32>
      %slice3A_297 = vector.extract_strided_slice %transpose3A_275 {offsets = [88, 0], sizes = [8, 128], strides = [1, 1]} : vector<128x128xf32> to vector<8x128xf32>
      %add3A_298 = arith.addf %add3A_296, %slice3A_297 : vector<8x128xf32>
      %slice3A_299 = vector.extract_strided_slice %transpose3A_275 {offsets = [96, 0], sizes = [8, 128], strides = [1, 1]} : vector<128x128xf32> to vector<8x128xf32>
      %add3A_300 = arith.addf %add3A_298, %slice3A_299 : vector<8x128xf32>
      %slice3A_301 = vector.extract_strided_slice %transpose3A_275 {offsets = [104, 0], sizes = [8, 128], strides = [1, 1]} : vector<128x128xf32> to vector<8x128xf32>
      %add3A_302 = arith.addf %add3A_300, %slice3A_301 : vector<8x128xf32>
      %slice3A_303 = vector.extract_strided_slice %transpose3A_275 {offsets = [112, 0], sizes = [8, 128], strides = [1, 1]} : vector<128x128xf32> to vector<8x128xf32>
      %add3A_304 = arith.addf %add3A_302, %slice3A_303 : vector<8x128xf32>
      %slice3A_305 = vector.extract_strided_slice %transpose3A_275 {offsets = [120, 0], sizes = [8, 128], strides = [1, 1]} : vector<128x128xf32> to vector<8x128xf32>
      %add3A_306 = arith.addf %add3A_304, %slice3A_305 : vector<8x128xf32>
      %slice3A_307 = vector.extract_strided_slice %add3A_306 {offsets = [0, 0], sizes = [4, 128], strides = [1, 1]} : vector<8x128xf32> to vector<4x128xf32>
      %slice3A_308 = vector.extract_strided_slice %add3A_306 {offsets = [4, 0], sizes = [4, 128], strides = [1, 1]} : vector<8x128xf32> to vector<4x128xf32>
      %add3A_309 = arith.addf %slice3A_307, %slice3A_308 : vector<4x128xf32>
      %slice3A_310 = vector.extract_strided_slice %add3A_309 {offsets = [0, 0], sizes = [2, 128], strides = [1, 1]} : vector<4x128xf32> to vector<2x128xf32>
      %slice3A_311 = vector.extract_strided_slice %add3A_309 {offsets = [2, 0], sizes = [2, 128], strides = [1, 1]} : vector<4x128xf32> to vector<2x128xf32>
      %add3A_312 = arith.addf %slice3A_310, %slice3A_311 : vector<2x128xf32>
      %slice3A_313 = vector.extract_strided_slice %add3A_312 {offsets = [0, 0], sizes = [1, 128], strides = [1, 1]} : vector<2x128xf32> to vector<1x128xf32>
      %slice3A_314 = vector.extract_strided_slice %add3A_312 {offsets = [1, 0], sizes = [1, 128], strides = [1, 1]} : vector<2x128xf32> to vector<1x128xf32>
      %add3A_315 = arith.addf %slice3A_313, %slice3A_314 : vector<1x128xf32>
      %sqrt3A_316 = math.sqrt %add3A_315 : vector<1x128xf32>
      %get3A_317 = arith.constant 0 : index
      %get3A_318 = arith.constant 640 : index
      %get3A_319 = arith.constant 0 : index
      %get3A_320 = vector.load %arg2[%get3A_317, %get3A_318, %get3A_319] : memref<1x2048x1024xf32, #tpu.memory_space<vmem>>, vector<1x128x1024xf32>
      %get3A_321 = vector.shape_cast %get3A_320 : vector<1x128x1024xf32> to vector<128x1024xf32>
      %mul3A_322 = arith.mulf %get3A_321, %get3A_321 : vector<128x1024xf32>
      %slice3A_323 = vector.extract_strided_slice %mul3A_322 {offsets = [0, 0], sizes = [128, 128], strides = [1, 1]} : vector<128x1024xf32> to vector<128x128xf32>
      %slice3A_324 = vector.extract_strided_slice %mul3A_322 {offsets = [0, 128], sizes = [128, 128], strides = [1, 1]} : vector<128x1024xf32> to vector<128x128xf32>
      %add3A_325 = arith.addf %slice3A_323, %slice3A_324 : vector<128x128xf32>
      %slice3A_326 = vector.extract_strided_slice %mul3A_322 {offsets = [0, 256], sizes = [128, 128], strides = [1, 1]} : vector<128x1024xf32> to vector<128x128xf32>
      %add3A_327 = arith.addf %add3A_325, %slice3A_326 : vector<128x128xf32>
      %slice3A_328 = vector.extract_strided_slice %mul3A_322 {offsets = [0, 384], sizes = [128, 128], strides = [1, 1]} : vector<128x1024xf32> to vector<128x128xf32>
      %add3A_329 = arith.addf %add3A_327, %slice3A_328 : vector<128x128xf32>
      %slice3A_330 = vector.extract_strided_slice %mul3A_322 {offsets = [0, 512], sizes = [128, 128], strides = [1, 1]} : vector<128x1024xf32> to vector<128x128xf32>
      %add3A_331 = arith.addf %add3A_329, %slice3A_330 : vector<128x128xf32>
      %slice3A_332 = vector.extract_strided_slice %mul3A_322 {offsets = [0, 640], sizes = [128, 128], strides = [1, 1]} : vector<128x1024xf32> to vector<128x128xf32>
      %add3A_333 = arith.addf %add3A_331, %slice3A_332 : vector<128x128xf32>
      %slice3A_334 = vector.extract_strided_slice %mul3A_322 {offsets = [0, 768], sizes = [128, 128], strides = [1, 1]} : vector<128x1024xf32> to vector<128x128xf32>
      %add3A_335 = arith.addf %add3A_333, %slice3A_334 : vector<128x128xf32>
      %slice3A_336 = vector.extract_strided_slice %mul3A_322 {offsets = [0, 896], sizes = [128, 128], strides = [1, 1]} : vector<128x1024xf32> to vector<128x128xf32>
      %add3A_337 = arith.addf %add3A_335, %slice3A_336 : vector<128x128xf32>
      %transpose3A_338 = tpu.transpose %add3A_337, [1, 0] : vector<128x128xf32> -> vector<128x128xf32>
      %slice3A_339 = vector.extract_strided_slice %transpose3A_338 {offsets = [0, 0], sizes = [8, 128], strides = [1, 1]} : vector<128x128xf32> to vector<8x128xf32>
      %slice3A_340 = vector.extract_strided_slice %transpose3A_338 {offsets = [8, 0], sizes = [8, 128], strides = [1, 1]} : vector<128x128xf32> to vector<8x128xf32>
      %add3A_341 = arith.addf %slice3A_339, %slice3A_340 : vector<8x128xf32>
      %slice3A_342 = vector.extract_strided_slice %transpose3A_338 {offsets = [16, 0], sizes = [8, 128], strides = [1, 1]} : vector<128x128xf32> to vector<8x128xf32>
      %add3A_343 = arith.addf %add3A_341, %slice3A_342 : vector<8x128xf32>
      %slice3A_344 = vector.extract_strided_slice %transpose3A_338 {offsets = [24, 0], sizes = [8, 128], strides = [1, 1]} : vector<128x128xf32> to vector<8x128xf32>
      %add3A_345 = arith.addf %add3A_343, %slice3A_344 : vector<8x128xf32>
      %slice3A_346 = vector.extract_strided_slice %transpose3A_338 {offsets = [32, 0], sizes = [8, 128], strides = [1, 1]} : vector<128x128xf32> to vector<8x128xf32>
      %add3A_347 = arith.addf %add3A_345, %slice3A_346 : vector<8x128xf32>
      %slice3A_348 = vector.extract_strided_slice %transpose3A_338 {offsets = [40, 0], sizes = [8, 128], strides = [1, 1]} : vector<128x128xf32> to vector<8x128xf32>
      %add3A_349 = arith.addf %add3A_347, %slice3A_348 : vector<8x128xf32>
      %slice3A_350 = vector.extract_strided_slice %transpose3A_338 {offsets = [48, 0], sizes = [8, 128], strides = [1, 1]} : vector<128x128xf32> to vector<8x128xf32>
      %add3A_351 = arith.addf %add3A_349, %slice3A_350 : vector<8x128xf32>
      %slice3A_352 = vector.extract_strided_slice %transpose3A_338 {offsets = [56, 0], sizes = [8, 128], strides = [1, 1]} : vector<128x128xf32> to vector<8x128xf32>
      %add3A_353 = arith.addf %add3A_351, %slice3A_352 : vector<8x128xf32>
      %slice3A_354 = vector.extract_strided_slice %transpose3A_338 {offsets = [64, 0], sizes = [8, 128], strides = [1, 1]} : vector<128x128xf32> to vector<8x128xf32>
      %add3A_355 = arith.addf %add3A_353, %slice3A_354 : vector<8x128xf32>
      %slice3A_356 = vector.extract_strided_slice %transpose3A_338 {offsets = [72, 0], sizes = [8, 128], strides = [1, 1]} : vector<128x128xf32> to vector<8x128xf32>
      %add3A_357 = arith.addf %add3A_355, %slice3A_356 : vector<8x128xf32>
      %slice3A_358 = vector.extract_strided_slice %transpose3A_338 {offsets = [80, 0], sizes = [8, 128], strides = [1, 1]} : vector<128x128xf32> to vector<8x128xf32>
      %add3A_359 = arith.addf %add3A_357, %slice3A_358 : vector<8x128xf32>
      %slice3A_360 = vector.extract_strided_slice %transpose3A_338 {offsets = [88, 0], sizes = [8, 128], strides = [1, 1]} : vector<128x128xf32> to vector<8x128xf32>
      %add3A_361 = arith.addf %add3A_359, %slice3A_360 : vector<8x128xf32>
      %slice3A_362 = vector.extract_strided_slice %transpose3A_338 {offsets = [96, 0], sizes = [8, 128], strides = [1, 1]} : vector<128x128xf32> to vector<8x128xf32>
      %add3A_363 = arith.addf %add3A_361, %slice3A_362 : vector<8x128xf32>
      %slice3A_364 = vector.extract_strided_slice %transpose3A_338 {offsets = [104, 0], sizes = [8, 128], strides = [1, 1]} : vector<128x128xf32> to vector<8x128xf32>
      %add3A_365 = arith.addf %add3A_363, %slice3A_364 : vector<8x128xf32>
      %slice3A_366 = vector.extract_strided_slice %transpose3A_338 {offsets = [112, 0], sizes = [8, 128], strides = [1, 1]} : vector<128x128xf32> to vector<8x128xf32>
      %add3A_367 = arith.addf %add3A_365, %slice3A_366 : vector<8x128xf32>
      %slice3A_368 = vector.extract_strided_slice %transpose3A_338 {offsets = [120, 0], sizes = [8, 128], strides = [1, 1]} : vector<128x128xf32> to vector<8x128xf32>
      %add3A_369 = arith.addf %add3A_367, %slice3A_368 : vector<8x128xf32>
      %slice3A_370 = vector.extract_strided_slice %add3A_369 {offsets = [0, 0], sizes = [4, 128], strides = [1, 1]} : vector<8x128xf32> to vector<4x128xf32>
      %slice3A_371 = vector.extract_strided_slice %add3A_369 {offsets = [4, 0], sizes = [4, 128], strides = [1, 1]} : vector<8x128xf32> to vector<4x128xf32>
      %add3A_372 = arith.addf %slice3A_370, %slice3A_371 : vector<4x128xf32>
      %slice3A_373 = vector.extract_strided_slice %add3A_372 {offsets = [0, 0], sizes = [2, 128], strides = [1, 1]} : vector<4x128xf32> to vector<2x128xf32>
      %slice3A_374 = vector.extract_strided_slice %add3A_372 {offsets = [2, 0], sizes = [2, 128], strides = [1, 1]} : vector<4x128xf32> to vector<2x128xf32>
      %add3A_375 = arith.addf %slice3A_373, %slice3A_374 : vector<2x128xf32>
      %slice3A_376 = vector.extract_strided_slice %add3A_375 {offsets = [0, 0], sizes = [1, 128], strides = [1, 1]} : vector<2x128xf32> to vector<1x128xf32>
      %slice3A_377 = vector.extract_strided_slice %add3A_375 {offsets = [1, 0], sizes = [1, 128], strides = [1, 1]} : vector<2x128xf32> to vector<1x128xf32>
      %add3A_378 = arith.addf %slice3A_376, %slice3A_377 : vector<1x128xf32>
      %sqrt3A_379 = math.sqrt %add3A_378 : vector<1x128xf32>
      %get3A_380 = arith.constant 0 : index
      %get3A_381 = arith.constant 768 : index
      %get3A_382 = arith.constant 0 : index
      %get3A_383 = vector.load %arg2[%get3A_380, %get3A_381, %get3A_382] : memref<1x2048x1024xf32, #tpu.memory_space<vmem>>, vector<1x128x1024xf32>
      %get3A_384 = vector.shape_cast %get3A_383 : vector<1x128x1024xf32> to vector<128x1024xf32>
      %mul3A_385 = arith.mulf %get3A_384, %get3A_384 : vector<128x1024xf32>
      %slice3A_386 = vector.extract_strided_slice %mul3A_385 {offsets = [0, 0], sizes = [128, 128], strides = [1, 1]} : vector<128x1024xf32> to vector<128x128xf32>
      %slice3A_387 = vector.extract_strided_slice %mul3A_385 {offsets = [0, 128], sizes = [128, 128], strides = [1, 1]} : vector<128x1024xf32> to vector<128x128xf32>
      %add3A_388 = arith.addf %slice3A_386, %slice3A_387 : vector<128x128xf32>
      %slice3A_389 = vector.extract_strided_slice %mul3A_385 {offsets = [0, 256], sizes = [128, 128], strides = [1, 1]} : vector<128x1024xf32> to vector<128x128xf32>
      %add3A_390 = arith.addf %add3A_388, %slice3A_389 : vector<128x128xf32>
      %slice3A_391 = vector.extract_strided_slice %mul3A_385 {offsets = [0, 384], sizes = [128, 128], strides = [1, 1]} : vector<128x1024xf32> to vector<128x128xf32>
      %add3A_392 = arith.addf %add3A_390, %slice3A_391 : vector<128x128xf32>
      %slice3A_393 = vector.extract_strided_slice %mul3A_385 {offsets = [0, 512], sizes = [128, 128], strides = [1, 1]} : vector<128x1024xf32> to vector<128x128xf32>
      %add3A_394 = arith.addf %add3A_392, %slice3A_393 : vector<128x128xf32>
      %slice3A_395 = vector.extract_strided_slice %mul3A_385 {offsets = [0, 640], sizes = [128, 128], strides = [1, 1]} : vector<128x1024xf32> to vector<128x128xf32>
      %add3A_396 = arith.addf %add3A_394, %slice3A_395 : vector<128x128xf32>
      %slice3A_397 = vector.extract_strided_slice %mul3A_385 {offsets = [0, 768], sizes = [128, 128], strides = [1, 1]} : vector<128x1024xf32> to vector<128x128xf32>
      %add3A_398 = arith.addf %add3A_396, %slice3A_397 : vector<128x128xf32>
      %slice3A_399 = vector.extract_strided_slice %mul3A_385 {offsets = [0, 896], sizes = [128, 128], strides = [1, 1]} : vector<128x1024xf32> to vector<128x128xf32>
      %add3A_400 = arith.addf %add3A_398, %slice3A_399 : vector<128x128xf32>
      %transpose3A_401 = tpu.transpose %add3A_400, [1, 0] : vector<128x128xf32> -> vector<128x128xf32>
      %slice3A_402 = vector.extract_strided_slice %transpose3A_401 {offsets = [0, 0], sizes = [8, 128], strides = [1, 1]} : vector<128x128xf32> to vector<8x128xf32>
      %slice3A_403 = vector.extract_strided_slice %transpose3A_401 {offsets = [8, 0], sizes = [8, 128], strides = [1, 1]} : vector<128x128xf32> to vector<8x128xf32>
      %add3A_404 = arith.addf %slice3A_402, %slice3A_403 : vector<8x128xf32>
      %slice3A_405 = vector.extract_strided_slice %transpose3A_401 {offsets = [16, 0], sizes = [8, 128], strides = [1, 1]} : vector<128x128xf32> to vector<8x128xf32>
      %add3A_406 = arith.addf %add3A_404, %slice3A_405 : vector<8x128xf32>
      %slice3A_407 = vector.extract_strided_slice %transpose3A_401 {offsets = [24, 0], sizes = [8, 128], strides = [1, 1]} : vector<128x128xf32> to vector<8x128xf32>
      %add3A_408 = arith.addf %add3A_406, %slice3A_407 : vector<8x128xf32>
      %slice3A_409 = vector.extract_strided_slice %transpose3A_401 {offsets = [32, 0], sizes = [8, 128], strides = [1, 1]} : vector<128x128xf32> to vector<8x128xf32>
      %add3A_410 = arith.addf %add3A_408, %slice3A_409 : vector<8x128xf32>
      %slice3A_411 = vector.extract_strided_slice %transpose3A_401 {offsets = [40, 0], sizes = [8, 128], strides = [1, 1]} : vector<128x128xf32> to vector<8x128xf32>
      %add3A_412 = arith.addf %add3A_410, %slice3A_411 : vector<8x128xf32>
      %slice3A_413 = vector.extract_strided_slice %transpose3A_401 {offsets = [48, 0], sizes = [8, 128], strides = [1, 1]} : vector<128x128xf32> to vector<8x128xf32>
      %add3A_414 = arith.addf %add3A_412, %slice3A_413 : vector<8x128xf32>
      %slice3A_415 = vector.extract_strided_slice %transpose3A_401 {offsets = [56, 0], sizes = [8, 128], strides = [1, 1]} : vector<128x128xf32> to vector<8x128xf32>
      %add3A_416 = arith.addf %add3A_414, %slice3A_415 : vector<8x128xf32>
      %slice3A_417 = vector.extract_strided_slice %transpose3A_401 {offsets = [64, 0], sizes = [8, 128], strides = [1, 1]} : vector<128x128xf32> to vector<8x128xf32>
      %add3A_418 = arith.addf %add3A_416, %slice3A_417 : vector<8x128xf32>
      %slice3A_419 = vector.extract_strided_slice %transpose3A_401 {offsets = [72, 0], sizes = [8, 128], strides = [1, 1]} : vector<128x128xf32> to vector<8x128xf32>
      %add3A_420 = arith.addf %add3A_418, %slice3A_419 : vector<8x128xf32>
      %slice3A_421 = vector.extract_strided_slice %transpose3A_401 {offsets = [80, 0], sizes = [8, 128], strides = [1, 1]} : vector<128x128xf32> to vector<8x128xf32>
      %add3A_422 = arith.addf %add3A_420, %slice3A_421 : vector<8x128xf32>
      %slice3A_423 = vector.extract_strided_slice %transpose3A_401 {offsets = [88, 0], sizes = [8, 128], strides = [1, 1]} : vector<128x128xf32> to vector<8x128xf32>
      %add3A_424 = arith.addf %add3A_422, %slice3A_423 : vector<8x128xf32>
      %slice3A_425 = vector.extract_strided_slice %transpose3A_401 {offsets = [96, 0], sizes = [8, 128], strides = [1, 1]} : vector<128x128xf32> to vector<8x128xf32>
      %add3A_426 = arith.addf %add3A_424, %slice3A_425 : vector<8x128xf32>
      %slice3A_427 = vector.extract_strided_slice %transpose3A_401 {offsets = [104, 0], sizes = [8, 128], strides = [1, 1]} : vector<128x128xf32> to vector<8x128xf32>
      %add3A_428 = arith.addf %add3A_426, %slice3A_427 : vector<8x128xf32>
      %slice3A_429 = vector.extract_strided_slice %transpose3A_401 {offsets = [112, 0], sizes = [8, 128], strides = [1, 1]} : vector<128x128xf32> to vector<8x128xf32>
      %add3A_430 = arith.addf %add3A_428, %slice3A_429 : vector<8x128xf32>
      %slice3A_431 = vector.extract_strided_slice %transpose3A_401 {offsets = [120, 0], sizes = [8, 128], strides = [1, 1]} : vector<128x128xf32> to vector<8x128xf32>
      %add3A_432 = arith.addf %add3A_430, %slice3A_431 : vector<8x128xf32>
      %slice3A_433 = vector.extract_strided_slice %add3A_432 {offsets = [0, 0], sizes = [4, 128], strides = [1, 1]} : vector<8x128xf32> to vector<4x128xf32>
      %slice3A_434 = vector.extract_strided_slice %add3A_432 {offsets = [4, 0], sizes = [4, 128], strides = [1, 1]} : vector<8x128xf32> to vector<4x128xf32>
      %add3A_435 = arith.addf %slice3A_433, %slice3A_434 : vector<4x128xf32>
      %slice3A_436 = vector.extract_strided_slice %add3A_435 {offsets = [0, 0], sizes = [2, 128], strides = [1, 1]} : vector<4x128xf32> to vector<2x128xf32>
      %slice3A_437 = vector.extract_strided_slice %add3A_435 {offsets = [2, 0], sizes = [2, 128], strides = [1, 1]} : vector<4x128xf32> to vector<2x128xf32>
      %add3A_438 = arith.addf %slice3A_436, %slice3A_437 : vector<2x128xf32>
      %slice3A_439 = vector.extract_strided_slice %add3A_438 {offsets = [0, 0], sizes = [1, 128], strides = [1, 1]} : vector<2x128xf32> to vector<1x128xf32>
      %slice3A_440 = vector.extract_strided_slice %add3A_438 {offsets = [1, 0], sizes = [1, 128], strides = [1, 1]} : vector<2x128xf32> to vector<1x128xf32>
      %add3A_441 = arith.addf %slice3A_439, %slice3A_440 : vector<1x128xf32>
      %sqrt3A_442 = math.sqrt %add3A_441 : vector<1x128xf32>
      %get3A_443 = arith.constant 0 : index
      %get3A_444 = arith.constant 896 : index
      %get3A_445 = arith.constant 0 : index
      %get3A_446 = vector.load %arg2[%get3A_443, %get3A_444, %get3A_445] : memref<1x2048x1024xf32, #tpu.memory_space<vmem>>, vector<1x128x1024xf32>
      %get3A_447 = vector.shape_cast %get3A_446 : vector<1x128x1024xf32> to vector<128x1024xf32>
      %mul3A_448 = arith.mulf %get3A_447, %get3A_447 : vector<128x1024xf32>
      %slice3A_449 = vector.extract_strided_slice %mul3A_448 {offsets = [0, 0], sizes = [128, 128], strides = [1, 1]} : vector<128x1024xf32> to vector<128x128xf32>
      %slice3A_450 = vector.extract_strided_slice %mul3A_448 {offsets = [0, 128], sizes = [128, 128], strides = [1, 1]} : vector<128x1024xf32> to vector<128x128xf32>
      %add3A_451 = arith.addf %slice3A_449, %slice3A_450 : vector<128x128xf32>
      %slice3A_452 = vector.extract_strided_slice %mul3A_448 {offsets = [0, 256], sizes = [128, 128], strides = [1, 1]} : vector<128x1024xf32> to vector<128x128xf32>
      %add3A_453 = arith.addf %add3A_451, %slice3A_452 : vector<128x128xf32>
      %slice3A_454 = vector.extract_strided_slice %mul3A_448 {offsets = [0, 384], sizes = [128, 128], strides = [1, 1]} : vector<128x1024xf32> to vector<128x128xf32>
      %add3A_455 = arith.addf %add3A_453, %slice3A_454 : vector<128x128xf32>
      %slice3A_456 = vector.extract_strided_slice %mul3A_448 {offsets = [0, 512], sizes = [128, 128], strides = [1, 1]} : vector<128x1024xf32> to vector<128x128xf32>
      %add3A_457 = arith.addf %add3A_455, %slice3A_456 : vector<128x128xf32>
      %slice3A_458 = vector.extract_strided_slice %mul3A_448 {offsets = [0, 640], sizes = [128, 128], strides = [1, 1]} : vector<128x1024xf32> to vector<128x128xf32>
      %add3A_459 = arith.addf %add3A_457, %slice3A_458 : vector<128x128xf32>
      %slice3A_460 = vector.extract_strided_slice %mul3A_448 {offsets = [0, 768], sizes = [128, 128], strides = [1, 1]} : vector<128x1024xf32> to vector<128x128xf32>
      %add3A_461 = arith.addf %add3A_459, %slice3A_460 : vector<128x128xf32>
      %slice3A_462 = vector.extract_strided_slice %mul3A_448 {offsets = [0, 896], sizes = [128, 128], strides = [1, 1]} : vector<128x1024xf32> to vector<128x128xf32>
      %add3A_463 = arith.addf %add3A_461, %slice3A_462 : vector<128x128xf32>
      %transpose3A_464 = tpu.transpose %add3A_463, [1, 0] : vector<128x128xf32> -> vector<128x128xf32>
      %slice3A_465 = vector.extract_strided_slice %transpose3A_464 {offsets = [0, 0], sizes = [8, 128], strides = [1, 1]} : vector<128x128xf32> to vector<8x128xf32>
      %slice3A_466 = vector.extract_strided_slice %transpose3A_464 {offsets = [8, 0], sizes = [8, 128], strides = [1, 1]} : vector<128x128xf32> to vector<8x128xf32>
      %add3A_467 = arith.addf %slice3A_465, %slice3A_466 : vector<8x128xf32>
      %slice3A_468 = vector.extract_strided_slice %transpose3A_464 {offsets = [16, 0], sizes = [8, 128], strides = [1, 1]} : vector<128x128xf32> to vector<8x128xf32>
      %add3A_469 = arith.addf %add3A_467, %slice3A_468 : vector<8x128xf32>
      %slice3A_470 = vector.extract_strided_slice %transpose3A_464 {offsets = [24, 0], sizes = [8, 128], strides = [1, 1]} : vector<128x128xf32> to vector<8x128xf32>
      %add3A_471 = arith.addf %add3A_469, %slice3A_470 : vector<8x128xf32>
      %slice3A_472 = vector.extract_strided_slice %transpose3A_464 {offsets = [32, 0], sizes = [8, 128], strides = [1, 1]} : vector<128x128xf32> to vector<8x128xf32>
      %add3A_473 = arith.addf %add3A_471, %slice3A_472 : vector<8x128xf32>
      %slice3A_474 = vector.extract_strided_slice %transpose3A_464 {offsets = [40, 0], sizes = [8, 128], strides = [1, 1]} : vector<128x128xf32> to vector<8x128xf32>
      %add3A_475 = arith.addf %add3A_473, %slice3A_474 : vector<8x128xf32>
      %slice3A_476 = vector.extract_strided_slice %transpose3A_464 {offsets = [48, 0], sizes = [8, 128], strides = [1, 1]} : vector<128x128xf32> to vector<8x128xf32>
      %add3A_477 = arith.addf %add3A_475, %slice3A_476 : vector<8x128xf32>
      %slice3A_478 = vector.extract_strided_slice %transpose3A_464 {offsets = [56, 0], sizes = [8, 128], strides = [1, 1]} : vector<128x128xf32> to vector<8x128xf32>
      %add3A_479 = arith.addf %add3A_477, %slice3A_478 : vector<8x128xf32>
      %slice3A_480 = vector.extract_strided_slice %transpose3A_464 {offsets = [64, 0], sizes = [8, 128], strides = [1, 1]} : vector<128x128xf32> to vector<8x128xf32>
      %add3A_481 = arith.addf %add3A_479, %slice3A_480 : vector<8x128xf32>
      %slice3A_482 = vector.extract_strided_slice %transpose3A_464 {offsets = [72, 0], sizes = [8, 128], strides = [1, 1]} : vector<128x128xf32> to vector<8x128xf32>
      %add3A_483 = arith.addf %add3A_481, %slice3A_482 : vector<8x128xf32>
      %slice3A_484 = vector.extract_strided_slice %transpose3A_464 {offsets = [80, 0], sizes = [8, 128], strides = [1, 1]} : vector<128x128xf32> to vector<8x128xf32>
      %add3A_485 = arith.addf %add3A_483, %slice3A_484 : vector<8x128xf32>
      %slice3A_486 = vector.extract_strided_slice %transpose3A_464 {offsets = [88, 0], sizes = [8, 128], strides = [1, 1]} : vector<128x128xf32> to vector<8x128xf32>
      %add3A_487 = arith.addf %add3A_485, %slice3A_486 : vector<8x128xf32>
      %slice3A_488 = vector.extract_strided_slice %transpose3A_464 {offsets = [96, 0], sizes = [8, 128], strides = [1, 1]} : vector<128x128xf32> to vector<8x128xf32>
      %add3A_489 = arith.addf %add3A_487, %slice3A_488 : vector<8x128xf32>
      %slice3A_490 = vector.extract_strided_slice %transpose3A_464 {offsets = [104, 0], sizes = [8, 128], strides = [1, 1]} : vector<128x128xf32> to vector<8x128xf32>
      %add3A_491 = arith.addf %add3A_489, %slice3A_490 : vector<8x128xf32>
      %slice3A_492 = vector.extract_strided_slice %transpose3A_464 {offsets = [112, 0], sizes = [8, 128], strides = [1, 1]} : vector<128x128xf32> to vector<8x128xf32>
      %add3A_493 = arith.addf %add3A_491, %slice3A_492 : vector<8x128xf32>
      %slice3A_494 = vector.extract_strided_slice %transpose3A_464 {offsets = [120, 0], sizes = [8, 128], strides = [1, 1]} : vector<128x128xf32> to vector<8x128xf32>
      %add3A_495 = arith.addf %add3A_493, %slice3A_494 : vector<8x128xf32>
      %slice3A_496 = vector.extract_strided_slice %add3A_495 {offsets = [0, 0], sizes = [4, 128], strides = [1, 1]} : vector<8x128xf32> to vector<4x128xf32>
      %slice3A_497 = vector.extract_strided_slice %add3A_495 {offsets = [4, 0], sizes = [4, 128], strides = [1, 1]} : vector<8x128xf32> to vector<4x128xf32>
      %add3A_498 = arith.addf %slice3A_496, %slice3A_497 : vector<4x128xf32>
      %slice3A_499 = vector.extract_strided_slice %add3A_498 {offsets = [0, 0], sizes = [2, 128], strides = [1, 1]} : vector<4x128xf32> to vector<2x128xf32>
      %slice3A_500 = vector.extract_strided_slice %add3A_498 {offsets = [2, 0], sizes = [2, 128], strides = [1, 1]} : vector<4x128xf32> to vector<2x128xf32>
      %add3A_501 = arith.addf %slice3A_499, %slice3A_500 : vector<2x128xf32>
      %slice3A_502 = vector.extract_strided_slice %add3A_501 {offsets = [0, 0], sizes = [1, 128], strides = [1, 1]} : vector<2x128xf32> to vector<1x128xf32>
      %slice3A_503 = vector.extract_strided_slice %add3A_501 {offsets = [1, 0], sizes = [1, 128], strides = [1, 1]} : vector<2x128xf32> to vector<1x128xf32>
      %add3A_504 = arith.addf %slice3A_502, %slice3A_503 : vector<1x128xf32>
      %sqrt3A_505 = math.sqrt %add3A_504 : vector<1x128xf32>
      %get3A_506 = arith.constant 0 : index
      %get3A_507 = arith.constant 1024 : index
      %get3A_508 = arith.constant 0 : index
      %get3A_509 = vector.load %arg2[%get3A_506, %get3A_507, %get3A_508] : memref<1x2048x1024xf32, #tpu.memory_space<vmem>>, vector<1x128x1024xf32>
      %get3A_510 = vector.shape_cast %get3A_509 : vector<1x128x1024xf32> to vector<128x1024xf32>
      %mul3A_511 = arith.mulf %get3A_510, %get3A_510 : vector<128x1024xf32>
      %slice3A_512 = vector.extract_strided_slice %mul3A_511 {offsets = [0, 0], sizes = [128, 128], strides = [1, 1]} : vector<128x1024xf32> to vector<128x128xf32>
      %slice3A_513 = vector.extract_strided_slice %mul3A_511 {offsets = [0, 128], sizes = [128, 128], strides = [1, 1]} : vector<128x1024xf32> to vector<128x128xf32>
      %add3A_514 = arith.addf %slice3A_512, %slice3A_513 : vector<128x128xf32>
      %slice3A_515 = vector.extract_strided_slice %mul3A_511 {offsets = [0, 256], sizes = [128, 128], strides = [1, 1]} : vector<128x1024xf32> to vector<128x128xf32>
      %add3A_516 = arith.addf %add3A_514, %slice3A_515 : vector<128x128xf32>
      %slice3A_517 = vector.extract_strided_slice %mul3A_511 {offsets = [0, 384], sizes = [128, 128], strides = [1, 1]} : vector<128x1024xf32> to vector<128x128xf32>
      %add3A_518 = arith.addf %add3A_516, %slice3A_517 : vector<128x128xf32>
      %slice3A_519 = vector.extract_strided_slice %mul3A_511 {offsets = [0, 512], sizes = [128, 128], strides = [1, 1]} : vector<128x1024xf32> to vector<128x128xf32>
      %add3A_520 = arith.addf %add3A_518, %slice3A_519 : vector<128x128xf32>
      %slice3A_521 = vector.extract_strided_slice %mul3A_511 {offsets = [0, 640], sizes = [128, 128], strides = [1, 1]} : vector<128x1024xf32> to vector<128x128xf32>
      %add3A_522 = arith.addf %add3A_520, %slice3A_521 : vector<128x128xf32>
      %slice3A_523 = vector.extract_strided_slice %mul3A_511 {offsets = [0, 768], sizes = [128, 128], strides = [1, 1]} : vector<128x1024xf32> to vector<128x128xf32>
      %add3A_524 = arith.addf %add3A_522, %slice3A_523 : vector<128x128xf32>
      %slice3A_525 = vector.extract_strided_slice %mul3A_511 {offsets = [0, 896], sizes = [128, 128], strides = [1, 1]} : vector<128x1024xf32> to vector<128x128xf32>
      %add3A_526 = arith.addf %add3A_524, %slice3A_525 : vector<128x128xf32>
      %transpose3A_527 = tpu.transpose %add3A_526, [1, 0] : vector<128x128xf32> -> vector<128x128xf32>
      %slice3A_528 = vector.extract_strided_slice %transpose3A_527 {offsets = [0, 0], sizes = [8, 128], strides = [1, 1]} : vector<128x128xf32> to vector<8x128xf32>
      %slice3A_529 = vector.extract_strided_slice %transpose3A_527 {offsets = [8, 0], sizes = [8, 128], strides = [1, 1]} : vector<128x128xf32> to vector<8x128xf32>
      %add3A_530 = arith.addf %slice3A_528, %slice3A_529 : vector<8x128xf32>
      %slice3A_531 = vector.extract_strided_slice %transpose3A_527 {offsets = [16, 0], sizes = [8, 128], strides = [1, 1]} : vector<128x128xf32> to vector<8x128xf32>
      %add3A_532 = arith.addf %add3A_530, %slice3A_531 : vector<8x128xf32>
      %slice3A_533 = vector.extract_strided_slice %transpose3A_527 {offsets = [24, 0], sizes = [8, 128], strides = [1, 1]} : vector<128x128xf32> to vector<8x128xf32>
      %add3A_534 = arith.addf %add3A_532, %slice3A_533 : vector<8x128xf32>
      %slice3A_535 = vector.extract_strided_slice %transpose3A_527 {offsets = [32, 0], sizes = [8, 128], strides = [1, 1]} : vector<128x128xf32> to vector<8x128xf32>
      %add3A_536 = arith.addf %add3A_534, %slice3A_535 : vector<8x128xf32>
      %slice3A_537 = vector.extract_strided_slice %transpose3A_527 {offsets = [40, 0], sizes = [8, 128], strides = [1, 1]} : vector<128x128xf32> to vector<8x128xf32>
      %add3A_538 = arith.addf %add3A_536, %slice3A_537 : vector<8x128xf32>
      %slice3A_539 = vector.extract_strided_slice %transpose3A_527 {offsets = [48, 0], sizes = [8, 128], strides = [1, 1]} : vector<128x128xf32> to vector<8x128xf32>
      %add3A_540 = arith.addf %add3A_538, %slice3A_539 : vector<8x128xf32>
      %slice3A_541 = vector.extract_strided_slice %transpose3A_527 {offsets = [56, 0], sizes = [8, 128], strides = [1, 1]} : vector<128x128xf32> to vector<8x128xf32>
      %add3A_542 = arith.addf %add3A_540, %slice3A_541 : vector<8x128xf32>
      %slice3A_543 = vector.extract_strided_slice %transpose3A_527 {offsets = [64, 0], sizes = [8, 128], strides = [1, 1]} : vector<128x128xf32> to vector<8x128xf32>
      %add3A_544 = arith.addf %add3A_542, %slice3A_543 : vector<8x128xf32>
      %slice3A_545 = vector.extract_strided_slice %transpose3A_527 {offsets = [72, 0], sizes = [8, 128], strides = [1, 1]} : vector<128x128xf32> to vector<8x128xf32>
      %add3A_546 = arith.addf %add3A_544, %slice3A_545 : vector<8x128xf32>
      %slice3A_547 = vector.extract_strided_slice %transpose3A_527 {offsets = [80, 0], sizes = [8, 128], strides = [1, 1]} : vector<128x128xf32> to vector<8x128xf32>
      %add3A_548 = arith.addf %add3A_546, %slice3A_547 : vector<8x128xf32>
      %slice3A_549 = vector.extract_strided_slice %transpose3A_527 {offsets = [88, 0], sizes = [8, 128], strides = [1, 1]} : vector<128x128xf32> to vector<8x128xf32>
      %add3A_550 = arith.addf %add3A_548, %slice3A_549 : vector<8x128xf32>
      %slice3A_551 = vector.extract_strided_slice %transpose3A_527 {offsets = [96, 0], sizes = [8, 128], strides = [1, 1]} : vector<128x128xf32> to vector<8x128xf32>
      %add3A_552 = arith.addf %add3A_550, %slice3A_551 : vector<8x128xf32>
      %slice3A_553 = vector.extract_strided_slice %transpose3A_527 {offsets = [104, 0], sizes = [8, 128], strides = [1, 1]} : vector<128x128xf32> to vector<8x128xf32>
      %add3A_554 = arith.addf %add3A_552, %slice3A_553 : vector<8x128xf32>
      %slice3A_555 = vector.extract_strided_slice %transpose3A_527 {offsets = [112, 0], sizes = [8, 128], strides = [1, 1]} : vector<128x128xf32> to vector<8x128xf32>
      %add3A_556 = arith.addf %add3A_554, %slice3A_555 : vector<8x128xf32>
      %slice3A_557 = vector.extract_strided_slice %transpose3A_527 {offsets = [120, 0], sizes = [8, 128], strides = [1, 1]} : vector<128x128xf32> to vector<8x128xf32>
      %add3A_558 = arith.addf %add3A_556, %slice3A_557 : vector<8x128xf32>
      %slice3A_559 = vector.extract_strided_slice %add3A_558 {offsets = [0, 0], sizes = [4, 128], strides = [1, 1]} : vector<8x128xf32> to vector<4x128xf32>
      %slice3A_560 = vector.extract_strided_slice %add3A_558 {offsets = [4, 0], sizes = [4, 128], strides = [1, 1]} : vector<8x128xf32> to vector<4x128xf32>
      %add3A_561 = arith.addf %slice3A_559, %slice3A_560 : vector<4x128xf32>
      %slice3A_562 = vector.extract_strided_slice %add3A_561 {offsets = [0, 0], sizes = [2, 128], strides = [1, 1]} : vector<4x128xf32> to vector<2x128xf32>
      %slice3A_563 = vector.extract_strided_slice %add3A_561 {offsets = [2, 0], sizes = [2, 128], strides = [1, 1]} : vector<4x128xf32> to vector<2x128xf32>
      %add3A_564 = arith.addf %slice3A_562, %slice3A_563 : vector<2x128xf32>
      %slice3A_565 = vector.extract_strided_slice %add3A_564 {offsets = [0, 0], sizes = [1, 128], strides = [1, 1]} : vector<2x128xf32> to vector<1x128xf32>
      %slice3A_566 = vector.extract_strided_slice %add3A_564 {offsets = [1, 0], sizes = [1, 128], strides = [1, 1]} : vector<2x128xf32> to vector<1x128xf32>
      %add3A_567 = arith.addf %slice3A_565, %slice3A_566 : vector<1x128xf32>
      %sqrt3A_568 = math.sqrt %add3A_567 : vector<1x128xf32>
      %get3A_569 = arith.constant 0 : index
      %get3A_570 = arith.constant 1152 : index
      %get3A_571 = arith.constant 0 : index
      %get3A_572 = vector.load %arg2[%get3A_569, %get3A_570, %get3A_571] : memref<1x2048x1024xf32, #tpu.memory_space<vmem>>, vector<1x128x1024xf32>
      %get3A_573 = vector.shape_cast %get3A_572 : vector<1x128x1024xf32> to vector<128x1024xf32>
      %mul3A_574 = arith.mulf %get3A_573, %get3A_573 : vector<128x1024xf32>
      %slice3A_575 = vector.extract_strided_slice %mul3A_574 {offsets = [0, 0], sizes = [128, 128], strides = [1, 1]} : vector<128x1024xf32> to vector<128x128xf32>
      %slice3A_576 = vector.extract_strided_slice %mul3A_574 {offsets = [0, 128], sizes = [128, 128], strides = [1, 1]} : vector<128x1024xf32> to vector<128x128xf32>
      %add3A_577 = arith.addf %slice3A_575, %slice3A_576 : vector<128x128xf32>
      %slice3A_578 = vector.extract_strided_slice %mul3A_574 {offsets = [0, 256], sizes = [128, 128], strides = [1, 1]} : vector<128x1024xf32> to vector<128x128xf32>
      %add3A_579 = arith.addf %add3A_577, %slice3A_578 : vector<128x128xf32>
      %slice3A_580 = vector.extract_strided_slice %mul3A_574 {offsets = [0, 384], sizes = [128, 128], strides = [1, 1]} : vector<128x1024xf32> to vector<128x128xf32>
      %add3A_581 = arith.addf %add3A_579, %slice3A_580 : vector<128x128xf32>
      %slice3A_582 = vector.extract_strided_slice %mul3A_574 {offsets = [0, 512], sizes = [128, 128], strides = [1, 1]} : vector<128x1024xf32> to vector<128x128xf32>
      %add3A_583 = arith.addf %add3A_581, %slice3A_582 : vector<128x128xf32>
      %slice3A_584 = vector.extract_strided_slice %mul3A_574 {offsets = [0, 640], sizes = [128, 128], strides = [1, 1]} : vector<128x1024xf32> to vector<128x128xf32>
      %add3A_585 = arith.addf %add3A_583, %slice3A_584 : vector<128x128xf32>
      %slice3A_586 = vector.extract_strided_slice %mul3A_574 {offsets = [0, 768], sizes = [128, 128], strides = [1, 1]} : vector<128x1024xf32> to vector<128x128xf32>
      %add3A_587 = arith.addf %add3A_585, %slice3A_586 : vector<128x128xf32>
      %slice3A_588 = vector.extract_strided_slice %mul3A_574 {offsets = [0, 896], sizes = [128, 128], strides = [1, 1]} : vector<128x1024xf32> to vector<128x128xf32>
      %add3A_589 = arith.addf %add3A_587, %slice3A_588 : vector<128x128xf32>
      %transpose3A_590 = tpu.transpose %add3A_589, [1, 0] : vector<128x128xf32> -> vector<128x128xf32>
      %slice3A_591 = vector.extract_strided_slice %transpose3A_590 {offsets = [0, 0], sizes = [8, 128], strides = [1, 1]} : vector<128x128xf32> to vector<8x128xf32>
      %slice3A_592 = vector.extract_strided_slice %transpose3A_590 {offsets = [8, 0], sizes = [8, 128], strides = [1, 1]} : vector<128x128xf32> to vector<8x128xf32>
      %add3A_593 = arith.addf %slice3A_591, %slice3A_592 : vector<8x128xf32>
      %slice3A_594 = vector.extract_strided_slice %transpose3A_590 {offsets = [16, 0], sizes = [8, 128], strides = [1, 1]} : vector<128x128xf32> to vector<8x128xf32>
      %add3A_595 = arith.addf %add3A_593, %slice3A_594 : vector<8x128xf32>
      %slice3A_596 = vector.extract_strided_slice %transpose3A_590 {offsets = [24, 0], sizes = [8, 128], strides = [1, 1]} : vector<128x128xf32> to vector<8x128xf32>
      %add3A_597 = arith.addf %add3A_595, %slice3A_596 : vector<8x128xf32>
      %slice3A_598 = vector.extract_strided_slice %transpose3A_590 {offsets = [32, 0], sizes = [8, 128], strides = [1, 1]} : vector<128x128xf32> to vector<8x128xf32>
      %add3A_599 = arith.addf %add3A_597, %slice3A_598 : vector<8x128xf32>
      %slice3A_600 = vector.extract_strided_slice %transpose3A_590 {offsets = [40, 0], sizes = [8, 128], strides = [1, 1]} : vector<128x128xf32> to vector<8x128xf32>
      %add3A_601 = arith.addf %add3A_599, %slice3A_600 : vector<8x128xf32>
      %slice3A_602 = vector.extract_strided_slice %transpose3A_590 {offsets = [48, 0], sizes = [8, 128], strides = [1, 1]} : vector<128x128xf32> to vector<8x128xf32>
      %add3A_603 = arith.addf %add3A_601, %slice3A_602 : vector<8x128xf32>
      %slice3A_604 = vector.extract_strided_slice %transpose3A_590 {offsets = [56, 0], sizes = [8, 128], strides = [1, 1]} : vector<128x128xf32> to vector<8x128xf32>
      %add3A_605 = arith.addf %add3A_603, %slice3A_604 : vector<8x128xf32>
      %slice3A_606 = vector.extract_strided_slice %transpose3A_590 {offsets = [64, 0], sizes = [8, 128], strides = [1, 1]} : vector<128x128xf32> to vector<8x128xf32>
      %add3A_607 = arith.addf %add3A_605, %slice3A_606 : vector<8x128xf32>
      %slice3A_608 = vector.extract_strided_slice %transpose3A_590 {offsets = [72, 0], sizes = [8, 128], strides = [1, 1]} : vector<128x128xf32> to vector<8x128xf32>
      %add3A_609 = arith.addf %add3A_607, %slice3A_608 : vector<8x128xf32>
      %slice3A_610 = vector.extract_strided_slice %transpose3A_590 {offsets = [80, 0], sizes = [8, 128], strides = [1, 1]} : vector<128x128xf32> to vector<8x128xf32>
      %add3A_611 = arith.addf %add3A_609, %slice3A_610 : vector<8x128xf32>
      %slice3A_612 = vector.extract_strided_slice %transpose3A_590 {offsets = [88, 0], sizes = [8, 128], strides = [1, 1]} : vector<128x128xf32> to vector<8x128xf32>
      %add3A_613 = arith.addf %add3A_611, %slice3A_612 : vector<8x128xf32>
      %slice3A_614 = vector.extract_strided_slice %transpose3A_590 {offsets = [96, 0], sizes = [8, 128], strides = [1, 1]} : vector<128x128xf32> to vector<8x128xf32>
      %add3A_615 = arith.addf %add3A_613, %slice3A_614 : vector<8x128xf32>
      %slice3A_616 = vector.extract_strided_slice %transpose3A_590 {offsets = [104, 0], sizes = [8, 128], strides = [1, 1]} : vector<128x128xf32> to vector<8x128xf32>
      %add3A_617 = arith.addf %add3A_615, %slice3A_616 : vector<8x128xf32>
      %slice3A_618 = vector.extract_strided_slice %transpose3A_590 {offsets = [112, 0], sizes = [8, 128], strides = [1, 1]} : vector<128x128xf32> to vector<8x128xf32>
      %add3A_619 = arith.addf %add3A_617, %slice3A_618 : vector<8x128xf32>
      %slice3A_620 = vector.extract_strided_slice %transpose3A_590 {offsets = [120, 0], sizes = [8, 128], strides = [1, 1]} : vector<128x128xf32> to vector<8x128xf32>
      %add3A_621 = arith.addf %add3A_619, %slice3A_620 : vector<8x128xf32>
      %slice3A_622 = vector.extract_strided_slice %add3A_621 {offsets = [0, 0], sizes = [4, 128], strides = [1, 1]} : vector<8x128xf32> to vector<4x128xf32>
      %slice3A_623 = vector.extract_strided_slice %add3A_621 {offsets = [4, 0], sizes = [4, 128], strides = [1, 1]} : vector<8x128xf32> to vector<4x128xf32>
      %add3A_624 = arith.addf %slice3A_622, %slice3A_623 : vector<4x128xf32>
      %slice3A_625 = vector.extract_strided_slice %add3A_624 {offsets = [0, 0], sizes = [2, 128], strides = [1, 1]} : vector<4x128xf32> to vector<2x128xf32>
      %slice3A_626 = vector.extract_strided_slice %add3A_624 {offsets = [2, 0], sizes = [2, 128], strides = [1, 1]} : vector<4x128xf32> to vector<2x128xf32>
      %add3A_627 = arith.addf %slice3A_625, %slice3A_626 : vector<2x128xf32>
      %slice3A_628 = vector.extract_strided_slice %add3A_627 {offsets = [0, 0], sizes = [1, 128], strides = [1, 1]} : vector<2x128xf32> to vector<1x128xf32>
      %slice3A_629 = vector.extract_strided_slice %add3A_627 {offsets = [1, 0], sizes = [1, 128], strides = [1, 1]} : vector<2x128xf32> to vector<1x128xf32>
      %add3A_630 = arith.addf %slice3A_628, %slice3A_629 : vector<1x128xf32>
      %sqrt3A_631 = math.sqrt %add3A_630 : vector<1x128xf32>
      %get3A_632 = arith.constant 0 : index
      %get3A_633 = arith.constant 1280 : index
      %get3A_634 = arith.constant 0 : index
      %get3A_635 = vector.load %arg2[%get3A_632, %get3A_633, %get3A_634] : memref<1x2048x1024xf32, #tpu.memory_space<vmem>>, vector<1x128x1024xf32>
      %get3A_636 = vector.shape_cast %get3A_635 : vector<1x128x1024xf32> to vector<128x1024xf32>
      %mul3A_637 = arith.mulf %get3A_636, %get3A_636 : vector<128x1024xf32>
      %slice3A_638 = vector.extract_strided_slice %mul3A_637 {offsets = [0, 0], sizes = [128, 128], strides = [1, 1]} : vector<128x1024xf32> to vector<128x128xf32>
      %slice3A_639 = vector.extract_strided_slice %mul3A_637 {offsets = [0, 128], sizes = [128, 128], strides = [1, 1]} : vector<128x1024xf32> to vector<128x128xf32>
      %add3A_640 = arith.addf %slice3A_638, %slice3A_639 : vector<128x128xf32>
      %slice3A_641 = vector.extract_strided_slice %mul3A_637 {offsets = [0, 256], sizes = [128, 128], strides = [1, 1]} : vector<128x1024xf32> to vector<128x128xf32>
      %add3A_642 = arith.addf %add3A_640, %slice3A_641 : vector<128x128xf32>
      %slice3A_643 = vector.extract_strided_slice %mul3A_637 {offsets = [0, 384], sizes = [128, 128], strides = [1, 1]} : vector<128x1024xf32> to vector<128x128xf32>
      %add3A_644 = arith.addf %add3A_642, %slice3A_643 : vector<128x128xf32>
      %slice3A_645 = vector.extract_strided_slice %mul3A_637 {offsets = [0, 512], sizes = [128, 128], strides = [1, 1]} : vector<128x1024xf32> to vector<128x128xf32>
      %add3A_646 = arith.addf %add3A_644, %slice3A_645 : vector<128x128xf32>
      %slice3A_647 = vector.extract_strided_slice %mul3A_637 {offsets = [0, 640], sizes = [128, 128], strides = [1, 1]} : vector<128x1024xf32> to vector<128x128xf32>
      %add3A_648 = arith.addf %add3A_646, %slice3A_647 : vector<128x128xf32>
      %slice3A_649 = vector.extract_strided_slice %mul3A_637 {offsets = [0, 768], sizes = [128, 128], strides = [1, 1]} : vector<128x1024xf32> to vector<128x128xf32>
      %add3A_650 = arith.addf %add3A_648, %slice3A_649 : vector<128x128xf32>
      %slice3A_651 = vector.extract_strided_slice %mul3A_637 {offsets = [0, 896], sizes = [128, 128], strides = [1, 1]} : vector<128x1024xf32> to vector<128x128xf32>
      %add3A_652 = arith.addf %add3A_650, %slice3A_651 : vector<128x128xf32>
      %transpose3A_653 = tpu.transpose %add3A_652, [1, 0] : vector<128x128xf32> -> vector<128x128xf32>
      %slice3A_654 = vector.extract_strided_slice %transpose3A_653 {offsets = [0, 0], sizes = [8, 128], strides = [1, 1]} : vector<128x128xf32> to vector<8x128xf32>
      %slice3A_655 = vector.extract_strided_slice %transpose3A_653 {offsets = [8, 0], sizes = [8, 128], strides = [1, 1]} : vector<128x128xf32> to vector<8x128xf32>
      %add3A_656 = arith.addf %slice3A_654, %slice3A_655 : vector<8x128xf32>
      %slice3A_657 = vector.extract_strided_slice %transpose3A_653 {offsets = [16, 0], sizes = [8, 128], strides = [1, 1]} : vector<128x128xf32> to vector<8x128xf32>
      %add3A_658 = arith.addf %add3A_656, %slice3A_657 : vector<8x128xf32>
      %slice3A_659 = vector.extract_strided_slice %transpose3A_653 {offsets = [24, 0], sizes = [8, 128], strides = [1, 1]} : vector<128x128xf32> to vector<8x128xf32>
      %add3A_660 = arith.addf %add3A_658, %slice3A_659 : vector<8x128xf32>
      %slice3A_661 = vector.extract_strided_slice %transpose3A_653 {offsets = [32, 0], sizes = [8, 128], strides = [1, 1]} : vector<128x128xf32> to vector<8x128xf32>
      %add3A_662 = arith.addf %add3A_660, %slice3A_661 : vector<8x128xf32>
      %slice3A_663 = vector.extract_strided_slice %transpose3A_653 {offsets = [40, 0], sizes = [8, 128], strides = [1, 1]} : vector<128x128xf32> to vector<8x128xf32>
      %add3A_664 = arith.addf %add3A_662, %slice3A_663 : vector<8x128xf32>
      %slice3A_665 = vector.extract_strided_slice %transpose3A_653 {offsets = [48, 0], sizes = [8, 128], strides = [1, 1]} : vector<128x128xf32> to vector<8x128xf32>
      %add3A_666 = arith.addf %add3A_664, %slice3A_665 : vector<8x128xf32>
      %slice3A_667 = vector.extract_strided_slice %transpose3A_653 {offsets = [56, 0], sizes = [8, 128], strides = [1, 1]} : vector<128x128xf32> to vector<8x128xf32>
      %add3A_668 = arith.addf %add3A_666, %slice3A_667 : vector<8x128xf32>
      %slice3A_669 = vector.extract_strided_slice %transpose3A_653 {offsets = [64, 0], sizes = [8, 128], strides = [1, 1]} : vector<128x128xf32> to vector<8x128xf32>
      %add3A_670 = arith.addf %add3A_668, %slice3A_669 : vector<8x128xf32>
      %slice3A_671 = vector.extract_strided_slice %transpose3A_653 {offsets = [72, 0], sizes = [8, 128], strides = [1, 1]} : vector<128x128xf32> to vector<8x128xf32>
      %add3A_672 = arith.addf %add3A_670, %slice3A_671 : vector<8x128xf32>
      %slice3A_673 = vector.extract_strided_slice %transpose3A_653 {offsets = [80, 0], sizes = [8, 128], strides = [1, 1]} : vector<128x128xf32> to vector<8x128xf32>
      %add3A_674 = arith.addf %add3A_672, %slice3A_673 : vector<8x128xf32>
      %slice3A_675 = vector.extract_strided_slice %transpose3A_653 {offsets = [88, 0], sizes = [8, 128], strides = [1, 1]} : vector<128x128xf32> to vector<8x128xf32>
      %add3A_676 = arith.addf %add3A_674, %slice3A_675 : vector<8x128xf32>
      %slice3A_677 = vector.extract_strided_slice %transpose3A_653 {offsets = [96, 0], sizes = [8, 128], strides = [1, 1]} : vector<128x128xf32> to vector<8x128xf32>
      %add3A_678 = arith.addf %add3A_676, %slice3A_677 : vector<8x128xf32>
      %slice3A_679 = vector.extract_strided_slice %transpose3A_653 {offsets = [104, 0], sizes = [8, 128], strides = [1, 1]} : vector<128x128xf32> to vector<8x128xf32>
      %add3A_680 = arith.addf %add3A_678, %slice3A_679 : vector<8x128xf32>
      %slice3A_681 = vector.extract_strided_slice %transpose3A_653 {offsets = [112, 0], sizes = [8, 128], strides = [1, 1]} : vector<128x128xf32> to vector<8x128xf32>
      %add3A_682 = arith.addf %add3A_680, %slice3A_681 : vector<8x128xf32>
      %slice3A_683 = vector.extract_strided_slice %transpose3A_653 {offsets = [120, 0], sizes = [8, 128], strides = [1, 1]} : vector<128x128xf32> to vector<8x128xf32>
      %add3A_684 = arith.addf %add3A_682, %slice3A_683 : vector<8x128xf32>
      %slice3A_685 = vector.extract_strided_slice %add3A_684 {offsets = [0, 0], sizes = [4, 128], strides = [1, 1]} : vector<8x128xf32> to vector<4x128xf32>
      %slice3A_686 = vector.extract_strided_slice %add3A_684 {offsets = [4, 0], sizes = [4, 128], strides = [1, 1]} : vector<8x128xf32> to vector<4x128xf32>
      %add3A_687 = arith.addf %slice3A_685, %slice3A_686 : vector<4x128xf32>
      %slice3A_688 = vector.extract_strided_slice %add3A_687 {offsets = [0, 0], sizes = [2, 128], strides = [1, 1]} : vector<4x128xf32> to vector<2x128xf32>
      %slice3A_689 = vector.extract_strided_slice %add3A_687 {offsets = [2, 0], sizes = [2, 128], strides = [1, 1]} : vector<4x128xf32> to vector<2x128xf32>
      %add3A_690 = arith.addf %slice3A_688, %slice3A_689 : vector<2x128xf32>
      %slice3A_691 = vector.extract_strided_slice %add3A_690 {offsets = [0, 0], sizes = [1, 128], strides = [1, 1]} : vector<2x128xf32> to vector<1x128xf32>
      %slice3A_692 = vector.extract_strided_slice %add3A_690 {offsets = [1, 0], sizes = [1, 128], strides = [1, 1]} : vector<2x128xf32> to vector<1x128xf32>
      %add3A_693 = arith.addf %slice3A_691, %slice3A_692 : vector<1x128xf32>
      %sqrt3A_694 = math.sqrt %add3A_693 : vector<1x128xf32>
      %get3A_695 = arith.constant 0 : index
      %get3A_696 = arith.constant 1408 : index
      %get3A_697 = arith.constant 0 : index
      %get3A_698 = vector.load %arg2[%get3A_695, %get3A_696, %get3A_697] : memref<1x2048x1024xf32, #tpu.memory_space<vmem>>, vector<1x128x1024xf32>
      %get3A_699 = vector.shape_cast %get3A_698 : vector<1x128x1024xf32> to vector<128x1024xf32>
      %mul3A_700 = arith.mulf %get3A_699, %get3A_699 : vector<128x1024xf32>
      %slice3A_701 = vector.extract_strided_slice %mul3A_700 {offsets = [0, 0], sizes = [128, 128], strides = [1, 1]} : vector<128x1024xf32> to vector<128x128xf32>
      %slice3A_702 = vector.extract_strided_slice %mul3A_700 {offsets = [0, 128], sizes = [128, 128], strides = [1, 1]} : vector<128x1024xf32> to vector<128x128xf32>
      %add3A_703 = arith.addf %slice3A_701, %slice3A_702 : vector<128x128xf32>
      %slice3A_704 = vector.extract_strided_slice %mul3A_700 {offsets = [0, 256], sizes = [128, 128], strides = [1, 1]} : vector<128x1024xf32> to vector<128x128xf32>
      %add3A_705 = arith.addf %add3A_703, %slice3A_704 : vector<128x128xf32>
      %slice3A_706 = vector.extract_strided_slice %mul3A_700 {offsets = [0, 384], sizes = [128, 128], strides = [1, 1]} : vector<128x1024xf32> to vector<128x128xf32>
      %add3A_707 = arith.addf %add3A_705, %slice3A_706 : vector<128x128xf32>
      %slice3A_708 = vector.extract_strided_slice %mul3A_700 {offsets = [0, 512], sizes = [128, 128], strides = [1, 1]} : vector<128x1024xf32> to vector<128x128xf32>
      %add3A_709 = arith.addf %add3A_707, %slice3A_708 : vector<128x128xf32>
      %slice3A_710 = vector.extract_strided_slice %mul3A_700 {offsets = [0, 640], sizes = [128, 128], strides = [1, 1]} : vector<128x1024xf32> to vector<128x128xf32>
      %add3A_711 = arith.addf %add3A_709, %slice3A_710 : vector<128x128xf32>
      %slice3A_712 = vector.extract_strided_slice %mul3A_700 {offsets = [0, 768], sizes = [128, 128], strides = [1, 1]} : vector<128x1024xf32> to vector<128x128xf32>
      %add3A_713 = arith.addf %add3A_711, %slice3A_712 : vector<128x128xf32>
      %slice3A_714 = vector.extract_strided_slice %mul3A_700 {offsets = [0, 896], sizes = [128, 128], strides = [1, 1]} : vector<128x1024xf32> to vector<128x128xf32>
      %add3A_715 = arith.addf %add3A_713, %slice3A_714 : vector<128x128xf32>
      %transpose3A_716 = tpu.transpose %add3A_715, [1, 0] : vector<128x128xf32> -> vector<128x128xf32>
      %slice3A_717 = vector.extract_strided_slice %transpose3A_716 {offsets = [0, 0], sizes = [8, 128], strides = [1, 1]} : vector<128x128xf32> to vector<8x128xf32>
      %slice3A_718 = vector.extract_strided_slice %transpose3A_716 {offsets = [8, 0], sizes = [8, 128], strides = [1, 1]} : vector<128x128xf32> to vector<8x128xf32>
      %add3A_719 = arith.addf %slice3A_717, %slice3A_718 : vector<8x128xf32>
      %slice3A_720 = vector.extract_strided_slice %transpose3A_716 {offsets = [16, 0], sizes = [8, 128], strides = [1, 1]} : vector<128x128xf32> to vector<8x128xf32>
      %add3A_721 = arith.addf %add3A_719, %slice3A_720 : vector<8x128xf32>
      %slice3A_722 = vector.extract_strided_slice %transpose3A_716 {offsets = [24, 0], sizes = [8, 128], strides = [1, 1]} : vector<128x128xf32> to vector<8x128xf32>
      %add3A_723 = arith.addf %add3A_721, %slice3A_722 : vector<8x128xf32>
      %slice3A_724 = vector.extract_strided_slice %transpose3A_716 {offsets = [32, 0], sizes = [8, 128], strides = [1, 1]} : vector<128x128xf32> to vector<8x128xf32>
      %add3A_725 = arith.addf %add3A_723, %slice3A_724 : vector<8x128xf32>
      %slice3A_726 = vector.extract_strided_slice %transpose3A_716 {offsets = [40, 0], sizes = [8, 128], strides = [1, 1]} : vector<128x128xf32> to vector<8x128xf32>
      %add3A_727 = arith.addf %add3A_725, %slice3A_726 : vector<8x128xf32>
      %slice3A_728 = vector.extract_strided_slice %transpose3A_716 {offsets = [48, 0], sizes = [8, 128], strides = [1, 1]} : vector<128x128xf32> to vector<8x128xf32>
      %add3A_729 = arith.addf %add3A_727, %slice3A_728 : vector<8x128xf32>
      %slice3A_730 = vector.extract_strided_slice %transpose3A_716 {offsets = [56, 0], sizes = [8, 128], strides = [1, 1]} : vector<128x128xf32> to vector<8x128xf32>
      %add3A_731 = arith.addf %add3A_729, %slice3A_730 : vector<8x128xf32>
      %slice3A_732 = vector.extract_strided_slice %transpose3A_716 {offsets = [64, 0], sizes = [8, 128], strides = [1, 1]} : vector<128x128xf32> to vector<8x128xf32>
      %add3A_733 = arith.addf %add3A_731, %slice3A_732 : vector<8x128xf32>
      %slice3A_734 = vector.extract_strided_slice %transpose3A_716 {offsets = [72, 0], sizes = [8, 128], strides = [1, 1]} : vector<128x128xf32> to vector<8x128xf32>
      %add3A_735 = arith.addf %add3A_733, %slice3A_734 : vector<8x128xf32>
      %slice3A_736 = vector.extract_strided_slice %transpose3A_716 {offsets = [80, 0], sizes = [8, 128], strides = [1, 1]} : vector<128x128xf32> to vector<8x128xf32>
      %add3A_737 = arith.addf %add3A_735, %slice3A_736 : vector<8x128xf32>
      %slice3A_738 = vector.extract_strided_slice %transpose3A_716 {offsets = [88, 0], sizes = [8, 128], strides = [1, 1]} : vector<128x128xf32> to vector<8x128xf32>
      %add3A_739 = arith.addf %add3A_737, %slice3A_738 : vector<8x128xf32>
      %slice3A_740 = vector.extract_strided_slice %transpose3A_716 {offsets = [96, 0], sizes = [8, 128], strides = [1, 1]} : vector<128x128xf32> to vector<8x128xf32>
      %add3A_741 = arith.addf %add3A_739, %slice3A_740 : vector<8x128xf32>
      %slice3A_742 = vector.extract_strided_slice %transpose3A_716 {offsets = [104, 0], sizes = [8, 128], strides = [1, 1]} : vector<128x128xf32> to vector<8x128xf32>
      %add3A_743 = arith.addf %add3A_741, %slice3A_742 : vector<8x128xf32>
      %slice3A_744 = vector.extract_strided_slice %transpose3A_716 {offsets = [112, 0], sizes = [8, 128], strides = [1, 1]} : vector<128x128xf32> to vector<8x128xf32>
      %add3A_745 = arith.addf %add3A_743, %slice3A_744 : vector<8x128xf32>
      %slice3A_746 = vector.extract_strided_slice %transpose3A_716 {offsets = [120, 0], sizes = [8, 128], strides = [1, 1]} : vector<128x128xf32> to vector<8x128xf32>
      %add3A_747 = arith.addf %add3A_745, %slice3A_746 : vector<8x128xf32>
      %slice3A_748 = vector.extract_strided_slice %add3A_747 {offsets = [0, 0], sizes = [4, 128], strides = [1, 1]} : vector<8x128xf32> to vector<4x128xf32>
      %slice3A_749 = vector.extract_strided_slice %add3A_747 {offsets = [4, 0], sizes = [4, 128], strides = [1, 1]} : vector<8x128xf32> to vector<4x128xf32>
      %add3A_750 = arith.addf %slice3A_748, %slice3A_749 : vector<4x128xf32>
      %slice3A_751 = vector.extract_strided_slice %add3A_750 {offsets = [0, 0], sizes = [2, 128], strides = [1, 1]} : vector<4x128xf32> to vector<2x128xf32>
      %slice3A_752 = vector.extract_strided_slice %add3A_750 {offsets = [2, 0], sizes = [2, 128], strides = [1, 1]} : vector<4x128xf32> to vector<2x128xf32>
      %add3A_753 = arith.addf %slice3A_751, %slice3A_752 : vector<2x128xf32>
      %slice3A_754 = vector.extract_strided_slice %add3A_753 {offsets = [0, 0], sizes = [1, 128], strides = [1, 1]} : vector<2x128xf32> to vector<1x128xf32>
      %slice3A_755 = vector.extract_strided_slice %add3A_753 {offsets = [1, 0], sizes = [1, 128], strides = [1, 1]} : vector<2x128xf32> to vector<1x128xf32>
      %add3A_756 = arith.addf %slice3A_754, %slice3A_755 : vector<1x128xf32>
      %sqrt3A_757 = math.sqrt %add3A_756 : vector<1x128xf32>
      %get3A_758 = arith.constant 0 : index
      %get3A_759 = arith.constant 1536 : index
      %get3A_760 = arith.constant 0 : index
      %get3A_761 = vector.load %arg2[%get3A_758, %get3A_759, %get3A_760] : memref<1x2048x1024xf32, #tpu.memory_space<vmem>>, vector<1x128x1024xf32>
      %get3A_762 = vector.shape_cast %get3A_761 : vector<1x128x1024xf32> to vector<128x1024xf32>
      %mul3A_763 = arith.mulf %get3A_762, %get3A_762 : vector<128x1024xf32>
      %slice3A_764 = vector.extract_strided_slice %mul3A_763 {offsets = [0, 0], sizes = [128, 128], strides = [1, 1]} : vector<128x1024xf32> to vector<128x128xf32>
      %slice3A_765 = vector.extract_strided_slice %mul3A_763 {offsets = [0, 128], sizes = [128, 128], strides = [1, 1]} : vector<128x1024xf32> to vector<128x128xf32>
      %add3A_766 = arith.addf %slice3A_764, %slice3A_765 : vector<128x128xf32>
      %slice3A_767 = vector.extract_strided_slice %mul3A_763 {offsets = [0, 256], sizes = [128, 128], strides = [1, 1]} : vector<128x1024xf32> to vector<128x128xf32>
      %add3A_768 = arith.addf %add3A_766, %slice3A_767 : vector<128x128xf32>
      %slice3A_769 = vector.extract_strided_slice %mul3A_763 {offsets = [0, 384], sizes = [128, 128], strides = [1, 1]} : vector<128x1024xf32> to vector<128x128xf32>
      %add3A_770 = arith.addf %add3A_768, %slice3A_769 : vector<128x128xf32>
      %slice3A_771 = vector.extract_strided_slice %mul3A_763 {offsets = [0, 512], sizes = [128, 128], strides = [1, 1]} : vector<128x1024xf32> to vector<128x128xf32>
      %add3A_772 = arith.addf %add3A_770, %slice3A_771 : vector<128x128xf32>
      %slice3A_773 = vector.extract_strided_slice %mul3A_763 {offsets = [0, 640], sizes = [128, 128], strides = [1, 1]} : vector<128x1024xf32> to vector<128x128xf32>
      %add3A_774 = arith.addf %add3A_772, %slice3A_773 : vector<128x128xf32>
      %slice3A_775 = vector.extract_strided_slice %mul3A_763 {offsets = [0, 768], sizes = [128, 128], strides = [1, 1]} : vector<128x1024xf32> to vector<128x128xf32>
      %add3A_776 = arith.addf %add3A_774, %slice3A_775 : vector<128x128xf32>
      %slice3A_777 = vector.extract_strided_slice %mul3A_763 {offsets = [0, 896], sizes = [128, 128], strides = [1, 1]} : vector<128x1024xf32> to vector<128x128xf32>
      %add3A_778 = arith.addf %add3A_776, %slice3A_777 : vector<128x128xf32>
      %transpose3A_779 = tpu.transpose %add3A_778, [1, 0] : vector<128x128xf32> -> vector<128x128xf32>
      %slice3A_780 = vector.extract_strided_slice %transpose3A_779 {offsets = [0, 0], sizes = [8, 128], strides = [1, 1]} : vector<128x128xf32> to vector<8x128xf32>
      %slice3A_781 = vector.extract_strided_slice %transpose3A_779 {offsets = [8, 0], sizes = [8, 128], strides = [1, 1]} : vector<128x128xf32> to vector<8x128xf32>
      %add3A_782 = arith.addf %slice3A_780, %slice3A_781 : vector<8x128xf32>
      %slice3A_783 = vector.extract_strided_slice %transpose3A_779 {offsets = [16, 0], sizes = [8, 128], strides = [1, 1]} : vector<128x128xf32> to vector<8x128xf32>
      %add3A_784 = arith.addf %add3A_782, %slice3A_783 : vector<8x128xf32>
      %slice3A_785 = vector.extract_strided_slice %transpose3A_779 {offsets = [24, 0], sizes = [8, 128], strides = [1, 1]} : vector<128x128xf32> to vector<8x128xf32>
      %add3A_786 = arith.addf %add3A_784, %slice3A_785 : vector<8x128xf32>
      %slice3A_787 = vector.extract_strided_slice %transpose3A_779 {offsets = [32, 0], sizes = [8, 128], strides = [1, 1]} : vector<128x128xf32> to vector<8x128xf32>
      %add3A_788 = arith.addf %add3A_786, %slice3A_787 : vector<8x128xf32>
      %slice3A_789 = vector.extract_strided_slice %transpose3A_779 {offsets = [40, 0], sizes = [8, 128], strides = [1, 1]} : vector<128x128xf32> to vector<8x128xf32>
      %add3A_790 = arith.addf %add3A_788, %slice3A_789 : vector<8x128xf32>
      %slice3A_791 = vector.extract_strided_slice %transpose3A_779 {offsets = [48, 0], sizes = [8, 128], strides = [1, 1]} : vector<128x128xf32> to vector<8x128xf32>
      %add3A_792 = arith.addf %add3A_790, %slice3A_791 : vector<8x128xf32>
      %slice3A_793 = vector.extract_strided_slice %transpose3A_779 {offsets = [56, 0], sizes = [8, 128], strides = [1, 1]} : vector<128x128xf32> to vector<8x128xf32>
      %add3A_794 = arith.addf %add3A_792, %slice3A_793 : vector<8x128xf32>
      %slice3A_795 = vector.extract_strided_slice %transpose3A_779 {offsets = [64, 0], sizes = [8, 128], strides = [1, 1]} : vector<128x128xf32> to vector<8x128xf32>
      %add3A_796 = arith.addf %add3A_794, %slice3A_795 : vector<8x128xf32>
      %slice3A_797 = vector.extract_strided_slice %transpose3A_779 {offsets = [72, 0], sizes = [8, 128], strides = [1, 1]} : vector<128x128xf32> to vector<8x128xf32>
      %add3A_798 = arith.addf %add3A_796, %slice3A_797 : vector<8x128xf32>
      %slice3A_799 = vector.extract_strided_slice %transpose3A_779 {offsets = [80, 0], sizes = [8, 128], strides = [1, 1]} : vector<128x128xf32> to vector<8x128xf32>
      %add3A_800 = arith.addf %add3A_798, %slice3A_799 : vector<8x128xf32>
      %slice3A_801 = vector.extract_strided_slice %transpose3A_779 {offsets = [88, 0], sizes = [8, 128], strides = [1, 1]} : vector<128x128xf32> to vector<8x128xf32>
      %add3A_802 = arith.addf %add3A_800, %slice3A_801 : vector<8x128xf32>
      %slice3A_803 = vector.extract_strided_slice %transpose3A_779 {offsets = [96, 0], sizes = [8, 128], strides = [1, 1]} : vector<128x128xf32> to vector<8x128xf32>
      %add3A_804 = arith.addf %add3A_802, %slice3A_803 : vector<8x128xf32>
      %slice3A_805 = vector.extract_strided_slice %transpose3A_779 {offsets = [104, 0], sizes = [8, 128], strides = [1, 1]} : vector<128x128xf32> to vector<8x128xf32>
      %add3A_806 = arith.addf %add3A_804, %slice3A_805 : vector<8x128xf32>
      %slice3A_807 = vector.extract_strided_slice %transpose3A_779 {offsets = [112, 0], sizes = [8, 128], strides = [1, 1]} : vector<128x128xf32> to vector<8x128xf32>
      %add3A_808 = arith.addf %add3A_806, %slice3A_807 : vector<8x128xf32>
      %slice3A_809 = vector.extract_strided_slice %transpose3A_779 {offsets = [120, 0], sizes = [8, 128], strides = [1, 1]} : vector<128x128xf32> to vector<8x128xf32>
      %add3A_810 = arith.addf %add3A_808, %slice3A_809 : vector<8x128xf32>
      %slice3A_811 = vector.extract_strided_slice %add3A_810 {offsets = [0, 0], sizes = [4, 128], strides = [1, 1]} : vector<8x128xf32> to vector<4x128xf32>
      %slice3A_812 = vector.extract_strided_slice %add3A_810 {offsets = [4, 0], sizes = [4, 128], strides = [1, 1]} : vector<8x128xf32> to vector<4x128xf32>
      %add3A_813 = arith.addf %slice3A_811, %slice3A_812 : vector<4x128xf32>
      %slice3A_814 = vector.extract_strided_slice %add3A_813 {offsets = [0, 0], sizes = [2, 128], strides = [1, 1]} : vector<4x128xf32> to vector<2x128xf32>
      %slice3A_815 = vector.extract_strided_slice %add3A_813 {offsets = [2, 0], sizes = [2, 128], strides = [1, 1]} : vector<4x128xf32> to vector<2x128xf32>
      %add3A_816 = arith.addf %slice3A_814, %slice3A_815 : vector<2x128xf32>
      %slice3A_817 = vector.extract_strided_slice %add3A_816 {offsets = [0, 0], sizes = [1, 128], strides = [1, 1]} : vector<2x128xf32> to vector<1x128xf32>
      %slice3A_818 = vector.extract_strided_slice %add3A_816 {offsets = [1, 0], sizes = [1, 128], strides = [1, 1]} : vector<2x128xf32> to vector<1x128xf32>
      %add3A_819 = arith.addf %slice3A_817, %slice3A_818 : vector<1x128xf32>
      %sqrt3A_820 = math.sqrt %add3A_819 : vector<1x128xf32>
      %get3A_821 = arith.constant 0 : index
      %get3A_822 = arith.constant 1664 : index
      %get3A_823 = arith.constant 0 : index
      %get3A_824 = vector.load %arg2[%get3A_821, %get3A_822, %get3A_823] : memref<1x2048x1024xf32, #tpu.memory_space<vmem>>, vector<1x128x1024xf32>
      %get3A_825 = vector.shape_cast %get3A_824 : vector<1x128x1024xf32> to vector<128x1024xf32>
      %mul3A_826 = arith.mulf %get3A_825, %get3A_825 : vector<128x1024xf32>
      %slice3A_827 = vector.extract_strided_slice %mul3A_826 {offsets = [0, 0], sizes = [128, 128], strides = [1, 1]} : vector<128x1024xf32> to vector<128x128xf32>
      %slice3A_828 = vector.extract_strided_slice %mul3A_826 {offsets = [0, 128], sizes = [128, 128], strides = [1, 1]} : vector<128x1024xf32> to vector<128x128xf32>
      %add3A_829 = arith.addf %slice3A_827, %slice3A_828 : vector<128x128xf32>
      %slice3A_830 = vector.extract_strided_slice %mul3A_826 {offsets = [0, 256], sizes = [128, 128], strides = [1, 1]} : vector<128x1024xf32> to vector<128x128xf32>
      %add3A_831 = arith.addf %add3A_829, %slice3A_830 : vector<128x128xf32>
      %slice3A_832 = vector.extract_strided_slice %mul3A_826 {offsets = [0, 384], sizes = [128, 128], strides = [1, 1]} : vector<128x1024xf32> to vector<128x128xf32>
      %add3A_833 = arith.addf %add3A_831, %slice3A_832 : vector<128x128xf32>
      %slice3A_834 = vector.extract_strided_slice %mul3A_826 {offsets = [0, 512], sizes = [128, 128], strides = [1, 1]} : vector<128x1024xf32> to vector<128x128xf32>
      %add3A_835 = arith.addf %add3A_833, %slice3A_834 : vector<128x128xf32>
      %slice3A_836 = vector.extract_strided_slice %mul3A_826 {offsets = [0, 640], sizes = [128, 128], strides = [1, 1]} : vector<128x1024xf32> to vector<128x128xf32>
      %add3A_837 = arith.addf %add3A_835, %slice3A_836 : vector<128x128xf32>
      %slice3A_838 = vector.extract_strided_slice %mul3A_826 {offsets = [0, 768], sizes = [128, 128], strides = [1, 1]} : vector<128x1024xf32> to vector<128x128xf32>
      %add3A_839 = arith.addf %add3A_837, %slice3A_838 : vector<128x128xf32>
      %slice3A_840 = vector.extract_strided_slice %mul3A_826 {offsets = [0, 896], sizes = [128, 128], strides = [1, 1]} : vector<128x1024xf32> to vector<128x128xf32>
      %add3A_841 = arith.addf %add3A_839, %slice3A_840 : vector<128x128xf32>
      %transpose3A_842 = tpu.transpose %add3A_841, [1, 0] : vector<128x128xf32> -> vector<128x128xf32>
      %slice3A_843 = vector.extract_strided_slice %transpose3A_842 {offsets = [0, 0], sizes = [8, 128], strides = [1, 1]} : vector<128x128xf32> to vector<8x128xf32>
      %slice3A_844 = vector.extract_strided_slice %transpose3A_842 {offsets = [8, 0], sizes = [8, 128], strides = [1, 1]} : vector<128x128xf32> to vector<8x128xf32>
      %add3A_845 = arith.addf %slice3A_843, %slice3A_844 : vector<8x128xf32>
      %slice3A_846 = vector.extract_strided_slice %transpose3A_842 {offsets = [16, 0], sizes = [8, 128], strides = [1, 1]} : vector<128x128xf32> to vector<8x128xf32>
      %add3A_847 = arith.addf %add3A_845, %slice3A_846 : vector<8x128xf32>
      %slice3A_848 = vector.extract_strided_slice %transpose3A_842 {offsets = [24, 0], sizes = [8, 128], strides = [1, 1]} : vector<128x128xf32> to vector<8x128xf32>
      %add3A_849 = arith.addf %add3A_847, %slice3A_848 : vector<8x128xf32>
      %slice3A_850 = vector.extract_strided_slice %transpose3A_842 {offsets = [32, 0], sizes = [8, 128], strides = [1, 1]} : vector<128x128xf32> to vector<8x128xf32>
      %add3A_851 = arith.addf %add3A_849, %slice3A_850 : vector<8x128xf32>
      %slice3A_852 = vector.extract_strided_slice %transpose3A_842 {offsets = [40, 0], sizes = [8, 128], strides = [1, 1]} : vector<128x128xf32> to vector<8x128xf32>
      %add3A_853 = arith.addf %add3A_851, %slice3A_852 : vector<8x128xf32>
      %slice3A_854 = vector.extract_strided_slice %transpose3A_842 {offsets = [48, 0], sizes = [8, 128], strides = [1, 1]} : vector<128x128xf32> to vector<8x128xf32>
      %add3A_855 = arith.addf %add3A_853, %slice3A_854 : vector<8x128xf32>
      %slice3A_856 = vector.extract_strided_slice %transpose3A_842 {offsets = [56, 0], sizes = [8, 128], strides = [1, 1]} : vector<128x128xf32> to vector<8x128xf32>
      %add3A_857 = arith.addf %add3A_855, %slice3A_856 : vector<8x128xf32>
      %slice3A_858 = vector.extract_strided_slice %transpose3A_842 {offsets = [64, 0], sizes = [8, 128], strides = [1, 1]} : vector<128x128xf32> to vector<8x128xf32>
      %add3A_859 = arith.addf %add3A_857, %slice3A_858 : vector<8x128xf32>
      %slice3A_860 = vector.extract_strided_slice %transpose3A_842 {offsets = [72, 0], sizes = [8, 128], strides = [1, 1]} : vector<128x128xf32> to vector<8x128xf32>
      %add3A_861 = arith.addf %add3A_859, %slice3A_860 : vector<8x128xf32>
      %slice3A_862 = vector.extract_strided_slice %transpose3A_842 {offsets = [80, 0], sizes = [8, 128], strides = [1, 1]} : vector<128x128xf32> to vector<8x128xf32>
      %add3A_863 = arith.addf %add3A_861, %slice3A_862 : vector<8x128xf32>
      %slice3A_864 = vector.extract_strided_slice %transpose3A_842 {offsets = [88, 0], sizes = [8, 128], strides = [1, 1]} : vector<128x128xf32> to vector<8x128xf32>
      %add3A_865 = arith.addf %add3A_863, %slice3A_864 : vector<8x128xf32>
      %slice3A_866 = vector.extract_strided_slice %transpose3A_842 {offsets = [96, 0], sizes = [8, 128], strides = [1, 1]} : vector<128x128xf32> to vector<8x128xf32>
      %add3A_867 = arith.addf %add3A_865, %slice3A_866 : vector<8x128xf32>
      %slice3A_868 = vector.extract_strided_slice %transpose3A_842 {offsets = [104, 0], sizes = [8, 128], strides = [1, 1]} : vector<128x128xf32> to vector<8x128xf32>
      %add3A_869 = arith.addf %add3A_867, %slice3A_868 : vector<8x128xf32>
      %slice3A_870 = vector.extract_strided_slice %transpose3A_842 {offsets = [112, 0], sizes = [8, 128], strides = [1, 1]} : vector<128x128xf32> to vector<8x128xf32>
      %add3A_871 = arith.addf %add3A_869, %slice3A_870 : vector<8x128xf32>
      %slice3A_872 = vector.extract_strided_slice %transpose3A_842 {offsets = [120, 0], sizes = [8, 128], strides = [1, 1]} : vector<128x128xf32> to vector<8x128xf32>
      %add3A_873 = arith.addf %add3A_871, %slice3A_872 : vector<8x128xf32>
      %slice3A_874 = vector.extract_strided_slice %add3A_873 {offsets = [0, 0], sizes = [4, 128], strides = [1, 1]} : vector<8x128xf32> to vector<4x128xf32>
      %slice3A_875 = vector.extract_strided_slice %add3A_873 {offsets = [4, 0], sizes = [4, 128], strides = [1, 1]} : vector<8x128xf32> to vector<4x128xf32>
      %add3A_876 = arith.addf %slice3A_874, %slice3A_875 : vector<4x128xf32>
      %slice3A_877 = vector.extract_strided_slice %add3A_876 {offsets = [0, 0], sizes = [2, 128], strides = [1, 1]} : vector<4x128xf32> to vector<2x128xf32>
      %slice3A_878 = vector.extract_strided_slice %add3A_876 {offsets = [2, 0], sizes = [2, 128], strides = [1, 1]} : vector<4x128xf32> to vector<2x128xf32>
      %add3A_879 = arith.addf %slice3A_877, %slice3A_878 : vector<2x128xf32>
      %slice3A_880 = vector.extract_strided_slice %add3A_879 {offsets = [0, 0], sizes = [1, 128], strides = [1, 1]} : vector<2x128xf32> to vector<1x128xf32>
      %slice3A_881 = vector.extract_strided_slice %add3A_879 {offsets = [1, 0], sizes = [1, 128], strides = [1, 1]} : vector<2x128xf32> to vector<1x128xf32>
      %add3A_882 = arith.addf %slice3A_880, %slice3A_881 : vector<1x128xf32>
      %sqrt3A_883 = math.sqrt %add3A_882 : vector<1x128xf32>
      %get3A_884 = arith.constant 0 : index
      %get3A_885 = arith.constant 1792 : index
      %get3A_886 = arith.constant 0 : index
      %get3A_887 = vector.load %arg2[%get3A_884, %get3A_885, %get3A_886] : memref<1x2048x1024xf32, #tpu.memory_space<vmem>>, vector<1x128x1024xf32>
      %get3A_888 = vector.shape_cast %get3A_887 : vector<1x128x1024xf32> to vector<128x1024xf32>
      %mul3A_889 = arith.mulf %get3A_888, %get3A_888 : vector<128x1024xf32>
      %slice3A_890 = vector.extract_strided_slice %mul3A_889 {offsets = [0, 0], sizes = [128, 128], strides = [1, 1]} : vector<128x1024xf32> to vector<128x128xf32>
      %slice3A_891 = vector.extract_strided_slice %mul3A_889 {offsets = [0, 128], sizes = [128, 128], strides = [1, 1]} : vector<128x1024xf32> to vector<128x128xf32>
      %add3A_892 = arith.addf %slice3A_890, %slice3A_891 : vector<128x128xf32>
      %slice3A_893 = vector.extract_strided_slice %mul3A_889 {offsets = [0, 256], sizes = [128, 128], strides = [1, 1]} : vector<128x1024xf32> to vector<128x128xf32>
      %add3A_894 = arith.addf %add3A_892, %slice3A_893 : vector<128x128xf32>
      %slice3A_895 = vector.extract_strided_slice %mul3A_889 {offsets = [0, 384], sizes = [128, 128], strides = [1, 1]} : vector<128x1024xf32> to vector<128x128xf32>
      %add3A_896 = arith.addf %add3A_894, %slice3A_895 : vector<128x128xf32>
      %slice3A_897 = vector.extract_strided_slice %mul3A_889 {offsets = [0, 512], sizes = [128, 128], strides = [1, 1]} : vector<128x1024xf32> to vector<128x128xf32>
      %add3A_898 = arith.addf %add3A_896, %slice3A_897 : vector<128x128xf32>
      %slice3A_899 = vector.extract_strided_slice %mul3A_889 {offsets = [0, 640], sizes = [128, 128], strides = [1, 1]} : vector<128x1024xf32> to vector<128x128xf32>
      %add3A_900 = arith.addf %add3A_898, %slice3A_899 : vector<128x128xf32>
      %slice3A_901 = vector.extract_strided_slice %mul3A_889 {offsets = [0, 768], sizes = [128, 128], strides = [1, 1]} : vector<128x1024xf32> to vector<128x128xf32>
      %add3A_902 = arith.addf %add3A_900, %slice3A_901 : vector<128x128xf32>
      %slice3A_903 = vector.extract_strided_slice %mul3A_889 {offsets = [0, 896], sizes = [128, 128], strides = [1, 1]} : vector<128x1024xf32> to vector<128x128xf32>
      %add3A_904 = arith.addf %add3A_902, %slice3A_903 : vector<128x128xf32>
      %transpose3A_905 = tpu.transpose %add3A_904, [1, 0] : vector<128x128xf32> -> vector<128x128xf32>
      %slice3A_906 = vector.extract_strided_slice %transpose3A_905 {offsets = [0, 0], sizes = [8, 128], strides = [1, 1]} : vector<128x128xf32> to vector<8x128xf32>
      %slice3A_907 = vector.extract_strided_slice %transpose3A_905 {offsets = [8, 0], sizes = [8, 128], strides = [1, 1]} : vector<128x128xf32> to vector<8x128xf32>
      %add3A_908 = arith.addf %slice3A_906, %slice3A_907 : vector<8x128xf32>
      %slice3A_909 = vector.extract_strided_slice %transpose3A_905 {offsets = [16, 0], sizes = [8, 128], strides = [1, 1]} : vector<128x128xf32> to vector<8x128xf32>
      %add3A_910 = arith.addf %add3A_908, %slice3A_909 : vector<8x128xf32>
      %slice3A_911 = vector.extract_strided_slice %transpose3A_905 {offsets = [24, 0], sizes = [8, 128], strides = [1, 1]} : vector<128x128xf32> to vector<8x128xf32>
      %add3A_912 = arith.addf %add3A_910, %slice3A_911 : vector<8x128xf32>
      %slice3A_913 = vector.extract_strided_slice %transpose3A_905 {offsets = [32, 0], sizes = [8, 128], strides = [1, 1]} : vector<128x128xf32> to vector<8x128xf32>
      %add3A_914 = arith.addf %add3A_912, %slice3A_913 : vector<8x128xf32>
      %slice3A_915 = vector.extract_strided_slice %transpose3A_905 {offsets = [40, 0], sizes = [8, 128], strides = [1, 1]} : vector<128x128xf32> to vector<8x128xf32>
      %add3A_916 = arith.addf %add3A_914, %slice3A_915 : vector<8x128xf32>
      %slice3A_917 = vector.extract_strided_slice %transpose3A_905 {offsets = [48, 0], sizes = [8, 128], strides = [1, 1]} : vector<128x128xf32> to vector<8x128xf32>
      %add3A_918 = arith.addf %add3A_916, %slice3A_917 : vector<8x128xf32>
      %slice3A_919 = vector.extract_strided_slice %transpose3A_905 {offsets = [56, 0], sizes = [8, 128], strides = [1, 1]} : vector<128x128xf32> to vector<8x128xf32>
      %add3A_920 = arith.addf %add3A_918, %slice3A_919 : vector<8x128xf32>
      %slice3A_921 = vector.extract_strided_slice %transpose3A_905 {offsets = [64, 0], sizes = [8, 128], strides = [1, 1]} : vector<128x128xf32> to vector<8x128xf32>
      %add3A_922 = arith.addf %add3A_920, %slice3A_921 : vector<8x128xf32>
      %slice3A_923 = vector.extract_strided_slice %transpose3A_905 {offsets = [72, 0], sizes = [8, 128], strides = [1, 1]} : vector<128x128xf32> to vector<8x128xf32>
      %add3A_924 = arith.addf %add3A_922, %slice3A_923 : vector<8x128xf32>
      %slice3A_925 = vector.extract_strided_slice %transpose3A_905 {offsets = [80, 0], sizes = [8, 128], strides = [1, 1]} : vector<128x128xf32> to vector<8x128xf32>
      %add3A_926 = arith.addf %add3A_924, %slice3A_925 : vector<8x128xf32>
      %slice3A_927 = vector.extract_strided_slice %transpose3A_905 {offsets = [88, 0], sizes = [8, 128], strides = [1, 1]} : vector<128x128xf32> to vector<8x128xf32>
      %add3A_928 = arith.addf %add3A_926, %slice3A_927 : vector<8x128xf32>
      %slice3A_929 = vector.extract_strided_slice %transpose3A_905 {offsets = [96, 0], sizes = [8, 128], strides = [1, 1]} : vector<128x128xf32> to vector<8x128xf32>
      %add3A_930 = arith.addf %add3A_928, %slice3A_929 : vector<8x128xf32>
      %slice3A_931 = vector.extract_strided_slice %transpose3A_905 {offsets = [104, 0], sizes = [8, 128], strides = [1, 1]} : vector<128x128xf32> to vector<8x128xf32>
      %add3A_932 = arith.addf %add3A_930, %slice3A_931 : vector<8x128xf32>
      %slice3A_933 = vector.extract_strided_slice %transpose3A_905 {offsets = [112, 0], sizes = [8, 128], strides = [1, 1]} : vector<128x128xf32> to vector<8x128xf32>
      %add3A_934 = arith.addf %add3A_932, %slice3A_933 : vector<8x128xf32>
      %slice3A_935 = vector.extract_strided_slice %transpose3A_905 {offsets = [120, 0], sizes = [8, 128], strides = [1, 1]} : vector<128x128xf32> to vector<8x128xf32>
      %add3A_936 = arith.addf %add3A_934, %slice3A_935 : vector<8x128xf32>
      %slice3A_937 = vector.extract_strided_slice %add3A_936 {offsets = [0, 0], sizes = [4, 128], strides = [1, 1]} : vector<8x128xf32> to vector<4x128xf32>
      %slice3A_938 = vector.extract_strided_slice %add3A_936 {offsets = [4, 0], sizes = [4, 128], strides = [1, 1]} : vector<8x128xf32> to vector<4x128xf32>
      %add3A_939 = arith.addf %slice3A_937, %slice3A_938 : vector<4x128xf32>
      %slice3A_940 = vector.extract_strided_slice %add3A_939 {offsets = [0, 0], sizes = [2, 128], strides = [1, 1]} : vector<4x128xf32> to vector<2x128xf32>
      %slice3A_941 = vector.extract_strided_slice %add3A_939 {offsets = [2, 0], sizes = [2, 128], strides = [1, 1]} : vector<4x128xf32> to vector<2x128xf32>
      %add3A_942 = arith.addf %slice3A_940, %slice3A_941 : vector<2x128xf32>
      %slice3A_943 = vector.extract_strided_slice %add3A_942 {offsets = [0, 0], sizes = [1, 128], strides = [1, 1]} : vector<2x128xf32> to vector<1x128xf32>
      %slice3A_944 = vector.extract_strided_slice %add3A_942 {offsets = [1, 0], sizes = [1, 128], strides = [1, 1]} : vector<2x128xf32> to vector<1x128xf32>
      %add3A_945 = arith.addf %slice3A_943, %slice3A_944 : vector<1x128xf32>
      %sqrt3A_946 = math.sqrt %add3A_945 : vector<1x128xf32>
      %get3A_947 = arith.constant 0 : index
      %get3A_948 = arith.constant 1920 : index
      %get3A_949 = arith.constant 0 : index
      %get3A_950 = vector.load %arg2[%get3A_947, %get3A_948, %get3A_949] : memref<1x2048x1024xf32, #tpu.memory_space<vmem>>, vector<1x128x1024xf32>
      %get3A_951 = vector.shape_cast %get3A_950 : vector<1x128x1024xf32> to vector<128x1024xf32>
      %mul3A_952 = arith.mulf %get3A_951, %get3A_951 : vector<128x1024xf32>
      %slice3A_953 = vector.extract_strided_slice %mul3A_952 {offsets = [0, 0], sizes = [128, 128], strides = [1, 1]} : vector<128x1024xf32> to vector<128x128xf32>
      %slice3A_954 = vector.extract_strided_slice %mul3A_952 {offsets = [0, 128], sizes = [128, 128], strides = [1, 1]} : vector<128x1024xf32> to vector<128x128xf32>
      %add3A_955 = arith.addf %slice3A_953, %slice3A_954 : vector<128x128xf32>
      %slice3A_956 = vector.extract_strided_slice %mul3A_952 {offsets = [0, 256], sizes = [128, 128], strides = [1, 1]} : vector<128x1024xf32> to vector<128x128xf32>
      %add3A_957 = arith.addf %add3A_955, %slice3A_956 : vector<128x128xf32>
      %slice3A_958 = vector.extract_strided_slice %mul3A_952 {offsets = [0, 384], sizes = [128, 128], strides = [1, 1]} : vector<128x1024xf32> to vector<128x128xf32>
      %add3A_959 = arith.addf %add3A_957, %slice3A_958 : vector<128x128xf32>
      %slice3A_960 = vector.extract_strided_slice %mul3A_952 {offsets = [0, 512], sizes = [128, 128], strides = [1, 1]} : vector<128x1024xf32> to vector<128x128xf32>
      %add3A_961 = arith.addf %add3A_959, %slice3A_960 : vector<128x128xf32>
      %slice3A_962 = vector.extract_strided_slice %mul3A_952 {offsets = [0, 640], sizes = [128, 128], strides = [1, 1]} : vector<128x1024xf32> to vector<128x128xf32>
      %add3A_963 = arith.addf %add3A_961, %slice3A_962 : vector<128x128xf32>
      %slice3A_964 = vector.extract_strided_slice %mul3A_952 {offsets = [0, 768], sizes = [128, 128], strides = [1, 1]} : vector<128x1024xf32> to vector<128x128xf32>
      %add3A_965 = arith.addf %add3A_963, %slice3A_964 : vector<128x128xf32>
      %slice3A_966 = vector.extract_strided_slice %mul3A_952 {offsets = [0, 896], sizes = [128, 128], strides = [1, 1]} : vector<128x1024xf32> to vector<128x128xf32>
      %add3A_967 = arith.addf %add3A_965, %slice3A_966 : vector<128x128xf32>
      %transpose3A_968 = tpu.transpose %add3A_967, [1, 0] : vector<128x128xf32> -> vector<128x128xf32>
      %slice3A_969 = vector.extract_strided_slice %transpose3A_968 {offsets = [0, 0], sizes = [8, 128], strides = [1, 1]} : vector<128x128xf32> to vector<8x128xf32>
      %slice3A_970 = vector.extract_strided_slice %transpose3A_968 {offsets = [8, 0], sizes = [8, 128], strides = [1, 1]} : vector<128x128xf32> to vector<8x128xf32>
      %add3A_971 = arith.addf %slice3A_969, %slice3A_970 : vector<8x128xf32>
      %slice3A_972 = vector.extract_strided_slice %transpose3A_968 {offsets = [16, 0], sizes = [8, 128], strides = [1, 1]} : vector<128x128xf32> to vector<8x128xf32>
      %add3A_973 = arith.addf %add3A_971, %slice3A_972 : vector<8x128xf32>
      %slice3A_974 = vector.extract_strided_slice %transpose3A_968 {offsets = [24, 0], sizes = [8, 128], strides = [1, 1]} : vector<128x128xf32> to vector<8x128xf32>
      %add3A_975 = arith.addf %add3A_973, %slice3A_974 : vector<8x128xf32>
      %slice3A_976 = vector.extract_strided_slice %transpose3A_968 {offsets = [32, 0], sizes = [8, 128], strides = [1, 1]} : vector<128x128xf32> to vector<8x128xf32>
      %add3A_977 = arith.addf %add3A_975, %slice3A_976 : vector<8x128xf32>
      %slice3A_978 = vector.extract_strided_slice %transpose3A_968 {offsets = [40, 0], sizes = [8, 128], strides = [1, 1]} : vector<128x128xf32> to vector<8x128xf32>
      %add3A_979 = arith.addf %add3A_977, %slice3A_978 : vector<8x128xf32>
      %slice3A_980 = vector.extract_strided_slice %transpose3A_968 {offsets = [48, 0], sizes = [8, 128], strides = [1, 1]} : vector<128x128xf32> to vector<8x128xf32>
      %add3A_981 = arith.addf %add3A_979, %slice3A_980 : vector<8x128xf32>
      %slice3A_982 = vector.extract_strided_slice %transpose3A_968 {offsets = [56, 0], sizes = [8, 128], strides = [1, 1]} : vector<128x128xf32> to vector<8x128xf32>
      %add3A_983 = arith.addf %add3A_981, %slice3A_982 : vector<8x128xf32>
      %slice3A_984 = vector.extract_strided_slice %transpose3A_968 {offsets = [64, 0], sizes = [8, 128], strides = [1, 1]} : vector<128x128xf32> to vector<8x128xf32>
      %add3A_985 = arith.addf %add3A_983, %slice3A_984 : vector<8x128xf32>
      %slice3A_986 = vector.extract_strided_slice %transpose3A_968 {offsets = [72, 0], sizes = [8, 128], strides = [1, 1]} : vector<128x128xf32> to vector<8x128xf32>
      %add3A_987 = arith.addf %add3A_985, %slice3A_986 : vector<8x128xf32>
      %slice3A_988 = vector.extract_strided_slice %transpose3A_968 {offsets = [80, 0], sizes = [8, 128], strides = [1, 1]} : vector<128x128xf32> to vector<8x128xf32>
      %add3A_989 = arith.addf %add3A_987, %slice3A_988 : vector<8x128xf32>
      %slice3A_990 = vector.extract_strided_slice %transpose3A_968 {offsets = [88, 0], sizes = [8, 128], strides = [1, 1]} : vector<128x128xf32> to vector<8x128xf32>
      %add3A_991 = arith.addf %add3A_989, %slice3A_990 : vector<8x128xf32>
      %slice3A_992 = vector.extract_strided_slice %transpose3A_968 {offsets = [96, 0], sizes = [8, 128], strides = [1, 1]} : vector<128x128xf32> to vector<8x128xf32>
      %add3A_993 = arith.addf %add3A_991, %slice3A_992 : vector<8x128xf32>
      %slice3A_994 = vector.extract_strided_slice %transpose3A_968 {offsets = [104, 0], sizes = [8, 128], strides = [1, 1]} : vector<128x128xf32> to vector<8x128xf32>
      %add3A_995 = arith.addf %add3A_993, %slice3A_994 : vector<8x128xf32>
      %slice3A_996 = vector.extract_strided_slice %transpose3A_968 {offsets = [112, 0], sizes = [8, 128], strides = [1, 1]} : vector<128x128xf32> to vector<8x128xf32>
      %add3A_997 = arith.addf %add3A_995, %slice3A_996 : vector<8x128xf32>
      %slice3A_998 = vector.extract_strided_slice %transpose3A_968 {offsets = [120, 0], sizes = [8, 128], strides = [1, 1]} : vector<128x128xf32> to vector<8x128xf32>
      %add3A_999 = arith.addf %add3A_997, %slice3A_998 : vector<8x128xf32>
      %slice3A_1000 = vector.extract_strided_slice %add3A_999 {offsets = [0, 0], sizes = [4, 128], strides = [1, 1]} : vector<8x128xf32> to vector<4x128xf32>
      %slice3A_1001 = vector.extract_strided_slice %add3A_999 {offsets = [4, 0], sizes = [4, 128], strides = [1, 1]} : vector<8x128xf32> to vector<4x128xf32>
      %add3A_1002 = arith.addf %slice3A_1000, %slice3A_1001 : vector<4x128xf32>
      %slice3A_1003 = vector.extract_strided_slice %add3A_1002 {offsets = [0, 0], sizes = [2, 128], strides = [1, 1]} : vector<4x128xf32> to vector<2x128xf32>
      %slice3A_1004 = vector.extract_strided_slice %add3A_1002 {offsets = [2, 0], sizes = [2, 128], strides = [1, 1]} : vector<4x128xf32> to vector<2x128xf32>
      %add3A_1005 = arith.addf %slice3A_1003, %slice3A_1004 : vector<2x128xf32>
      %slice3A_1006 = vector.extract_strided_slice %add3A_1005 {offsets = [0, 0], sizes = [1, 128], strides = [1, 1]} : vector<2x128xf32> to vector<1x128xf32>
      %slice3A_1007 = vector.extract_strided_slice %add3A_1005 {offsets = [1, 0], sizes = [1, 128], strides = [1, 1]} : vector<2x128xf32> to vector<1x128xf32>
      %add3A_1008 = arith.addf %slice3A_1006, %slice3A_1007 : vector<1x128xf32>
      %sqrt3A_1009 = math.sqrt %add3A_1008 : vector<1x128xf32>
      %concatenate3A = tpu.concatenate %sqrt3A, %sqrt3A_127, %sqrt3A_190, %sqrt3A_253, %sqrt3A_316, %sqrt3A_379, %sqrt3A_442, %sqrt3A_505, %sqrt3A_568, %sqrt3A_631, %sqrt3A_694, %sqrt3A_757, %sqrt3A_820, %sqrt3A_883, %sqrt3A_946, %sqrt3A_1009 in 0 : vector<1x128xf32>, vector<1x128xf32>, vector<1x128xf32>, vector<1x128xf32>, vector<1x128xf32>, vector<1x128xf32>, vector<1x128xf32>, vector<1x128xf32>, vector<1x128xf32>, vector<1x128xf32>, vector<1x128xf32>, vector<1x128xf32>, vector<1x128xf32>, vector<1x128xf32>, vector<1x128xf32>, vector<1x128xf32> -> vector<16x128xf32>
      %mul3A_1010 = arith.constant 16 : i32
      %mul3A_1011 = arith.muli %mul3A_1010, %arg1 : i32
      %swap3A = arith.index_cast %arg0 : i32 to index
      %swap3A_1012 = arith.index_cast %mul3A_1011 : i32 to index
      %swap3A_1013 = arith.constant 0 : index
      %swap3A_1014 = vector.load %arg4[%swap3A, %swap3A_1012, %swap3A_1013] : memref<4x32x128xf32, #tpu.memory_space<vmem>>, vector<1x16x128xf32>
      %swap3A_1015 = vector.shape_cast %swap3A_1014 : vector<1x16x128xf32> to vector<16x128xf32>
      %swap3A_1016 = vector.shape_cast %concatenate3A : vector<16x128xf32> to vector<1x16x128xf32>
      tpu.vector_store %arg4[%swap3A, %swap3A_1012, %swap3A_1013], %swap3A_1016 {strides = array<i32>} : memref<4x32x128xf32, #tpu.memory_space<vmem>>, vector<1x16x128xf32>,
    } else {
    }
    %eq3A = arith.constant 2 : i32
    %eq3A_2 = arith.cmpi eq, %arg1, %eq3A : i32
    %eq3A_3 = arith.constant 3 : i32
    %eq3A_4 = arith.cmpi eq, %arg0, %eq3A_3 : i32
    %and3A = arith.andi %eq3A_2, %eq3A_4 : i1
    %convert_element_type3A_5 = arith.extui %and3A : i1 to i32
    %cond3A_6 = arith.constant 0 : i32
    %cond3A_7 = arith.cmpi ne, %convert_element_type3A_5, %cond3A_6 : i32
    scf.if %cond3A_7 {
      %get3A = arith.constant 0 : index
      %get3A_8 = arith.constant 0 : index
      %get3A_9 = arith.constant 0 : index
      %get3A_10 = vector.load %arg4[%get3A, %get3A_8, %get3A_9] : memref<4x32x128xf32, #tpu.memory_space<vmem>>, vector<4x32x128xf32>
      %iota3A = tpu.iota {dimensions = array<i32: 1>} : vector<4x32x128xi32>
      %mul3A = arith.constant 128 : i32
      %mul3A_11 = vector.broadcast %mul3A : i32 to vector<4x32x128xi32>
      %mul3A_12 = arith.muli %iota3A, %mul3A_11 : vector<4x32x128xi32>
      %iota3A_13 = tpu.iota {dimensions = array<i32: 2>} : vector<4x32x128xi32>
      %add3A = arith.addi %mul3A_12, %iota3A_13 : vector<4x32x128xi32>
      %roll3A = arith.constant 127 : i32
      %roll3A_14 = tpu.dynamic_rotate %get3A_10 by %roll3A dim 2 : vector<4x32x128xf32>, i32 -> vector<4x32x128xf32>
      %roll3A_15 = arith.constant 1 : i32
      %roll3A_16 = tpu.dynamic_rotate %get3A_10 by %roll3A_15 dim 2 : vector<4x32x128xf32>, i32 -> vector<4x32x128xf32>
      %iota3A_17 = tpu.iota {dimensions = array<i32: 2>} : vector<4x32x128xi32>
      %and3A_18 = arith.constant 1 : i32
      %and3A_19 = vector.broadcast %and3A_18 : i32 to vector<4x32x128xi32>
      %and3A_20 = arith.andi %iota3A_17, %and3A_19 : vector<4x32x128xi32>
      %eq3A_21 = arith.constant 0 : i32
      %eq3A_22 = vector.broadcast %eq3A_21 : i32 to vector<4x32x128xi32>
      %eq3A_23 = arith.cmpi eq, %and3A_20, %eq3A_22 : vector<4x32x128xi32>
      %select_n3A = arith.select %eq3A_23, %roll3A_14, %roll3A_16 : vector<4x32x128xi1>, vector<4x32x128xf32>
      %roll3A_24 = arith.constant 127 : i32
      %roll3A_25 = tpu.dynamic_rotate %add3A by %roll3A_24 dim 2 : vector<4x32x128xi32>, i32 -> vector<4x32x128xi32>
      %roll3A_26 = arith.constant 1 : i32
      %roll3A_27 = tpu.dynamic_rotate %add3A by %roll3A_26 dim 2 : vector<4x32x128xi32>, i32 -> vector<4x32x128xi32>
      %iota3A_28 = tpu.iota {dimensions = array<i32: 2>} : vector<4x32x128xi32>
      %and3A_29 = arith.constant 1 : i32
      %and3A_30 = vector.broadcast %and3A_29 : i32 to vector<4x32x128xi32>
      %and3A_31 = arith.andi %iota3A_28, %and3A_30 : vector<4x32x128xi32>
      %eq3A_32 = arith.constant 0 : i32
      %eq3A_33 = vector.broadcast %eq3A_32 : i32 to vector<4x32x128xi32>
      %eq3A_34 = arith.cmpi eq, %and3A_31, %eq3A_33 : vector<4x32x128xi32>
      %select_n3A_35 = arith.select %eq3A_34, %roll3A_25, %roll3A_27 : vector<4x32x128xi1>, vector<4x32x128xi32>
      %iota3A_36 = tpu.iota {dimensions = array<i32: 2>} : vector<4x32x128xi32>
      %and3A_37 = arith.constant 1 : i32
      %and3A_38 = vector.broadcast %and3A_37 : i32 to vector<4x32x128xi32>
      %and3A_39 = arith.andi %iota3A_36, %and3A_38 : vector<4x32x128xi32>
      %eq3A_40 = arith.constant 0 : i32
      %eq3A_41 = vector.broadcast %eq3A_40 : i32 to vector<4x32x128xi32>
      %eq3A_42 = arith.cmpi eq, %and3A_39, %eq3A_41 : vector<4x32x128xi32>
      %iota3A_43 = tpu.iota {dimensions = array<i32: 2>} : vector<4x32x128xi32>
      %and3A_44 = arith.constant 2 : i32
      %and3A_45 = vector.broadcast %and3A_44 : i32 to vector<4x32x128xi32>
      %and3A_46 = arith.andi %iota3A_43, %and3A_45 : vector<4x32x128xi32>
      %eq3A_47 = arith.constant 0 : i32
      %eq3A_48 = vector.broadcast %eq3A_47 : i32 to vector<4x32x128xi32>
      %eq3A_49 = arith.cmpi eq, %and3A_46, %eq3A_48 : vector<4x32x128xi32>
      %gt3A = arith.cmpf ogt, %get3A_10, %select_n3A : vector<4x32x128xf32>
      %eq3A_50 = arith.cmpf oeq, %get3A_10, %select_n3A : vector<4x32x128xf32>
      %lt3A_51 = arith.cmpi slt, %add3A, %select_n3A_35 : vector<4x32x128xi32>
      %and3A_52 = arith.andi %eq3A_50, %lt3A_51 : vector<4x32x128xi1>
      %or3A = arith.ori %gt3A, %and3A_52 : vector<4x32x128xi1>
      %eq3A_53 = arith.xori %eq3A_42, %eq3A_49 : vector<4x32x128xi1>
      %eq3A_54 = arith.constant dense<true> : vector<4x32x128xi1>
      %eq3A_55 = arith.xori %eq3A_53, %eq3A_54 : vector<4x32x128xi1>
      %eq3A_56 = arith.xori %or3A, %eq3A_55 : vector<4x32x128xi1>
      %eq3A_57 = arith.constant dense<true> : vector<4x32x128xi1>
      %eq3A_58 = arith.xori %eq3A_56, %eq3A_57 : vector<4x32x128xi1>
      %select_n3A_59 = arith.select %eq3A_58, %get3A_10, %select_n3A : vector<4x32x128xi1>, vector<4x32x128xf32>
      %select_n3A_60 = arith.select %eq3A_58, %add3A, %select_n3A_35 : vector<4x32x128xi1>, vector<4x32x128xi32>
      %roll3A_61 = arith.constant 126 : i32
      %roll3A_62 = tpu.dynamic_rotate %select_n3A_59 by %roll3A_61 dim 2 : vector<4x32x128xf32>, i32 -> vector<4x32x128xf32>
      %roll3A_63 = arith.constant 2 : i32
      %roll3A_64 = tpu.dynamic_rotate %select_n3A_59 by %roll3A_63 dim 2 : vector<4x32x128xf32>, i32 -> vector<4x32x128xf32>
      %iota3A_65 = tpu.iota {dimensions = array<i32: 2>} : vector<4x32x128xi32>
      %and3A_66 = arith.constant 2 : i32
      %and3A_67 = vector.broadcast %and3A_66 : i32 to vector<4x32x128xi32>
      %and3A_68 = arith.andi %iota3A_65, %and3A_67 : vector<4x32x128xi32>
      %eq3A_69 = arith.constant 0 : i32
      %eq3A_70 = vector.broadcast %eq3A_69 : i32 to vector<4x32x128xi32>
      %eq3A_71 = arith.cmpi eq, %and3A_68, %eq3A_70 : vector<4x32x128xi32>
      %select_n3A_72 = arith.select %eq3A_71, %roll3A_62, %roll3A_64 : vector<4x32x128xi1>, vector<4x32x128xf32>
      %roll3A_73 = arith.constant 126 : i32
      %roll3A_74 = tpu.dynamic_rotate %select_n3A_60 by %roll3A_73 dim 2 : vector<4x32x128xi32>, i32 -> vector<4x32x128xi32>
      %roll3A_75 = arith.constant 2 : i32
      %roll3A_76 = tpu.dynamic_rotate %select_n3A_60 by %roll3A_75 dim 2 : vector<4x32x128xi32>, i32 -> vector<4x32x128xi32>
      %iota3A_77 = tpu.iota {dimensions = array<i32: 2>} : vector<4x32x128xi32>
      %and3A_78 = arith.constant 2 : i32
      %and3A_79 = vector.broadcast %and3A_78 : i32 to vector<4x32x128xi32>
      %and3A_80 = arith.andi %iota3A_77, %and3A_79 : vector<4x32x128xi32>
      %eq3A_81 = arith.constant 0 : i32
      %eq3A_82 = vector.broadcast %eq3A_81 : i32 to vector<4x32x128xi32>
      %eq3A_83 = arith.cmpi eq, %and3A_80, %eq3A_82 : vector<4x32x128xi32>
      %select_n3A_84 = arith.select %eq3A_83, %roll3A_74, %roll3A_76 : vector<4x32x128xi1>, vector<4x32x128xi32>
      %iota3A_85 = tpu.iota {dimensions = array<i32: 2>} : vector<4x32x128xi32>
      %and3A_86 = arith.constant 2 : i32
      %and3A_87 = vector.broadcast %and3A_86 : i32 to vector<4x32x128xi32>
      %and3A_88 = arith.andi %iota3A_85, %and3A_87 : vector<4x32x128xi32>
      %eq3A_89 = arith.constant 0 : i32
      %eq3A_90 = vector.broadcast %eq3A_89 : i32 to vector<4x32x128xi32>
      %eq3A_91 = arith.cmpi eq, %and3A_88, %eq3A_90 : vector<4x32x128xi32>
      %iota3A_92 = tpu.iota {dimensions = array<i32: 2>} : vector<4x32x128xi32>
      %and3A_93 = arith.constant 4 : i32
      %and3A_94 = vector.broadcast %and3A_93 : i32 to vector<4x32x128xi32>
      %and3A_95 = arith.andi %iota3A_92, %and3A_94 : vector<4x32x128xi32>
      %eq3A_96 = arith.constant 0 : i32
      %eq3A_97 = vector.broadcast %eq3A_96 : i32 to vector<4x32x128xi32>
      %eq3A_98 = arith.cmpi eq, %and3A_95, %eq3A_97 : vector<4x32x128xi32>
      %gt3A_99 = arith.cmpf ogt, %select_n3A_59, %select_n3A_72 : vector<4x32x128xf32>
      %eq3A_100 = arith.cmpf oeq, %select_n3A_59, %select_n3A_72 : vector<4x32x128xf32>
      %lt3A_101 = arith.cmpi slt, %select_n3A_60, %select_n3A_84 : vector<4x32x128xi32>
      %and3A_102 = arith.andi %eq3A_100, %lt3A_101 : vector<4x32x128xi1>
      %or3A_103 = arith.ori %gt3A_99, %and3A_102 : vector<4x32x128xi1>
      %eq3A_104 = arith.xori %eq3A_91, %eq3A_98 : vector<4x32x128xi1>
      %eq3A_105 = arith.constant dense<true> : vector<4x32x128xi1>
      %eq3A_106 = arith.xori %eq3A_104, %eq3A_105 : vector<4x32x128xi1>
      %eq3A_107 = arith.xori %or3A_103, %eq3A_106 : vector<4x32x128xi1>
      %eq3A_108 = arith.constant dense<true> : vector<4x32x128xi1>
      %eq3A_109 = arith.xori %eq3A_107, %eq3A_108 : vector<4x32x128xi1>
      %select_n3A_110 = arith.select %eq3A_109, %select_n3A_59, %select_n3A_72 : vector<4x32x128xi1>, vector<4x32x128xf32>
      %select_n3A_111 = arith.select %eq3A_109, %select_n3A_60, %select_n3A_84 : vector<4x32x128xi1>, vector<4x32x128xi32>
      %roll3A_112 = arith.constant 127 : i32
      %roll3A_113 = tpu.dynamic_rotate %select_n3A_110 by %roll3A_112 dim 2 : vector<4x32x128xf32>, i32 -> vector<4x32x128xf32>
      %roll3A_114 = arith.constant 1 : i32
      %roll3A_115 = tpu.dynamic_rotate %select_n3A_110 by %roll3A_114 dim 2 : vector<4x32x128xf32>, i32 -> vector<4x32x128xf32>
      %iota3A_116 = tpu.iota {dimensions = array<i32: 2>} : vector<4x32x128xi32>
      %and3A_117 = arith.constant 1 : i32
      %and3A_118 = vector.broadcast %and3A_117 : i32 to vector<4x32x128xi32>
      %and3A_119 = arith.andi %iota3A_116, %and3A_118 : vector<4x32x128xi32>
      %eq3A_120 = arith.constant 0 : i32
      %eq3A_121 = vector.broadcast %eq3A_120 : i32 to vector<4x32x128xi32>
      %eq3A_122 = arith.cmpi eq, %and3A_119, %eq3A_121 : vector<4x32x128xi32>
      %select_n3A_123 = arith.select %eq3A_122, %roll3A_113, %roll3A_115 : vector<4x32x128xi1>, vector<4x32x128xf32>
      %roll3A_124 = arith.constant 127 : i32
      %roll3A_125 = tpu.dynamic_rotate %select_n3A_111 by %roll3A_124 dim 2 : vector<4x32x128xi32>, i32 -> vector<4x32x128xi32>
      %roll3A_126 = arith.constant 1 : i32
      %roll3A_127 = tpu.dynamic_rotate %select_n3A_111 by %roll3A_126 dim 2 : vector<4x32x128xi32>, i32 -> vector<4x32x128xi32>
      %iota3A_128 = tpu.iota {dimensions = array<i32: 2>} : vector<4x32x128xi32>
      %and3A_129 = arith.constant 1 : i32
      %and3A_130 = vector.broadcast %and3A_129 : i32 to vector<4x32x128xi32>
      %and3A_131 = arith.andi %iota3A_128, %and3A_130 : vector<4x32x128xi32>
      %eq3A_132 = arith.constant 0 : i32
      %eq3A_133 = vector.broadcast %eq3A_132 : i32 to vector<4x32x128xi32>
      %eq3A_134 = arith.cmpi eq, %and3A_131, %eq3A_133 : vector<4x32x128xi32>
      %select_n3A_135 = arith.select %eq3A_134, %roll3A_125, %roll3A_127 : vector<4x32x128xi1>, vector<4x32x128xi32>
      %iota3A_136 = tpu.iota {dimensions = array<i32: 2>} : vector<4x32x128xi32>
      %and3A_137 = arith.constant 1 : i32
      %and3A_138 = vector.broadcast %and3A_137 : i32 to vector<4x32x128xi32>
      %and3A_139 = arith.andi %iota3A_136, %and3A_138 : vector<4x32x128xi32>
      %eq3A_140 = arith.constant 0 : i32
      %eq3A_141 = vector.broadcast %eq3A_140 : i32 to vector<4x32x128xi32>
      %eq3A_142 = arith.cmpi eq, %and3A_139, %eq3A_141 : vector<4x32x128xi32>
      %iota3A_143 = tpu.iota {dimensions = array<i32: 2>} : vector<4x32x128xi32>
      %and3A_144 = arith.constant 4 : i32
      %and3A_145 = vector.broadcast %and3A_144 : i32 to vector<4x32x128xi32>
      %and3A_146 = arith.andi %iota3A_143, %and3A_145 : vector<4x32x128xi32>
      %eq3A_147 = arith.constant 0 : i32
      %eq3A_148 = vector.broadcast %eq3A_147 : i32 to vector<4x32x128xi32>
      %eq3A_149 = arith.cmpi eq, %and3A_146, %eq3A_148 : vector<4x32x128xi32>
      %gt3A_150 = arith.cmpf ogt, %select_n3A_110, %select_n3A_123 : vector<4x32x128xf32>
      %eq3A_151 = arith.cmpf oeq, %select_n3A_110, %select_n3A_123 : vector<4x32x128xf32>
      %lt3A_152 = arith.cmpi slt, %select_n3A_111, %select_n3A_135 : vector<4x32x128xi32>
      %and3A_153 = arith.andi %eq3A_151, %lt3A_152 : vector<4x32x128xi1>
      %or3A_154 = arith.ori %gt3A_150, %and3A_153 : vector<4x32x128xi1>
      %eq3A_155 = arith.xori %eq3A_142, %eq3A_149 : vector<4x32x128xi1>
      %eq3A_156 = arith.constant dense<true> : vector<4x32x128xi1>
      %eq3A_157 = arith.xori %eq3A_155, %eq3A_156 : vector<4x32x128xi1>
      %eq3A_158 = arith.xori %or3A_154, %eq3A_157 : vector<4x32x128xi1>
      %eq3A_159 = arith.constant dense<true> : vector<4x32x128xi1>
      %eq3A_160 = arith.xori %eq3A_158, %eq3A_159 : vector<4x32x128xi1>
      %select_n3A_161 = arith.select %eq3A_160, %select_n3A_110, %select_n3A_123 : vector<4x32x128xi1>, vector<4x32x128xf32>
      %select_n3A_162 = arith.select %eq3A_160, %select_n3A_111, %select_n3A_135 : vector<4x32x128xi1>, vector<4x32x128xi32>
      %roll3A_163 = arith.constant 124 : i32
      %roll3A_164 = tpu.dynamic_rotate %select_n3A_161 by %roll3A_163 dim 2 : vector<4x32x128xf32>, i32 -> vector<4x32x128xf32>
      %roll3A_165 = arith.constant 4 : i32
      %roll3A_166 = tpu.dynamic_rotate %select_n3A_161 by %roll3A_165 dim 2 : vector<4x32x128xf32>, i32 -> vector<4x32x128xf32>
      %iota3A_167 = tpu.iota {dimensions = array<i32: 2>} : vector<4x32x128xi32>
      %and3A_168 = arith.constant 4 : i32
      %and3A_169 = vector.broadcast %and3A_168 : i32 to vector<4x32x128xi32>
      %and3A_170 = arith.andi %iota3A_167, %and3A_169 : vector<4x32x128xi32>
      %eq3A_171 = arith.constant 0 : i32
      %eq3A_172 = vector.broadcast %eq3A_171 : i32 to vector<4x32x128xi32>
      %eq3A_173 = arith.cmpi eq, %and3A_170, %eq3A_172 : vector<4x32x128xi32>
      %select_n3A_174 = arith.select %eq3A_173, %roll3A_164, %roll3A_166 : vector<4x32x128xi1>, vector<4x32x128xf32>
      %roll3A_175 = arith.constant 124 : i32
      %roll3A_176 = tpu.dynamic_rotate %select_n3A_162 by %roll3A_175 dim 2 : vector<4x32x128xi32>, i32 -> vector<4x32x128xi32>
      %roll3A_177 = arith.constant 4 : i32
      %roll3A_178 = tpu.dynamic_rotate %select_n3A_162 by %roll3A_177 dim 2 : vector<4x32x128xi32>, i32 -> vector<4x32x128xi32>
      %iota3A_179 = tpu.iota {dimensions = array<i32: 2>} : vector<4x32x128xi32>
      %and3A_180 = arith.constant 4 : i32
      %and3A_181 = vector.broadcast %and3A_180 : i32 to vector<4x32x128xi32>
      %and3A_182 = arith.andi %iota3A_179, %and3A_181 : vector<4x32x128xi32>
      %eq3A_183 = arith.constant 0 : i32
      %eq3A_184 = vector.broadcast %eq3A_183 : i32 to vector<4x32x128xi32>
      %eq3A_185 = arith.cmpi eq, %and3A_182, %eq3A_184 : vector<4x32x128xi32>
      %select_n3A_186 = arith.select %eq3A_185, %roll3A_176, %roll3A_178 : vector<4x32x128xi1>, vector<4x32x128xi32>
      %iota3A_187 = tpu.iota {dimensions = array<i32: 2>} : vector<4x32x128xi32>
      %and3A_188 = arith.constant 4 : i32
      %and3A_189 = vector.broadcast %and3A_188 : i32 to vector<4x32x128xi32>
      %and3A_190 = arith.andi %iota3A_187, %and3A_189 : vector<4x32x128xi32>
      %eq3A_191 = arith.constant 0 : i32
      %eq3A_192 = vector.broadcast %eq3A_191 : i32 to vector<4x32x128xi32>
      %eq3A_193 = arith.cmpi eq, %and3A_190, %eq3A_192 : vector<4x32x128xi32>
      %iota3A_194 = tpu.iota {dimensions = array<i32: 2>} : vector<4x32x128xi32>
      %and3A_195 = arith.constant 8 : i32
      %and3A_196 = vector.broadcast %and3A_195 : i32 to vector<4x32x128xi32>
      %and3A_197 = arith.andi %iota3A_194, %and3A_196 : vector<4x32x128xi32>
      %eq3A_198 = arith.constant 0 : i32
      %eq3A_199 = vector.broadcast %eq3A_198 : i32 to vector<4x32x128xi32>
      %eq3A_200 = arith.cmpi eq, %and3A_197, %eq3A_199 : vector<4x32x128xi32>
      %gt3A_201 = arith.cmpf ogt, %select_n3A_161, %select_n3A_174 : vector<4x32x128xf32>
      %eq3A_202 = arith.cmpf oeq, %select_n3A_161, %select_n3A_174 : vector<4x32x128xf32>
      %lt3A_203 = arith.cmpi slt, %select_n3A_162, %select_n3A_186 : vector<4x32x128xi32>
      %and3A_204 = arith.andi %eq3A_202, %lt3A_203 : vector<4x32x128xi1>
      %or3A_205 = arith.ori %gt3A_201, %and3A_204 : vector<4x32x128xi1>
      %eq3A_206 = arith.xori %eq3A_193, %eq3A_200 : vector<4x32x128xi1>
      %eq3A_207 = arith.constant dense<true> : vector<4x32x128xi1>
      %eq3A_208 = arith.xori %eq3A_206, %eq3A_207 : vector<4x32x128xi1>
      %eq3A_209 = arith.xori %or3A_205, %eq3A_208 : vector<4x32x128xi1>
      %eq3A_210 = arith.constant dense<true> : vector<4x32x128xi1>
      %eq3A_211 = arith.xori %eq3A_209, %eq3A_210 : vector<4x32x128xi1>
      %select_n3A_212 = arith.select %eq3A_211, %select_n3A_161, %select_n3A_174 : vector<4x32x128xi1>, vector<4x32x128xf32>
      %select_n3A_213 = arith.select %eq3A_211, %select_n3A_162, %select_n3A_186 : vector<4x32x128xi1>, vector<4x32x128xi32>
      %roll3A_214 = arith.constant 126 : i32
      %roll3A_215 = tpu.dynamic_rotate %select_n3A_212 by %roll3A_214 dim 2 : vector<4x32x128xf32>, i32 -> vector<4x32x128xf32>
      %roll3A_216 = arith.constant 2 : i32
      %roll3A_217 = tpu.dynamic_rotate %select_n3A_212 by %roll3A_216 dim 2 : vector<4x32x128xf32>, i32 -> vector<4x32x128xf32>
      %iota3A_218 = tpu.iota {dimensions = array<i32: 2>} : vector<4x32x128xi32>
      %and3A_219 = arith.constant 2 : i32
      %and3A_220 = vector.broadcast %and3A_219 : i32 to vector<4x32x128xi32>
      %and3A_221 = arith.andi %iota3A_218, %and3A_220 : vector<4x32x128xi32>
      %eq3A_222 = arith.constant 0 : i32
      %eq3A_223 = vector.broadcast %eq3A_222 : i32 to vector<4x32x128xi32>
      %eq3A_224 = arith.cmpi eq, %and3A_221, %eq3A_223 : vector<4x32x128xi32>
      %select_n3A_225 = arith.select %eq3A_224, %roll3A_215, %roll3A_217 : vector<4x32x128xi1>, vector<4x32x128xf32>
      %roll3A_226 = arith.constant 126 : i32
      %roll3A_227 = tpu.dynamic_rotate %select_n3A_213 by %roll3A_226 dim 2 : vector<4x32x128xi32>, i32 -> vector<4x32x128xi32>
      %roll3A_228 = arith.constant 2 : i32
      %roll3A_229 = tpu.dynamic_rotate %select_n3A_213 by %roll3A_228 dim 2 : vector<4x32x128xi32>, i32 -> vector<4x32x128xi32>
      %iota3A_230 = tpu.iota {dimensions = array<i32: 2>} : vector<4x32x128xi32>
      %and3A_231 = arith.constant 2 : i32
      %and3A_232 = vector.broadcast %and3A_231 : i32 to vector<4x32x128xi32>
      %and3A_233 = arith.andi %iota3A_230, %and3A_232 : vector<4x32x128xi32>
      %eq3A_234 = arith.constant 0 : i32
      %eq3A_235 = vector.broadcast %eq3A_234 : i32 to vector<4x32x128xi32>
      %eq3A_236 = arith.cmpi eq, %and3A_233, %eq3A_235 : vector<4x32x128xi32>
      %select_n3A_237 = arith.select %eq3A_236, %roll3A_227, %roll3A_229 : vector<4x32x128xi1>, vector<4x32x128xi32>
      %iota3A_238 = tpu.iota {dimensions = array<i32: 2>} : vector<4x32x128xi32>
      %and3A_239 = arith.constant 2 : i32
      %and3A_240 = vector.broadcast %and3A_239 : i32 to vector<4x32x128xi32>
      %and3A_241 = arith.andi %iota3A_238, %and3A_240 : vector<4x32x128xi32>
      %eq3A_242 = arith.constant 0 : i32
      %eq3A_243 = vector.broadcast %eq3A_242 : i32 to vector<4x32x128xi32>
      %eq3A_244 = arith.cmpi eq, %and3A_241, %eq3A_243 : vector<4x32x128xi32>
      %iota3A_245 = tpu.iota {dimensions = array<i32: 2>} : vector<4x32x128xi32>
      %and3A_246 = arith.constant 8 : i32
      %and3A_247 = vector.broadcast %and3A_246 : i32 to vector<4x32x128xi32>
      %and3A_248 = arith.andi %iota3A_245, %and3A_247 : vector<4x32x128xi32>
      %eq3A_249 = arith.constant 0 : i32
      %eq3A_250 = vector.broadcast %eq3A_249 : i32 to vector<4x32x128xi32>
      %eq3A_251 = arith.cmpi eq, %and3A_248, %eq3A_250 : vector<4x32x128xi32>
      %gt3A_252 = arith.cmpf ogt, %select_n3A_212, %select_n3A_225 : vector<4x32x128xf32>
      %eq3A_253 = arith.cmpf oeq, %select_n3A_212, %select_n3A_225 : vector<4x32x128xf32>
      %lt3A_254 = arith.cmpi slt, %select_n3A_213, %select_n3A_237 : vector<4x32x128xi32>
      %and3A_255 = arith.andi %eq3A_253, %lt3A_254 : vector<4x32x128xi1>
      %or3A_256 = arith.ori %gt3A_252, %and3A_255 : vector<4x32x128xi1>
      %eq3A_257 = arith.xori %eq3A_244, %eq3A_251 : vector<4x32x128xi1>
      %eq3A_258 = arith.constant dense<true> : vector<4x32x128xi1>
      %eq3A_259 = arith.xori %eq3A_257, %eq3A_258 : vector<4x32x128xi1>
      %eq3A_260 = arith.xori %or3A_256, %eq3A_259 : vector<4x32x128xi1>
      %eq3A_261 = arith.constant dense<true> : vector<4x32x128xi1>
      %eq3A_262 = arith.xori %eq3A_260, %eq3A_261 : vector<4x32x128xi1>
      %select_n3A_263 = arith.select %eq3A_262, %select_n3A_212, %select_n3A_225 : vector<4x32x128xi1>, vector<4x32x128xf32>
      %select_n3A_264 = arith.select %eq3A_262, %select_n3A_213, %select_n3A_237 : vector<4x32x128xi1>, vector<4x32x128xi32>
      %roll3A_265 = arith.constant 127 : i32
      %roll3A_266 = tpu.dynamic_rotate %select_n3A_263 by %roll3A_265 dim 2 : vector<4x32x128xf32>, i32 -> vector<4x32x128xf32>
      %roll3A_267 = arith.constant 1 : i32
      %roll3A_268 = tpu.dynamic_rotate %select_n3A_263 by %roll3A_267 dim 2 : vector<4x32x128xf32>, i32 -> vector<4x32x128xf32>
      %iota3A_269 = tpu.iota {dimensions = array<i32: 2>} : vector<4x32x128xi32>
      %and3A_270 = arith.constant 1 : i32
      %and3A_271 = vector.broadcast %and3A_270 : i32 to vector<4x32x128xi32>
      %and3A_272 = arith.andi %iota3A_269, %and3A_271 : vector<4x32x128xi32>
      %eq3A_273 = arith.constant 0 : i32
      %eq3A_274 = vector.broadcast %eq3A_273 : i32 to vector<4x32x128xi32>
      %eq3A_275 = arith.cmpi eq, %and3A_272, %eq3A_274 : vector<4x32x128xi32>
      %select_n3A_276 = arith.select %eq3A_275, %roll3A_266, %roll3A_268 : vector<4x32x128xi1>, vector<4x32x128xf32>
      %roll3A_277 = arith.constant 127 : i32
      %roll3A_278 = tpu.dynamic_rotate %select_n3A_264 by %roll3A_277 dim 2 : vector<4x32x128xi32>, i32 -> vector<4x32x128xi32>
      %roll3A_279 = arith.constant 1 : i32
      %roll3A_280 = tpu.dynamic_rotate %select_n3A_264 by %roll3A_279 dim 2 : vector<4x32x128xi32>, i32 -> vector<4x32x128xi32>
      %iota3A_281 = tpu.iota {dimensions = array<i32: 2>} : vector<4x32x128xi32>
      %and3A_282 = arith.constant 1 : i32
      %and3A_283 = vector.broadcast %and3A_282 : i32 to vector<4x32x128xi32>
      %and3A_284 = arith.andi %iota3A_281, %and3A_283 : vector<4x32x128xi32>
      %eq3A_285 = arith.constant 0 : i32
      %eq3A_286 = vector.broadcast %eq3A_285 : i32 to vector<4x32x128xi32>
      %eq3A_287 = arith.cmpi eq, %and3A_284, %eq3A_286 : vector<4x32x128xi32>
      %select_n3A_288 = arith.select %eq3A_287, %roll3A_278, %roll3A_280 : vector<4x32x128xi1>, vector<4x32x128xi32>
      %iota3A_289 = tpu.iota {dimensions = array<i32: 2>} : vector<4x32x128xi32>
      %and3A_290 = arith.constant 1 : i32
      %and3A_291 = vector.broadcast %and3A_290 : i32 to vector<4x32x128xi32>
      %and3A_292 = arith.andi %iota3A_289, %and3A_291 : vector<4x32x128xi32>
      %eq3A_293 = arith.constant 0 : i32
      %eq3A_294 = vector.broadcast %eq3A_293 : i32 to vector<4x32x128xi32>
      %eq3A_295 = arith.cmpi eq, %and3A_292, %eq3A_294 : vector<4x32x128xi32>
      %iota3A_296 = tpu.iota {dimensions = array<i32: 2>} : vector<4x32x128xi32>
      %and3A_297 = arith.constant 8 : i32
      %and3A_298 = vector.broadcast %and3A_297 : i32 to vector<4x32x128xi32>
      %and3A_299 = arith.andi %iota3A_296, %and3A_298 : vector<4x32x128xi32>
      %eq3A_300 = arith.constant 0 : i32
      %eq3A_301 = vector.broadcast %eq3A_300 : i32 to vector<4x32x128xi32>
      %eq3A_302 = arith.cmpi eq, %and3A_299, %eq3A_301 : vector<4x32x128xi32>
      %gt3A_303 = arith.cmpf ogt, %select_n3A_263, %select_n3A_276 : vector<4x32x128xf32>
      %eq3A_304 = arith.cmpf oeq, %select_n3A_263, %select_n3A_276 : vector<4x32x128xf32>
      %lt3A_305 = arith.cmpi slt, %select_n3A_264, %select_n3A_288 : vector<4x32x128xi32>
      %and3A_306 = arith.andi %eq3A_304, %lt3A_305 : vector<4x32x128xi1>
      %or3A_307 = arith.ori %gt3A_303, %and3A_306 : vector<4x32x128xi1>
      %eq3A_308 = arith.xori %eq3A_295, %eq3A_302 : vector<4x32x128xi1>
      %eq3A_309 = arith.constant dense<true> : vector<4x32x128xi1>
      %eq3A_310 = arith.xori %eq3A_308, %eq3A_309 : vector<4x32x128xi1>
      %eq3A_311 = arith.xori %or3A_307, %eq3A_310 : vector<4x32x128xi1>
      %eq3A_312 = arith.constant dense<true> : vector<4x32x128xi1>
      %eq3A_313 = arith.xori %eq3A_311, %eq3A_312 : vector<4x32x128xi1>
      %select_n3A_314 = arith.select %eq3A_313, %select_n3A_263, %select_n3A_276 : vector<4x32x128xi1>, vector<4x32x128xf32>
      %select_n3A_315 = arith.select %eq3A_313, %select_n3A_264, %select_n3A_288 : vector<4x32x128xi1>, vector<4x32x128xi32>
      %roll3A_316 = arith.constant 120 : i32
      %roll3A_317 = tpu.dynamic_rotate %select_n3A_314 by %roll3A_316 dim 2 : vector<4x32x128xf32>, i32 -> vector<4x32x128xf32>
      %roll3A_318 = arith.constant 8 : i32
      %roll3A_319 = tpu.dynamic_rotate %select_n3A_314 by %roll3A_318 dim 2 : vector<4x32x128xf32>, i32 -> vector<4x32x128xf32>
      %iota3A_320 = tpu.iota {dimensions = array<i32: 2>} : vector<4x32x128xi32>
      %and3A_321 = arith.constant 8 : i32
      %and3A_322 = vector.broadcast %and3A_321 : i32 to vector<4x32x128xi32>
      %and3A_323 = arith.andi %iota3A_320, %and3A_322 : vector<4x32x128xi32>
      %eq3A_324 = arith.constant 0 : i32
      %eq3A_325 = vector.broadcast %eq3A_324 : i32 to vector<4x32x128xi32>
      %eq3A_326 = arith.cmpi eq, %and3A_323, %eq3A_325 : vector<4x32x128xi32>
      %select_n3A_327 = arith.select %eq3A_326, %roll3A_317, %roll3A_319 : vector<4x32x128xi1>, vector<4x32x128xf32>
      %roll3A_328 = arith.constant 120 : i32
      %roll3A_329 = tpu.dynamic_rotate %select_n3A_315 by %roll3A_328 dim 2 : vector<4x32x128xi32>, i32 -> vector<4x32x128xi32>
      %roll3A_330 = arith.constant 8 : i32
      %roll3A_331 = tpu.dynamic_rotate %select_n3A_315 by %roll3A_330 dim 2 : vector<4x32x128xi32>, i32 -> vector<4x32x128xi32>
      %iota3A_332 = tpu.iota {dimensions = array<i32: 2>} : vector<4x32x128xi32>
      %and3A_333 = arith.constant 8 : i32
      %and3A_334 = vector.broadcast %and3A_333 : i32 to vector<4x32x128xi32>
      %and3A_335 = arith.andi %iota3A_332, %and3A_334 : vector<4x32x128xi32>
      %eq3A_336 = arith.constant 0 : i32
      %eq3A_337 = vector.broadcast %eq3A_336 : i32 to vector<4x32x128xi32>
      %eq3A_338 = arith.cmpi eq, %and3A_335, %eq3A_337 : vector<4x32x128xi32>
      %select_n3A_339 = arith.select %eq3A_338, %roll3A_329, %roll3A_331 : vector<4x32x128xi1>, vector<4x32x128xi32>
      %iota3A_340 = tpu.iota {dimensions = array<i32: 2>} : vector<4x32x128xi32>
      %and3A_341 = arith.constant 8 : i32
      %and3A_342 = vector.broadcast %and3A_341 : i32 to vector<4x32x128xi32>
      %and3A_343 = arith.andi %iota3A_340, %and3A_342 : vector<4x32x128xi32>
      %eq3A_344 = arith.constant 0 : i32
      %eq3A_345 = vector.broadcast %eq3A_344 : i32 to vector<4x32x128xi32>
      %eq3A_346 = arith.cmpi eq, %and3A_343, %eq3A_345 : vector<4x32x128xi32>
      %iota3A_347 = tpu.iota {dimensions = array<i32: 2>} : vector<4x32x128xi32>
      %and3A_348 = arith.constant 16 : i32
      %and3A_349 = vector.broadcast %and3A_348 : i32 to vector<4x32x128xi32>
      %and3A_350 = arith.andi %iota3A_347, %and3A_349 : vector<4x32x128xi32>
      %eq3A_351 = arith.constant 0 : i32
      %eq3A_352 = vector.broadcast %eq3A_351 : i32 to vector<4x32x128xi32>
      %eq3A_353 = arith.cmpi eq, %and3A_350, %eq3A_352 : vector<4x32x128xi32>
      %gt3A_354 = arith.cmpf ogt, %select_n3A_314, %select_n3A_327 : vector<4x32x128xf32>
      %eq3A_355 = arith.cmpf oeq, %select_n3A_314, %select_n3A_327 : vector<4x32x128xf32>
      %lt3A_356 = arith.cmpi slt, %select_n3A_315, %select_n3A_339 : vector<4x32x128xi32>
      %and3A_357 = arith.andi %eq3A_355, %lt3A_356 : vector<4x32x128xi1>
      %or3A_358 = arith.ori %gt3A_354, %and3A_357 : vector<4x32x128xi1>
      %eq3A_359 = arith.xori %eq3A_346, %eq3A_353 : vector<4x32x128xi1>
      %eq3A_360 = arith.constant dense<true> : vector<4x32x128xi1>
      %eq3A_361 = arith.xori %eq3A_359, %eq3A_360 : vector<4x32x128xi1>
      %eq3A_362 = arith.xori %or3A_358, %eq3A_361 : vector<4x32x128xi1>
      %eq3A_363 = arith.constant dense<true> : vector<4x32x128xi1>
      %eq3A_364 = arith.xori %eq3A_362, %eq3A_363 : vector<4x32x128xi1>
      %select_n3A_365 = arith.select %eq3A_364, %select_n3A_314, %select_n3A_327 : vector<4x32x128xi1>, vector<4x32x128xf32>
      %select_n3A_366 = arith.select %eq3A_364, %select_n3A_315, %select_n3A_339 : vector<4x32x128xi1>, vector<4x32x128xi32>
      %roll3A_367 = arith.constant 124 : i32
      %roll3A_368 = tpu.dynamic_rotate %select_n3A_365 by %roll3A_367 dim 2 : vector<4x32x128xf32>, i32 -> vector<4x32x128xf32>
      %roll3A_369 = arith.constant 4 : i32
      %roll3A_370 = tpu.dynamic_rotate %select_n3A_365 by %roll3A_369 dim 2 : vector<4x32x128xf32>, i32 -> vector<4x32x128xf32>
      %iota3A_371 = tpu.iota {dimensions = array<i32: 2>} : vector<4x32x128xi32>
      %and3A_372 = arith.constant 4 : i32
      %and3A_373 = vector.broadcast %and3A_372 : i32 to vector<4x32x128xi32>
      %and3A_374 = arith.andi %iota3A_371, %and3A_373 : vector<4x32x128xi32>
      %eq3A_375 = arith.constant 0 : i32
      %eq3A_376 = vector.broadcast %eq3A_375 : i32 to vector<4x32x128xi32>
      %eq3A_377 = arith.cmpi eq, %and3A_374, %eq3A_376 : vector<4x32x128xi32>
      %select_n3A_378 = arith.select %eq3A_377, %roll3A_368, %roll3A_370 : vector<4x32x128xi1>, vector<4x32x128xf32>
      %roll3A_379 = arith.constant 124 : i32
      %roll3A_380 = tpu.dynamic_rotate %select_n3A_366 by %roll3A_379 dim 2 : vector<4x32x128xi32>, i32 -> vector<4x32x128xi32>
      %roll3A_381 = arith.constant 4 : i32
      %roll3A_382 = tpu.dynamic_rotate %select_n3A_366 by %roll3A_381 dim 2 : vector<4x32x128xi32>, i32 -> vector<4x32x128xi32>
      %iota3A_383 = tpu.iota {dimensions = array<i32: 2>} : vector<4x32x128xi32>
      %and3A_384 = arith.constant 4 : i32
      %and3A_385 = vector.broadcast %and3A_384 : i32 to vector<4x32x128xi32>
      %and3A_386 = arith.andi %iota3A_383, %and3A_385 : vector<4x32x128xi32>
      %eq3A_387 = arith.constant 0 : i32
      %eq3A_388 = vector.broadcast %eq3A_387 : i32 to vector<4x32x128xi32>
      %eq3A_389 = arith.cmpi eq, %and3A_386, %eq3A_388 : vector<4x32x128xi32>
      %select_n3A_390 = arith.select %eq3A_389, %roll3A_380, %roll3A_382 : vector<4x32x128xi1>, vector<4x32x128xi32>
      %iota3A_391 = tpu.iota {dimensions = array<i32: 2>} : vector<4x32x128xi32>
      %and3A_392 = arith.constant 4 : i32
      %and3A_393 = vector.broadcast %and3A_392 : i32 to vector<4x32x128xi32>
      %and3A_394 = arith.andi %iota3A_391, %and3A_393 : vector<4x32x128xi32>
      %eq3A_395 = arith.constant 0 : i32
      %eq3A_396 = vector.broadcast %eq3A_395 : i32 to vector<4x32x128xi32>
      %eq3A_397 = arith.cmpi eq, %and3A_394, %eq3A_396 : vector<4x32x128xi32>
      %iota3A_398 = tpu.iota {dimensions = array<i32: 2>} : vector<4x32x128xi32>
      %and3A_399 = arith.constant 16 : i32
      %and3A_400 = vector.broadcast %and3A_399 : i32 to vector<4x32x128xi32>
      %and3A_401 = arith.andi %iota3A_398, %and3A_400 : vector<4x32x128xi32>
      %eq3A_402 = arith.constant 0 : i32
      %eq3A_403 = vector.broadcast %eq3A_402 : i32 to vector<4x32x128xi32>
      %eq3A_404 = arith.cmpi eq, %and3A_401, %eq3A_403 : vector<4x32x128xi32>
      %gt3A_405 = arith.cmpf ogt, %select_n3A_365, %select_n3A_378 : vector<4x32x128xf32>
      %eq3A_406 = arith.cmpf oeq, %select_n3A_365, %select_n3A_378 : vector<4x32x128xf32>
      %lt3A_407 = arith.cmpi slt, %select_n3A_366, %select_n3A_390 : vector<4x32x128xi32>
      %and3A_408 = arith.andi %eq3A_406, %lt3A_407 : vector<4x32x128xi1>
      %or3A_409 = arith.ori %gt3A_405, %and3A_408 : vector<4x32x128xi1>
      %eq3A_410 = arith.xori %eq3A_397, %eq3A_404 : vector<4x32x128xi1>
      %eq3A_411 = arith.constant dense<true> : vector<4x32x128xi1>
      %eq3A_412 = arith.xori %eq3A_410, %eq3A_411 : vector<4x32x128xi1>
      %eq3A_413 = arith.xori %or3A_409, %eq3A_412 : vector<4x32x128xi1>
      %eq3A_414 = arith.constant dense<true> : vector<4x32x128xi1>
      %eq3A_415 = arith.xori %eq3A_413, %eq3A_414 : vector<4x32x128xi1>
      %select_n3A_416 = arith.select %eq3A_415, %select_n3A_365, %select_n3A_378 : vector<4x32x128xi1>, vector<4x32x128xf32>
      %select_n3A_417 = arith.select %eq3A_415, %select_n3A_366, %select_n3A_390 : vector<4x32x128xi1>, vector<4x32x128xi32>
      %roll3A_418 = arith.constant 126 : i32
      %roll3A_419 = tpu.dynamic_rotate %select_n3A_416 by %roll3A_418 dim 2 : vector<4x32x128xf32>, i32 -> vector<4x32x128xf32>
      %roll3A_420 = arith.constant 2 : i32
      %roll3A_421 = tpu.dynamic_rotate %select_n3A_416 by %roll3A_420 dim 2 : vector<4x32x128xf32>, i32 -> vector<4x32x128xf32>
      %iota3A_422 = tpu.iota {dimensions = array<i32: 2>} : vector<4x32x128xi32>
      %and3A_423 = arith.constant 2 : i32
      %and3A_424 = vector.broadcast %and3A_423 : i32 to vector<4x32x128xi32>
      %and3A_425 = arith.andi %iota3A_422, %and3A_424 : vector<4x32x128xi32>
      %eq3A_426 = arith.constant 0 : i32
      %eq3A_427 = vector.broadcast %eq3A_426 : i32 to vector<4x32x128xi32>
      %eq3A_428 = arith.cmpi eq, %and3A_425, %eq3A_427 : vector<4x32x128xi32>
      %select_n3A_429 = arith.select %eq3A_428, %roll3A_419, %roll3A_421 : vector<4x32x128xi1>, vector<4x32x128xf32>
      %roll3A_430 = arith.constant 126 : i32
      %roll3A_431 = tpu.dynamic_rotate %select_n3A_417 by %roll3A_430 dim 2 : vector<4x32x128xi32>, i32 -> vector<4x32x128xi32>
      %roll3A_432 = arith.constant 2 : i32
      %roll3A_433 = tpu.dynamic_rotate %select_n3A_417 by %roll3A_432 dim 2 : vector<4x32x128xi32>, i32 -> vector<4x32x128xi32>
      %iota3A_434 = tpu.iota {dimensions = array<i32: 2>} : vector<4x32x128xi32>
      %and3A_435 = arith.constant 2 : i32
      %and3A_436 = vector.broadcast %and3A_435 : i32 to vector<4x32x128xi32>
      %and3A_437 = arith.andi %iota3A_434, %and3A_436 : vector<4x32x128xi32>
      %eq3A_438 = arith.constant 0 : i32
      %eq3A_439 = vector.broadcast %eq3A_438 : i32 to vector<4x32x128xi32>
      %eq3A_440 = arith.cmpi eq, %and3A_437, %eq3A_439 : vector<4x32x128xi32>
      %select_n3A_441 = arith.select %eq3A_440, %roll3A_431, %roll3A_433 : vector<4x32x128xi1>, vector<4x32x128xi32>
      %iota3A_442 = tpu.iota {dimensions = array<i32: 2>} : vector<4x32x128xi32>
      %and3A_443 = arith.constant 2 : i32
      %and3A_444 = vector.broadcast %and3A_443 : i32 to vector<4x32x128xi32>
      %and3A_445 = arith.andi %iota3A_442, %and3A_444 : vector<4x32x128xi32>
      %eq3A_446 = arith.constant 0 : i32
      %eq3A_447 = vector.broadcast %eq3A_446 : i32 to vector<4x32x128xi32>
      %eq3A_448 = arith.cmpi eq, %and3A_445, %eq3A_447 : vector<4x32x128xi32>
      %iota3A_449 = tpu.iota {dimensions = array<i32: 2>} : vector<4x32x128xi32>
      %and3A_450 = arith.constant 16 : i32
      %and3A_451 = vector.broadcast %and3A_450 : i32 to vector<4x32x128xi32>
      %and3A_452 = arith.andi %iota3A_449, %and3A_451 : vector<4x32x128xi32>
      %eq3A_453 = arith.constant 0 : i32
      %eq3A_454 = vector.broadcast %eq3A_453 : i32 to vector<4x32x128xi32>
      %eq3A_455 = arith.cmpi eq, %and3A_452, %eq3A_454 : vector<4x32x128xi32>
      %gt3A_456 = arith.cmpf ogt, %select_n3A_416, %select_n3A_429 : vector<4x32x128xf32>
      %eq3A_457 = arith.cmpf oeq, %select_n3A_416, %select_n3A_429 : vector<4x32x128xf32>
      %lt3A_458 = arith.cmpi slt, %select_n3A_417, %select_n3A_441 : vector<4x32x128xi32>
      %and3A_459 = arith.andi %eq3A_457, %lt3A_458 : vector<4x32x128xi1>
      %or3A_460 = arith.ori %gt3A_456, %and3A_459 : vector<4x32x128xi1>
      %eq3A_461 = arith.xori %eq3A_448, %eq3A_455 : vector<4x32x128xi1>
      %eq3A_462 = arith.constant dense<true> : vector<4x32x128xi1>
      %eq3A_463 = arith.xori %eq3A_461, %eq3A_462 : vector<4x32x128xi1>
      %eq3A_464 = arith.xori %or3A_460, %eq3A_463 : vector<4x32x128xi1>
      %eq3A_465 = arith.constant dense<true> : vector<4x32x128xi1>
      %eq3A_466 = arith.xori %eq3A_464, %eq3A_465 : vector<4x32x128xi1>
      %select_n3A_467 = arith.select %eq3A_466, %select_n3A_416, %select_n3A_429 : vector<4x32x128xi1>, vector<4x32x128xf32>
      %select_n3A_468 = arith.select %eq3A_466, %select_n3A_417, %select_n3A_441 : vector<4x32x128xi1>, vector<4x32x128xi32>
      %roll3A_469 = arith.constant 127 : i32
      %roll3A_470 = tpu.dynamic_rotate %select_n3A_467 by %roll3A_469 dim 2 : vector<4x32x128xf32>, i32 -> vector<4x32x128xf32>
      %roll3A_471 = arith.constant 1 : i32
      %roll3A_472 = tpu.dynamic_rotate %select_n3A_467 by %roll3A_471 dim 2 : vector<4x32x128xf32>, i32 -> vector<4x32x128xf32>
      %iota3A_473 = tpu.iota {dimensions = array<i32: 2>} : vector<4x32x128xi32>
      %and3A_474 = arith.constant 1 : i32
      %and3A_475 = vector.broadcast %and3A_474 : i32 to vector<4x32x128xi32>
      %and3A_476 = arith.andi %iota3A_473, %and3A_475 : vector<4x32x128xi32>
      %eq3A_477 = arith.constant 0 : i32
      %eq3A_478 = vector.broadcast %eq3A_477 : i32 to vector<4x32x128xi32>
      %eq3A_479 = arith.cmpi eq, %and3A_476, %eq3A_478 : vector<4x32x128xi32>
      %select_n3A_480 = arith.select %eq3A_479, %roll3A_470, %roll3A_472 : vector<4x32x128xi1>, vector<4x32x128xf32>
      %roll3A_481 = arith.constant 127 : i32
      %roll3A_482 = tpu.dynamic_rotate %select_n3A_468 by %roll3A_481 dim 2 : vector<4x32x128xi32>, i32 -> vector<4x32x128xi32>
      %roll3A_483 = arith.constant 1 : i32
      %roll3A_484 = tpu.dynamic_rotate %select_n3A_468 by %roll3A_483 dim 2 : vector<4x32x128xi32>, i32 -> vector<4x32x128xi32>
      %iota3A_485 = tpu.iota {dimensions = array<i32: 2>} : vector<4x32x128xi32>
      %and3A_486 = arith.constant 1 : i32
      %and3A_487 = vector.broadcast %and3A_486 : i32 to vector<4x32x128xi32>
      %and3A_488 = arith.andi %iota3A_485, %and3A_487 : vector<4x32x128xi32>
      %eq3A_489 = arith.constant 0 : i32
      %eq3A_490 = vector.broadcast %eq3A_489 : i32 to vector<4x32x128xi32>
      %eq3A_491 = arith.cmpi eq, %and3A_488, %eq3A_490 : vector<4x32x128xi32>
      %select_n3A_492 = arith.select %eq3A_491, %roll3A_482, %roll3A_484 : vector<4x32x128xi1>, vector<4x32x128xi32>
      %iota3A_493 = tpu.iota {dimensions = array<i32: 2>} : vector<4x32x128xi32>
      %and3A_494 = arith.constant 1 : i32
      %and3A_495 = vector.broadcast %and3A_494 : i32 to vector<4x32x128xi32>
      %and3A_496 = arith.andi %iota3A_493, %and3A_495 : vector<4x32x128xi32>
      %eq3A_497 = arith.constant 0 : i32
      %eq3A_498 = vector.broadcast %eq3A_497 : i32 to vector<4x32x128xi32>
      %eq3A_499 = arith.cmpi eq, %and3A_496, %eq3A_498 : vector<4x32x128xi32>
      %iota3A_500 = tpu.iota {dimensions = array<i32: 2>} : vector<4x32x128xi32>
      %and3A_501 = arith.constant 16 : i32
      %and3A_502 = vector.broadcast %and3A_501 : i32 to vector<4x32x128xi32>
      %and3A_503 = arith.andi %iota3A_500, %and3A_502 : vector<4x32x128xi32>
      %eq3A_504 = arith.constant 0 : i32
      %eq3A_505 = vector.broadcast %eq3A_504 : i32 to vector<4x32x128xi32>
      %eq3A_506 = arith.cmpi eq, %and3A_503, %eq3A_505 : vector<4x32x128xi32>
      %gt3A_507 = arith.cmpf ogt, %select_n3A_467, %select_n3A_480 : vector<4x32x128xf32>
      %eq3A_508 = arith.cmpf oeq, %select_n3A_467, %select_n3A_480 : vector<4x32x128xf32>
      %lt3A_509 = arith.cmpi slt, %select_n3A_468, %select_n3A_492 : vector<4x32x128xi32>
      %and3A_510 = arith.andi %eq3A_508, %lt3A_509 : vector<4x32x128xi1>
      %or3A_511 = arith.ori %gt3A_507, %and3A_510 : vector<4x32x128xi1>
      %eq3A_512 = arith.xori %eq3A_499, %eq3A_506 : vector<4x32x128xi1>
      %eq3A_513 = arith.constant dense<true> : vector<4x32x128xi1>
      %eq3A_514 = arith.xori %eq3A_512, %eq3A_513 : vector<4x32x128xi1>
      %eq3A_515 = arith.xori %or3A_511, %eq3A_514 : vector<4x32x128xi1>
      %eq3A_516 = arith.constant dense<true> : vector<4x32x128xi1>
      %eq3A_517 = arith.xori %eq3A_515, %eq3A_516 : vector<4x32x128xi1>
      %select_n3A_518 = arith.select %eq3A_517, %select_n3A_467, %select_n3A_480 : vector<4x32x128xi1>, vector<4x32x128xf32>
      %select_n3A_519 = arith.select %eq3A_517, %select_n3A_468, %select_n3A_492 : vector<4x32x128xi1>, vector<4x32x128xi32>
      %roll3A_520 = arith.constant 112 : i32
      %roll3A_521 = tpu.dynamic_rotate %select_n3A_518 by %roll3A_520 dim 2 : vector<4x32x128xf32>, i32 -> vector<4x32x128xf32>
      %roll3A_522 = arith.constant 16 : i32
      %roll3A_523 = tpu.dynamic_rotate %select_n3A_518 by %roll3A_522 dim 2 : vector<4x32x128xf32>, i32 -> vector<4x32x128xf32>
      %iota3A_524 = tpu.iota {dimensions = array<i32: 2>} : vector<4x32x128xi32>
      %and3A_525 = arith.constant 16 : i32
      %and3A_526 = vector.broadcast %and3A_525 : i32 to vector<4x32x128xi32>
      %and3A_527 = arith.andi %iota3A_524, %and3A_526 : vector<4x32x128xi32>
      %eq3A_528 = arith.constant 0 : i32
      %eq3A_529 = vector.broadcast %eq3A_528 : i32 to vector<4x32x128xi32>
      %eq3A_530 = arith.cmpi eq, %and3A_527, %eq3A_529 : vector<4x32x128xi32>
      %select_n3A_531 = arith.select %eq3A_530, %roll3A_521, %roll3A_523 : vector<4x32x128xi1>, vector<4x32x128xf32>
      %roll3A_532 = arith.constant 112 : i32
      %roll3A_533 = tpu.dynamic_rotate %select_n3A_519 by %roll3A_532 dim 2 : vector<4x32x128xi32>, i32 -> vector<4x32x128xi32>
      %roll3A_534 = arith.constant 16 : i32
      %roll3A_535 = tpu.dynamic_rotate %select_n3A_519 by %roll3A_534 dim 2 : vector<4x32x128xi32>, i32 -> vector<4x32x128xi32>
      %iota3A_536 = tpu.iota {dimensions = array<i32: 2>} : vector<4x32x128xi32>
      %and3A_537 = arith.constant 16 : i32
      %and3A_538 = vector.broadcast %and3A_537 : i32 to vector<4x32x128xi32>
      %and3A_539 = arith.andi %iota3A_536, %and3A_538 : vector<4x32x128xi32>
      %eq3A_540 = arith.constant 0 : i32
      %eq3A_541 = vector.broadcast %eq3A_540 : i32 to vector<4x32x128xi32>
      %eq3A_542 = arith.cmpi eq, %and3A_539, %eq3A_541 : vector<4x32x128xi32>
      %select_n3A_543 = arith.select %eq3A_542, %roll3A_533, %roll3A_535 : vector<4x32x128xi1>, vector<4x32x128xi32>
      %iota3A_544 = tpu.iota {dimensions = array<i32: 2>} : vector<4x32x128xi32>
      %and3A_545 = arith.constant 16 : i32
      %and3A_546 = vector.broadcast %and3A_545 : i32 to vector<4x32x128xi32>
      %and3A_547 = arith.andi %iota3A_544, %and3A_546 : vector<4x32x128xi32>
      %eq3A_548 = arith.constant 0 : i32
      %eq3A_549 = vector.broadcast %eq3A_548 : i32 to vector<4x32x128xi32>
      %eq3A_550 = arith.cmpi eq, %and3A_547, %eq3A_549 : vector<4x32x128xi32>
      %iota3A_551 = tpu.iota {dimensions = array<i32: 2>} : vector<4x32x128xi32>
      %and3A_552 = arith.constant 32 : i32
      %and3A_553 = vector.broadcast %and3A_552 : i32 to vector<4x32x128xi32>
      %and3A_554 = arith.andi %iota3A_551, %and3A_553 : vector<4x32x128xi32>
      %eq3A_555 = arith.constant 0 : i32
      %eq3A_556 = vector.broadcast %eq3A_555 : i32 to vector<4x32x128xi32>
      %eq3A_557 = arith.cmpi eq, %and3A_554, %eq3A_556 : vector<4x32x128xi32>
      %gt3A_558 = arith.cmpf ogt, %select_n3A_518, %select_n3A_531 : vector<4x32x128xf32>
      %eq3A_559 = arith.cmpf oeq, %select_n3A_518, %select_n3A_531 : vector<4x32x128xf32>
      %lt3A_560 = arith.cmpi slt, %select_n3A_519, %select_n3A_543 : vector<4x32x128xi32>
      %and3A_561 = arith.andi %eq3A_559, %lt3A_560 : vector<4x32x128xi1>
      %or3A_562 = arith.ori %gt3A_558, %and3A_561 : vector<4x32x128xi1>
      %eq3A_563 = arith.xori %eq3A_550, %eq3A_557 : vector<4x32x128xi1>
      %eq3A_564 = arith.constant dense<true> : vector<4x32x128xi1>
      %eq3A_565 = arith.xori %eq3A_563, %eq3A_564 : vector<4x32x128xi1>
      %eq3A_566 = arith.xori %or3A_562, %eq3A_565 : vector<4x32x128xi1>
      %eq3A_567 = arith.constant dense<true> : vector<4x32x128xi1>
      %eq3A_568 = arith.xori %eq3A_566, %eq3A_567 : vector<4x32x128xi1>
      %select_n3A_569 = arith.select %eq3A_568, %select_n3A_518, %select_n3A_531 : vector<4x32x128xi1>, vector<4x32x128xf32>
      %select_n3A_570 = arith.select %eq3A_568, %select_n3A_519, %select_n3A_543 : vector<4x32x128xi1>, vector<4x32x128xi32>
      %roll3A_571 = arith.constant 120 : i32
      %roll3A_572 = tpu.dynamic_rotate %select_n3A_569 by %roll3A_571 dim 2 : vector<4x32x128xf32>, i32 -> vector<4x32x128xf32>
      %roll3A_573 = arith.constant 8 : i32
      %roll3A_574 = tpu.dynamic_rotate %select_n3A_569 by %roll3A_573 dim 2 : vector<4x32x128xf32>, i32 -> vector<4x32x128xf32>
      %iota3A_575 = tpu.iota {dimensions = array<i32: 2>} : vector<4x32x128xi32>
      %and3A_576 = arith.constant 8 : i32
      %and3A_577 = vector.broadcast %and3A_576 : i32 to vector<4x32x128xi32>
      %and3A_578 = arith.andi %iota3A_575, %and3A_577 : vector<4x32x128xi32>
      %eq3A_579 = arith.constant 0 : i32
      %eq3A_580 = vector.broadcast %eq3A_579 : i32 to vector<4x32x128xi32>
      %eq3A_581 = arith.cmpi eq, %and3A_578, %eq3A_580 : vector<4x32x128xi32>
      %select_n3A_582 = arith.select %eq3A_581, %roll3A_572, %roll3A_574 : vector<4x32x128xi1>, vector<4x32x128xf32>
      %roll3A_583 = arith.constant 120 : i32
      %roll3A_584 = tpu.dynamic_rotate %select_n3A_570 by %roll3A_583 dim 2 : vector<4x32x128xi32>, i32 -> vector<4x32x128xi32>
      %roll3A_585 = arith.constant 8 : i32
      %roll3A_586 = tpu.dynamic_rotate %select_n3A_570 by %roll3A_585 dim 2 : vector<4x32x128xi32>, i32 -> vector<4x32x128xi32>
      %iota3A_587 = tpu.iota {dimensions = array<i32: 2>} : vector<4x32x128xi32>
      %and3A_588 = arith.constant 8 : i32
      %and3A_589 = vector.broadcast %and3A_588 : i32 to vector<4x32x128xi32>
      %and3A_590 = arith.andi %iota3A_587, %and3A_589 : vector<4x32x128xi32>
      %eq3A_591 = arith.constant 0 : i32
      %eq3A_592 = vector.broadcast %eq3A_591 : i32 to vector<4x32x128xi32>
      %eq3A_593 = arith.cmpi eq, %and3A_590, %eq3A_592 : vector<4x32x128xi32>
      %select_n3A_594 = arith.select %eq3A_593, %roll3A_584, %roll3A_586 : vector<4x32x128xi1>, vector<4x32x128xi32>
      %iota3A_595 = tpu.iota {dimensions = array<i32: 2>} : vector<4x32x128xi32>
      %and3A_596 = arith.constant 8 : i32
      %and3A_597 = vector.broadcast %and3A_596 : i32 to vector<4x32x128xi32>
      %and3A_598 = arith.andi %iota3A_595, %and3A_597 : vector<4x32x128xi32>
      %eq3A_599 = arith.constant 0 : i32
      %eq3A_600 = vector.broadcast %eq3A_599 : i32 to vector<4x32x128xi32>
      %eq3A_601 = arith.cmpi eq, %and3A_598, %eq3A_600 : vector<4x32x128xi32>
      %iota3A_602 = tpu.iota {dimensions = array<i32: 2>} : vector<4x32x128xi32>
      %and3A_603 = arith.constant 32 : i32
      %and3A_604 = vector.broadcast %and3A_603 : i32 to vector<4x32x128xi32>
      %and3A_605 = arith.andi %iota3A_602, %and3A_604 : vector<4x32x128xi32>
      %eq3A_606 = arith.constant 0 : i32
      %eq3A_607 = vector.broadcast %eq3A_606 : i32 to vector<4x32x128xi32>
      %eq3A_608 = arith.cmpi eq, %and3A_605, %eq3A_607 : vector<4x32x128xi32>
      %gt3A_609 = arith.cmpf ogt, %select_n3A_569, %select_n3A_582 : vector<4x32x128xf32>
      %eq3A_610 = arith.cmpf oeq, %select_n3A_569, %select_n3A_582 : vector<4x32x128xf32>
      %lt3A_611 = arith.cmpi slt, %select_n3A_570, %select_n3A_594 : vector<4x32x128xi32>
      %and3A_612 = arith.andi %eq3A_610, %lt3A_611 : vector<4x32x128xi1>
      %or3A_613 = arith.ori %gt3A_609, %and3A_612 : vector<4x32x128xi1>
      %eq3A_614 = arith.xori %eq3A_601, %eq3A_608 : vector<4x32x128xi1>
      %eq3A_615 = arith.constant dense<true> : vector<4x32x128xi1>
      %eq3A_616 = arith.xori %eq3A_614, %eq3A_615 : vector<4x32x128xi1>
      %eq3A_617 = arith.xori %or3A_613, %eq3A_616 : vector<4x32x128xi1>
      %eq3A_618 = arith.constant dense<true> : vector<4x32x128xi1>
      %eq3A_619 = arith.xori %eq3A_617, %eq3A_618 : vector<4x32x128xi1>
      %select_n3A_620 = arith.select %eq3A_619, %select_n3A_569, %select_n3A_582 : vector<4x32x128xi1>, vector<4x32x128xf32>
      %select_n3A_621 = arith.select %eq3A_619, %select_n3A_570, %select_n3A_594 : vector<4x32x128xi1>, vector<4x32x128xi32>
      %roll3A_622 = arith.constant 124 : i32
      %roll3A_623 = tpu.dynamic_rotate %select_n3A_620 by %roll3A_622 dim 2 : vector<4x32x128xf32>, i32 -> vector<4x32x128xf32>
      %roll3A_624 = arith.constant 4 : i32
      %roll3A_625 = tpu.dynamic_rotate %select_n3A_620 by %roll3A_624 dim 2 : vector<4x32x128xf32>, i32 -> vector<4x32x128xf32>
      %iota3A_626 = tpu.iota {dimensions = array<i32: 2>} : vector<4x32x128xi32>
      %and3A_627 = arith.constant 4 : i32
      %and3A_628 = vector.broadcast %and3A_627 : i32 to vector<4x32x128xi32>
      %and3A_629 = arith.andi %iota3A_626, %and3A_628 : vector<4x32x128xi32>
      %eq3A_630 = arith.constant 0 : i32
      %eq3A_631 = vector.broadcast %eq3A_630 : i32 to vector<4x32x128xi32>
      %eq3A_632 = arith.cmpi eq, %and3A_629, %eq3A_631 : vector<4x32x128xi32>
      %select_n3A_633 = arith.select %eq3A_632, %roll3A_623, %roll3A_625 : vector<4x32x128xi1>, vector<4x32x128xf32>
      %roll3A_634 = arith.constant 124 : i32
      %roll3A_635 = tpu.dynamic_rotate %select_n3A_621 by %roll3A_634 dim 2 : vector<4x32x128xi32>, i32 -> vector<4x32x128xi32>
      %roll3A_636 = arith.constant 4 : i32
      %roll3A_637 = tpu.dynamic_rotate %select_n3A_621 by %roll3A_636 dim 2 : vector<4x32x128xi32>, i32 -> vector<4x32x128xi32>
      %iota3A_638 = tpu.iota {dimensions = array<i32: 2>} : vector<4x32x128xi32>
      %and3A_639 = arith.constant 4 : i32
      %and3A_640 = vector.broadcast %and3A_639 : i32 to vector<4x32x128xi32>
      %and3A_641 = arith.andi %iota3A_638, %and3A_640 : vector<4x32x128xi32>
      %eq3A_642 = arith.constant 0 : i32
      %eq3A_643 = vector.broadcast %eq3A_642 : i32 to vector<4x32x128xi32>
      %eq3A_644 = arith.cmpi eq, %and3A_641, %eq3A_643 : vector<4x32x128xi32>
      %select_n3A_645 = arith.select %eq3A_644, %roll3A_635, %roll3A_637 : vector<4x32x128xi1>, vector<4x32x128xi32>
      %iota3A_646 = tpu.iota {dimensions = array<i32: 2>} : vector<4x32x128xi32>
      %and3A_647 = arith.constant 4 : i32
      %and3A_648 = vector.broadcast %and3A_647 : i32 to vector<4x32x128xi32>
      %and3A_649 = arith.andi %iota3A_646, %and3A_648 : vector<4x32x128xi32>
      %eq3A_650 = arith.constant 0 : i32
      %eq3A_651 = vector.broadcast %eq3A_650 : i32 to vector<4x32x128xi32>
      %eq3A_652 = arith.cmpi eq, %and3A_649, %eq3A_651 : vector<4x32x128xi32>
      %iota3A_653 = tpu.iota {dimensions = array<i32: 2>} : vector<4x32x128xi32>
      %and3A_654 = arith.constant 32 : i32
      %and3A_655 = vector.broadcast %and3A_654 : i32 to vector<4x32x128xi32>
      %and3A_656 = arith.andi %iota3A_653, %and3A_655 : vector<4x32x128xi32>
      %eq3A_657 = arith.constant 0 : i32
      %eq3A_658 = vector.broadcast %eq3A_657 : i32 to vector<4x32x128xi32>
      %eq3A_659 = arith.cmpi eq, %and3A_656, %eq3A_658 : vector<4x32x128xi32>
      %gt3A_660 = arith.cmpf ogt, %select_n3A_620, %select_n3A_633 : vector<4x32x128xf32>
      %eq3A_661 = arith.cmpf oeq, %select_n3A_620, %select_n3A_633 : vector<4x32x128xf32>
      %lt3A_662 = arith.cmpi slt, %select_n3A_621, %select_n3A_645 : vector<4x32x128xi32>
      %and3A_663 = arith.andi %eq3A_661, %lt3A_662 : vector<4x32x128xi1>
      %or3A_664 = arith.ori %gt3A_660, %and3A_663 : vector<4x32x128xi1>
      %eq3A_665 = arith.xori %eq3A_652, %eq3A_659 : vector<4x32x128xi1>
      %eq3A_666 = arith.constant dense<true> : vector<4x32x128xi1>
      %eq3A_667 = arith.xori %eq3A_665, %eq3A_666 : vector<4x32x128xi1>
      %eq3A_668 = arith.xori %or3A_664, %eq3A_667 : vector<4x32x128xi1>
      %eq3A_669 = arith.constant dense<true> : vector<4x32x128xi1>
      %eq3A_670 = arith.xori %eq3A_668, %eq3A_669 : vector<4x32x128xi1>
      %select_n3A_671 = arith.select %eq3A_670, %select_n3A_620, %select_n3A_633 : vector<4x32x128xi1>, vector<4x32x128xf32>
      %select_n3A_672 = arith.select %eq3A_670, %select_n3A_621, %select_n3A_645 : vector<4x32x128xi1>, vector<4x32x128xi32>
      %roll3A_673 = arith.constant 126 : i32
      %roll3A_674 = tpu.dynamic_rotate %select_n3A_671 by %roll3A_673 dim 2 : vector<4x32x128xf32>, i32 -> vector<4x32x128xf32>
      %roll3A_675 = arith.constant 2 : i32
      %roll3A_676 = tpu.dynamic_rotate %select_n3A_671 by %roll3A_675 dim 2 : vector<4x32x128xf32>, i32 -> vector<4x32x128xf32>
      %iota3A_677 = tpu.iota {dimensions = array<i32: 2>} : vector<4x32x128xi32>
      %and3A_678 = arith.constant 2 : i32
      %and3A_679 = vector.broadcast %and3A_678 : i32 to vector<4x32x128xi32>
      %and3A_680 = arith.andi %iota3A_677, %and3A_679 : vector<4x32x128xi32>
      %eq3A_681 = arith.constant 0 : i32
      %eq3A_682 = vector.broadcast %eq3A_681 : i32 to vector<4x32x128xi32>
      %eq3A_683 = arith.cmpi eq, %and3A_680, %eq3A_682 : vector<4x32x128xi32>
      %select_n3A_684 = arith.select %eq3A_683, %roll3A_674, %roll3A_676 : vector<4x32x128xi1>, vector<4x32x128xf32>
      %roll3A_685 = arith.constant 126 : i32
      %roll3A_686 = tpu.dynamic_rotate %select_n3A_672 by %roll3A_685 dim 2 : vector<4x32x128xi32>, i32 -> vector<4x32x128xi32>
      %roll3A_687 = arith.constant 2 : i32
      %roll3A_688 = tpu.dynamic_rotate %select_n3A_672 by %roll3A_687 dim 2 : vector<4x32x128xi32>, i32 -> vector<4x32x128xi32>
      %iota3A_689 = tpu.iota {dimensions = array<i32: 2>} : vector<4x32x128xi32>
      %and3A_690 = arith.constant 2 : i32
      %and3A_691 = vector.broadcast %and3A_690 : i32 to vector<4x32x128xi32>
      %and3A_692 = arith.andi %iota3A_689, %and3A_691 : vector<4x32x128xi32>
      %eq3A_693 = arith.constant 0 : i32
      %eq3A_694 = vector.broadcast %eq3A_693 : i32 to vector<4x32x128xi32>
      %eq3A_695 = arith.cmpi eq, %and3A_692, %eq3A_694 : vector<4x32x128xi32>
      %select_n3A_696 = arith.select %eq3A_695, %roll3A_686, %roll3A_688 : vector<4x32x128xi1>, vector<4x32x128xi32>
      %iota3A_697 = tpu.iota {dimensions = array<i32: 2>} : vector<4x32x128xi32>
      %and3A_698 = arith.constant 2 : i32
      %and3A_699 = vector.broadcast %and3A_698 : i32 to vector<4x32x128xi32>
      %and3A_700 = arith.andi %iota3A_697, %and3A_699 : vector<4x32x128xi32>
      %eq3A_701 = arith.constant 0 : i32
      %eq3A_702 = vector.broadcast %eq3A_701 : i32 to vector<4x32x128xi32>
      %eq3A_703 = arith.cmpi eq, %and3A_700, %eq3A_702 : vector<4x32x128xi32>
      %iota3A_704 = tpu.iota {dimensions = array<i32: 2>} : vector<4x32x128xi32>
      %and3A_705 = arith.constant 32 : i32
      %and3A_706 = vector.broadcast %and3A_705 : i32 to vector<4x32x128xi32>
      %and3A_707 = arith.andi %iota3A_704, %and3A_706 : vector<4x32x128xi32>
      %eq3A_708 = arith.constant 0 : i32
      %eq3A_709 = vector.broadcast %eq3A_708 : i32 to vector<4x32x128xi32>
      %eq3A_710 = arith.cmpi eq, %and3A_707, %eq3A_709 : vector<4x32x128xi32>
      %gt3A_711 = arith.cmpf ogt, %select_n3A_671, %select_n3A_684 : vector<4x32x128xf32>
      %eq3A_712 = arith.cmpf oeq, %select_n3A_671, %select_n3A_684 : vector<4x32x128xf32>
      %lt3A_713 = arith.cmpi slt, %select_n3A_672, %select_n3A_696 : vector<4x32x128xi32>
      %and3A_714 = arith.andi %eq3A_712, %lt3A_713 : vector<4x32x128xi1>
      %or3A_715 = arith.ori %gt3A_711, %and3A_714 : vector<4x32x128xi1>
      %eq3A_716 = arith.xori %eq3A_703, %eq3A_710 : vector<4x32x128xi1>
      %eq3A_717 = arith.constant dense<true> : vector<4x32x128xi1>
      %eq3A_718 = arith.xori %eq3A_716, %eq3A_717 : vector<4x32x128xi1>
      %eq3A_719 = arith.xori %or3A_715, %eq3A_718 : vector<4x32x128xi1>
      %eq3A_720 = arith.constant dense<true> : vector<4x32x128xi1>
      %eq3A_721 = arith.xori %eq3A_719, %eq3A_720 : vector<4x32x128xi1>
      %select_n3A_722 = arith.select %eq3A_721, %select_n3A_671, %select_n3A_684 : vector<4x32x128xi1>, vector<4x32x128xf32>
      %select_n3A_723 = arith.select %eq3A_721, %select_n3A_672, %select_n3A_696 : vector<4x32x128xi1>, vector<4x32x128xi32>
      %roll3A_724 = arith.constant 127 : i32
      %roll3A_725 = tpu.dynamic_rotate %select_n3A_722 by %roll3A_724 dim 2 : vector<4x32x128xf32>, i32 -> vector<4x32x128xf32>
      %roll3A_726 = arith.constant 1 : i32
      %roll3A_727 = tpu.dynamic_rotate %select_n3A_722 by %roll3A_726 dim 2 : vector<4x32x128xf32>, i32 -> vector<4x32x128xf32>
      %iota3A_728 = tpu.iota {dimensions = array<i32: 2>} : vector<4x32x128xi32>
      %and3A_729 = arith.constant 1 : i32
      %and3A_730 = vector.broadcast %and3A_729 : i32 to vector<4x32x128xi32>
      %and3A_731 = arith.andi %iota3A_728, %and3A_730 : vector<4x32x128xi32>
      %eq3A_732 = arith.constant 0 : i32
      %eq3A_733 = vector.broadcast %eq3A_732 : i32 to vector<4x32x128xi32>
      %eq3A_734 = arith.cmpi eq, %and3A_731, %eq3A_733 : vector<4x32x128xi32>
      %select_n3A_735 = arith.select %eq3A_734, %roll3A_725, %roll3A_727 : vector<4x32x128xi1>, vector<4x32x128xf32>
      %roll3A_736 = arith.constant 127 : i32
      %roll3A_737 = tpu.dynamic_rotate %select_n3A_723 by %roll3A_736 dim 2 : vector<4x32x128xi32>, i32 -> vector<4x32x128xi32>
      %roll3A_738 = arith.constant 1 : i32
      %roll3A_739 = tpu.dynamic_rotate %select_n3A_723 by %roll3A_738 dim 2 : vector<4x32x128xi32>, i32 -> vector<4x32x128xi32>
      %iota3A_740 = tpu.iota {dimensions = array<i32: 2>} : vector<4x32x128xi32>
      %and3A_741 = arith.constant 1 : i32
      %and3A_742 = vector.broadcast %and3A_741 : i32 to vector<4x32x128xi32>
      %and3A_743 = arith.andi %iota3A_740, %and3A_742 : vector<4x32x128xi32>
      %eq3A_744 = arith.constant 0 : i32
      %eq3A_745 = vector.broadcast %eq3A_744 : i32 to vector<4x32x128xi32>
      %eq3A_746 = arith.cmpi eq, %and3A_743, %eq3A_745 : vector<4x32x128xi32>
      %select_n3A_747 = arith.select %eq3A_746, %roll3A_737, %roll3A_739 : vector<4x32x128xi1>, vector<4x32x128xi32>
      %iota3A_748 = tpu.iota {dimensions = array<i32: 2>} : vector<4x32x128xi32>
      %and3A_749 = arith.constant 1 : i32
      %and3A_750 = vector.broadcast %and3A_749 : i32 to vector<4x32x128xi32>
      %and3A_751 = arith.andi %iota3A_748, %and3A_750 : vector<4x32x128xi32>
      %eq3A_752 = arith.constant 0 : i32
      %eq3A_753 = vector.broadcast %eq3A_752 : i32 to vector<4x32x128xi32>
      %eq3A_754 = arith.cmpi eq, %and3A_751, %eq3A_753 : vector<4x32x128xi32>
      %iota3A_755 = tpu.iota {dimensions = array<i32: 2>} : vector<4x32x128xi32>
      %and3A_756 = arith.constant 32 : i32
      %and3A_757 = vector.broadcast %and3A_756 : i32 to vector<4x32x128xi32>
      %and3A_758 = arith.andi %iota3A_755, %and3A_757 : vector<4x32x128xi32>
      %eq3A_759 = arith.constant 0 : i32
      %eq3A_760 = vector.broadcast %eq3A_759 : i32 to vector<4x32x128xi32>
      %eq3A_761 = arith.cmpi eq, %and3A_758, %eq3A_760 : vector<4x32x128xi32>
      %gt3A_762 = arith.cmpf ogt, %select_n3A_722, %select_n3A_735 : vector<4x32x128xf32>
      %eq3A_763 = arith.cmpf oeq, %select_n3A_722, %select_n3A_735 : vector<4x32x128xf32>
      %lt3A_764 = arith.cmpi slt, %select_n3A_723, %select_n3A_747 : vector<4x32x128xi32>
      %and3A_765 = arith.andi %eq3A_763, %lt3A_764 : vector<4x32x128xi1>
      %or3A_766 = arith.ori %gt3A_762, %and3A_765 : vector<4x32x128xi1>
      %eq3A_767 = arith.xori %eq3A_754, %eq3A_761 : vector<4x32x128xi1>
      %eq3A_768 = arith.constant dense<true> : vector<4x32x128xi1>
      %eq3A_769 = arith.xori %eq3A_767, %eq3A_768 : vector<4x32x128xi1>
      %eq3A_770 = arith.xori %or3A_766, %eq3A_769 : vector<4x32x128xi1>
      %eq3A_771 = arith.constant dense<true> : vector<4x32x128xi1>
      %eq3A_772 = arith.xori %eq3A_770, %eq3A_771 : vector<4x32x128xi1>
      %select_n3A_773 = arith.select %eq3A_772, %select_n3A_722, %select_n3A_735 : vector<4x32x128xi1>, vector<4x32x128xf32>
      %select_n3A_774 = arith.select %eq3A_772, %select_n3A_723, %select_n3A_747 : vector<4x32x128xi1>, vector<4x32x128xi32>
      %roll3A_775 = arith.constant 96 : i32
      %roll3A_776 = tpu.dynamic_rotate %select_n3A_773 by %roll3A_775 dim 2 : vector<4x32x128xf32>, i32 -> vector<4x32x128xf32>
      %roll3A_777 = arith.constant 32 : i32
      %roll3A_778 = tpu.dynamic_rotate %select_n3A_773 by %roll3A_777 dim 2 : vector<4x32x128xf32>, i32 -> vector<4x32x128xf32>
      %iota3A_779 = tpu.iota {dimensions = array<i32: 2>} : vector<4x32x128xi32>
      %and3A_780 = arith.constant 32 : i32
      %and3A_781 = vector.broadcast %and3A_780 : i32 to vector<4x32x128xi32>
      %and3A_782 = arith.andi %iota3A_779, %and3A_781 : vector<4x32x128xi32>
      %eq3A_783 = arith.constant 0 : i32
      %eq3A_784 = vector.broadcast %eq3A_783 : i32 to vector<4x32x128xi32>
      %eq3A_785 = arith.cmpi eq, %and3A_782, %eq3A_784 : vector<4x32x128xi32>
      %select_n3A_786 = arith.select %eq3A_785, %roll3A_776, %roll3A_778 : vector<4x32x128xi1>, vector<4x32x128xf32>
      %roll3A_787 = arith.constant 96 : i32
      %roll3A_788 = tpu.dynamic_rotate %select_n3A_774 by %roll3A_787 dim 2 : vector<4x32x128xi32>, i32 -> vector<4x32x128xi32>
      %roll3A_789 = arith.constant 32 : i32
      %roll3A_790 = tpu.dynamic_rotate %select_n3A_774 by %roll3A_789 dim 2 : vector<4x32x128xi32>, i32 -> vector<4x32x128xi32>
      %iota3A_791 = tpu.iota {dimensions = array<i32: 2>} : vector<4x32x128xi32>
      %and3A_792 = arith.constant 32 : i32
      %and3A_793 = vector.broadcast %and3A_792 : i32 to vector<4x32x128xi32>
      %and3A_794 = arith.andi %iota3A_791, %and3A_793 : vector<4x32x128xi32>
      %eq3A_795 = arith.constant 0 : i32
      %eq3A_796 = vector.broadcast %eq3A_795 : i32 to vector<4x32x128xi32>
      %eq3A_797 = arith.cmpi eq, %and3A_794, %eq3A_796 : vector<4x32x128xi32>
      %select_n3A_798 = arith.select %eq3A_797, %roll3A_788, %roll3A_790 : vector<4x32x128xi1>, vector<4x32x128xi32>
      %iota3A_799 = tpu.iota {dimensions = array<i32: 2>} : vector<4x32x128xi32>
      %and3A_800 = arith.constant 32 : i32
      %and3A_801 = vector.broadcast %and3A_800 : i32 to vector<4x32x128xi32>
      %and3A_802 = arith.andi %iota3A_799, %and3A_801 : vector<4x32x128xi32>
      %eq3A_803 = arith.constant 0 : i32
      %eq3A_804 = vector.broadcast %eq3A_803 : i32 to vector<4x32x128xi32>
      %eq3A_805 = arith.cmpi eq, %and3A_802, %eq3A_804 : vector<4x32x128xi32>
      %iota3A_806 = tpu.iota {dimensions = array<i32: 2>} : vector<4x32x128xi32>
      %and3A_807 = arith.constant 64 : i32
      %and3A_808 = vector.broadcast %and3A_807 : i32 to vector<4x32x128xi32>
      %and3A_809 = arith.andi %iota3A_806, %and3A_808 : vector<4x32x128xi32>
      %eq3A_810 = arith.constant 0 : i32
      %eq3A_811 = vector.broadcast %eq3A_810 : i32 to vector<4x32x128xi32>
      %eq3A_812 = arith.cmpi eq, %and3A_809, %eq3A_811 : vector<4x32x128xi32>
      %gt3A_813 = arith.cmpf ogt, %select_n3A_773, %select_n3A_786 : vector<4x32x128xf32>
      %eq3A_814 = arith.cmpf oeq, %select_n3A_773, %select_n3A_786 : vector<4x32x128xf32>
      %lt3A_815 = arith.cmpi slt, %select_n3A_774, %select_n3A_798 : vector<4x32x128xi32>
      %and3A_816 = arith.andi %eq3A_814, %lt3A_815 : vector<4x32x128xi1>
      %or3A_817 = arith.ori %gt3A_813, %and3A_816 : vector<4x32x128xi1>
      %eq3A_818 = arith.xori %eq3A_805, %eq3A_812 : vector<4x32x128xi1>
      %eq3A_819 = arith.constant dense<true> : vector<4x32x128xi1>
      %eq3A_820 = arith.xori %eq3A_818, %eq3A_819 : vector<4x32x128xi1>
      %eq3A_821 = arith.xori %or3A_817, %eq3A_820 : vector<4x32x128xi1>
      %eq3A_822 = arith.constant dense<true> : vector<4x32x128xi1>
      %eq3A_823 = arith.xori %eq3A_821, %eq3A_822 : vector<4x32x128xi1>
      %select_n3A_824 = arith.select %eq3A_823, %select_n3A_773, %select_n3A_786 : vector<4x32x128xi1>, vector<4x32x128xf32>
      %select_n3A_825 = arith.select %eq3A_823, %select_n3A_774, %select_n3A_798 : vector<4x32x128xi1>, vector<4x32x128xi32>
      %roll3A_826 = arith.constant 112 : i32
      %roll3A_827 = tpu.dynamic_rotate %select_n3A_824 by %roll3A_826 dim 2 : vector<4x32x128xf32>, i32 -> vector<4x32x128xf32>
      %roll3A_828 = arith.constant 16 : i32
      %roll3A_829 = tpu.dynamic_rotate %select_n3A_824 by %roll3A_828 dim 2 : vector<4x32x128xf32>, i32 -> vector<4x32x128xf32>
      %iota3A_830 = tpu.iota {dimensions = array<i32: 2>} : vector<4x32x128xi32>
      %and3A_831 = arith.constant 16 : i32
      %and3A_832 = vector.broadcast %and3A_831 : i32 to vector<4x32x128xi32>
      %and3A_833 = arith.andi %iota3A_830, %and3A_832 : vector<4x32x128xi32>
      %eq3A_834 = arith.constant 0 : i32
      %eq3A_835 = vector.broadcast %eq3A_834 : i32 to vector<4x32x128xi32>
      %eq3A_836 = arith.cmpi eq, %and3A_833, %eq3A_835 : vector<4x32x128xi32>
      %select_n3A_837 = arith.select %eq3A_836, %roll3A_827, %roll3A_829 : vector<4x32x128xi1>, vector<4x32x128xf32>
      %roll3A_838 = arith.constant 112 : i32
      %roll3A_839 = tpu.dynamic_rotate %select_n3A_825 by %roll3A_838 dim 2 : vector<4x32x128xi32>, i32 -> vector<4x32x128xi32>
      %roll3A_840 = arith.constant 16 : i32
      %roll3A_841 = tpu.dynamic_rotate %select_n3A_825 by %roll3A_840 dim 2 : vector<4x32x128xi32>, i32 -> vector<4x32x128xi32>
      %iota3A_842 = tpu.iota {dimensions = array<i32: 2>} : vector<4x32x128xi32>
      %and3A_843 = arith.constant 16 : i32
      %and3A_844 = vector.broadcast %and3A_843 : i32 to vector<4x32x128xi32>
      %and3A_845 = arith.andi %iota3A_842, %and3A_844 : vector<4x32x128xi32>
      %eq3A_846 = arith.constant 0 : i32
      %eq3A_847 = vector.broadcast %eq3A_846 : i32 to vector<4x32x128xi32>
      %eq3A_848 = arith.cmpi eq, %and3A_845, %eq3A_847 : vector<4x32x128xi32>
      %select_n3A_849 = arith.select %eq3A_848, %roll3A_839, %roll3A_841 : vector<4x32x128xi1>, vector<4x32x128xi32>
      %iota3A_850 = tpu.iota {dimensions = array<i32: 2>} : vector<4x32x128xi32>
      %and3A_851 = arith.constant 16 : i32
      %and3A_852 = vector.broadcast %and3A_851 : i32 to vector<4x32x128xi32>
      %and3A_853 = arith.andi %iota3A_850, %and3A_852 : vector<4x32x128xi32>
      %eq3A_854 = arith.constant 0 : i32
      %eq3A_855 = vector.broadcast %eq3A_854 : i32 to vector<4x32x128xi32>
      %eq3A_856 = arith.cmpi eq, %and3A_853, %eq3A_855 : vector<4x32x128xi32>
      %iota3A_857 = tpu.iota {dimensions = array<i32: 2>} : vector<4x32x128xi32>
      %and3A_858 = arith.constant 64 : i32
      %and3A_859 = vector.broadcast %and3A_858 : i32 to vector<4x32x128xi32>
      %and3A_860 = arith.andi %iota3A_857, %and3A_859 : vector<4x32x128xi32>
      %eq3A_861 = arith.constant 0 : i32
      %eq3A_862 = vector.broadcast %eq3A_861 : i32 to vector<4x32x128xi32>
      %eq3A_863 = arith.cmpi eq, %and3A_860, %eq3A_862 : vector<4x32x128xi32>
      %gt3A_864 = arith.cmpf ogt, %select_n3A_824, %select_n3A_837 : vector<4x32x128xf32>
      %eq3A_865 = arith.cmpf oeq, %select_n3A_824, %select_n3A_837 : vector<4x32x128xf32>
      %lt3A_866 = arith.cmpi slt, %select_n3A_825, %select_n3A_849 : vector<4x32x128xi32>
      %and3A_867 = arith.andi %eq3A_865, %lt3A_866 : vector<4x32x128xi1>
      %or3A_868 = arith.ori %gt3A_864, %and3A_867 : vector<4x32x128xi1>
      %eq3A_869 = arith.xori %eq3A_856, %eq3A_863 : vector<4x32x128xi1>
      %eq3A_870 = arith.constant dense<true> : vector<4x32x128xi1>
      %eq3A_871 = arith.xori %eq3A_869, %eq3A_870 : vector<4x32x128xi1>
      %eq3A_872 = arith.xori %or3A_868, %eq3A_871 : vector<4x32x128xi1>
      %eq3A_873 = arith.constant dense<true> : vector<4x32x128xi1>
      %eq3A_874 = arith.xori %eq3A_872, %eq3A_873 : vector<4x32x128xi1>
      %select_n3A_875 = arith.select %eq3A_874, %select_n3A_824, %select_n3A_837 : vector<4x32x128xi1>, vector<4x32x128xf32>
      %select_n3A_876 = arith.select %eq3A_874, %select_n3A_825, %select_n3A_849 : vector<4x32x128xi1>, vector<4x32x128xi32>
      %roll3A_877 = arith.constant 120 : i32
      %roll3A_878 = tpu.dynamic_rotate %select_n3A_875 by %roll3A_877 dim 2 : vector<4x32x128xf32>, i32 -> vector<4x32x128xf32>
      %roll3A_879 = arith.constant 8 : i32
      %roll3A_880 = tpu.dynamic_rotate %select_n3A_875 by %roll3A_879 dim 2 : vector<4x32x128xf32>, i32 -> vector<4x32x128xf32>
      %iota3A_881 = tpu.iota {dimensions = array<i32: 2>} : vector<4x32x128xi32>
      %and3A_882 = arith.constant 8 : i32
      %and3A_883 = vector.broadcast %and3A_882 : i32 to vector<4x32x128xi32>
      %and3A_884 = arith.andi %iota3A_881, %and3A_883 : vector<4x32x128xi32>
      %eq3A_885 = arith.constant 0 : i32
      %eq3A_886 = vector.broadcast %eq3A_885 : i32 to vector<4x32x128xi32>
      %eq3A_887 = arith.cmpi eq, %and3A_884, %eq3A_886 : vector<4x32x128xi32>
      %select_n3A_888 = arith.select %eq3A_887, %roll3A_878, %roll3A_880 : vector<4x32x128xi1>, vector<4x32x128xf32>
      %roll3A_889 = arith.constant 120 : i32
      %roll3A_890 = tpu.dynamic_rotate %select_n3A_876 by %roll3A_889 dim 2 : vector<4x32x128xi32>, i32 -> vector<4x32x128xi32>
      %roll3A_891 = arith.constant 8 : i32
      %roll3A_892 = tpu.dynamic_rotate %select_n3A_876 by %roll3A_891 dim 2 : vector<4x32x128xi32>, i32 -> vector<4x32x128xi32>
      %iota3A_893 = tpu.iota {dimensions = array<i32: 2>} : vector<4x32x128xi32>
      %and3A_894 = arith.constant 8 : i32
      %and3A_895 = vector.broadcast %and3A_894 : i32 to vector<4x32x128xi32>
      %and3A_896 = arith.andi %iota3A_893, %and3A_895 : vector<4x32x128xi32>
      %eq3A_897 = arith.constant 0 : i32
      %eq3A_898 = vector.broadcast %eq3A_897 : i32 to vector<4x32x128xi32>
      %eq3A_899 = arith.cmpi eq, %and3A_896, %eq3A_898 : vector<4x32x128xi32>
      %select_n3A_900 = arith.select %eq3A_899, %roll3A_890, %roll3A_892 : vector<4x32x128xi1>, vector<4x32x128xi32>
      %iota3A_901 = tpu.iota {dimensions = array<i32: 2>} : vector<4x32x128xi32>
      %and3A_902 = arith.constant 8 : i32
      %and3A_903 = vector.broadcast %and3A_902 : i32 to vector<4x32x128xi32>
      %and3A_904 = arith.andi %iota3A_901, %and3A_903 : vector<4x32x128xi32>
      %eq3A_905 = arith.constant 0 : i32
      %eq3A_906 = vector.broadcast %eq3A_905 : i32 to vector<4x32x128xi32>
      %eq3A_907 = arith.cmpi eq, %and3A_904, %eq3A_906 : vector<4x32x128xi32>
      %iota3A_908 = tpu.iota {dimensions = array<i32: 2>} : vector<4x32x128xi32>
      %and3A_909 = arith.constant 64 : i32
      %and3A_910 = vector.broadcast %and3A_909 : i32 to vector<4x32x128xi32>
      %and3A_911 = arith.andi %iota3A_908, %and3A_910 : vector<4x32x128xi32>
      %eq3A_912 = arith.constant 0 : i32
      %eq3A_913 = vector.broadcast %eq3A_912 : i32 to vector<4x32x128xi32>
      %eq3A_914 = arith.cmpi eq, %and3A_911, %eq3A_913 : vector<4x32x128xi32>
      %gt3A_915 = arith.cmpf ogt, %select_n3A_875, %select_n3A_888 : vector<4x32x128xf32>
      %eq3A_916 = arith.cmpf oeq, %select_n3A_875, %select_n3A_888 : vector<4x32x128xf32>
      %lt3A_917 = arith.cmpi slt, %select_n3A_876, %select_n3A_900 : vector<4x32x128xi32>
      %and3A_918 = arith.andi %eq3A_916, %lt3A_917 : vector<4x32x128xi1>
      %or3A_919 = arith.ori %gt3A_915, %and3A_918 : vector<4x32x128xi1>
      %eq3A_920 = arith.xori %eq3A_907, %eq3A_914 : vector<4x32x128xi1>
      %eq3A_921 = arith.constant dense<true> : vector<4x32x128xi1>
      %eq3A_922 = arith.xori %eq3A_920, %eq3A_921 : vector<4x32x128xi1>
      %eq3A_923 = arith.xori %or3A_919, %eq3A_922 : vector<4x32x128xi1>
      %eq3A_924 = arith.constant dense<true> : vector<4x32x128xi1>
      %eq3A_925 = arith.xori %eq3A_923, %eq3A_924 : vector<4x32x128xi1>
      %select_n3A_926 = arith.select %eq3A_925, %select_n3A_875, %select_n3A_888 : vector<4x32x128xi1>, vector<4x32x128xf32>
      %select_n3A_927 = arith.select %eq3A_925, %select_n3A_876, %select_n3A_900 : vector<4x32x128xi1>, vector<4x32x128xi32>
      %roll3A_928 = arith.constant 124 : i32
      %roll3A_929 = tpu.dynamic_rotate %select_n3A_926 by %roll3A_928 dim 2 : vector<4x32x128xf32>, i32 -> vector<4x32x128xf32>
      %roll3A_930 = arith.constant 4 : i32
      %roll3A_931 = tpu.dynamic_rotate %select_n3A_926 by %roll3A_930 dim 2 : vector<4x32x128xf32>, i32 -> vector<4x32x128xf32>
      %iota3A_932 = tpu.iota {dimensions = array<i32: 2>} : vector<4x32x128xi32>
      %and3A_933 = arith.constant 4 : i32
      %and3A_934 = vector.broadcast %and3A_933 : i32 to vector<4x32x128xi32>
      %and3A_935 = arith.andi %iota3A_932, %and3A_934 : vector<4x32x128xi32>
      %eq3A_936 = arith.constant 0 : i32
      %eq3A_937 = vector.broadcast %eq3A_936 : i32 to vector<4x32x128xi32>
      %eq3A_938 = arith.cmpi eq, %and3A_935, %eq3A_937 : vector<4x32x128xi32>
      %select_n3A_939 = arith.select %eq3A_938, %roll3A_929, %roll3A_931 : vector<4x32x128xi1>, vector<4x32x128xf32>
      %roll3A_940 = arith.constant 124 : i32
      %roll3A_941 = tpu.dynamic_rotate %select_n3A_927 by %roll3A_940 dim 2 : vector<4x32x128xi32>, i32 -> vector<4x32x128xi32>
      %roll3A_942 = arith.constant 4 : i32
      %roll3A_943 = tpu.dynamic_rotate %select_n3A_927 by %roll3A_942 dim 2 : vector<4x32x128xi32>, i32 -> vector<4x32x128xi32>
      %iota3A_944 = tpu.iota {dimensions = array<i32: 2>} : vector<4x32x128xi32>
      %and3A_945 = arith.constant 4 : i32
      %and3A_946 = vector.broadcast %and3A_945 : i32 to vector<4x32x128xi32>
      %and3A_947 = arith.andi %iota3A_944, %and3A_946 : vector<4x32x128xi32>
      %eq3A_948 = arith.constant 0 : i32
      %eq3A_949 = vector.broadcast %eq3A_948 : i32 to vector<4x32x128xi32>
      %eq3A_950 = arith.cmpi eq, %and3A_947, %eq3A_949 : vector<4x32x128xi32>
      %select_n3A_951 = arith.select %eq3A_950, %roll3A_941, %roll3A_943 : vector<4x32x128xi1>, vector<4x32x128xi32>
      %iota3A_952 = tpu.iota {dimensions = array<i32: 2>} : vector<4x32x128xi32>
      %and3A_953 = arith.constant 4 : i32
      %and3A_954 = vector.broadcast %and3A_953 : i32 to vector<4x32x128xi32>
      %and3A_955 = arith.andi %iota3A_952, %and3A_954 : vector<4x32x128xi32>
      %eq3A_956 = arith.constant 0 : i32
      %eq3A_957 = vector.broadcast %eq3A_956 : i32 to vector<4x32x128xi32>
      %eq3A_958 = arith.cmpi eq, %and3A_955, %eq3A_957 : vector<4x32x128xi32>
      %iota3A_959 = tpu.iota {dimensions = array<i32: 2>} : vector<4x32x128xi32>
      %and3A_960 = arith.constant 64 : i32
      %and3A_961 = vector.broadcast %and3A_960 : i32 to vector<4x32x128xi32>
      %and3A_962 = arith.andi %iota3A_959, %and3A_961 : vector<4x32x128xi32>
      %eq3A_963 = arith.constant 0 : i32
      %eq3A_964 = vector.broadcast %eq3A_963 : i32 to vector<4x32x128xi32>
      %eq3A_965 = arith.cmpi eq, %and3A_962, %eq3A_964 : vector<4x32x128xi32>
      %gt3A_966 = arith.cmpf ogt, %select_n3A_926, %select_n3A_939 : vector<4x32x128xf32>
      %eq3A_967 = arith.cmpf oeq, %select_n3A_926, %select_n3A_939 : vector<4x32x128xf32>
      %lt3A_968 = arith.cmpi slt, %select_n3A_927, %select_n3A_951 : vector<4x32x128xi32>
      %and3A_969 = arith.andi %eq3A_967, %lt3A_968 : vector<4x32x128xi1>
      %or3A_970 = arith.ori %gt3A_966, %and3A_969 : vector<4x32x128xi1>
      %eq3A_971 = arith.xori %eq3A_958, %eq3A_965 : vector<4x32x128xi1>
      %eq3A_972 = arith.constant dense<true> : vector<4x32x128xi1>
      %eq3A_973 = arith.xori %eq3A_971, %eq3A_972 : vector<4x32x128xi1>
      %eq3A_974 = arith.xori %or3A_970, %eq3A_973 : vector<4x32x128xi1>
      %eq3A_975 = arith.constant dense<true> : vector<4x32x128xi1>
      %eq3A_976 = arith.xori %eq3A_974, %eq3A_975 : vector<4x32x128xi1>
      %select_n3A_977 = arith.select %eq3A_976, %select_n3A_926, %select_n3A_939 : vector<4x32x128xi1>, vector<4x32x128xf32>
      %select_n3A_978 = arith.select %eq3A_976, %select_n3A_927, %select_n3A_951 : vector<4x32x128xi1>, vector<4x32x128xi32>
      %roll3A_979 = arith.constant 126 : i32
      %roll3A_980 = tpu.dynamic_rotate %select_n3A_977 by %roll3A_979 dim 2 : vector<4x32x128xf32>, i32 -> vector<4x32x128xf32>
      %roll3A_981 = arith.constant 2 : i32
      %roll3A_982 = tpu.dynamic_rotate %select_n3A_977 by %roll3A_981 dim 2 : vector<4x32x128xf32>, i32 -> vector<4x32x128xf32>
      %iota3A_983 = tpu.iota {dimensions = array<i32: 2>} : vector<4x32x128xi32>
      %and3A_984 = arith.constant 2 : i32
      %and3A_985 = vector.broadcast %and3A_984 : i32 to vector<4x32x128xi32>
      %and3A_986 = arith.andi %iota3A_983, %and3A_985 : vector<4x32x128xi32>
      %eq3A_987 = arith.constant 0 : i32
      %eq3A_988 = vector.broadcast %eq3A_987 : i32 to vector<4x32x128xi32>
      %eq3A_989 = arith.cmpi eq, %and3A_986, %eq3A_988 : vector<4x32x128xi32>
      %select_n3A_990 = arith.select %eq3A_989, %roll3A_980, %roll3A_982 : vector<4x32x128xi1>, vector<4x32x128xf32>
      %roll3A_991 = arith.constant 126 : i32
      %roll3A_992 = tpu.dynamic_rotate %select_n3A_978 by %roll3A_991 dim 2 : vector<4x32x128xi32>, i32 -> vector<4x32x128xi32>
      %roll3A_993 = arith.constant 2 : i32
      %roll3A_994 = tpu.dynamic_rotate %select_n3A_978 by %roll3A_993 dim 2 : vector<4x32x128xi32>, i32 -> vector<4x32x128xi32>
      %iota3A_995 = tpu.iota {dimensions = array<i32: 2>} : vector<4x32x128xi32>
      %and3A_996 = arith.constant 2 : i32
      %and3A_997 = vector.broadcast %and3A_996 : i32 to vector<4x32x128xi32>
      %and3A_998 = arith.andi %iota3A_995, %and3A_997 : vector<4x32x128xi32>
      %eq3A_999 = arith.constant 0 : i32
      %eq3A_1000 = vector.broadcast %eq3A_999 : i32 to vector<4x32x128xi32>
      %eq3A_1001 = arith.cmpi eq, %and3A_998, %eq3A_1000 : vector<4x32x128xi32>
      %select_n3A_1002 = arith.select %eq3A_1001, %roll3A_992, %roll3A_994 : vector<4x32x128xi1>, vector<4x32x128xi32>
      %iota3A_1003 = tpu.iota {dimensions = array<i32: 2>} : vector<4x32x128xi32>
      %and3A_1004 = arith.constant 2 : i32
      %and3A_1005 = vector.broadcast %and3A_1004 : i32 to vector<4x32x128xi32>
      %and3A_1006 = arith.andi %iota3A_1003, %and3A_1005 : vector<4x32x128xi32>
      %eq3A_1007 = arith.constant 0 : i32
      %eq3A_1008 = vector.broadcast %eq3A_1007 : i32 to vector<4x32x128xi32>
      %eq3A_1009 = arith.cmpi eq, %and3A_1006, %eq3A_1008 : vector<4x32x128xi32>
      %iota3A_1010 = tpu.iota {dimensions = array<i32: 2>} : vector<4x32x128xi32>
      %and3A_1011 = arith.constant 64 : i32
      %and3A_1012 = vector.broadcast %and3A_1011 : i32 to vector<4x32x128xi32>
      %and3A_1013 = arith.andi %iota3A_1010, %and3A_1012 : vector<4x32x128xi32>
      %eq3A_1014 = arith.constant 0 : i32
      %eq3A_1015 = vector.broadcast %eq3A_1014 : i32 to vector<4x32x128xi32>
      %eq3A_1016 = arith.cmpi eq, %and3A_1013, %eq3A_1015 : vector<4x32x128xi32>
      %gt3A_1017 = arith.cmpf ogt, %select_n3A_977, %select_n3A_990 : vector<4x32x128xf32>
      %eq3A_1018 = arith.cmpf oeq, %select_n3A_977, %select_n3A_990 : vector<4x32x128xf32>
      %lt3A_1019 = arith.cmpi slt, %select_n3A_978, %select_n3A_1002 : vector<4x32x128xi32>
      %and3A_1020 = arith.andi %eq3A_1018, %lt3A_1019 : vector<4x32x128xi1>
      %or3A_1021 = arith.ori %gt3A_1017, %and3A_1020 : vector<4x32x128xi1>
      %eq3A_1022 = arith.xori %eq3A_1009, %eq3A_1016 : vector<4x32x128xi1>
      %eq3A_1023 = arith.constant dense<true> : vector<4x32x128xi1>
      %eq3A_1024 = arith.xori %eq3A_1022, %eq3A_1023 : vector<4x32x128xi1>
      %eq3A_1025 = arith.xori %or3A_1021, %eq3A_1024 : vector<4x32x128xi1>
      %eq3A_1026 = arith.constant dense<true> : vector<4x32x128xi1>
      %eq3A_1027 = arith.xori %eq3A_1025, %eq3A_1026 : vector<4x32x128xi1>
      %select_n3A_1028 = arith.select %eq3A_1027, %select_n3A_977, %select_n3A_990 : vector<4x32x128xi1>, vector<4x32x128xf32>
      %select_n3A_1029 = arith.select %eq3A_1027, %select_n3A_978, %select_n3A_1002 : vector<4x32x128xi1>, vector<4x32x128xi32>
      %roll3A_1030 = arith.constant 127 : i32
      %roll3A_1031 = tpu.dynamic_rotate %select_n3A_1028 by %roll3A_1030 dim 2 : vector<4x32x128xf32>, i32 -> vector<4x32x128xf32>
      %roll3A_1032 = arith.constant 1 : i32
      %roll3A_1033 = tpu.dynamic_rotate %select_n3A_1028 by %roll3A_1032 dim 2 : vector<4x32x128xf32>, i32 -> vector<4x32x128xf32>
      %iota3A_1034 = tpu.iota {dimensions = array<i32: 2>} : vector<4x32x128xi32>
      %and3A_1035 = arith.constant 1 : i32
      %and3A_1036 = vector.broadcast %and3A_1035 : i32 to vector<4x32x128xi32>
      %and3A_1037 = arith.andi %iota3A_1034, %and3A_1036 : vector<4x32x128xi32>
      %eq3A_1038 = arith.constant 0 : i32
      %eq3A_1039 = vector.broadcast %eq3A_1038 : i32 to vector<4x32x128xi32>
      %eq3A_1040 = arith.cmpi eq, %and3A_1037, %eq3A_1039 : vector<4x32x128xi32>
      %select_n3A_1041 = arith.select %eq3A_1040, %roll3A_1031, %roll3A_1033 : vector<4x32x128xi1>, vector<4x32x128xf32>
      %roll3A_1042 = arith.constant 127 : i32
      %roll3A_1043 = tpu.dynamic_rotate %select_n3A_1029 by %roll3A_1042 dim 2 : vector<4x32x128xi32>, i32 -> vector<4x32x128xi32>
      %roll3A_1044 = arith.constant 1 : i32
      %roll3A_1045 = tpu.dynamic_rotate %select_n3A_1029 by %roll3A_1044 dim 2 : vector<4x32x128xi32>, i32 -> vector<4x32x128xi32>
      %iota3A_1046 = tpu.iota {dimensions = array<i32: 2>} : vector<4x32x128xi32>
      %and3A_1047 = arith.constant 1 : i32
      %and3A_1048 = vector.broadcast %and3A_1047 : i32 to vector<4x32x128xi32>
      %and3A_1049 = arith.andi %iota3A_1046, %and3A_1048 : vector<4x32x128xi32>
      %eq3A_1050 = arith.constant 0 : i32
      %eq3A_1051 = vector.broadcast %eq3A_1050 : i32 to vector<4x32x128xi32>
      %eq3A_1052 = arith.cmpi eq, %and3A_1049, %eq3A_1051 : vector<4x32x128xi32>
      %select_n3A_1053 = arith.select %eq3A_1052, %roll3A_1043, %roll3A_1045 : vector<4x32x128xi1>, vector<4x32x128xi32>
      %iota3A_1054 = tpu.iota {dimensions = array<i32: 2>} : vector<4x32x128xi32>
      %and3A_1055 = arith.constant 1 : i32
      %and3A_1056 = vector.broadcast %and3A_1055 : i32 to vector<4x32x128xi32>
      %and3A_1057 = arith.andi %iota3A_1054, %and3A_1056 : vector<4x32x128xi32>
      %eq3A_1058 = arith.constant 0 : i32
      %eq3A_1059 = vector.broadcast %eq3A_1058 : i32 to vector<4x32x128xi32>
      %eq3A_1060 = arith.cmpi eq, %and3A_1057, %eq3A_1059 : vector<4x32x128xi32>
      %iota3A_1061 = tpu.iota {dimensions = array<i32: 2>} : vector<4x32x128xi32>
      %and3A_1062 = arith.constant 64 : i32
      %and3A_1063 = vector.broadcast %and3A_1062 : i32 to vector<4x32x128xi32>
      %and3A_1064 = arith.andi %iota3A_1061, %and3A_1063 : vector<4x32x128xi32>
      %eq3A_1065 = arith.constant 0 : i32
      %eq3A_1066 = vector.broadcast %eq3A_1065 : i32 to vector<4x32x128xi32>
      %eq3A_1067 = arith.cmpi eq, %and3A_1064, %eq3A_1066 : vector<4x32x128xi32>
      %gt3A_1068 = arith.cmpf ogt, %select_n3A_1028, %select_n3A_1041 : vector<4x32x128xf32>
      %eq3A_1069 = arith.cmpf oeq, %select_n3A_1028, %select_n3A_1041 : vector<4x32x128xf32>
      %lt3A_1070 = arith.cmpi slt, %select_n3A_1029, %select_n3A_1053 : vector<4x32x128xi32>
      %and3A_1071 = arith.andi %eq3A_1069, %lt3A_1070 : vector<4x32x128xi1>
      %or3A_1072 = arith.ori %gt3A_1068, %and3A_1071 : vector<4x32x128xi1>
      %eq3A_1073 = arith.xori %eq3A_1060, %eq3A_1067 : vector<4x32x128xi1>
      %eq3A_1074 = arith.constant dense<true> : vector<4x32x128xi1>
      %eq3A_1075 = arith.xori %eq3A_1073, %eq3A_1074 : vector<4x32x128xi1>
      %eq3A_1076 = arith.xori %or3A_1072, %eq3A_1075 : vector<4x32x128xi1>
      %eq3A_1077 = arith.constant dense<true> : vector<4x32x128xi1>
      %eq3A_1078 = arith.xori %eq3A_1076, %eq3A_1077 : vector<4x32x128xi1>
      %select_n3A_1079 = arith.select %eq3A_1078, %select_n3A_1028, %select_n3A_1041 : vector<4x32x128xi1>, vector<4x32x128xf32>
      %select_n3A_1080 = arith.select %eq3A_1078, %select_n3A_1029, %select_n3A_1053 : vector<4x32x128xi1>, vector<4x32x128xi32>
      %roll3A_1081 = arith.constant 64 : i32
      %roll3A_1082 = tpu.dynamic_rotate %select_n3A_1079 by %roll3A_1081 dim 2 : vector<4x32x128xf32>, i32 -> vector<4x32x128xf32>
      %roll3A_1083 = arith.constant 64 : i32
      %roll3A_1084 = tpu.dynamic_rotate %select_n3A_1079 by %roll3A_1083 dim 2 : vector<4x32x128xf32>, i32 -> vector<4x32x128xf32>
      %iota3A_1085 = tpu.iota {dimensions = array<i32: 2>} : vector<4x32x128xi32>
      %and3A_1086 = arith.constant 64 : i32
      %and3A_1087 = vector.broadcast %and3A_1086 : i32 to vector<4x32x128xi32>
      %and3A_1088 = arith.andi %iota3A_1085, %and3A_1087 : vector<4x32x128xi32>
      %eq3A_1089 = arith.constant 0 : i32
      %eq3A_1090 = vector.broadcast %eq3A_1089 : i32 to vector<4x32x128xi32>
      %eq3A_1091 = arith.cmpi eq, %and3A_1088, %eq3A_1090 : vector<4x32x128xi32>
      %select_n3A_1092 = arith.select %eq3A_1091, %roll3A_1082, %roll3A_1084 : vector<4x32x128xi1>, vector<4x32x128xf32>
      %roll3A_1093 = arith.constant 64 : i32
      %roll3A_1094 = tpu.dynamic_rotate %select_n3A_1080 by %roll3A_1093 dim 2 : vector<4x32x128xi32>, i32 -> vector<4x32x128xi32>
      %roll3A_1095 = arith.constant 64 : i32
      %roll3A_1096 = tpu.dynamic_rotate %select_n3A_1080 by %roll3A_1095 dim 2 : vector<4x32x128xi32>, i32 -> vector<4x32x128xi32>
      %iota3A_1097 = tpu.iota {dimensions = array<i32: 2>} : vector<4x32x128xi32>
      %and3A_1098 = arith.constant 64 : i32
      %and3A_1099 = vector.broadcast %and3A_1098 : i32 to vector<4x32x128xi32>
      %and3A_1100 = arith.andi %iota3A_1097, %and3A_1099 : vector<4x32x128xi32>
      %eq3A_1101 = arith.constant 0 : i32
      %eq3A_1102 = vector.broadcast %eq3A_1101 : i32 to vector<4x32x128xi32>
      %eq3A_1103 = arith.cmpi eq, %and3A_1100, %eq3A_1102 : vector<4x32x128xi32>
      %select_n3A_1104 = arith.select %eq3A_1103, %roll3A_1094, %roll3A_1096 : vector<4x32x128xi1>, vector<4x32x128xi32>
      %iota3A_1105 = tpu.iota {dimensions = array<i32: 2>} : vector<4x32x128xi32>
      %and3A_1106 = arith.constant 64 : i32
      %and3A_1107 = vector.broadcast %and3A_1106 : i32 to vector<4x32x128xi32>
      %and3A_1108 = arith.andi %iota3A_1105, %and3A_1107 : vector<4x32x128xi32>
      %eq3A_1109 = arith.constant 0 : i32
      %eq3A_1110 = vector.broadcast %eq3A_1109 : i32 to vector<4x32x128xi32>
      %eq3A_1111 = arith.cmpi eq, %and3A_1108, %eq3A_1110 : vector<4x32x128xi32>
      %iota3A_1112 = tpu.iota {dimensions = array<i32: 1>} : vector<4x32x128xi32>
      %and3A_1113 = arith.constant 1 : i32
      %and3A_1114 = vector.broadcast %and3A_1113 : i32 to vector<4x32x128xi32>
      %and3A_1115 = arith.andi %iota3A_1112, %and3A_1114 : vector<4x32x128xi32>
      %eq3A_1116 = arith.constant 0 : i32
      %eq3A_1117 = vector.broadcast %eq3A_1116 : i32 to vector<4x32x128xi32>
      %eq3A_1118 = arith.cmpi eq, %and3A_1115, %eq3A_1117 : vector<4x32x128xi32>
      %gt3A_1119 = arith.cmpf ogt, %select_n3A_1079, %select_n3A_1092 : vector<4x32x128xf32>
      %eq3A_1120 = arith.cmpf oeq, %select_n3A_1079, %select_n3A_1092 : vector<4x32x128xf32>
      %lt3A_1121 = arith.cmpi slt, %select_n3A_1080, %select_n3A_1104 : vector<4x32x128xi32>
      %and3A_1122 = arith.andi %eq3A_1120, %lt3A_1121 : vector<4x32x128xi1>
      %or3A_1123 = arith.ori %gt3A_1119, %and3A_1122 : vector<4x32x128xi1>
      %eq3A_1124 = arith.xori %eq3A_1111, %eq3A_1118 : vector<4x32x128xi1>
      %eq3A_1125 = arith.constant dense<true> : vector<4x32x128xi1>
      %eq3A_1126 = arith.xori %eq3A_1124, %eq3A_1125 : vector<4x32x128xi1>
      %eq3A_1127 = arith.xori %or3A_1123, %eq3A_1126 : vector<4x32x128xi1>
      %eq3A_1128 = arith.constant dense<true> : vector<4x32x128xi1>
      %eq3A_1129 = arith.xori %eq3A_1127, %eq3A_1128 : vector<4x32x128xi1>
      %select_n3A_1130 = arith.select %eq3A_1129, %select_n3A_1079, %select_n3A_1092 : vector<4x32x128xi1>, vector<4x32x128xf32>
      %select_n3A_1131 = arith.select %eq3A_1129, %select_n3A_1080, %select_n3A_1104 : vector<4x32x128xi1>, vector<4x32x128xi32>
      %roll3A_1132 = arith.constant 96 : i32
      %roll3A_1133 = tpu.dynamic_rotate %select_n3A_1130 by %roll3A_1132 dim 2 : vector<4x32x128xf32>, i32 -> vector<4x32x128xf32>
      %roll3A_1134 = arith.constant 32 : i32
      %roll3A_1135 = tpu.dynamic_rotate %select_n3A_1130 by %roll3A_1134 dim 2 : vector<4x32x128xf32>, i32 -> vector<4x32x128xf32>
      %iota3A_1136 = tpu.iota {dimensions = array<i32: 2>} : vector<4x32x128xi32>
      %and3A_1137 = arith.constant 32 : i32
      %and3A_1138 = vector.broadcast %and3A_1137 : i32 to vector<4x32x128xi32>
      %and3A_1139 = arith.andi %iota3A_1136, %and3A_1138 : vector<4x32x128xi32>
      %eq3A_1140 = arith.constant 0 : i32
      %eq3A_1141 = vector.broadcast %eq3A_1140 : i32 to vector<4x32x128xi32>
      %eq3A_1142 = arith.cmpi eq, %and3A_1139, %eq3A_1141 : vector<4x32x128xi32>
      %select_n3A_1143 = arith.select %eq3A_1142, %roll3A_1133, %roll3A_1135 : vector<4x32x128xi1>, vector<4x32x128xf32>
      %roll3A_1144 = arith.constant 96 : i32
      %roll3A_1145 = tpu.dynamic_rotate %select_n3A_1131 by %roll3A_1144 dim 2 : vector<4x32x128xi32>, i32 -> vector<4x32x128xi32>
      %roll3A_1146 = arith.constant 32 : i32
      %roll3A_1147 = tpu.dynamic_rotate %select_n3A_1131 by %roll3A_1146 dim 2 : vector<4x32x128xi32>, i32 -> vector<4x32x128xi32>
      %iota3A_1148 = tpu.iota {dimensions = array<i32: 2>} : vector<4x32x128xi32>
      %and3A_1149 = arith.constant 32 : i32
      %and3A_1150 = vector.broadcast %and3A_1149 : i32 to vector<4x32x128xi32>
      %and3A_1151 = arith.andi %iota3A_1148, %and3A_1150 : vector<4x32x128xi32>
      %eq3A_1152 = arith.constant 0 : i32
      %eq3A_1153 = vector.broadcast %eq3A_1152 : i32 to vector<4x32x128xi32>
      %eq3A_1154 = arith.cmpi eq, %and3A_1151, %eq3A_1153 : vector<4x32x128xi32>
      %select_n3A_1155 = arith.select %eq3A_1154, %roll3A_1145, %roll3A_1147 : vector<4x32x128xi1>, vector<4x32x128xi32>
      %iota3A_1156 = tpu.iota {dimensions = array<i32: 2>} : vector<4x32x128xi32>
      %and3A_1157 = arith.constant 32 : i32
      %and3A_1158 = vector.broadcast %and3A_1157 : i32 to vector<4x32x128xi32>
      %and3A_1159 = arith.andi %iota3A_1156, %and3A_1158 : vector<4x32x128xi32>
      %eq3A_1160 = arith.constant 0 : i32
      %eq3A_1161 = vector.broadcast %eq3A_1160 : i32 to vector<4x32x128xi32>
      %eq3A_1162 = arith.cmpi eq, %and3A_1159, %eq3A_1161 : vector<4x32x128xi32>
      %iota3A_1163 = tpu.iota {dimensions = array<i32: 1>} : vector<4x32x128xi32>
      %and3A_1164 = arith.constant 1 : i32
      %and3A_1165 = vector.broadcast %and3A_1164 : i32 to vector<4x32x128xi32>
      %and3A_1166 = arith.andi %iota3A_1163, %and3A_1165 : vector<4x32x128xi32>
      %eq3A_1167 = arith.constant 0 : i32
      %eq3A_1168 = vector.broadcast %eq3A_1167 : i32 to vector<4x32x128xi32>
      %eq3A_1169 = arith.cmpi eq, %and3A_1166, %eq3A_1168 : vector<4x32x128xi32>
      %gt3A_1170 = arith.cmpf ogt, %select_n3A_1130, %select_n3A_1143 : vector<4x32x128xf32>
      %eq3A_1171 = arith.cmpf oeq, %select_n3A_1130, %select_n3A_1143 : vector<4x32x128xf32>
      %lt3A_1172 = arith.cmpi slt, %select_n3A_1131, %select_n3A_1155 : vector<4x32x128xi32>
      %and3A_1173 = arith.andi %eq3A_1171, %lt3A_1172 : vector<4x32x128xi1>
      %or3A_1174 = arith.ori %gt3A_1170, %and3A_1173 : vector<4x32x128xi1>
      %eq3A_1175 = arith.xori %eq3A_1162, %eq3A_1169 : vector<4x32x128xi1>
      %eq3A_1176 = arith.constant dense<true> : vector<4x32x128xi1>
      %eq3A_1177 = arith.xori %eq3A_1175, %eq3A_1176 : vector<4x32x128xi1>
      %eq3A_1178 = arith.xori %or3A_1174, %eq3A_1177 : vector<4x32x128xi1>
      %eq3A_1179 = arith.constant dense<true> : vector<4x32x128xi1>
      %eq3A_1180 = arith.xori %eq3A_1178, %eq3A_1179 : vector<4x32x128xi1>
      %select_n3A_1181 = arith.select %eq3A_1180, %select_n3A_1130, %select_n3A_1143 : vector<4x32x128xi1>, vector<4x32x128xf32>
      %select_n3A_1182 = arith.select %eq3A_1180, %select_n3A_1131, %select_n3A_1155 : vector<4x32x128xi1>, vector<4x32x128xi32>
      %roll3A_1183 = arith.constant 112 : i32
      %roll3A_1184 = tpu.dynamic_rotate %select_n3A_1181 by %roll3A_1183 dim 2 : vector<4x32x128xf32>, i32 -> vector<4x32x128xf32>
      %roll3A_1185 = arith.constant 16 : i32
      %roll3A_1186 = tpu.dynamic_rotate %select_n3A_1181 by %roll3A_1185 dim 2 : vector<4x32x128xf32>, i32 -> vector<4x32x128xf32>
      %iota3A_1187 = tpu.iota {dimensions = array<i32: 2>} : vector<4x32x128xi32>
      %and3A_1188 = arith.constant 16 : i32
      %and3A_1189 = vector.broadcast %and3A_1188 : i32 to vector<4x32x128xi32>
      %and3A_1190 = arith.andi %iota3A_1187, %and3A_1189 : vector<4x32x128xi32>
      %eq3A_1191 = arith.constant 0 : i32
      %eq3A_1192 = vector.broadcast %eq3A_1191 : i32 to vector<4x32x128xi32>
      %eq3A_1193 = arith.cmpi eq, %and3A_1190, %eq3A_1192 : vector<4x32x128xi32>
      %select_n3A_1194 = arith.select %eq3A_1193, %roll3A_1184, %roll3A_1186 : vector<4x32x128xi1>, vector<4x32x128xf32>
      %roll3A_1195 = arith.constant 112 : i32
      %roll3A_1196 = tpu.dynamic_rotate %select_n3A_1182 by %roll3A_1195 dim 2 : vector<4x32x128xi32>, i32 -> vector<4x32x128xi32>
      %roll3A_1197 = arith.constant 16 : i32
      %roll3A_1198 = tpu.dynamic_rotate %select_n3A_1182 by %roll3A_1197 dim 2 : vector<4x32x128xi32>, i32 -> vector<4x32x128xi32>
      %iota3A_1199 = tpu.iota {dimensions = array<i32: 2>} : vector<4x32x128xi32>
      %and3A_1200 = arith.constant 16 : i32
      %and3A_1201 = vector.broadcast %and3A_1200 : i32 to vector<4x32x128xi32>
      %and3A_1202 = arith.andi %iota3A_1199, %and3A_1201 : vector<4x32x128xi32>
      %eq3A_1203 = arith.constant 0 : i32
      %eq3A_1204 = vector.broadcast %eq3A_1203 : i32 to vector<4x32x128xi32>
      %eq3A_1205 = arith.cmpi eq, %and3A_1202, %eq3A_1204 : vector<4x32x128xi32>
      %select_n3A_1206 = arith.select %eq3A_1205, %roll3A_1196, %roll3A_1198 : vector<4x32x128xi1>, vector<4x32x128xi32>
      %iota3A_1207 = tpu.iota {dimensions = array<i32: 2>} : vector<4x32x128xi32>
      %and3A_1208 = arith.constant 16 : i32
      %and3A_1209 = vector.broadcast %and3A_1208 : i32 to vector<4x32x128xi32>
      %and3A_1210 = arith.andi %iota3A_1207, %and3A_1209 : vector<4x32x128xi32>
      %eq3A_1211 = arith.constant 0 : i32
      %eq3A_1212 = vector.broadcast %eq3A_1211 : i32 to vector<4x32x128xi32>
      %eq3A_1213 = arith.cmpi eq, %and3A_1210, %eq3A_1212 : vector<4x32x128xi32>
      %iota3A_1214 = tpu.iota {dimensions = array<i32: 1>} : vector<4x32x128xi32>
      %and3A_1215 = arith.constant 1 : i32
      %and3A_1216 = vector.broadcast %and3A_1215 : i32 to vector<4x32x128xi32>
      %and3A_1217 = arith.andi %iota3A_1214, %and3A_1216 : vector<4x32x128xi32>
      %eq3A_1218 = arith.constant 0 : i32
      %eq3A_1219 = vector.broadcast %eq3A_1218 : i32 to vector<4x32x128xi32>
      %eq3A_1220 = arith.cmpi eq, %and3A_1217, %eq3A_1219 : vector<4x32x128xi32>
      %gt3A_1221 = arith.cmpf ogt, %select_n3A_1181, %select_n3A_1194 : vector<4x32x128xf32>
      %eq3A_1222 = arith.cmpf oeq, %select_n3A_1181, %select_n3A_1194 : vector<4x32x128xf32>
      %lt3A_1223 = arith.cmpi slt, %select_n3A_1182, %select_n3A_1206 : vector<4x32x128xi32>
      %and3A_1224 = arith.andi %eq3A_1222, %lt3A_1223 : vector<4x32x128xi1>
      %or3A_1225 = arith.ori %gt3A_1221, %and3A_1224 : vector<4x32x128xi1>
      %eq3A_1226 = arith.xori %eq3A_1213, %eq3A_1220 : vector<4x32x128xi1>
      %eq3A_1227 = arith.constant dense<true> : vector<4x32x128xi1>
      %eq3A_1228 = arith.xori %eq3A_1226, %eq3A_1227 : vector<4x32x128xi1>
      %eq3A_1229 = arith.xori %or3A_1225, %eq3A_1228 : vector<4x32x128xi1>
      %eq3A_1230 = arith.constant dense<true> : vector<4x32x128xi1>
      %eq3A_1231 = arith.xori %eq3A_1229, %eq3A_1230 : vector<4x32x128xi1>
      %select_n3A_1232 = arith.select %eq3A_1231, %select_n3A_1181, %select_n3A_1194 : vector<4x32x128xi1>, vector<4x32x128xf32>
      %select_n3A_1233 = arith.select %eq3A_1231, %select_n3A_1182, %select_n3A_1206 : vector<4x32x128xi1>, vector<4x32x128xi32>
      %roll3A_1234 = arith.constant 120 : i32
      %roll3A_1235 = tpu.dynamic_rotate %select_n3A_1232 by %roll3A_1234 dim 2 : vector<4x32x128xf32>, i32 -> vector<4x32x128xf32>
      %roll3A_1236 = arith.constant 8 : i32
      %roll3A_1237 = tpu.dynamic_rotate %select_n3A_1232 by %roll3A_1236 dim 2 : vector<4x32x128xf32>, i32 -> vector<4x32x128xf32>
      %iota3A_1238 = tpu.iota {dimensions = array<i32: 2>} : vector<4x32x128xi32>
      %and3A_1239 = arith.constant 8 : i32
      %and3A_1240 = vector.broadcast %and3A_1239 : i32 to vector<4x32x128xi32>
      %and3A_1241 = arith.andi %iota3A_1238, %and3A_1240 : vector<4x32x128xi32>
      %eq3A_1242 = arith.constant 0 : i32
      %eq3A_1243 = vector.broadcast %eq3A_1242 : i32 to vector<4x32x128xi32>
      %eq3A_1244 = arith.cmpi eq, %and3A_1241, %eq3A_1243 : vector<4x32x128xi32>
      %select_n3A_1245 = arith.select %eq3A_1244, %roll3A_1235, %roll3A_1237 : vector<4x32x128xi1>, vector<4x32x128xf32>
      %roll3A_1246 = arith.constant 120 : i32
      %roll3A_1247 = tpu.dynamic_rotate %select_n3A_1233 by %roll3A_1246 dim 2 : vector<4x32x128xi32>, i32 -> vector<4x32x128xi32>
      %roll3A_1248 = arith.constant 8 : i32
      %roll3A_1249 = tpu.dynamic_rotate %select_n3A_1233 by %roll3A_1248 dim 2 : vector<4x32x128xi32>, i32 -> vector<4x32x128xi32>
      %iota3A_1250 = tpu.iota {dimensions = array<i32: 2>} : vector<4x32x128xi32>
      %and3A_1251 = arith.constant 8 : i32
      %and3A_1252 = vector.broadcast %and3A_1251 : i32 to vector<4x32x128xi32>
      %and3A_1253 = arith.andi %iota3A_1250, %and3A_1252 : vector<4x32x128xi32>
      %eq3A_1254 = arith.constant 0 : i32
      %eq3A_1255 = vector.broadcast %eq3A_1254 : i32 to vector<4x32x128xi32>
      %eq3A_1256 = arith.cmpi eq, %and3A_1253, %eq3A_1255 : vector<4x32x128xi32>
      %select_n3A_1257 = arith.select %eq3A_1256, %roll3A_1247, %roll3A_1249 : vector<4x32x128xi1>, vector<4x32x128xi32>
      %iota3A_1258 = tpu.iota {dimensions = array<i32: 2>} : vector<4x32x128xi32>
      %and3A_1259 = arith.constant 8 : i32
      %and3A_1260 = vector.broadcast %and3A_1259 : i32 to vector<4x32x128xi32>
      %and3A_1261 = arith.andi %iota3A_1258, %and3A_1260 : vector<4x32x128xi32>
      %eq3A_1262 = arith.constant 0 : i32
      %eq3A_1263 = vector.broadcast %eq3A_1262 : i32 to vector<4x32x128xi32>
      %eq3A_1264 = arith.cmpi eq, %and3A_1261, %eq3A_1263 : vector<4x32x128xi32>
      %iota3A_1265 = tpu.iota {dimensions = array<i32: 1>} : vector<4x32x128xi32>
      %and3A_1266 = arith.constant 1 : i32
      %and3A_1267 = vector.broadcast %and3A_1266 : i32 to vector<4x32x128xi32>
      %and3A_1268 = arith.andi %iota3A_1265, %and3A_1267 : vector<4x32x128xi32>
      %eq3A_1269 = arith.constant 0 : i32
      %eq3A_1270 = vector.broadcast %eq3A_1269 : i32 to vector<4x32x128xi32>
      %eq3A_1271 = arith.cmpi eq, %and3A_1268, %eq3A_1270 : vector<4x32x128xi32>
      %gt3A_1272 = arith.cmpf ogt, %select_n3A_1232, %select_n3A_1245 : vector<4x32x128xf32>
      %eq3A_1273 = arith.cmpf oeq, %select_n3A_1232, %select_n3A_1245 : vector<4x32x128xf32>
      %lt3A_1274 = arith.cmpi slt, %select_n3A_1233, %select_n3A_1257 : vector<4x32x128xi32>
      %and3A_1275 = arith.andi %eq3A_1273, %lt3A_1274 : vector<4x32x128xi1>
      %or3A_1276 = arith.ori %gt3A_1272, %and3A_1275 : vector<4x32x128xi1>
      %eq3A_1277 = arith.xori %eq3A_1264, %eq3A_1271 : vector<4x32x128xi1>
      %eq3A_1278 = arith.constant dense<true> : vector<4x32x128xi1>
      %eq3A_1279 = arith.xori %eq3A_1277, %eq3A_1278 : vector<4x32x128xi1>
      %eq3A_1280 = arith.xori %or3A_1276, %eq3A_1279 : vector<4x32x128xi1>
      %eq3A_1281 = arith.constant dense<true> : vector<4x32x128xi1>
      %eq3A_1282 = arith.xori %eq3A_1280, %eq3A_1281 : vector<4x32x128xi1>
      %select_n3A_1283 = arith.select %eq3A_1282, %select_n3A_1232, %select_n3A_1245 : vector<4x32x128xi1>, vector<4x32x128xf32>
      %select_n3A_1284 = arith.select %eq3A_1282, %select_n3A_1233, %select_n3A_1257 : vector<4x32x128xi1>, vector<4x32x128xi32>
      %roll3A_1285 = arith.constant 124 : i32
      %roll3A_1286 = tpu.dynamic_rotate %select_n3A_1283 by %roll3A_1285 dim 2 : vector<4x32x128xf32>, i32 -> vector<4x32x128xf32>
      %roll3A_1287 = arith.constant 4 : i32
      %roll3A_1288 = tpu.dynamic_rotate %select_n3A_1283 by %roll3A_1287 dim 2 : vector<4x32x128xf32>, i32 -> vector<4x32x128xf32>
      %iota3A_1289 = tpu.iota {dimensions = array<i32: 2>} : vector<4x32x128xi32>
      %and3A_1290 = arith.constant 4 : i32
      %and3A_1291 = vector.broadcast %and3A_1290 : i32 to vector<4x32x128xi32>
      %and3A_1292 = arith.andi %iota3A_1289, %and3A_1291 : vector<4x32x128xi32>
      %eq3A_1293 = arith.constant 0 : i32
      %eq3A_1294 = vector.broadcast %eq3A_1293 : i32 to vector<4x32x128xi32>
      %eq3A_1295 = arith.cmpi eq, %and3A_1292, %eq3A_1294 : vector<4x32x128xi32>
      %select_n3A_1296 = arith.select %eq3A_1295, %roll3A_1286, %roll3A_1288 : vector<4x32x128xi1>, vector<4x32x128xf32>
      %roll3A_1297 = arith.constant 124 : i32
      %roll3A_1298 = tpu.dynamic_rotate %select_n3A_1284 by %roll3A_1297 dim 2 : vector<4x32x128xi32>, i32 -> vector<4x32x128xi32>
      %roll3A_1299 = arith.constant 4 : i32
      %roll3A_1300 = tpu.dynamic_rotate %select_n3A_1284 by %roll3A_1299 dim 2 : vector<4x32x128xi32>, i32 -> vector<4x32x128xi32>
      %iota3A_1301 = tpu.iota {dimensions = array<i32: 2>} : vector<4x32x128xi32>
      %and3A_1302 = arith.constant 4 : i32
      %and3A_1303 = vector.broadcast %and3A_1302 : i32 to vector<4x32x128xi32>
      %and3A_1304 = arith.andi %iota3A_1301, %and3A_1303 : vector<4x32x128xi32>
      %eq3A_1305 = arith.constant 0 : i32
      %eq3A_1306 = vector.broadcast %eq3A_1305 : i32 to vector<4x32x128xi32>
      %eq3A_1307 = arith.cmpi eq, %and3A_1304, %eq3A_1306 : vector<4x32x128xi32>
      %select_n3A_1308 = arith.select %eq3A_1307, %roll3A_1298, %roll3A_1300 : vector<4x32x128xi1>, vector<4x32x128xi32>
      %iota3A_1309 = tpu.iota {dimensions = array<i32: 2>} : vector<4x32x128xi32>
      %and3A_1310 = arith.constant 4 : i32
      %and3A_1311 = vector.broadcast %and3A_1310 : i32 to vector<4x32x128xi32>
      %and3A_1312 = arith.andi %iota3A_1309, %and3A_1311 : vector<4x32x128xi32>
      %eq3A_1313 = arith.constant 0 : i32
      %eq3A_1314 = vector.broadcast %eq3A_1313 : i32 to vector<4x32x128xi32>
      %eq3A_1315 = arith.cmpi eq, %and3A_1312, %eq3A_1314 : vector<4x32x128xi32>
      %iota3A_1316 = tpu.iota {dimensions = array<i32: 1>} : vector<4x32x128xi32>
      %and3A_1317 = arith.constant 1 : i32
      %and3A_1318 = vector.broadcast %and3A_1317 : i32 to vector<4x32x128xi32>
      %and3A_1319 = arith.andi %iota3A_1316, %and3A_1318 : vector<4x32x128xi32>
      %eq3A_1320 = arith.constant 0 : i32
      %eq3A_1321 = vector.broadcast %eq3A_1320 : i32 to vector<4x32x128xi32>
      %eq3A_1322 = arith.cmpi eq, %and3A_1319, %eq3A_1321 : vector<4x32x128xi32>
      %gt3A_1323 = arith.cmpf ogt, %select_n3A_1283, %select_n3A_1296 : vector<4x32x128xf32>
      %eq3A_1324 = arith.cmpf oeq, %select_n3A_1283, %select_n3A_1296 : vector<4x32x128xf32>
      %lt3A_1325 = arith.cmpi slt, %select_n3A_1284, %select_n3A_1308 : vector<4x32x128xi32>
      %and3A_1326 = arith.andi %eq3A_1324, %lt3A_1325 : vector<4x32x128xi1>
      %or3A_1327 = arith.ori %gt3A_1323, %and3A_1326 : vector<4x32x128xi1>
      %eq3A_1328 = arith.xori %eq3A_1315, %eq3A_1322 : vector<4x32x128xi1>
      %eq3A_1329 = arith.constant dense<true> : vector<4x32x128xi1>
      %eq3A_1330 = arith.xori %eq3A_1328, %eq3A_1329 : vector<4x32x128xi1>
      %eq3A_1331 = arith.xori %or3A_1327, %eq3A_1330 : vector<4x32x128xi1>
      %eq3A_1332 = arith.constant dense<true> : vector<4x32x128xi1>
      %eq3A_1333 = arith.xori %eq3A_1331, %eq3A_1332 : vector<4x32x128xi1>
      %select_n3A_1334 = arith.select %eq3A_1333, %select_n3A_1283, %select_n3A_1296 : vector<4x32x128xi1>, vector<4x32x128xf32>
      %select_n3A_1335 = arith.select %eq3A_1333, %select_n3A_1284, %select_n3A_1308 : vector<4x32x128xi1>, vector<4x32x128xi32>
      %roll3A_1336 = arith.constant 126 : i32
      %roll3A_1337 = tpu.dynamic_rotate %select_n3A_1334 by %roll3A_1336 dim 2 : vector<4x32x128xf32>, i32 -> vector<4x32x128xf32>
      %roll3A_1338 = arith.constant 2 : i32
      %roll3A_1339 = tpu.dynamic_rotate %select_n3A_1334 by %roll3A_1338 dim 2 : vector<4x32x128xf32>, i32 -> vector<4x32x128xf32>
      %iota3A_1340 = tpu.iota {dimensions = array<i32: 2>} : vector<4x32x128xi32>
      %and3A_1341 = arith.constant 2 : i32
      %and3A_1342 = vector.broadcast %and3A_1341 : i32 to vector<4x32x128xi32>
      %and3A_1343 = arith.andi %iota3A_1340, %and3A_1342 : vector<4x32x128xi32>
      %eq3A_1344 = arith.constant 0 : i32
      %eq3A_1345 = vector.broadcast %eq3A_1344 : i32 to vector<4x32x128xi32>
      %eq3A_1346 = arith.cmpi eq, %and3A_1343, %eq3A_1345 : vector<4x32x128xi32>
      %select_n3A_1347 = arith.select %eq3A_1346, %roll3A_1337, %roll3A_1339 : vector<4x32x128xi1>, vector<4x32x128xf32>
      %roll3A_1348 = arith.constant 126 : i32
      %roll3A_1349 = tpu.dynamic_rotate %select_n3A_1335 by %roll3A_1348 dim 2 : vector<4x32x128xi32>, i32 -> vector<4x32x128xi32>
      %roll3A_1350 = arith.constant 2 : i32
      %roll3A_1351 = tpu.dynamic_rotate %select_n3A_1335 by %roll3A_1350 dim 2 : vector<4x32x128xi32>, i32 -> vector<4x32x128xi32>
      %iota3A_1352 = tpu.iota {dimensions = array<i32: 2>} : vector<4x32x128xi32>
      %and3A_1353 = arith.constant 2 : i32
      %and3A_1354 = vector.broadcast %and3A_1353 : i32 to vector<4x32x128xi32>
      %and3A_1355 = arith.andi %iota3A_1352, %and3A_1354 : vector<4x32x128xi32>
      %eq3A_1356 = arith.constant 0 : i32
      %eq3A_1357 = vector.broadcast %eq3A_1356 : i32 to vector<4x32x128xi32>
      %eq3A_1358 = arith.cmpi eq, %and3A_1355, %eq3A_1357 : vector<4x32x128xi32>
      %select_n3A_1359 = arith.select %eq3A_1358, %roll3A_1349, %roll3A_1351 : vector<4x32x128xi1>, vector<4x32x128xi32>
      %iota3A_1360 = tpu.iota {dimensions = array<i32: 2>} : vector<4x32x128xi32>
      %and3A_1361 = arith.constant 2 : i32
      %and3A_1362 = vector.broadcast %and3A_1361 : i32 to vector<4x32x128xi32>
      %and3A_1363 = arith.andi %iota3A_1360, %and3A_1362 : vector<4x32x128xi32>
      %eq3A_1364 = arith.constant 0 : i32
      %eq3A_1365 = vector.broadcast %eq3A_1364 : i32 to vector<4x32x128xi32>
      %eq3A_1366 = arith.cmpi eq, %and3A_1363, %eq3A_1365 : vector<4x32x128xi32>
      %iota3A_1367 = tpu.iota {dimensions = array<i32: 1>} : vector<4x32x128xi32>
      %and3A_1368 = arith.constant 1 : i32
      %and3A_1369 = vector.broadcast %and3A_1368 : i32 to vector<4x32x128xi32>
      %and3A_1370 = arith.andi %iota3A_1367, %and3A_1369 : vector<4x32x128xi32>
      %eq3A_1371 = arith.constant 0 : i32
      %eq3A_1372 = vector.broadcast %eq3A_1371 : i32 to vector<4x32x128xi32>
      %eq3A_1373 = arith.cmpi eq, %and3A_1370, %eq3A_1372 : vector<4x32x128xi32>
      %gt3A_1374 = arith.cmpf ogt, %select_n3A_1334, %select_n3A_1347 : vector<4x32x128xf32>
      %eq3A_1375 = arith.cmpf oeq, %select_n3A_1334, %select_n3A_1347 : vector<4x32x128xf32>
      %lt3A_1376 = arith.cmpi slt, %select_n3A_1335, %select_n3A_1359 : vector<4x32x128xi32>
      %and3A_1377 = arith.andi %eq3A_1375, %lt3A_1376 : vector<4x32x128xi1>
      %or3A_1378 = arith.ori %gt3A_1374, %and3A_1377 : vector<4x32x128xi1>
      %eq3A_1379 = arith.xori %eq3A_1366, %eq3A_1373 : vector<4x32x128xi1>
      %eq3A_1380 = arith.constant dense<true> : vector<4x32x128xi1>
      %eq3A_1381 = arith.xori %eq3A_1379, %eq3A_1380 : vector<4x32x128xi1>
      %eq3A_1382 = arith.xori %or3A_1378, %eq3A_1381 : vector<4x32x128xi1>
      %eq3A_1383 = arith.constant dense<true> : vector<4x32x128xi1>
      %eq3A_1384 = arith.xori %eq3A_1382, %eq3A_1383 : vector<4x32x128xi1>
      %select_n3A_1385 = arith.select %eq3A_1384, %select_n3A_1334, %select_n3A_1347 : vector<4x32x128xi1>, vector<4x32x128xf32>
      %select_n3A_1386 = arith.select %eq3A_1384, %select_n3A_1335, %select_n3A_1359 : vector<4x32x128xi1>, vector<4x32x128xi32>
      %roll3A_1387 = arith.constant 127 : i32
      %roll3A_1388 = tpu.dynamic_rotate %select_n3A_1385 by %roll3A_1387 dim 2 : vector<4x32x128xf32>, i32 -> vector<4x32x128xf32>
      %roll3A_1389 = arith.constant 1 : i32
      %roll3A_1390 = tpu.dynamic_rotate %select_n3A_1385 by %roll3A_1389 dim 2 : vector<4x32x128xf32>, i32 -> vector<4x32x128xf32>
      %iota3A_1391 = tpu.iota {dimensions = array<i32: 2>} : vector<4x32x128xi32>
      %and3A_1392 = arith.constant 1 : i32
      %and3A_1393 = vector.broadcast %and3A_1392 : i32 to vector<4x32x128xi32>
      %and3A_1394 = arith.andi %iota3A_1391, %and3A_1393 : vector<4x32x128xi32>
      %eq3A_1395 = arith.constant 0 : i32
      %eq3A_1396 = vector.broadcast %eq3A_1395 : i32 to vector<4x32x128xi32>
      %eq3A_1397 = arith.cmpi eq, %and3A_1394, %eq3A_1396 : vector<4x32x128xi32>
      %select_n3A_1398 = arith.select %eq3A_1397, %roll3A_1388, %roll3A_1390 : vector<4x32x128xi1>, vector<4x32x128xf32>
      %roll3A_1399 = arith.constant 127 : i32
      %roll3A_1400 = tpu.dynamic_rotate %select_n3A_1386 by %roll3A_1399 dim 2 : vector<4x32x128xi32>, i32 -> vector<4x32x128xi32>
      %roll3A_1401 = arith.constant 1 : i32
      %roll3A_1402 = tpu.dynamic_rotate %select_n3A_1386 by %roll3A_1401 dim 2 : vector<4x32x128xi32>, i32 -> vector<4x32x128xi32>
      %iota3A_1403 = tpu.iota {dimensions = array<i32: 2>} : vector<4x32x128xi32>
      %and3A_1404 = arith.constant 1 : i32
      %and3A_1405 = vector.broadcast %and3A_1404 : i32 to vector<4x32x128xi32>
      %and3A_1406 = arith.andi %iota3A_1403, %and3A_1405 : vector<4x32x128xi32>
      %eq3A_1407 = arith.constant 0 : i32
      %eq3A_1408 = vector.broadcast %eq3A_1407 : i32 to vector<4x32x128xi32>
      %eq3A_1409 = arith.cmpi eq, %and3A_1406, %eq3A_1408 : vector<4x32x128xi32>
      %select_n3A_1410 = arith.select %eq3A_1409, %roll3A_1400, %roll3A_1402 : vector<4x32x128xi1>, vector<4x32x128xi32>
      %iota3A_1411 = tpu.iota {dimensions = array<i32: 2>} : vector<4x32x128xi32>
      %and3A_1412 = arith.constant 1 : i32
      %and3A_1413 = vector.broadcast %and3A_1412 : i32 to vector<4x32x128xi32>
      %and3A_1414 = arith.andi %iota3A_1411, %and3A_1413 : vector<4x32x128xi32>
      %eq3A_1415 = arith.constant 0 : i32
      %eq3A_1416 = vector.broadcast %eq3A_1415 : i32 to vector<4x32x128xi32>
      %eq3A_1417 = arith.cmpi eq, %and3A_1414, %eq3A_1416 : vector<4x32x128xi32>
      %iota3A_1418 = tpu.iota {dimensions = array<i32: 1>} : vector<4x32x128xi32>
      %and3A_1419 = arith.constant 1 : i32
      %and3A_1420 = vector.broadcast %and3A_1419 : i32 to vector<4x32x128xi32>
      %and3A_1421 = arith.andi %iota3A_1418, %and3A_1420 : vector<4x32x128xi32>
      %eq3A_1422 = arith.constant 0 : i32
      %eq3A_1423 = vector.broadcast %eq3A_1422 : i32 to vector<4x32x128xi32>
      %eq3A_1424 = arith.cmpi eq, %and3A_1421, %eq3A_1423 : vector<4x32x128xi32>
      %gt3A_1425 = arith.cmpf ogt, %select_n3A_1385, %select_n3A_1398 : vector<4x32x128xf32>
      %eq3A_1426 = arith.cmpf oeq, %select_n3A_1385, %select_n3A_1398 : vector<4x32x128xf32>
      %lt3A_1427 = arith.cmpi slt, %select_n3A_1386, %select_n3A_1410 : vector<4x32x128xi32>
      %and3A_1428 = arith.andi %eq3A_1426, %lt3A_1427 : vector<4x32x128xi1>
      %or3A_1429 = arith.ori %gt3A_1425, %and3A_1428 : vector<4x32x128xi1>
      %eq3A_1430 = arith.xori %eq3A_1417, %eq3A_1424 : vector<4x32x128xi1>
      %eq3A_1431 = arith.constant dense<true> : vector<4x32x128xi1>
      %eq3A_1432 = arith.xori %eq3A_1430, %eq3A_1431 : vector<4x32x128xi1>
      %eq3A_1433 = arith.xori %or3A_1429, %eq3A_1432 : vector<4x32x128xi1>
      %eq3A_1434 = arith.constant dense<true> : vector<4x32x128xi1>
      %eq3A_1435 = arith.xori %eq3A_1433, %eq3A_1434 : vector<4x32x128xi1>
      %select_n3A_1436 = arith.select %eq3A_1435, %select_n3A_1385, %select_n3A_1398 : vector<4x32x128xi1>, vector<4x32x128xf32>
      %select_n3A_1437 = arith.select %eq3A_1435, %select_n3A_1386, %select_n3A_1410 : vector<4x32x128xi1>, vector<4x32x128xi32>
      %reshape3A = vector.shape_cast %select_n3A_1436 : vector<4x32x128xf32> to vector<4x16x2x1x128xf32>
      %slice3A = vector.extract_strided_slice %reshape3A {offsets = [0, 0, 1, 0, 0], sizes = [4, 16, 1, 1, 128], strides = [1, 1, 1, 1, 1]} : vector<4x16x2x1x128xf32> to vector<4x16x1x1x128xf32>
      %slice3A_1438 = vector.extract_strided_slice %reshape3A {offsets = [0, 0, 0, 0, 0], sizes = [4, 16, 1, 1, 128], strides = [1, 1, 1, 1, 1]} : vector<4x16x2x1x128xf32> to vector<4x16x1x1x128xf32>
      %concatenate3A = tpu.concatenate %slice3A, %slice3A_1438 in 2 : vector<4x16x1x1x128xf32>, vector<4x16x1x1x128xf32> -> vector<4x16x2x1x128xf32>
      %reshape3A_1439 = vector.shape_cast %concatenate3A : vector<4x16x2x1x128xf32> to vector<4x32x128xf32>
      %reshape3A_1440 = vector.shape_cast %select_n3A_1437 : vector<4x32x128xi32> to vector<4x16x2x1x128xi32>
      %slice3A_1441 = vector.extract_strided_slice %reshape3A_1440 {offsets = [0, 0, 1, 0, 0], sizes = [4, 16, 1, 1, 128], strides = [1, 1, 1, 1, 1]} : vector<4x16x2x1x128xi32> to vector<4x16x1x1x128xi32>
      %slice3A_1442 = vector.extract_strided_slice %reshape3A_1440 {offsets = [0, 0, 0, 0, 0], sizes = [4, 16, 1, 1, 128], strides = [1, 1, 1, 1, 1]} : vector<4x16x2x1x128xi32> to vector<4x16x1x1x128xi32>
      %concatenate3A_1443 = tpu.concatenate %slice3A_1441, %slice3A_1442 in 2 : vector<4x16x1x1x128xi32>, vector<4x16x1x1x128xi32> -> vector<4x16x2x1x128xi32>
      %reshape3A_1444 = vector.shape_cast %concatenate3A_1443 : vector<4x16x2x1x128xi32> to vector<4x32x128xi32>
      %iota3A_1445 = tpu.iota {dimensions = array<i32: 1>} : vector<4x32x128xi32>
      %and3A_1446 = arith.constant 1 : i32
      %and3A_1447 = vector.broadcast %and3A_1446 : i32 to vector<4x32x128xi32>
      %and3A_1448 = arith.andi %iota3A_1445, %and3A_1447 : vector<4x32x128xi32>
      %eq3A_1449 = arith.constant 0 : i32
      %eq3A_1450 = vector.broadcast %eq3A_1449 : i32 to vector<4x32x128xi32>
      %eq3A_1451 = arith.cmpi eq, %and3A_1448, %eq3A_1450 : vector<4x32x128xi32>
      %iota3A_1452 = tpu.iota {dimensions = array<i32: 1>} : vector<4x32x128xi32>
      %and3A_1453 = arith.constant 2 : i32
      %and3A_1454 = vector.broadcast %and3A_1453 : i32 to vector<4x32x128xi32>
      %and3A_1455 = arith.andi %iota3A_1452, %and3A_1454 : vector<4x32x128xi32>
      %eq3A_1456 = arith.constant 0 : i32
      %eq3A_1457 = vector.broadcast %eq3A_1456 : i32 to vector<4x32x128xi32>
      %eq3A_1458 = arith.cmpi eq, %and3A_1455, %eq3A_1457 : vector<4x32x128xi32>
      %gt3A_1459 = arith.cmpf ogt, %select_n3A_1436, %reshape3A_1439 : vector<4x32x128xf32>
      %eq3A_1460 = arith.cmpf oeq, %select_n3A_1436, %reshape3A_1439 : vector<4x32x128xf32>
      %lt3A_1461 = arith.cmpi slt, %select_n3A_1437, %reshape3A_1444 : vector<4x32x128xi32>
      %and3A_1462 = arith.andi %eq3A_1460, %lt3A_1461 : vector<4x32x128xi1>
      %or3A_1463 = arith.ori %gt3A_1459, %and3A_1462 : vector<4x32x128xi1>
      %eq3A_1464 = arith.xori %eq3A_1451, %eq3A_1458 : vector<4x32x128xi1>
      %eq3A_1465 = arith.constant dense<true> : vector<4x32x128xi1>
      %eq3A_1466 = arith.xori %eq3A_1464, %eq3A_1465 : vector<4x32x128xi1>
      %eq3A_1467 = arith.xori %or3A_1463, %eq3A_1466 : vector<4x32x128xi1>
      %eq3A_1468 = arith.constant dense<true> : vector<4x32x128xi1>
      %eq3A_1469 = arith.xori %eq3A_1467, %eq3A_1468 : vector<4x32x128xi1>
      %select_n3A_1470 = arith.select %eq3A_1469, %select_n3A_1436, %reshape3A_1439 : vector<4x32x128xi1>, vector<4x32x128xf32>
      %select_n3A_1471 = arith.select %eq3A_1469, %select_n3A_1437, %reshape3A_1444 : vector<4x32x128xi1>, vector<4x32x128xi32>
      %roll3A_1472 = arith.constant 64 : i32
      %roll3A_1473 = tpu.dynamic_rotate %select_n3A_1470 by %roll3A_1472 dim 2 : vector<4x32x128xf32>, i32 -> vector<4x32x128xf32>
      %roll3A_1474 = arith.constant 64 : i32
      %roll3A_1475 = tpu.dynamic_rotate %select_n3A_1470 by %roll3A_1474 dim 2 : vector<4x32x128xf32>, i32 -> vector<4x32x128xf32>
      %iota3A_1476 = tpu.iota {dimensions = array<i32: 2>} : vector<4x32x128xi32>
      %and3A_1477 = arith.constant 64 : i32
      %and3A_1478 = vector.broadcast %and3A_1477 : i32 to vector<4x32x128xi32>
      %and3A_1479 = arith.andi %iota3A_1476, %and3A_1478 : vector<4x32x128xi32>
      %eq3A_1480 = arith.constant 0 : i32
      %eq3A_1481 = vector.broadcast %eq3A_1480 : i32 to vector<4x32x128xi32>
      %eq3A_1482 = arith.cmpi eq, %and3A_1479, %eq3A_1481 : vector<4x32x128xi32>
      %select_n3A_1483 = arith.select %eq3A_1482, %roll3A_1473, %roll3A_1475 : vector<4x32x128xi1>, vector<4x32x128xf32>
      %roll3A_1484 = arith.constant 64 : i32
      %roll3A_1485 = tpu.dynamic_rotate %select_n3A_1471 by %roll3A_1484 dim 2 : vector<4x32x128xi32>, i32 -> vector<4x32x128xi32>
      %roll3A_1486 = arith.constant 64 : i32
      %roll3A_1487 = tpu.dynamic_rotate %select_n3A_1471 by %roll3A_1486 dim 2 : vector<4x32x128xi32>, i32 -> vector<4x32x128xi32>
      %iota3A_1488 = tpu.iota {dimensions = array<i32: 2>} : vector<4x32x128xi32>
      %and3A_1489 = arith.constant 64 : i32
      %and3A_1490 = vector.broadcast %and3A_1489 : i32 to vector<4x32x128xi32>
      %and3A_1491 = arith.andi %iota3A_1488, %and3A_1490 : vector<4x32x128xi32>
      %eq3A_1492 = arith.constant 0 : i32
      %eq3A_1493 = vector.broadcast %eq3A_1492 : i32 to vector<4x32x128xi32>
      %eq3A_1494 = arith.cmpi eq, %and3A_1491, %eq3A_1493 : vector<4x32x128xi32>
      %select_n3A_1495 = arith.select %eq3A_1494, %roll3A_1485, %roll3A_1487 : vector<4x32x128xi1>, vector<4x32x128xi32>
      %iota3A_1496 = tpu.iota {dimensions = array<i32: 2>} : vector<4x32x128xi32>
      %and3A_1497 = arith.constant 64 : i32
      %and3A_1498 = vector.broadcast %and3A_1497 : i32 to vector<4x32x128xi32>
      %and3A_1499 = arith.andi %iota3A_1496, %and3A_1498 : vector<4x32x128xi32>
      %eq3A_1500 = arith.constant 0 : i32
      %eq3A_1501 = vector.broadcast %eq3A_1500 : i32 to vector<4x32x128xi32>
      %eq3A_1502 = arith.cmpi eq, %and3A_1499, %eq3A_1501 : vector<4x32x128xi32>
      %iota3A_1503 = tpu.iota {dimensions = array<i32: 1>} : vector<4x32x128xi32>
      %and3A_1504 = arith.constant 2 : i32
      %and3A_1505 = vector.broadcast %and3A_1504 : i32 to vector<4x32x128xi32>
      %and3A_1506 = arith.andi %iota3A_1503, %and3A_1505 : vector<4x32x128xi32>
      %eq3A_1507 = arith.constant 0 : i32
      %eq3A_1508 = vector.broadcast %eq3A_1507 : i32 to vector<4x32x128xi32>
      %eq3A_1509 = arith.cmpi eq, %and3A_1506, %eq3A_1508 : vector<4x32x128xi32>
      %gt3A_1510 = arith.cmpf ogt, %select_n3A_1470, %select_n3A_1483 : vector<4x32x128xf32>
      %eq3A_1511 = arith.cmpf oeq, %select_n3A_1470, %select_n3A_1483 : vector<4x32x128xf32>
      %lt3A_1512 = arith.cmpi slt, %select_n3A_1471, %select_n3A_1495 : vector<4x32x128xi32>
      %and3A_1513 = arith.andi %eq3A_1511, %lt3A_1512 : vector<4x32x128xi1>
      %or3A_1514 = arith.ori %gt3A_1510, %and3A_1513 : vector<4x32x128xi1>
      %eq3A_1515 = arith.xori %eq3A_1502, %eq3A_1509 : vector<4x32x128xi1>
      %eq3A_1516 = arith.constant dense<true> : vector<4x32x128xi1>
      %eq3A_1517 = arith.xori %eq3A_1515, %eq3A_1516 : vector<4x32x128xi1>
      %eq3A_1518 = arith.xori %or3A_1514, %eq3A_1517 : vector<4x32x128xi1>
      %eq3A_1519 = arith.constant dense<true> : vector<4x32x128xi1>
      %eq3A_1520 = arith.xori %eq3A_1518, %eq3A_1519 : vector<4x32x128xi1>
      %select_n3A_1521 = arith.select %eq3A_1520, %select_n3A_1470, %select_n3A_1483 : vector<4x32x128xi1>, vector<4x32x128xf32>
      %select_n3A_1522 = arith.select %eq3A_1520, %select_n3A_1471, %select_n3A_1495 : vector<4x32x128xi1>, vector<4x32x128xi32>
      %roll3A_1523 = arith.constant 96 : i32
      %roll3A_1524 = tpu.dynamic_rotate %select_n3A_1521 by %roll3A_1523 dim 2 : vector<4x32x128xf32>, i32 -> vector<4x32x128xf32>
      %roll3A_1525 = arith.constant 32 : i32
      %roll3A_1526 = tpu.dynamic_rotate %select_n3A_1521 by %roll3A_1525 dim 2 : vector<4x32x128xf32>, i32 -> vector<4x32x128xf32>
      %iota3A_1527 = tpu.iota {dimensions = array<i32: 2>} : vector<4x32x128xi32>
      %and3A_1528 = arith.constant 32 : i32
      %and3A_1529 = vector.broadcast %and3A_1528 : i32 to vector<4x32x128xi32>
      %and3A_1530 = arith.andi %iota3A_1527, %and3A_1529 : vector<4x32x128xi32>
      %eq3A_1531 = arith.constant 0 : i32
      %eq3A_1532 = vector.broadcast %eq3A_1531 : i32 to vector<4x32x128xi32>
      %eq3A_1533 = arith.cmpi eq, %and3A_1530, %eq3A_1532 : vector<4x32x128xi32>
      %select_n3A_1534 = arith.select %eq3A_1533, %roll3A_1524, %roll3A_1526 : vector<4x32x128xi1>, vector<4x32x128xf32>
      %roll3A_1535 = arith.constant 96 : i32
      %roll3A_1536 = tpu.dynamic_rotate %select_n3A_1522 by %roll3A_1535 dim 2 : vector<4x32x128xi32>, i32 -> vector<4x32x128xi32>
      %roll3A_1537 = arith.constant 32 : i32
      %roll3A_1538 = tpu.dynamic_rotate %select_n3A_1522 by %roll3A_1537 dim 2 : vector<4x32x128xi32>, i32 -> vector<4x32x128xi32>
      %iota3A_1539 = tpu.iota {dimensions = array<i32: 2>} : vector<4x32x128xi32>
      %and3A_1540 = arith.constant 32 : i32
      %and3A_1541 = vector.broadcast %and3A_1540 : i32 to vector<4x32x128xi32>
      %and3A_1542 = arith.andi %iota3A_1539, %and3A_1541 : vector<4x32x128xi32>
      %eq3A_1543 = arith.constant 0 : i32
      %eq3A_1544 = vector.broadcast %eq3A_1543 : i32 to vector<4x32x128xi32>
      %eq3A_1545 = arith.cmpi eq, %and3A_1542, %eq3A_1544 : vector<4x32x128xi32>
      %select_n3A_1546 = arith.select %eq3A_1545, %roll3A_1536, %roll3A_1538 : vector<4x32x128xi1>, vector<4x32x128xi32>
      %iota3A_1547 = tpu.iota {dimensions = array<i32: 2>} : vector<4x32x128xi32>
      %and3A_1548 = arith.constant 32 : i32
      %and3A_1549 = vector.broadcast %and3A_1548 : i32 to vector<4x32x128xi32>
      %and3A_1550 = arith.andi %iota3A_1547, %and3A_1549 : vector<4x32x128xi32>
      %eq3A_1551 = arith.constant 0 : i32
      %eq3A_1552 = vector.broadcast %eq3A_1551 : i32 to vector<4x32x128xi32>
      %eq3A_1553 = arith.cmpi eq, %and3A_1550, %eq3A_1552 : vector<4x32x128xi32>
      %iota3A_1554 = tpu.iota {dimensions = array<i32: 1>} : vector<4x32x128xi32>
      %and3A_1555 = arith.constant 2 : i32
      %and3A_1556 = vector.broadcast %and3A_1555 : i32 to vector<4x32x128xi32>
      %and3A_1557 = arith.andi %iota3A_1554, %and3A_1556 : vector<4x32x128xi32>
      %eq3A_1558 = arith.constant 0 : i32
      %eq3A_1559 = vector.broadcast %eq3A_1558 : i32 to vector<4x32x128xi32>
      %eq3A_1560 = arith.cmpi eq, %and3A_1557, %eq3A_1559 : vector<4x32x128xi32>
      %gt3A_1561 = arith.cmpf ogt, %select_n3A_1521, %select_n3A_1534 : vector<4x32x128xf32>
      %eq3A_1562 = arith.cmpf oeq, %select_n3A_1521, %select_n3A_1534 : vector<4x32x128xf32>
      %lt3A_1563 = arith.cmpi slt, %select_n3A_1522, %select_n3A_1546 : vector<4x32x128xi32>
      %and3A_1564 = arith.andi %eq3A_1562, %lt3A_1563 : vector<4x32x128xi1>
      %or3A_1565 = arith.ori %gt3A_1561, %and3A_1564 : vector<4x32x128xi1>
      %eq3A_1566 = arith.xori %eq3A_1553, %eq3A_1560 : vector<4x32x128xi1>
      %eq3A_1567 = arith.constant dense<true> : vector<4x32x128xi1>
      %eq3A_1568 = arith.xori %eq3A_1566, %eq3A_1567 : vector<4x32x128xi1>
      %eq3A_1569 = arith.xori %or3A_1565, %eq3A_1568 : vector<4x32x128xi1>
      %eq3A_1570 = arith.constant dense<true> : vector<4x32x128xi1>
      %eq3A_1571 = arith.xori %eq3A_1569, %eq3A_1570 : vector<4x32x128xi1>
      %select_n3A_1572 = arith.select %eq3A_1571, %select_n3A_1521, %select_n3A_1534 : vector<4x32x128xi1>, vector<4x32x128xf32>
      %select_n3A_1573 = arith.select %eq3A_1571, %select_n3A_1522, %select_n3A_1546 : vector<4x32x128xi1>, vector<4x32x128xi32>
      %roll3A_1574 = arith.constant 112 : i32
      %roll3A_1575 = tpu.dynamic_rotate %select_n3A_1572 by %roll3A_1574 dim 2 : vector<4x32x128xf32>, i32 -> vector<4x32x128xf32>
      %roll3A_1576 = arith.constant 16 : i32
      %roll3A_1577 = tpu.dynamic_rotate %select_n3A_1572 by %roll3A_1576 dim 2 : vector<4x32x128xf32>, i32 -> vector<4x32x128xf32>
      %iota3A_1578 = tpu.iota {dimensions = array<i32: 2>} : vector<4x32x128xi32>
      %and3A_1579 = arith.constant 16 : i32
      %and3A_1580 = vector.broadcast %and3A_1579 : i32 to vector<4x32x128xi32>
      %and3A_1581 = arith.andi %iota3A_1578, %and3A_1580 : vector<4x32x128xi32>
      %eq3A_1582 = arith.constant 0 : i32
      %eq3A_1583 = vector.broadcast %eq3A_1582 : i32 to vector<4x32x128xi32>
      %eq3A_1584 = arith.cmpi eq, %and3A_1581, %eq3A_1583 : vector<4x32x128xi32>
      %select_n3A_1585 = arith.select %eq3A_1584, %roll3A_1575, %roll3A_1577 : vector<4x32x128xi1>, vector<4x32x128xf32>
      %roll3A_1586 = arith.constant 112 : i32
      %roll3A_1587 = tpu.dynamic_rotate %select_n3A_1573 by %roll3A_1586 dim 2 : vector<4x32x128xi32>, i32 -> vector<4x32x128xi32>
      %roll3A_1588 = arith.constant 16 : i32
      %roll3A_1589 = tpu.dynamic_rotate %select_n3A_1573 by %roll3A_1588 dim 2 : vector<4x32x128xi32>, i32 -> vector<4x32x128xi32>
      %iota3A_1590 = tpu.iota {dimensions = array<i32: 2>} : vector<4x32x128xi32>
      %and3A_1591 = arith.constant 16 : i32
      %and3A_1592 = vector.broadcast %and3A_1591 : i32 to vector<4x32x128xi32>
      %and3A_1593 = arith.andi %iota3A_1590, %and3A_1592 : vector<4x32x128xi32>
      %eq3A_1594 = arith.constant 0 : i32
      %eq3A_1595 = vector.broadcast %eq3A_1594 : i32 to vector<4x32x128xi32>
      %eq3A_1596 = arith.cmpi eq, %and3A_1593, %eq3A_1595 : vector<4x32x128xi32>
      %select_n3A_1597 = arith.select %eq3A_1596, %roll3A_1587, %roll3A_1589 : vector<4x32x128xi1>, vector<4x32x128xi32>
      %iota3A_1598 = tpu.iota {dimensions = array<i32: 2>} : vector<4x32x128xi32>
      %and3A_1599 = arith.constant 16 : i32
      %and3A_1600 = vector.broadcast %and3A_1599 : i32 to vector<4x32x128xi32>
      %and3A_1601 = arith.andi %iota3A_1598, %and3A_1600 : vector<4x32x128xi32>
      %eq3A_1602 = arith.constant 0 : i32
      %eq3A_1603 = vector.broadcast %eq3A_1602 : i32 to vector<4x32x128xi32>
      %eq3A_1604 = arith.cmpi eq, %and3A_1601, %eq3A_1603 : vector<4x32x128xi32>
      %iota3A_1605 = tpu.iota {dimensions = array<i32: 1>} : vector<4x32x128xi32>
      %and3A_1606 = arith.constant 2 : i32
      %and3A_1607 = vector.broadcast %and3A_1606 : i32 to vector<4x32x128xi32>
      %and3A_1608 = arith.andi %iota3A_1605, %and3A_1607 : vector<4x32x128xi32>
      %eq3A_1609 = arith.constant 0 : i32
      %eq3A_1610 = vector.broadcast %eq3A_1609 : i32 to vector<4x32x128xi32>
      %eq3A_1611 = arith.cmpi eq, %and3A_1608, %eq3A_1610 : vector<4x32x128xi32>
      %gt3A_1612 = arith.cmpf ogt, %select_n3A_1572, %select_n3A_1585 : vector<4x32x128xf32>
      %eq3A_1613 = arith.cmpf oeq, %select_n3A_1572, %select_n3A_1585 : vector<4x32x128xf32>
      %lt3A_1614 = arith.cmpi slt, %select_n3A_1573, %select_n3A_1597 : vector<4x32x128xi32>
      %and3A_1615 = arith.andi %eq3A_1613, %lt3A_1614 : vector<4x32x128xi1>
      %or3A_1616 = arith.ori %gt3A_1612, %and3A_1615 : vector<4x32x128xi1>
      %eq3A_1617 = arith.xori %eq3A_1604, %eq3A_1611 : vector<4x32x128xi1>
      %eq3A_1618 = arith.constant dense<true> : vector<4x32x128xi1>
      %eq3A_1619 = arith.xori %eq3A_1617, %eq3A_1618 : vector<4x32x128xi1>
      %eq3A_1620 = arith.xori %or3A_1616, %eq3A_1619 : vector<4x32x128xi1>
      %eq3A_1621 = arith.constant dense<true> : vector<4x32x128xi1>
      %eq3A_1622 = arith.xori %eq3A_1620, %eq3A_1621 : vector<4x32x128xi1>
      %select_n3A_1623 = arith.select %eq3A_1622, %select_n3A_1572, %select_n3A_1585 : vector<4x32x128xi1>, vector<4x32x128xf32>
      %select_n3A_1624 = arith.select %eq3A_1622, %select_n3A_1573, %select_n3A_1597 : vector<4x32x128xi1>, vector<4x32x128xi32>
      %roll3A_1625 = arith.constant 120 : i32
      %roll3A_1626 = tpu.dynamic_rotate %select_n3A_1623 by %roll3A_1625 dim 2 : vector<4x32x128xf32>, i32 -> vector<4x32x128xf32>
      %roll3A_1627 = arith.constant 8 : i32
      %roll3A_1628 = tpu.dynamic_rotate %select_n3A_1623 by %roll3A_1627 dim 2 : vector<4x32x128xf32>, i32 -> vector<4x32x128xf32>
      %iota3A_1629 = tpu.iota {dimensions = array<i32: 2>} : vector<4x32x128xi32>
      %and3A_1630 = arith.constant 8 : i32
      %and3A_1631 = vector.broadcast %and3A_1630 : i32 to vector<4x32x128xi32>
      %and3A_1632 = arith.andi %iota3A_1629, %and3A_1631 : vector<4x32x128xi32>
      %eq3A_1633 = arith.constant 0 : i32
      %eq3A_1634 = vector.broadcast %eq3A_1633 : i32 to vector<4x32x128xi32>
      %eq3A_1635 = arith.cmpi eq, %and3A_1632, %eq3A_1634 : vector<4x32x128xi32>
      %select_n3A_1636 = arith.select %eq3A_1635, %roll3A_1626, %roll3A_1628 : vector<4x32x128xi1>, vector<4x32x128xf32>
      %roll3A_1637 = arith.constant 120 : i32
      %roll3A_1638 = tpu.dynamic_rotate %select_n3A_1624 by %roll3A_1637 dim 2 : vector<4x32x128xi32>, i32 -> vector<4x32x128xi32>
      %roll3A_1639 = arith.constant 8 : i32
      %roll3A_1640 = tpu.dynamic_rotate %select_n3A_1624 by %roll3A_1639 dim 2 : vector<4x32x128xi32>, i32 -> vector<4x32x128xi32>
      %iota3A_1641 = tpu.iota {dimensions = array<i32: 2>} : vector<4x32x128xi32>
      %and3A_1642 = arith.constant 8 : i32
      %and3A_1643 = vector.broadcast %and3A_1642 : i32 to vector<4x32x128xi32>
      %and3A_1644 = arith.andi %iota3A_1641, %and3A_1643 : vector<4x32x128xi32>
      %eq3A_1645 = arith.constant 0 : i32
      %eq3A_1646 = vector.broadcast %eq3A_1645 : i32 to vector<4x32x128xi32>
      %eq3A_1647 = arith.cmpi eq, %and3A_1644, %eq3A_1646 : vector<4x32x128xi32>
      %select_n3A_1648 = arith.select %eq3A_1647, %roll3A_1638, %roll3A_1640 : vector<4x32x128xi1>, vector<4x32x128xi32>
      %iota3A_1649 = tpu.iota {dimensions = array<i32: 2>} : vector<4x32x128xi32>
      %and3A_1650 = arith.constant 8 : i32
      %and3A_1651 = vector.broadcast %and3A_1650 : i32 to vector<4x32x128xi32>
      %and3A_1652 = arith.andi %iota3A_1649, %and3A_1651 : vector<4x32x128xi32>
      %eq3A_1653 = arith.constant 0 : i32
      %eq3A_1654 = vector.broadcast %eq3A_1653 : i32 to vector<4x32x128xi32>
      %eq3A_1655 = arith.cmpi eq, %and3A_1652, %eq3A_1654 : vector<4x32x128xi32>
      %iota3A_1656 = tpu.iota {dimensions = array<i32: 1>} : vector<4x32x128xi32>
      %and3A_1657 = arith.constant 2 : i32
      %and3A_1658 = vector.broadcast %and3A_1657 : i32 to vector<4x32x128xi32>
      %and3A_1659 = arith.andi %iota3A_1656, %and3A_1658 : vector<4x32x128xi32>
      %eq3A_1660 = arith.constant 0 : i32
      %eq3A_1661 = vector.broadcast %eq3A_1660 : i32 to vector<4x32x128xi32>
      %eq3A_1662 = arith.cmpi eq, %and3A_1659, %eq3A_1661 : vector<4x32x128xi32>
      %gt3A_1663 = arith.cmpf ogt, %select_n3A_1623, %select_n3A_1636 : vector<4x32x128xf32>
      %eq3A_1664 = arith.cmpf oeq, %select_n3A_1623, %select_n3A_1636 : vector<4x32x128xf32>
      %lt3A_1665 = arith.cmpi slt, %select_n3A_1624, %select_n3A_1648 : vector<4x32x128xi32>
      %and3A_1666 = arith.andi %eq3A_1664, %lt3A_1665 : vector<4x32x128xi1>
      %or3A_1667 = arith.ori %gt3A_1663, %and3A_1666 : vector<4x32x128xi1>
      %eq3A_1668 = arith.xori %eq3A_1655, %eq3A_1662 : vector<4x32x128xi1>
      %eq3A_1669 = arith.constant dense<true> : vector<4x32x128xi1>
      %eq3A_1670 = arith.xori %eq3A_1668, %eq3A_1669 : vector<4x32x128xi1>
      %eq3A_1671 = arith.xori %or3A_1667, %eq3A_1670 : vector<4x32x128xi1>
      %eq3A_1672 = arith.constant dense<true> : vector<4x32x128xi1>
      %eq3A_1673 = arith.xori %eq3A_1671, %eq3A_1672 : vector<4x32x128xi1>
      %select_n3A_1674 = arith.select %eq3A_1673, %select_n3A_1623, %select_n3A_1636 : vector<4x32x128xi1>, vector<4x32x128xf32>
      %select_n3A_1675 = arith.select %eq3A_1673, %select_n3A_1624, %select_n3A_1648 : vector<4x32x128xi1>, vector<4x32x128xi32>
      %roll3A_1676 = arith.constant 124 : i32
      %roll3A_1677 = tpu.dynamic_rotate %select_n3A_1674 by %roll3A_1676 dim 2 : vector<4x32x128xf32>, i32 -> vector<4x32x128xf32>
      %roll3A_1678 = arith.constant 4 : i32
      %roll3A_1679 = tpu.dynamic_rotate %select_n3A_1674 by %roll3A_1678 dim 2 : vector<4x32x128xf32>, i32 -> vector<4x32x128xf32>
      %iota3A_1680 = tpu.iota {dimensions = array<i32: 2>} : vector<4x32x128xi32>
      %and3A_1681 = arith.constant 4 : i32
      %and3A_1682 = vector.broadcast %and3A_1681 : i32 to vector<4x32x128xi32>
      %and3A_1683 = arith.andi %iota3A_1680, %and3A_1682 : vector<4x32x128xi32>
      %eq3A_1684 = arith.constant 0 : i32
      %eq3A_1685 = vector.broadcast %eq3A_1684 : i32 to vector<4x32x128xi32>
      %eq3A_1686 = arith.cmpi eq, %and3A_1683, %eq3A_1685 : vector<4x32x128xi32>
      %select_n3A_1687 = arith.select %eq3A_1686, %roll3A_1677, %roll3A_1679 : vector<4x32x128xi1>, vector<4x32x128xf32>
      %roll3A_1688 = arith.constant 124 : i32
      %roll3A_1689 = tpu.dynamic_rotate %select_n3A_1675 by %roll3A_1688 dim 2 : vector<4x32x128xi32>, i32 -> vector<4x32x128xi32>
      %roll3A_1690 = arith.constant 4 : i32
      %roll3A_1691 = tpu.dynamic_rotate %select_n3A_1675 by %roll3A_1690 dim 2 : vector<4x32x128xi32>, i32 -> vector<4x32x128xi32>
      %iota3A_1692 = tpu.iota {dimensions = array<i32: 2>} : vector<4x32x128xi32>
      %and3A_1693 = arith.constant 4 : i32
      %and3A_1694 = vector.broadcast %and3A_1693 : i32 to vector<4x32x128xi32>
      %and3A_1695 = arith.andi %iota3A_1692, %and3A_1694 : vector<4x32x128xi32>
      %eq3A_1696 = arith.constant 0 : i32
      %eq3A_1697 = vector.broadcast %eq3A_1696 : i32 to vector<4x32x128xi32>
      %eq3A_1698 = arith.cmpi eq, %and3A_1695, %eq3A_1697 : vector<4x32x128xi32>
      %select_n3A_1699 = arith.select %eq3A_1698, %roll3A_1689, %roll3A_1691 : vector<4x32x128xi1>, vector<4x32x128xi32>
      %iota3A_1700 = tpu.iota {dimensions = array<i32: 2>} : vector<4x32x128xi32>
      %and3A_1701 = arith.constant 4 : i32
      %and3A_1702 = vector.broadcast %and3A_1701 : i32 to vector<4x32x128xi32>
      %and3A_1703 = arith.andi %iota3A_1700, %and3A_1702 : vector<4x32x128xi32>
      %eq3A_1704 = arith.constant 0 : i32
      %eq3A_1705 = vector.broadcast %eq3A_1704 : i32 to vector<4x32x128xi32>
      %eq3A_1706 = arith.cmpi eq, %and3A_1703, %eq3A_1705 : vector<4x32x128xi32>
      %iota3A_1707 = tpu.iota {dimensions = array<i32: 1>} : vector<4x32x128xi32>
      %and3A_1708 = arith.constant 2 : i32
      %and3A_1709 = vector.broadcast %and3A_1708 : i32 to vector<4x32x128xi32>
      %and3A_1710 = arith.andi %iota3A_1707, %and3A_1709 : vector<4x32x128xi32>
      %eq3A_1711 = arith.constant 0 : i32
      %eq3A_1712 = vector.broadcast %eq3A_1711 : i32 to vector<4x32x128xi32>
      %eq3A_1713 = arith.cmpi eq, %and3A_1710, %eq3A_1712 : vector<4x32x128xi32>
      %gt3A_1714 = arith.cmpf ogt, %select_n3A_1674, %select_n3A_1687 : vector<4x32x128xf32>
      %eq3A_1715 = arith.cmpf oeq, %select_n3A_1674, %select_n3A_1687 : vector<4x32x128xf32>
      %lt3A_1716 = arith.cmpi slt, %select_n3A_1675, %select_n3A_1699 : vector<4x32x128xi32>
      %and3A_1717 = arith.andi %eq3A_1715, %lt3A_1716 : vector<4x32x128xi1>
      %or3A_1718 = arith.ori %gt3A_1714, %and3A_1717 : vector<4x32x128xi1>
      %eq3A_1719 = arith.xori %eq3A_1706, %eq3A_1713 : vector<4x32x128xi1>
      %eq3A_1720 = arith.constant dense<true> : vector<4x32x128xi1>
      %eq3A_1721 = arith.xori %eq3A_1719, %eq3A_1720 : vector<4x32x128xi1>
      %eq3A_1722 = arith.xori %or3A_1718, %eq3A_1721 : vector<4x32x128xi1>
      %eq3A_1723 = arith.constant dense<true> : vector<4x32x128xi1>
      %eq3A_1724 = arith.xori %eq3A_1722, %eq3A_1723 : vector<4x32x128xi1>
      %select_n3A_1725 = arith.select %eq3A_1724, %select_n3A_1674, %select_n3A_1687 : vector<4x32x128xi1>, vector<4x32x128xf32>
      %select_n3A_1726 = arith.select %eq3A_1724, %select_n3A_1675, %select_n3A_1699 : vector<4x32x128xi1>, vector<4x32x128xi32>
      %roll3A_1727 = arith.constant 126 : i32
      %roll3A_1728 = tpu.dynamic_rotate %select_n3A_1725 by %roll3A_1727 dim 2 : vector<4x32x128xf32>, i32 -> vector<4x32x128xf32>
      %roll3A_1729 = arith.constant 2 : i32
      %roll3A_1730 = tpu.dynamic_rotate %select_n3A_1725 by %roll3A_1729 dim 2 : vector<4x32x128xf32>, i32 -> vector<4x32x128xf32>
      %iota3A_1731 = tpu.iota {dimensions = array<i32: 2>} : vector<4x32x128xi32>
      %and3A_1732 = arith.constant 2 : i32
      %and3A_1733 = vector.broadcast %and3A_1732 : i32 to vector<4x32x128xi32>
      %and3A_1734 = arith.andi %iota3A_1731, %and3A_1733 : vector<4x32x128xi32>
      %eq3A_1735 = arith.constant 0 : i32
      %eq3A_1736 = vector.broadcast %eq3A_1735 : i32 to vector<4x32x128xi32>
      %eq3A_1737 = arith.cmpi eq, %and3A_1734, %eq3A_1736 : vector<4x32x128xi32>
      %select_n3A_1738 = arith.select %eq3A_1737, %roll3A_1728, %roll3A_1730 : vector<4x32x128xi1>, vector<4x32x128xf32>
      %roll3A_1739 = arith.constant 126 : i32
      %roll3A_1740 = tpu.dynamic_rotate %select_n3A_1726 by %roll3A_1739 dim 2 : vector<4x32x128xi32>, i32 -> vector<4x32x128xi32>
      %roll3A_1741 = arith.constant 2 : i32
      %roll3A_1742 = tpu.dynamic_rotate %select_n3A_1726 by %roll3A_1741 dim 2 : vector<4x32x128xi32>, i32 -> vector<4x32x128xi32>
      %iota3A_1743 = tpu.iota {dimensions = array<i32: 2>} : vector<4x32x128xi32>
      %and3A_1744 = arith.constant 2 : i32
      %and3A_1745 = vector.broadcast %and3A_1744 : i32 to vector<4x32x128xi32>
      %and3A_1746 = arith.andi %iota3A_1743, %and3A_1745 : vector<4x32x128xi32>
      %eq3A_1747 = arith.constant 0 : i32
      %eq3A_1748 = vector.broadcast %eq3A_1747 : i32 to vector<4x32x128xi32>
      %eq3A_1749 = arith.cmpi eq, %and3A_1746, %eq3A_1748 : vector<4x32x128xi32>
      %select_n3A_1750 = arith.select %eq3A_1749, %roll3A_1740, %roll3A_1742 : vector<4x32x128xi1>, vector<4x32x128xi32>
      %iota3A_1751 = tpu.iota {dimensions = array<i32: 2>} : vector<4x32x128xi32>
      %and3A_1752 = arith.constant 2 : i32
      %and3A_1753 = vector.broadcast %and3A_1752 : i32 to vector<4x32x128xi32>
      %and3A_1754 = arith.andi %iota3A_1751, %and3A_1753 : vector<4x32x128xi32>
      %eq3A_1755 = arith.constant 0 : i32
      %eq3A_1756 = vector.broadcast %eq3A_1755 : i32 to vector<4x32x128xi32>
      %eq3A_1757 = arith.cmpi eq, %and3A_1754, %eq3A_1756 : vector<4x32x128xi32>
      %iota3A_1758 = tpu.iota {dimensions = array<i32: 1>} : vector<4x32x128xi32>
      %and3A_1759 = arith.constant 2 : i32
      %and3A_1760 = vector.broadcast %and3A_1759 : i32 to vector<4x32x128xi32>
      %and3A_1761 = arith.andi %iota3A_1758, %and3A_1760 : vector<4x32x128xi32>
      %eq3A_1762 = arith.constant 0 : i32
      %eq3A_1763 = vector.broadcast %eq3A_1762 : i32 to vector<4x32x128xi32>
      %eq3A_1764 = arith.cmpi eq, %and3A_1761, %eq3A_1763 : vector<4x32x128xi32>
      %gt3A_1765 = arith.cmpf ogt, %select_n3A_1725, %select_n3A_1738 : vector<4x32x128xf32>
      %eq3A_1766 = arith.cmpf oeq, %select_n3A_1725, %select_n3A_1738 : vector<4x32x128xf32>
      %lt3A_1767 = arith.cmpi slt, %select_n3A_1726, %select_n3A_1750 : vector<4x32x128xi32>
      %and3A_1768 = arith.andi %eq3A_1766, %lt3A_1767 : vector<4x32x128xi1>
      %or3A_1769 = arith.ori %gt3A_1765, %and3A_1768 : vector<4x32x128xi1>
      %eq3A_1770 = arith.xori %eq3A_1757, %eq3A_1764 : vector<4x32x128xi1>
      %eq3A_1771 = arith.constant dense<true> : vector<4x32x128xi1>
      %eq3A_1772 = arith.xori %eq3A_1770, %eq3A_1771 : vector<4x32x128xi1>
      %eq3A_1773 = arith.xori %or3A_1769, %eq3A_1772 : vector<4x32x128xi1>
      %eq3A_1774 = arith.constant dense<true> : vector<4x32x128xi1>
      %eq3A_1775 = arith.xori %eq3A_1773, %eq3A_1774 : vector<4x32x128xi1>
      %select_n3A_1776 = arith.select %eq3A_1775, %select_n3A_1725, %select_n3A_1738 : vector<4x32x128xi1>, vector<4x32x128xf32>
      %select_n3A_1777 = arith.select %eq3A_1775, %select_n3A_1726, %select_n3A_1750 : vector<4x32x128xi1>, vector<4x32x128xi32>
      %roll3A_1778 = arith.constant 127 : i32
      %roll3A_1779 = tpu.dynamic_rotate %select_n3A_1776 by %roll3A_1778 dim 2 : vector<4x32x128xf32>, i32 -> vector<4x32x128xf32>
      %roll3A_1780 = arith.constant 1 : i32
      %roll3A_1781 = tpu.dynamic_rotate %select_n3A_1776 by %roll3A_1780 dim 2 : vector<4x32x128xf32>, i32 -> vector<4x32x128xf32>
      %iota3A_1782 = tpu.iota {dimensions = array<i32: 2>} : vector<4x32x128xi32>
      %and3A_1783 = arith.constant 1 : i32
      %and3A_1784 = vector.broadcast %and3A_1783 : i32 to vector<4x32x128xi32>
      %and3A_1785 = arith.andi %iota3A_1782, %and3A_1784 : vector<4x32x128xi32>
      %eq3A_1786 = arith.constant 0 : i32
      %eq3A_1787 = vector.broadcast %eq3A_1786 : i32 to vector<4x32x128xi32>
      %eq3A_1788 = arith.cmpi eq, %and3A_1785, %eq3A_1787 : vector<4x32x128xi32>
      %select_n3A_1789 = arith.select %eq3A_1788, %roll3A_1779, %roll3A_1781 : vector<4x32x128xi1>, vector<4x32x128xf32>
      %roll3A_1790 = arith.constant 127 : i32
      %roll3A_1791 = tpu.dynamic_rotate %select_n3A_1777 by %roll3A_1790 dim 2 : vector<4x32x128xi32>, i32 -> vector<4x32x128xi32>
      %roll3A_1792 = arith.constant 1 : i32
      %roll3A_1793 = tpu.dynamic_rotate %select_n3A_1777 by %roll3A_1792 dim 2 : vector<4x32x128xi32>, i32 -> vector<4x32x128xi32>
      %iota3A_1794 = tpu.iota {dimensions = array<i32: 2>} : vector<4x32x128xi32>
      %and3A_1795 = arith.constant 1 : i32
      %and3A_1796 = vector.broadcast %and3A_1795 : i32 to vector<4x32x128xi32>
      %and3A_1797 = arith.andi %iota3A_1794, %and3A_1796 : vector<4x32x128xi32>
      %eq3A_1798 = arith.constant 0 : i32
      %eq3A_1799 = vector.broadcast %eq3A_1798 : i32 to vector<4x32x128xi32>
      %eq3A_1800 = arith.cmpi eq, %and3A_1797, %eq3A_1799 : vector<4x32x128xi32>
      %select_n3A_1801 = arith.select %eq3A_1800, %roll3A_1791, %roll3A_1793 : vector<4x32x128xi1>, vector<4x32x128xi32>
      %iota3A_1802 = tpu.iota {dimensions = array<i32: 2>} : vector<4x32x128xi32>
      %and3A_1803 = arith.constant 1 : i32
      %and3A_1804 = vector.broadcast %and3A_1803 : i32 to vector<4x32x128xi32>
      %and3A_1805 = arith.andi %iota3A_1802, %and3A_1804 : vector<4x32x128xi32>
      %eq3A_1806 = arith.constant 0 : i32
      %eq3A_1807 = vector.broadcast %eq3A_1806 : i32 to vector<4x32x128xi32>
      %eq3A_1808 = arith.cmpi eq, %and3A_1805, %eq3A_1807 : vector<4x32x128xi32>
      %iota3A_1809 = tpu.iota {dimensions = array<i32: 1>} : vector<4x32x128xi32>
      %and3A_1810 = arith.constant 2 : i32
      %and3A_1811 = vector.broadcast %and3A_1810 : i32 to vector<4x32x128xi32>
      %and3A_1812 = arith.andi %iota3A_1809, %and3A_1811 : vector<4x32x128xi32>
      %eq3A_1813 = arith.constant 0 : i32
      %eq3A_1814 = vector.broadcast %eq3A_1813 : i32 to vector<4x32x128xi32>
      %eq3A_1815 = arith.cmpi eq, %and3A_1812, %eq3A_1814 : vector<4x32x128xi32>
      %gt3A_1816 = arith.cmpf ogt, %select_n3A_1776, %select_n3A_1789 : vector<4x32x128xf32>
      %eq3A_1817 = arith.cmpf oeq, %select_n3A_1776, %select_n3A_1789 : vector<4x32x128xf32>
      %lt3A_1818 = arith.cmpi slt, %select_n3A_1777, %select_n3A_1801 : vector<4x32x128xi32>
      %and3A_1819 = arith.andi %eq3A_1817, %lt3A_1818 : vector<4x32x128xi1>
      %or3A_1820 = arith.ori %gt3A_1816, %and3A_1819 : vector<4x32x128xi1>
      %eq3A_1821 = arith.xori %eq3A_1808, %eq3A_1815 : vector<4x32x128xi1>
      %eq3A_1822 = arith.constant dense<true> : vector<4x32x128xi1>
      %eq3A_1823 = arith.xori %eq3A_1821, %eq3A_1822 : vector<4x32x128xi1>
      %eq3A_1824 = arith.xori %or3A_1820, %eq3A_1823 : vector<4x32x128xi1>
      %eq3A_1825 = arith.constant dense<true> : vector<4x32x128xi1>
      %eq3A_1826 = arith.xori %eq3A_1824, %eq3A_1825 : vector<4x32x128xi1>
      %select_n3A_1827 = arith.select %eq3A_1826, %select_n3A_1776, %select_n3A_1789 : vector<4x32x128xi1>, vector<4x32x128xf32>
      %select_n3A_1828 = arith.select %eq3A_1826, %select_n3A_1777, %select_n3A_1801 : vector<4x32x128xi1>, vector<4x32x128xi32>
      %reshape3A_1829 = vector.shape_cast %select_n3A_1827 : vector<4x32x128xf32> to vector<4x8x2x2x128xf32>
      %slice3A_1830 = vector.extract_strided_slice %reshape3A_1829 {offsets = [0, 0, 1, 0, 0], sizes = [4, 8, 1, 2, 128], strides = [1, 1, 1, 1, 1]} : vector<4x8x2x2x128xf32> to vector<4x8x1x2x128xf32>
      %slice3A_1831 = vector.extract_strided_slice %reshape3A_1829 {offsets = [0, 0, 0, 0, 0], sizes = [4, 8, 1, 2, 128], strides = [1, 1, 1, 1, 1]} : vector<4x8x2x2x128xf32> to vector<4x8x1x2x128xf32>
      %concatenate3A_1832 = tpu.concatenate %slice3A_1830, %slice3A_1831 in 2 : vector<4x8x1x2x128xf32>, vector<4x8x1x2x128xf32> -> vector<4x8x2x2x128xf32>
      %reshape3A_1833 = vector.shape_cast %concatenate3A_1832 : vector<4x8x2x2x128xf32> to vector<4x32x128xf32>
      %reshape3A_1834 = vector.shape_cast %select_n3A_1828 : vector<4x32x128xi32> to vector<4x8x2x2x128xi32>
      %slice3A_1835 = vector.extract_strided_slice %reshape3A_1834 {offsets = [0, 0, 1, 0, 0], sizes = [4, 8, 1, 2, 128], strides = [1, 1, 1, 1, 1]} : vector<4x8x2x2x128xi32> to vector<4x8x1x2x128xi32>
      %slice3A_1836 = vector.extract_strided_slice %reshape3A_1834 {offsets = [0, 0, 0, 0, 0], sizes = [4, 8, 1, 2, 128], strides = [1, 1, 1, 1, 1]} : vector<4x8x2x2x128xi32> to vector<4x8x1x2x128xi32>
      %concatenate3A_1837 = tpu.concatenate %slice3A_1835, %slice3A_1836 in 2 : vector<4x8x1x2x128xi32>, vector<4x8x1x2x128xi32> -> vector<4x8x2x2x128xi32>
      %reshape3A_1838 = vector.shape_cast %concatenate3A_1837 : vector<4x8x2x2x128xi32> to vector<4x32x128xi32>
      %iota3A_1839 = tpu.iota {dimensions = array<i32: 1>} : vector<4x32x128xi32>
      %and3A_1840 = arith.constant 2 : i32
      %and3A_1841 = vector.broadcast %and3A_1840 : i32 to vector<4x32x128xi32>
      %and3A_1842 = arith.andi %iota3A_1839, %and3A_1841 : vector<4x32x128xi32>
      %eq3A_1843 = arith.constant 0 : i32
      %eq3A_1844 = vector.broadcast %eq3A_1843 : i32 to vector<4x32x128xi32>
      %eq3A_1845 = arith.cmpi eq, %and3A_1842, %eq3A_1844 : vector<4x32x128xi32>
      %iota3A_1846 = tpu.iota {dimensions = array<i32: 1>} : vector<4x32x128xi32>
      %and3A_1847 = arith.constant 4 : i32
      %and3A_1848 = vector.broadcast %and3A_1847 : i32 to vector<4x32x128xi32>
      %and3A_1849 = arith.andi %iota3A_1846, %and3A_1848 : vector<4x32x128xi32>
      %eq3A_1850 = arith.constant 0 : i32
      %eq3A_1851 = vector.broadcast %eq3A_1850 : i32 to vector<4x32x128xi32>
      %eq3A_1852 = arith.cmpi eq, %and3A_1849, %eq3A_1851 : vector<4x32x128xi32>
      %gt3A_1853 = arith.cmpf ogt, %select_n3A_1827, %reshape3A_1833 : vector<4x32x128xf32>
      %eq3A_1854 = arith.cmpf oeq, %select_n3A_1827, %reshape3A_1833 : vector<4x32x128xf32>
      %lt3A_1855 = arith.cmpi slt, %select_n3A_1828, %reshape3A_1838 : vector<4x32x128xi32>
      %and3A_1856 = arith.andi %eq3A_1854, %lt3A_1855 : vector<4x32x128xi1>
      %or3A_1857 = arith.ori %gt3A_1853, %and3A_1856 : vector<4x32x128xi1>
      %eq3A_1858 = arith.xori %eq3A_1845, %eq3A_1852 : vector<4x32x128xi1>
      %eq3A_1859 = arith.constant dense<true> : vector<4x32x128xi1>
      %eq3A_1860 = arith.xori %eq3A_1858, %eq3A_1859 : vector<4x32x128xi1>
      %eq3A_1861 = arith.xori %or3A_1857, %eq3A_1860 : vector<4x32x128xi1>
      %eq3A_1862 = arith.constant dense<true> : vector<4x32x128xi1>
      %eq3A_1863 = arith.xori %eq3A_1861, %eq3A_1862 : vector<4x32x128xi1>
      %select_n3A_1864 = arith.select %eq3A_1863, %select_n3A_1827, %reshape3A_1833 : vector<4x32x128xi1>, vector<4x32x128xf32>
      %select_n3A_1865 = arith.select %eq3A_1863, %select_n3A_1828, %reshape3A_1838 : vector<4x32x128xi1>, vector<4x32x128xi32>
      %reshape3A_1866 = vector.shape_cast %select_n3A_1864 : vector<4x32x128xf32> to vector<4x16x2x1x128xf32>
      %slice3A_1867 = vector.extract_strided_slice %reshape3A_1866 {offsets = [0, 0, 1, 0, 0], sizes = [4, 16, 1, 1, 128], strides = [1, 1, 1, 1, 1]} : vector<4x16x2x1x128xf32> to vector<4x16x1x1x128xf32>
      %slice3A_1868 = vector.extract_strided_slice %reshape3A_1866 {offsets = [0, 0, 0, 0, 0], sizes = [4, 16, 1, 1, 128], strides = [1, 1, 1, 1, 1]} : vector<4x16x2x1x128xf32> to vector<4x16x1x1x128xf32>
      %concatenate3A_1869 = tpu.concatenate %slice3A_1867, %slice3A_1868 in 2 : vector<4x16x1x1x128xf32>, vector<4x16x1x1x128xf32> -> vector<4x16x2x1x128xf32>
      %reshape3A_1870 = vector.shape_cast %concatenate3A_1869 : vector<4x16x2x1x128xf32> to vector<4x32x128xf32>
      %reshape3A_1871 = vector.shape_cast %select_n3A_1865 : vector<4x32x128xi32> to vector<4x16x2x1x128xi32>
      %slice3A_1872 = vector.extract_strided_slice %reshape3A_1871 {offsets = [0, 0, 1, 0, 0], sizes = [4, 16, 1, 1, 128], strides = [1, 1, 1, 1, 1]} : vector<4x16x2x1x128xi32> to vector<4x16x1x1x128xi32>
      %slice3A_1873 = vector.extract_strided_slice %reshape3A_1871 {offsets = [0, 0, 0, 0, 0], sizes = [4, 16, 1, 1, 128], strides = [1, 1, 1, 1, 1]} : vector<4x16x2x1x128xi32> to vector<4x16x1x1x128xi32>
      %concatenate3A_1874 = tpu.concatenate %slice3A_1872, %slice3A_1873 in 2 : vector<4x16x1x1x128xi32>, vector<4x16x1x1x128xi32> -> vector<4x16x2x1x128xi32>
      %reshape3A_1875 = vector.shape_cast %concatenate3A_1874 : vector<4x16x2x1x128xi32> to vector<4x32x128xi32>
      %iota3A_1876 = tpu.iota {dimensions = array<i32: 1>} : vector<4x32x128xi32>
      %and3A_1877 = arith.constant 1 : i32
      %and3A_1878 = vector.broadcast %and3A_1877 : i32 to vector<4x32x128xi32>
      %and3A_1879 = arith.andi %iota3A_1876, %and3A_1878 : vector<4x32x128xi32>
      %eq3A_1880 = arith.constant 0 : i32
      %eq3A_1881 = vector.broadcast %eq3A_1880 : i32 to vector<4x32x128xi32>
      %eq3A_1882 = arith.cmpi eq, %and3A_1879, %eq3A_1881 : vector<4x32x128xi32>
      %iota3A_1883 = tpu.iota {dimensions = array<i32: 1>} : vector<4x32x128xi32>
      %and3A_1884 = arith.constant 4 : i32
      %and3A_1885 = vector.broadcast %and3A_1884 : i32 to vector<4x32x128xi32>
      %and3A_1886 = arith.andi %iota3A_1883, %and3A_1885 : vector<4x32x128xi32>
      %eq3A_1887 = arith.constant 0 : i32
      %eq3A_1888 = vector.broadcast %eq3A_1887 : i32 to vector<4x32x128xi32>
      %eq3A_1889 = arith.cmpi eq, %and3A_1886, %eq3A_1888 : vector<4x32x128xi32>
      %gt3A_1890 = arith.cmpf ogt, %select_n3A_1864, %reshape3A_1870 : vector<4x32x128xf32>
      %eq3A_1891 = arith.cmpf oeq, %select_n3A_1864, %reshape3A_1870 : vector<4x32x128xf32>
      %lt3A_1892 = arith.cmpi slt, %select_n3A_1865, %reshape3A_1875 : vector<4x32x128xi32>
      %and3A_1893 = arith.andi %eq3A_1891, %lt3A_1892 : vector<4x32x128xi1>
      %or3A_1894 = arith.ori %gt3A_1890, %and3A_1893 : vector<4x32x128xi1>
      %eq3A_1895 = arith.xori %eq3A_1882, %eq3A_1889 : vector<4x32x128xi1>
      %eq3A_1896 = arith.constant dense<true> : vector<4x32x128xi1>
      %eq3A_1897 = arith.xori %eq3A_1895, %eq3A_1896 : vector<4x32x128xi1>
      %eq3A_1898 = arith.xori %or3A_1894, %eq3A_1897 : vector<4x32x128xi1>
      %eq3A_1899 = arith.constant dense<true> : vector<4x32x128xi1>
      %eq3A_1900 = arith.xori %eq3A_1898, %eq3A_1899 : vector<4x32x128xi1>
      %select_n3A_1901 = arith.select %eq3A_1900, %select_n3A_1864, %reshape3A_1870 : vector<4x32x128xi1>, vector<4x32x128xf32>
      %select_n3A_1902 = arith.select %eq3A_1900, %select_n3A_1865, %reshape3A_1875 : vector<4x32x128xi1>, vector<4x32x128xi32>
      %roll3A_1903 = arith.constant 64 : i32
      %roll3A_1904 = tpu.dynamic_rotate %select_n3A_1901 by %roll3A_1903 dim 2 : vector<4x32x128xf32>, i32 -> vector<4x32x128xf32>
      %roll3A_1905 = arith.constant 64 : i32
      %roll3A_1906 = tpu.dynamic_rotate %select_n3A_1901 by %roll3A_1905 dim 2 : vector<4x32x128xf32>, i32 -> vector<4x32x128xf32>
      %iota3A_1907 = tpu.iota {dimensions = array<i32: 2>} : vector<4x32x128xi32>
      %and3A_1908 = arith.constant 64 : i32
      %and3A_1909 = vector.broadcast %and3A_1908 : i32 to vector<4x32x128xi32>
      %and3A_1910 = arith.andi %iota3A_1907, %and3A_1909 : vector<4x32x128xi32>
      %eq3A_1911 = arith.constant 0 : i32
      %eq3A_1912 = vector.broadcast %eq3A_1911 : i32 to vector<4x32x128xi32>
      %eq3A_1913 = arith.cmpi eq, %and3A_1910, %eq3A_1912 : vector<4x32x128xi32>
      %select_n3A_1914 = arith.select %eq3A_1913, %roll3A_1904, %roll3A_1906 : vector<4x32x128xi1>, vector<4x32x128xf32>
      %roll3A_1915 = arith.constant 64 : i32
      %roll3A_1916 = tpu.dynamic_rotate %select_n3A_1902 by %roll3A_1915 dim 2 : vector<4x32x128xi32>, i32 -> vector<4x32x128xi32>
      %roll3A_1917 = arith.constant 64 : i32
      %roll3A_1918 = tpu.dynamic_rotate %select_n3A_1902 by %roll3A_1917 dim 2 : vector<4x32x128xi32>, i32 -> vector<4x32x128xi32>
      %iota3A_1919 = tpu.iota {dimensions = array<i32: 2>} : vector<4x32x128xi32>
      %and3A_1920 = arith.constant 64 : i32
      %and3A_1921 = vector.broadcast %and3A_1920 : i32 to vector<4x32x128xi32>
      %and3A_1922 = arith.andi %iota3A_1919, %and3A_1921 : vector<4x32x128xi32>
      %eq3A_1923 = arith.constant 0 : i32
      %eq3A_1924 = vector.broadcast %eq3A_1923 : i32 to vector<4x32x128xi32>
      %eq3A_1925 = arith.cmpi eq, %and3A_1922, %eq3A_1924 : vector<4x32x128xi32>
      %select_n3A_1926 = arith.select %eq3A_1925, %roll3A_1916, %roll3A_1918 : vector<4x32x128xi1>, vector<4x32x128xi32>
      %iota3A_1927 = tpu.iota {dimensions = array<i32: 2>} : vector<4x32x128xi32>
      %and3A_1928 = arith.constant 64 : i32
      %and3A_1929 = vector.broadcast %and3A_1928 : i32 to vector<4x32x128xi32>
      %and3A_1930 = arith.andi %iota3A_1927, %and3A_1929 : vector<4x32x128xi32>
      %eq3A_1931 = arith.constant 0 : i32
      %eq3A_1932 = vector.broadcast %eq3A_1931 : i32 to vector<4x32x128xi32>
      %eq3A_1933 = arith.cmpi eq, %and3A_1930, %eq3A_1932 : vector<4x32x128xi32>
      %iota3A_1934 = tpu.iota {dimensions = array<i32: 1>} : vector<4x32x128xi32>
      %and3A_1935 = arith.constant 4 : i32
      %and3A_1936 = vector.broadcast %and3A_1935 : i32 to vector<4x32x128xi32>
      %and3A_1937 = arith.andi %iota3A_1934, %and3A_1936 : vector<4x32x128xi32>
      %eq3A_1938 = arith.constant 0 : i32
      %eq3A_1939 = vector.broadcast %eq3A_1938 : i32 to vector<4x32x128xi32>
      %eq3A_1940 = arith.cmpi eq, %and3A_1937, %eq3A_1939 : vector<4x32x128xi32>
      %gt3A_1941 = arith.cmpf ogt, %select_n3A_1901, %select_n3A_1914 : vector<4x32x128xf32>
      %eq3A_1942 = arith.cmpf oeq, %select_n3A_1901, %select_n3A_1914 : vector<4x32x128xf32>
      %lt3A_1943 = arith.cmpi slt, %select_n3A_1902, %select_n3A_1926 : vector<4x32x128xi32>
      %and3A_1944 = arith.andi %eq3A_1942, %lt3A_1943 : vector<4x32x128xi1>
      %or3A_1945 = arith.ori %gt3A_1941, %and3A_1944 : vector<4x32x128xi1>
      %eq3A_1946 = arith.xori %eq3A_1933, %eq3A_1940 : vector<4x32x128xi1>
      %eq3A_1947 = arith.constant dense<true> : vector<4x32x128xi1>
      %eq3A_1948 = arith.xori %eq3A_1946, %eq3A_1947 : vector<4x32x128xi1>
      %eq3A_1949 = arith.xori %or3A_1945, %eq3A_1948 : vector<4x32x128xi1>
      %eq3A_1950 = arith.constant dense<true> : vector<4x32x128xi1>
      %eq3A_1951 = arith.xori %eq3A_1949, %eq3A_1950 : vector<4x32x128xi1>
      %select_n3A_1952 = arith.select %eq3A_1951, %select_n3A_1901, %select_n3A_1914 : vector<4x32x128xi1>, vector<4x32x128xf32>
      %select_n3A_1953 = arith.select %eq3A_1951, %select_n3A_1902, %select_n3A_1926 : vector<4x32x128xi1>, vector<4x32x128xi32>
      %roll3A_1954 = arith.constant 96 : i32
      %roll3A_1955 = tpu.dynamic_rotate %select_n3A_1952 by %roll3A_1954 dim 2 : vector<4x32x128xf32>, i32 -> vector<4x32x128xf32>
      %roll3A_1956 = arith.constant 32 : i32
      %roll3A_1957 = tpu.dynamic_rotate %select_n3A_1952 by %roll3A_1956 dim 2 : vector<4x32x128xf32>, i32 -> vector<4x32x128xf32>
      %iota3A_1958 = tpu.iota {dimensions = array<i32: 2>} : vector<4x32x128xi32>
      %and3A_1959 = arith.constant 32 : i32
      %and3A_1960 = vector.broadcast %and3A_1959 : i32 to vector<4x32x128xi32>
      %and3A_1961 = arith.andi %iota3A_1958, %and3A_1960 : vector<4x32x128xi32>
      %eq3A_1962 = arith.constant 0 : i32
      %eq3A_1963 = vector.broadcast %eq3A_1962 : i32 to vector<4x32x128xi32>
      %eq3A_1964 = arith.cmpi eq, %and3A_1961, %eq3A_1963 : vector<4x32x128xi32>
      %select_n3A_1965 = arith.select %eq3A_1964, %roll3A_1955, %roll3A_1957 : vector<4x32x128xi1>, vector<4x32x128xf32>
      %roll3A_1966 = arith.constant 96 : i32
      %roll3A_1967 = tpu.dynamic_rotate %select_n3A_1953 by %roll3A_1966 dim 2 : vector<4x32x128xi32>, i32 -> vector<4x32x128xi32>
      %roll3A_1968 = arith.constant 32 : i32
      %roll3A_1969 = tpu.dynamic_rotate %select_n3A_1953 by %roll3A_1968 dim 2 : vector<4x32x128xi32>, i32 -> vector<4x32x128xi32>
      %iota3A_1970 = tpu.iota {dimensions = array<i32: 2>} : vector<4x32x128xi32>
      %and3A_1971 = arith.constant 32 : i32
      %and3A_1972 = vector.broadcast %and3A_1971 : i32 to vector<4x32x128xi32>
      %and3A_1973 = arith.andi %iota3A_1970, %and3A_1972 : vector<4x32x128xi32>
      %eq3A_1974 = arith.constant 0 : i32
      %eq3A_1975 = vector.broadcast %eq3A_1974 : i32 to vector<4x32x128xi32>
      %eq3A_1976 = arith.cmpi eq, %and3A_1973, %eq3A_1975 : vector<4x32x128xi32>
      %select_n3A_1977 = arith.select %eq3A_1976, %roll3A_1967, %roll3A_1969 : vector<4x32x128xi1>, vector<4x32x128xi32>
      %iota3A_1978 = tpu.iota {dimensions = array<i32: 2>} : vector<4x32x128xi32>
      %and3A_1979 = arith.constant 32 : i32
      %and3A_1980 = vector.broadcast %and3A_1979 : i32 to vector<4x32x128xi32>
      %and3A_1981 = arith.andi %iota3A_1978, %and3A_1980 : vector<4x32x128xi32>
      %eq3A_1982 = arith.constant 0 : i32
      %eq3A_1983 = vector.broadcast %eq3A_1982 : i32 to vector<4x32x128xi32>
      %eq3A_1984 = arith.cmpi eq, %and3A_1981, %eq3A_1983 : vector<4x32x128xi32>
      %iota3A_1985 = tpu.iota {dimensions = array<i32: 1>} : vector<4x32x128xi32>
      %and3A_1986 = arith.constant 4 : i32
      %and3A_1987 = vector.broadcast %and3A_1986 : i32 to vector<4x32x128xi32>
      %and3A_1988 = arith.andi %iota3A_1985, %and3A_1987 : vector<4x32x128xi32>
      %eq3A_1989 = arith.constant 0 : i32
      %eq3A_1990 = vector.broadcast %eq3A_1989 : i32 to vector<4x32x128xi32>
      %eq3A_1991 = arith.cmpi eq, %and3A_1988, %eq3A_1990 : vector<4x32x128xi32>
      %gt3A_1992 = arith.cmpf ogt, %select_n3A_1952, %select_n3A_1965 : vector<4x32x128xf32>
      %eq3A_1993 = arith.cmpf oeq, %select_n3A_1952, %select_n3A_1965 : vector<4x32x128xf32>
      %lt3A_1994 = arith.cmpi slt, %select_n3A_1953, %select_n3A_1977 : vector<4x32x128xi32>
      %and3A_1995 = arith.andi %eq3A_1993, %lt3A_1994 : vector<4x32x128xi1>
      %or3A_1996 = arith.ori %gt3A_1992, %and3A_1995 : vector<4x32x128xi1>
      %eq3A_1997 = arith.xori %eq3A_1984, %eq3A_1991 : vector<4x32x128xi1>
      %eq3A_1998 = arith.constant dense<true> : vector<4x32x128xi1>
      %eq3A_1999 = arith.xori %eq3A_1997, %eq3A_1998 : vector<4x32x128xi1>
      %eq3A_2000 = arith.xori %or3A_1996, %eq3A_1999 : vector<4x32x128xi1>
      %eq3A_2001 = arith.constant dense<true> : vector<4x32x128xi1>
      %eq3A_2002 = arith.xori %eq3A_2000, %eq3A_2001 : vector<4x32x128xi1>
      %select_n3A_2003 = arith.select %eq3A_2002, %select_n3A_1952, %select_n3A_1965 : vector<4x32x128xi1>, vector<4x32x128xf32>
      %select_n3A_2004 = arith.select %eq3A_2002, %select_n3A_1953, %select_n3A_1977 : vector<4x32x128xi1>, vector<4x32x128xi32>
      %roll3A_2005 = arith.constant 112 : i32
      %roll3A_2006 = tpu.dynamic_rotate %select_n3A_2003 by %roll3A_2005 dim 2 : vector<4x32x128xf32>, i32 -> vector<4x32x128xf32>
      %roll3A_2007 = arith.constant 16 : i32
      %roll3A_2008 = tpu.dynamic_rotate %select_n3A_2003 by %roll3A_2007 dim 2 : vector<4x32x128xf32>, i32 -> vector<4x32x128xf32>
      %iota3A_2009 = tpu.iota {dimensions = array<i32: 2>} : vector<4x32x128xi32>
      %and3A_2010 = arith.constant 16 : i32
      %and3A_2011 = vector.broadcast %and3A_2010 : i32 to vector<4x32x128xi32>
      %and3A_2012 = arith.andi %iota3A_2009, %and3A_2011 : vector<4x32x128xi32>
      %eq3A_2013 = arith.constant 0 : i32
      %eq3A_2014 = vector.broadcast %eq3A_2013 : i32 to vector<4x32x128xi32>
      %eq3A_2015 = arith.cmpi eq, %and3A_2012, %eq3A_2014 : vector<4x32x128xi32>
      %select_n3A_2016 = arith.select %eq3A_2015, %roll3A_2006, %roll3A_2008 : vector<4x32x128xi1>, vector<4x32x128xf32>
      %roll3A_2017 = arith.constant 112 : i32
      %roll3A_2018 = tpu.dynamic_rotate %select_n3A_2004 by %roll3A_2017 dim 2 : vector<4x32x128xi32>, i32 -> vector<4x32x128xi32>
      %roll3A_2019 = arith.constant 16 : i32
      %roll3A_2020 = tpu.dynamic_rotate %select_n3A_2004 by %roll3A_2019 dim 2 : vector<4x32x128xi32>, i32 -> vector<4x32x128xi32>
      %iota3A_2021 = tpu.iota {dimensions = array<i32: 2>} : vector<4x32x128xi32>
      %and3A_2022 = arith.constant 16 : i32
      %and3A_2023 = vector.broadcast %and3A_2022 : i32 to vector<4x32x128xi32>
      %and3A_2024 = arith.andi %iota3A_2021, %and3A_2023 : vector<4x32x128xi32>
      %eq3A_2025 = arith.constant 0 : i32
      %eq3A_2026 = vector.broadcast %eq3A_2025 : i32 to vector<4x32x128xi32>
      %eq3A_2027 = arith.cmpi eq, %and3A_2024, %eq3A_2026 : vector<4x32x128xi32>
      %select_n3A_2028 = arith.select %eq3A_2027, %roll3A_2018, %roll3A_2020 : vector<4x32x128xi1>, vector<4x32x128xi32>
      %iota3A_2029 = tpu.iota {dimensions = array<i32: 2>} : vector<4x32x128xi32>
      %and3A_2030 = arith.constant 16 : i32
      %and3A_2031 = vector.broadcast %and3A_2030 : i32 to vector<4x32x128xi32>
      %and3A_2032 = arith.andi %iota3A_2029, %and3A_2031 : vector<4x32x128xi32>
      %eq3A_2033 = arith.constant 0 : i32
      %eq3A_2034 = vector.broadcast %eq3A_2033 : i32 to vector<4x32x128xi32>
      %eq3A_2035 = arith.cmpi eq, %and3A_2032, %eq3A_2034 : vector<4x32x128xi32>
      %iota3A_2036 = tpu.iota {dimensions = array<i32: 1>} : vector<4x32x128xi32>
      %and3A_2037 = arith.constant 4 : i32
      %and3A_2038 = vector.broadcast %and3A_2037 : i32 to vector<4x32x128xi32>
      %and3A_2039 = arith.andi %iota3A_2036, %and3A_2038 : vector<4x32x128xi32>
      %eq3A_2040 = arith.constant 0 : i32
      %eq3A_2041 = vector.broadcast %eq3A_2040 : i32 to vector<4x32x128xi32>
      %eq3A_2042 = arith.cmpi eq, %and3A_2039, %eq3A_2041 : vector<4x32x128xi32>
      %gt3A_2043 = arith.cmpf ogt, %select_n3A_2003, %select_n3A_2016 : vector<4x32x128xf32>
      %eq3A_2044 = arith.cmpf oeq, %select_n3A_2003, %select_n3A_2016 : vector<4x32x128xf32>
      %lt3A_2045 = arith.cmpi slt, %select_n3A_2004, %select_n3A_2028 : vector<4x32x128xi32>
      %and3A_2046 = arith.andi %eq3A_2044, %lt3A_2045 : vector<4x32x128xi1>
      %or3A_2047 = arith.ori %gt3A_2043, %and3A_2046 : vector<4x32x128xi1>
      %eq3A_2048 = arith.xori %eq3A_2035, %eq3A_2042 : vector<4x32x128xi1>
      %eq3A_2049 = arith.constant dense<true> : vector<4x32x128xi1>
      %eq3A_2050 = arith.xori %eq3A_2048, %eq3A_2049 : vector<4x32x128xi1>
      %eq3A_2051 = arith.xori %or3A_2047, %eq3A_2050 : vector<4x32x128xi1>
      %eq3A_2052 = arith.constant dense<true> : vector<4x32x128xi1>
      %eq3A_2053 = arith.xori %eq3A_2051, %eq3A_2052 : vector<4x32x128xi1>
      %select_n3A_2054 = arith.select %eq3A_2053, %select_n3A_2003, %select_n3A_2016 : vector<4x32x128xi1>, vector<4x32x128xf32>
      %select_n3A_2055 = arith.select %eq3A_2053, %select_n3A_2004, %select_n3A_2028 : vector<4x32x128xi1>, vector<4x32x128xi32>
      %roll3A_2056 = arith.constant 120 : i32
      %roll3A_2057 = tpu.dynamic_rotate %select_n3A_2054 by %roll3A_2056 dim 2 : vector<4x32x128xf32>, i32 -> vector<4x32x128xf32>
      %roll3A_2058 = arith.constant 8 : i32
      %roll3A_2059 = tpu.dynamic_rotate %select_n3A_2054 by %roll3A_2058 dim 2 : vector<4x32x128xf32>, i32 -> vector<4x32x128xf32>
      %iota3A_2060 = tpu.iota {dimensions = array<i32: 2>} : vector<4x32x128xi32>
      %and3A_2061 = arith.constant 8 : i32
      %and3A_2062 = vector.broadcast %and3A_2061 : i32 to vector<4x32x128xi32>
      %and3A_2063 = arith.andi %iota3A_2060, %and3A_2062 : vector<4x32x128xi32>
      %eq3A_2064 = arith.constant 0 : i32
      %eq3A_2065 = vector.broadcast %eq3A_2064 : i32 to vector<4x32x128xi32>
      %eq3A_2066 = arith.cmpi eq, %and3A_2063, %eq3A_2065 : vector<4x32x128xi32>
      %select_n3A_2067 = arith.select %eq3A_2066, %roll3A_2057, %roll3A_2059 : vector<4x32x128xi1>, vector<4x32x128xf32>
      %roll3A_2068 = arith.constant 120 : i32
      %roll3A_2069 = tpu.dynamic_rotate %select_n3A_2055 by %roll3A_2068 dim 2 : vector<4x32x128xi32>, i32 -> vector<4x32x128xi32>
      %roll3A_2070 = arith.constant 8 : i32
      %roll3A_2071 = tpu.dynamic_rotate %select_n3A_2055 by %roll3A_2070 dim 2 : vector<4x32x128xi32>, i32 -> vector<4x32x128xi32>
      %iota3A_2072 = tpu.iota {dimensions = array<i32: 2>} : vector<4x32x128xi32>
      %and3A_2073 = arith.constant 8 : i32
      %and3A_2074 = vector.broadcast %and3A_2073 : i32 to vector<4x32x128xi32>
      %and3A_2075 = arith.andi %iota3A_2072, %and3A_2074 : vector<4x32x128xi32>
      %eq3A_2076 = arith.constant 0 : i32
      %eq3A_2077 = vector.broadcast %eq3A_2076 : i32 to vector<4x32x128xi32>
      %eq3A_2078 = arith.cmpi eq, %and3A_2075, %eq3A_2077 : vector<4x32x128xi32>
      %select_n3A_2079 = arith.select %eq3A_2078, %roll3A_2069, %roll3A_2071 : vector<4x32x128xi1>, vector<4x32x128xi32>
      %iota3A_2080 = tpu.iota {dimensions = array<i32: 2>} : vector<4x32x128xi32>
      %and3A_2081 = arith.constant 8 : i32
      %and3A_2082 = vector.broadcast %and3A_2081 : i32 to vector<4x32x128xi32>
      %and3A_2083 = arith.andi %iota3A_2080, %and3A_2082 : vector<4x32x128xi32>
      %eq3A_2084 = arith.constant 0 : i32
      %eq3A_2085 = vector.broadcast %eq3A_2084 : i32 to vector<4x32x128xi32>
      %eq3A_2086 = arith.cmpi eq, %and3A_2083, %eq3A_2085 : vector<4x32x128xi32>
      %iota3A_2087 = tpu.iota {dimensions = array<i32: 1>} : vector<4x32x128xi32>
      %and3A_2088 = arith.constant 4 : i32
      %and3A_2089 = vector.broadcast %and3A_2088 : i32 to vector<4x32x128xi32>
      %and3A_2090 = arith.andi %iota3A_2087, %and3A_2089 : vector<4x32x128xi32>
      %eq3A_2091 = arith.constant 0 : i32
      %eq3A_2092 = vector.broadcast %eq3A_2091 : i32 to vector<4x32x128xi32>
      %eq3A_2093 = arith.cmpi eq, %and3A_2090, %eq3A_2092 : vector<4x32x128xi32>
      %gt3A_2094 = arith.cmpf ogt, %select_n3A_2054, %select_n3A_2067 : vector<4x32x128xf32>
      %eq3A_2095 = arith.cmpf oeq, %select_n3A_2054, %select_n3A_2067 : vector<4x32x128xf32>
      %lt3A_2096 = arith.cmpi slt, %select_n3A_2055, %select_n3A_2079 : vector<4x32x128xi32>
      %and3A_2097 = arith.andi %eq3A_2095, %lt3A_2096 : vector<4x32x128xi1>
      %or3A_2098 = arith.ori %gt3A_2094, %and3A_2097 : vector<4x32x128xi1>
      %eq3A_2099 = arith.xori %eq3A_2086, %eq3A_2093 : vector<4x32x128xi1>
      %eq3A_2100 = arith.constant dense<true> : vector<4x32x128xi1>
      %eq3A_2101 = arith.xori %eq3A_2099, %eq3A_2100 : vector<4x32x128xi1>
      %eq3A_2102 = arith.xori %or3A_2098, %eq3A_2101 : vector<4x32x128xi1>
      %eq3A_2103 = arith.constant dense<true> : vector<4x32x128xi1>
      %eq3A_2104 = arith.xori %eq3A_2102, %eq3A_2103 : vector<4x32x128xi1>
      %select_n3A_2105 = arith.select %eq3A_2104, %select_n3A_2054, %select_n3A_2067 : vector<4x32x128xi1>, vector<4x32x128xf32>
      %select_n3A_2106 = arith.select %eq3A_2104, %select_n3A_2055, %select_n3A_2079 : vector<4x32x128xi1>, vector<4x32x128xi32>
      %roll3A_2107 = arith.constant 124 : i32
      %roll3A_2108 = tpu.dynamic_rotate %select_n3A_2105 by %roll3A_2107 dim 2 : vector<4x32x128xf32>, i32 -> vector<4x32x128xf32>
      %roll3A_2109 = arith.constant 4 : i32
      %roll3A_2110 = tpu.dynamic_rotate %select_n3A_2105 by %roll3A_2109 dim 2 : vector<4x32x128xf32>, i32 -> vector<4x32x128xf32>
      %iota3A_2111 = tpu.iota {dimensions = array<i32: 2>} : vector<4x32x128xi32>
      %and3A_2112 = arith.constant 4 : i32
      %and3A_2113 = vector.broadcast %and3A_2112 : i32 to vector<4x32x128xi32>
      %and3A_2114 = arith.andi %iota3A_2111, %and3A_2113 : vector<4x32x128xi32>
      %eq3A_2115 = arith.constant 0 : i32
      %eq3A_2116 = vector.broadcast %eq3A_2115 : i32 to vector<4x32x128xi32>
      %eq3A_2117 = arith.cmpi eq, %and3A_2114, %eq3A_2116 : vector<4x32x128xi32>
      %select_n3A_2118 = arith.select %eq3A_2117, %roll3A_2108, %roll3A_2110 : vector<4x32x128xi1>, vector<4x32x128xf32>
      %roll3A_2119 = arith.constant 124 : i32
      %roll3A_2120 = tpu.dynamic_rotate %select_n3A_2106 by %roll3A_2119 dim 2 : vector<4x32x128xi32>, i32 -> vector<4x32x128xi32>
      %roll3A_2121 = arith.constant 4 : i32
      %roll3A_2122 = tpu.dynamic_rotate %select_n3A_2106 by %roll3A_2121 dim 2 : vector<4x32x128xi32>, i32 -> vector<4x32x128xi32>
      %iota3A_2123 = tpu.iota {dimensions = array<i32: 2>} : vector<4x32x128xi32>
      %and3A_2124 = arith.constant 4 : i32
      %and3A_2125 = vector.broadcast %and3A_2124 : i32 to vector<4x32x128xi32>
      %and3A_2126 = arith.andi %iota3A_2123, %and3A_2125 : vector<4x32x128xi32>
      %eq3A_2127 = arith.constant 0 : i32
      %eq3A_2128 = vector.broadcast %eq3A_2127 : i32 to vector<4x32x128xi32>
      %eq3A_2129 = arith.cmpi eq, %and3A_2126, %eq3A_2128 : vector<4x32x128xi32>
      %select_n3A_2130 = arith.select %eq3A_2129, %roll3A_2120, %roll3A_2122 : vector<4x32x128xi1>, vector<4x32x128xi32>
      %iota3A_2131 = tpu.iota {dimensions = array<i32: 2>} : vector<4x32x128xi32>
      %and3A_2132 = arith.constant 4 : i32
      %and3A_2133 = vector.broadcast %and3A_2132 : i32 to vector<4x32x128xi32>
      %and3A_2134 = arith.andi %iota3A_2131, %and3A_2133 : vector<4x32x128xi32>
      %eq3A_2135 = arith.constant 0 : i32
      %eq3A_2136 = vector.broadcast %eq3A_2135 : i32 to vector<4x32x128xi32>
      %eq3A_2137 = arith.cmpi eq, %and3A_2134, %eq3A_2136 : vector<4x32x128xi32>
      %iota3A_2138 = tpu.iota {dimensions = array<i32: 1>} : vector<4x32x128xi32>
      %and3A_2139 = arith.constant 4 : i32
      %and3A_2140 = vector.broadcast %and3A_2139 : i32 to vector<4x32x128xi32>
      %and3A_2141 = arith.andi %iota3A_2138, %and3A_2140 : vector<4x32x128xi32>
      %eq3A_2142 = arith.constant 0 : i32
      %eq3A_2143 = vector.broadcast %eq3A_2142 : i32 to vector<4x32x128xi32>
      %eq3A_2144 = arith.cmpi eq, %and3A_2141, %eq3A_2143 : vector<4x32x128xi32>
      %gt3A_2145 = arith.cmpf ogt, %select_n3A_2105, %select_n3A_2118 : vector<4x32x128xf32>
      %eq3A_2146 = arith.cmpf oeq, %select_n3A_2105, %select_n3A_2118 : vector<4x32x128xf32>
      %lt3A_2147 = arith.cmpi slt, %select_n3A_2106, %select_n3A_2130 : vector<4x32x128xi32>
      %and3A_2148 = arith.andi %eq3A_2146, %lt3A_2147 : vector<4x32x128xi1>
      %or3A_2149 = arith.ori %gt3A_2145, %and3A_2148 : vector<4x32x128xi1>
      %eq3A_2150 = arith.xori %eq3A_2137, %eq3A_2144 : vector<4x32x128xi1>
      %eq3A_2151 = arith.constant dense<true> : vector<4x32x128xi1>
      %eq3A_2152 = arith.xori %eq3A_2150, %eq3A_2151 : vector<4x32x128xi1>
      %eq3A_2153 = arith.xori %or3A_2149, %eq3A_2152 : vector<4x32x128xi1>
      %eq3A_2154 = arith.constant dense<true> : vector<4x32x128xi1>
      %eq3A_2155 = arith.xori %eq3A_2153, %eq3A_2154 : vector<4x32x128xi1>
      %select_n3A_2156 = arith.select %eq3A_2155, %select_n3A_2105, %select_n3A_2118 : vector<4x32x128xi1>, vector<4x32x128xf32>
      %select_n3A_2157 = arith.select %eq3A_2155, %select_n3A_2106, %select_n3A_2130 : vector<4x32x128xi1>, vector<4x32x128xi32>
      %roll3A_2158 = arith.constant 126 : i32
      %roll3A_2159 = tpu.dynamic_rotate %select_n3A_2156 by %roll3A_2158 dim 2 : vector<4x32x128xf32>, i32 -> vector<4x32x128xf32>
      %roll3A_2160 = arith.constant 2 : i32
      %roll3A_2161 = tpu.dynamic_rotate %select_n3A_2156 by %roll3A_2160 dim 2 : vector<4x32x128xf32>, i32 -> vector<4x32x128xf32>
      %iota3A_2162 = tpu.iota {dimensions = array<i32: 2>} : vector<4x32x128xi32>
      %and3A_2163 = arith.constant 2 : i32
      %and3A_2164 = vector.broadcast %and3A_2163 : i32 to vector<4x32x128xi32>
      %and3A_2165 = arith.andi %iota3A_2162, %and3A_2164 : vector<4x32x128xi32>
      %eq3A_2166 = arith.constant 0 : i32
      %eq3A_2167 = vector.broadcast %eq3A_2166 : i32 to vector<4x32x128xi32>
      %eq3A_2168 = arith.cmpi eq, %and3A_2165, %eq3A_2167 : vector<4x32x128xi32>
      %select_n3A_2169 = arith.select %eq3A_2168, %roll3A_2159, %roll3A_2161 : vector<4x32x128xi1>, vector<4x32x128xf32>
      %roll3A_2170 = arith.constant 126 : i32
      %roll3A_2171 = tpu.dynamic_rotate %select_n3A_2157 by %roll3A_2170 dim 2 : vector<4x32x128xi32>, i32 -> vector<4x32x128xi32>
      %roll3A_2172 = arith.constant 2 : i32
      %roll3A_2173 = tpu.dynamic_rotate %select_n3A_2157 by %roll3A_2172 dim 2 : vector<4x32x128xi32>, i32 -> vector<4x32x128xi32>
      %iota3A_2174 = tpu.iota {dimensions = array<i32: 2>} : vector<4x32x128xi32>
      %and3A_2175 = arith.constant 2 : i32
      %and3A_2176 = vector.broadcast %and3A_2175 : i32 to vector<4x32x128xi32>
      %and3A_2177 = arith.andi %iota3A_2174, %and3A_2176 : vector<4x32x128xi32>
      %eq3A_2178 = arith.constant 0 : i32
      %eq3A_2179 = vector.broadcast %eq3A_2178 : i32 to vector<4x32x128xi32>
      %eq3A_2180 = arith.cmpi eq, %and3A_2177, %eq3A_2179 : vector<4x32x128xi32>
      %select_n3A_2181 = arith.select %eq3A_2180, %roll3A_2171, %roll3A_2173 : vector<4x32x128xi1>, vector<4x32x128xi32>
      %iota3A_2182 = tpu.iota {dimensions = array<i32: 2>} : vector<4x32x128xi32>
      %and3A_2183 = arith.constant 2 : i32
      %and3A_2184 = vector.broadcast %and3A_2183 : i32 to vector<4x32x128xi32>
      %and3A_2185 = arith.andi %iota3A_2182, %and3A_2184 : vector<4x32x128xi32>
      %eq3A_2186 = arith.constant 0 : i32
      %eq3A_2187 = vector.broadcast %eq3A_2186 : i32 to vector<4x32x128xi32>
      %eq3A_2188 = arith.cmpi eq, %and3A_2185, %eq3A_2187 : vector<4x32x128xi32>
      %iota3A_2189 = tpu.iota {dimensions = array<i32: 1>} : vector<4x32x128xi32>
      %and3A_2190 = arith.constant 4 : i32
      %and3A_2191 = vector.broadcast %and3A_2190 : i32 to vector<4x32x128xi32>
      %and3A_2192 = arith.andi %iota3A_2189, %and3A_2191 : vector<4x32x128xi32>
      %eq3A_2193 = arith.constant 0 : i32
      %eq3A_2194 = vector.broadcast %eq3A_2193 : i32 to vector<4x32x128xi32>
      %eq3A_2195 = arith.cmpi eq, %and3A_2192, %eq3A_2194 : vector<4x32x128xi32>
      %gt3A_2196 = arith.cmpf ogt, %select_n3A_2156, %select_n3A_2169 : vector<4x32x128xf32>
      %eq3A_2197 = arith.cmpf oeq, %select_n3A_2156, %select_n3A_2169 : vector<4x32x128xf32>
      %lt3A_2198 = arith.cmpi slt, %select_n3A_2157, %select_n3A_2181 : vector<4x32x128xi32>
      %and3A_2199 = arith.andi %eq3A_2197, %lt3A_2198 : vector<4x32x128xi1>
      %or3A_2200 = arith.ori %gt3A_2196, %and3A_2199 : vector<4x32x128xi1>
      %eq3A_2201 = arith.xori %eq3A_2188, %eq3A_2195 : vector<4x32x128xi1>
      %eq3A_2202 = arith.constant dense<true> : vector<4x32x128xi1>
      %eq3A_2203 = arith.xori %eq3A_2201, %eq3A_2202 : vector<4x32x128xi1>
      %eq3A_2204 = arith.xori %or3A_2200, %eq3A_2203 : vector<4x32x128xi1>
      %eq3A_2205 = arith.constant dense<true> : vector<4x32x128xi1>
      %eq3A_2206 = arith.xori %eq3A_2204, %eq3A_2205 : vector<4x32x128xi1>
      %select_n3A_2207 = arith.select %eq3A_2206, %select_n3A_2156, %select_n3A_2169 : vector<4x32x128xi1>, vector<4x32x128xf32>
      %select_n3A_2208 = arith.select %eq3A_2206, %select_n3A_2157, %select_n3A_2181 : vector<4x32x128xi1>, vector<4x32x128xi32>
      %roll3A_2209 = arith.constant 127 : i32
      %roll3A_2210 = tpu.dynamic_rotate %select_n3A_2207 by %roll3A_2209 dim 2 : vector<4x32x128xf32>, i32 -> vector<4x32x128xf32>
      %roll3A_2211 = arith.constant 1 : i32
      %roll3A_2212 = tpu.dynamic_rotate %select_n3A_2207 by %roll3A_2211 dim 2 : vector<4x32x128xf32>, i32 -> vector<4x32x128xf32>
      %iota3A_2213 = tpu.iota {dimensions = array<i32: 2>} : vector<4x32x128xi32>
      %and3A_2214 = arith.constant 1 : i32
      %and3A_2215 = vector.broadcast %and3A_2214 : i32 to vector<4x32x128xi32>
      %and3A_2216 = arith.andi %iota3A_2213, %and3A_2215 : vector<4x32x128xi32>
      %eq3A_2217 = arith.constant 0 : i32
      %eq3A_2218 = vector.broadcast %eq3A_2217 : i32 to vector<4x32x128xi32>
      %eq3A_2219 = arith.cmpi eq, %and3A_2216, %eq3A_2218 : vector<4x32x128xi32>
      %select_n3A_2220 = arith.select %eq3A_2219, %roll3A_2210, %roll3A_2212 : vector<4x32x128xi1>, vector<4x32x128xf32>
      %roll3A_2221 = arith.constant 127 : i32
      %roll3A_2222 = tpu.dynamic_rotate %select_n3A_2208 by %roll3A_2221 dim 2 : vector<4x32x128xi32>, i32 -> vector<4x32x128xi32>
      %roll3A_2223 = arith.constant 1 : i32
      %roll3A_2224 = tpu.dynamic_rotate %select_n3A_2208 by %roll3A_2223 dim 2 : vector<4x32x128xi32>, i32 -> vector<4x32x128xi32>
      %iota3A_2225 = tpu.iota {dimensions = array<i32: 2>} : vector<4x32x128xi32>
      %and3A_2226 = arith.constant 1 : i32
      %and3A_2227 = vector.broadcast %and3A_2226 : i32 to vector<4x32x128xi32>
      %and3A_2228 = arith.andi %iota3A_2225, %and3A_2227 : vector<4x32x128xi32>
      %eq3A_2229 = arith.constant 0 : i32
      %eq3A_2230 = vector.broadcast %eq3A_2229 : i32 to vector<4x32x128xi32>
      %eq3A_2231 = arith.cmpi eq, %and3A_2228, %eq3A_2230 : vector<4x32x128xi32>
      %select_n3A_2232 = arith.select %eq3A_2231, %roll3A_2222, %roll3A_2224 : vector<4x32x128xi1>, vector<4x32x128xi32>
      %iota3A_2233 = tpu.iota {dimensions = array<i32: 2>} : vector<4x32x128xi32>
      %and3A_2234 = arith.constant 1 : i32
      %and3A_2235 = vector.broadcast %and3A_2234 : i32 to vector<4x32x128xi32>
      %and3A_2236 = arith.andi %iota3A_2233, %and3A_2235 : vector<4x32x128xi32>
      %eq3A_2237 = arith.constant 0 : i32
      %eq3A_2238 = vector.broadcast %eq3A_2237 : i32 to vector<4x32x128xi32>
      %eq3A_2239 = arith.cmpi eq, %and3A_2236, %eq3A_2238 : vector<4x32x128xi32>
      %iota3A_2240 = tpu.iota {dimensions = array<i32: 1>} : vector<4x32x128xi32>
      %and3A_2241 = arith.constant 4 : i32
      %and3A_2242 = vector.broadcast %and3A_2241 : i32 to vector<4x32x128xi32>
      %and3A_2243 = arith.andi %iota3A_2240, %and3A_2242 : vector<4x32x128xi32>
      %eq3A_2244 = arith.constant 0 : i32
      %eq3A_2245 = vector.broadcast %eq3A_2244 : i32 to vector<4x32x128xi32>
      %eq3A_2246 = arith.cmpi eq, %and3A_2243, %eq3A_2245 : vector<4x32x128xi32>
      %gt3A_2247 = arith.cmpf ogt, %select_n3A_2207, %select_n3A_2220 : vector<4x32x128xf32>
      %eq3A_2248 = arith.cmpf oeq, %select_n3A_2207, %select_n3A_2220 : vector<4x32x128xf32>
      %lt3A_2249 = arith.cmpi slt, %select_n3A_2208, %select_n3A_2232 : vector<4x32x128xi32>
      %and3A_2250 = arith.andi %eq3A_2248, %lt3A_2249 : vector<4x32x128xi1>
      %or3A_2251 = arith.ori %gt3A_2247, %and3A_2250 : vector<4x32x128xi1>
      %eq3A_2252 = arith.xori %eq3A_2239, %eq3A_2246 : vector<4x32x128xi1>
      %eq3A_2253 = arith.constant dense<true> : vector<4x32x128xi1>
      %eq3A_2254 = arith.xori %eq3A_2252, %eq3A_2253 : vector<4x32x128xi1>
      %eq3A_2255 = arith.xori %or3A_2251, %eq3A_2254 : vector<4x32x128xi1>
      %eq3A_2256 = arith.constant dense<true> : vector<4x32x128xi1>
      %eq3A_2257 = arith.xori %eq3A_2255, %eq3A_2256 : vector<4x32x128xi1>
      %select_n3A_2258 = arith.select %eq3A_2257, %select_n3A_2207, %select_n3A_2220 : vector<4x32x128xi1>, vector<4x32x128xf32>
      %select_n3A_2259 = arith.select %eq3A_2257, %select_n3A_2208, %select_n3A_2232 : vector<4x32x128xi1>, vector<4x32x128xi32>
      %reshape3A_2260 = vector.shape_cast %select_n3A_2258 : vector<4x32x128xf32> to vector<4x4x2x4x128xf32>
      %slice3A_2261 = vector.extract_strided_slice %reshape3A_2260 {offsets = [0, 0, 1, 0, 0], sizes = [4, 4, 1, 4, 128], strides = [1, 1, 1, 1, 1]} : vector<4x4x2x4x128xf32> to vector<4x4x1x4x128xf32>
      %slice3A_2262 = vector.extract_strided_slice %reshape3A_2260 {offsets = [0, 0, 0, 0, 0], sizes = [4, 4, 1, 4, 128], strides = [1, 1, 1, 1, 1]} : vector<4x4x2x4x128xf32> to vector<4x4x1x4x128xf32>
      %concatenate3A_2263 = tpu.concatenate %slice3A_2261, %slice3A_2262 in 2 : vector<4x4x1x4x128xf32>, vector<4x4x1x4x128xf32> -> vector<4x4x2x4x128xf32>
      %reshape3A_2264 = vector.shape_cast %concatenate3A_2263 : vector<4x4x2x4x128xf32> to vector<4x32x128xf32>
      %reshape3A_2265 = vector.shape_cast %select_n3A_2259 : vector<4x32x128xi32> to vector<4x4x2x4x128xi32>
      %slice3A_2266 = vector.extract_strided_slice %reshape3A_2265 {offsets = [0, 0, 1, 0, 0], sizes = [4, 4, 1, 4, 128], strides = [1, 1, 1, 1, 1]} : vector<4x4x2x4x128xi32> to vector<4x4x1x4x128xi32>
      %slice3A_2267 = vector.extract_strided_slice %reshape3A_2265 {offsets = [0, 0, 0, 0, 0], sizes = [4, 4, 1, 4, 128], strides = [1, 1, 1, 1, 1]} : vector<4x4x2x4x128xi32> to vector<4x4x1x4x128xi32>
      %concatenate3A_2268 = tpu.concatenate %slice3A_2266, %slice3A_2267 in 2 : vector<4x4x1x4x128xi32>, vector<4x4x1x4x128xi32> -> vector<4x4x2x4x128xi32>
      %reshape3A_2269 = vector.shape_cast %concatenate3A_2268 : vector<4x4x2x4x128xi32> to vector<4x32x128xi32>
      %iota3A_2270 = tpu.iota {dimensions = array<i32: 1>} : vector<4x32x128xi32>
      %and3A_2271 = arith.constant 4 : i32
      %and3A_2272 = vector.broadcast %and3A_2271 : i32 to vector<4x32x128xi32>
      %and3A_2273 = arith.andi %iota3A_2270, %and3A_2272 : vector<4x32x128xi32>
      %eq3A_2274 = arith.constant 0 : i32
      %eq3A_2275 = vector.broadcast %eq3A_2274 : i32 to vector<4x32x128xi32>
      %eq3A_2276 = arith.cmpi eq, %and3A_2273, %eq3A_2275 : vector<4x32x128xi32>
      %iota3A_2277 = tpu.iota {dimensions = array<i32: 1>} : vector<4x32x128xi32>
      %and3A_2278 = arith.constant 8 : i32
      %and3A_2279 = vector.broadcast %and3A_2278 : i32 to vector<4x32x128xi32>
      %and3A_2280 = arith.andi %iota3A_2277, %and3A_2279 : vector<4x32x128xi32>
      %eq3A_2281 = arith.constant 0 : i32
      %eq3A_2282 = vector.broadcast %eq3A_2281 : i32 to vector<4x32x128xi32>
      %eq3A_2283 = arith.cmpi eq, %and3A_2280, %eq3A_2282 : vector<4x32x128xi32>
      %gt3A_2284 = arith.cmpf ogt, %select_n3A_2258, %reshape3A_2264 : vector<4x32x128xf32>
      %eq3A_2285 = arith.cmpf oeq, %select_n3A_2258, %reshape3A_2264 : vector<4x32x128xf32>
      %lt3A_2286 = arith.cmpi slt, %select_n3A_2259, %reshape3A_2269 : vector<4x32x128xi32>
      %and3A_2287 = arith.andi %eq3A_2285, %lt3A_2286 : vector<4x32x128xi1>
      %or3A_2288 = arith.ori %gt3A_2284, %and3A_2287 : vector<4x32x128xi1>
      %eq3A_2289 = arith.xori %eq3A_2276, %eq3A_2283 : vector<4x32x128xi1>
      %eq3A_2290 = arith.constant dense<true> : vector<4x32x128xi1>
      %eq3A_2291 = arith.xori %eq3A_2289, %eq3A_2290 : vector<4x32x128xi1>
      %eq3A_2292 = arith.xori %or3A_2288, %eq3A_2291 : vector<4x32x128xi1>
      %eq3A_2293 = arith.constant dense<true> : vector<4x32x128xi1>
      %eq3A_2294 = arith.xori %eq3A_2292, %eq3A_2293 : vector<4x32x128xi1>
      %select_n3A_2295 = arith.select %eq3A_2294, %select_n3A_2258, %reshape3A_2264 : vector<4x32x128xi1>, vector<4x32x128xf32>
      %select_n3A_2296 = arith.select %eq3A_2294, %select_n3A_2259, %reshape3A_2269 : vector<4x32x128xi1>, vector<4x32x128xi32>
      %reshape3A_2297 = vector.shape_cast %select_n3A_2295 : vector<4x32x128xf32> to vector<4x8x2x2x128xf32>
      %slice3A_2298 = vector.extract_strided_slice %reshape3A_2297 {offsets = [0, 0, 1, 0, 0], sizes = [4, 8, 1, 2, 128], strides = [1, 1, 1, 1, 1]} : vector<4x8x2x2x128xf32> to vector<4x8x1x2x128xf32>
      %slice3A_2299 = vector.extract_strided_slice %reshape3A_2297 {offsets = [0, 0, 0, 0, 0], sizes = [4, 8, 1, 2, 128], strides = [1, 1, 1, 1, 1]} : vector<4x8x2x2x128xf32> to vector<4x8x1x2x128xf32>
      %concatenate3A_2300 = tpu.concatenate %slice3A_2298, %slice3A_2299 in 2 : vector<4x8x1x2x128xf32>, vector<4x8x1x2x128xf32> -> vector<4x8x2x2x128xf32>
      %reshape3A_2301 = vector.shape_cast %concatenate3A_2300 : vector<4x8x2x2x128xf32> to vector<4x32x128xf32>
      %reshape3A_2302 = vector.shape_cast %select_n3A_2296 : vector<4x32x128xi32> to vector<4x8x2x2x128xi32>
      %slice3A_2303 = vector.extract_strided_slice %reshape3A_2302 {offsets = [0, 0, 1, 0, 0], sizes = [4, 8, 1, 2, 128], strides = [1, 1, 1, 1, 1]} : vector<4x8x2x2x128xi32> to vector<4x8x1x2x128xi32>
      %slice3A_2304 = vector.extract_strided_slice %reshape3A_2302 {offsets = [0, 0, 0, 0, 0], sizes = [4, 8, 1, 2, 128], strides = [1, 1, 1, 1, 1]} : vector<4x8x2x2x128xi32> to vector<4x8x1x2x128xi32>
      %concatenate3A_2305 = tpu.concatenate %slice3A_2303, %slice3A_2304 in 2 : vector<4x8x1x2x128xi32>, vector<4x8x1x2x128xi32> -> vector<4x8x2x2x128xi32>
      %reshape3A_2306 = vector.shape_cast %concatenate3A_2305 : vector<4x8x2x2x128xi32> to vector<4x32x128xi32>
      %iota3A_2307 = tpu.iota {dimensions = array<i32: 1>} : vector<4x32x128xi32>
      %and3A_2308 = arith.constant 2 : i32
      %and3A_2309 = vector.broadcast %and3A_2308 : i32 to vector<4x32x128xi32>
      %and3A_2310 = arith.andi %iota3A_2307, %and3A_2309 : vector<4x32x128xi32>
      %eq3A_2311 = arith.constant 0 : i32
      %eq3A_2312 = vector.broadcast %eq3A_2311 : i32 to vector<4x32x128xi32>
      %eq3A_2313 = arith.cmpi eq, %and3A_2310, %eq3A_2312 : vector<4x32x128xi32>
      %iota3A_2314 = tpu.iota {dimensions = array<i32: 1>} : vector<4x32x128xi32>
      %and3A_2315 = arith.constant 8 : i32
      %and3A_2316 = vector.broadcast %and3A_2315 : i32 to vector<4x32x128xi32>
      %and3A_2317 = arith.andi %iota3A_2314, %and3A_2316 : vector<4x32x128xi32>
      %eq3A_2318 = arith.constant 0 : i32
      %eq3A_2319 = vector.broadcast %eq3A_2318 : i32 to vector<4x32x128xi32>
      %eq3A_2320 = arith.cmpi eq, %and3A_2317, %eq3A_2319 : vector<4x32x128xi32>
      %gt3A_2321 = arith.cmpf ogt, %select_n3A_2295, %reshape3A_2301 : vector<4x32x128xf32>
      %eq3A_2322 = arith.cmpf oeq, %select_n3A_2295, %reshape3A_2301 : vector<4x32x128xf32>
      %lt3A_2323 = arith.cmpi slt, %select_n3A_2296, %reshape3A_2306 : vector<4x32x128xi32>
      %and3A_2324 = arith.andi %eq3A_2322, %lt3A_2323 : vector<4x32x128xi1>
      %or3A_2325 = arith.ori %gt3A_2321, %and3A_2324 : vector<4x32x128xi1>
      %eq3A_2326 = arith.xori %eq3A_2313, %eq3A_2320 : vector<4x32x128xi1>
      %eq3A_2327 = arith.constant dense<true> : vector<4x32x128xi1>
      %eq3A_2328 = arith.xori %eq3A_2326, %eq3A_2327 : vector<4x32x128xi1>
      %eq3A_2329 = arith.xori %or3A_2325, %eq3A_2328 : vector<4x32x128xi1>
      %eq3A_2330 = arith.constant dense<true> : vector<4x32x128xi1>
      %eq3A_2331 = arith.xori %eq3A_2329, %eq3A_2330 : vector<4x32x128xi1>
      %select_n3A_2332 = arith.select %eq3A_2331, %select_n3A_2295, %reshape3A_2301 : vector<4x32x128xi1>, vector<4x32x128xf32>
      %select_n3A_2333 = arith.select %eq3A_2331, %select_n3A_2296, %reshape3A_2306 : vector<4x32x128xi1>, vector<4x32x128xi32>
      %reshape3A_2334 = vector.shape_cast %select_n3A_2332 : vector<4x32x128xf32> to vector<4x16x2x1x128xf32>
      %slice3A_2335 = vector.extract_strided_slice %reshape3A_2334 {offsets = [0, 0, 1, 0, 0], sizes = [4, 16, 1, 1, 128], strides = [1, 1, 1, 1, 1]} : vector<4x16x2x1x128xf32> to vector<4x16x1x1x128xf32>
      %slice3A_2336 = vector.extract_strided_slice %reshape3A_2334 {offsets = [0, 0, 0, 0, 0], sizes = [4, 16, 1, 1, 128], strides = [1, 1, 1, 1, 1]} : vector<4x16x2x1x128xf32> to vector<4x16x1x1x128xf32>
      %concatenate3A_2337 = tpu.concatenate %slice3A_2335, %slice3A_2336 in 2 : vector<4x16x1x1x128xf32>, vector<4x16x1x1x128xf32> -> vector<4x16x2x1x128xf32>
      %reshape3A_2338 = vector.shape_cast %concatenate3A_2337 : vector<4x16x2x1x128xf32> to vector<4x32x128xf32>
      %reshape3A_2339 = vector.shape_cast %select_n3A_2333 : vector<4x32x128xi32> to vector<4x16x2x1x128xi32>
      %slice3A_2340 = vector.extract_strided_slice %reshape3A_2339 {offsets = [0, 0, 1, 0, 0], sizes = [4, 16, 1, 1, 128], strides = [1, 1, 1, 1, 1]} : vector<4x16x2x1x128xi32> to vector<4x16x1x1x128xi32>
      %slice3A_2341 = vector.extract_strided_slice %reshape3A_2339 {offsets = [0, 0, 0, 0, 0], sizes = [4, 16, 1, 1, 128], strides = [1, 1, 1, 1, 1]} : vector<4x16x2x1x128xi32> to vector<4x16x1x1x128xi32>
      %concatenate3A_2342 = tpu.concatenate %slice3A_2340, %slice3A_2341 in 2 : vector<4x16x1x1x128xi32>, vector<4x16x1x1x128xi32> -> vector<4x16x2x1x128xi32>
      %reshape3A_2343 = vector.shape_cast %concatenate3A_2342 : vector<4x16x2x1x128xi32> to vector<4x32x128xi32>
      %iota3A_2344 = tpu.iota {dimensions = array<i32: 1>} : vector<4x32x128xi32>
      %and3A_2345 = arith.constant 1 : i32
      %and3A_2346 = vector.broadcast %and3A_2345 : i32 to vector<4x32x128xi32>
      %and3A_2347 = arith.andi %iota3A_2344, %and3A_2346 : vector<4x32x128xi32>
      %eq3A_2348 = arith.constant 0 : i32
      %eq3A_2349 = vector.broadcast %eq3A_2348 : i32 to vector<4x32x128xi32>
      %eq3A_2350 = arith.cmpi eq, %and3A_2347, %eq3A_2349 : vector<4x32x128xi32>
      %iota3A_2351 = tpu.iota {dimensions = array<i32: 1>} : vector<4x32x128xi32>
      %and3A_2352 = arith.constant 8 : i32
      %and3A_2353 = vector.broadcast %and3A_2352 : i32 to vector<4x32x128xi32>
      %and3A_2354 = arith.andi %iota3A_2351, %and3A_2353 : vector<4x32x128xi32>
      %eq3A_2355 = arith.constant 0 : i32
      %eq3A_2356 = vector.broadcast %eq3A_2355 : i32 to vector<4x32x128xi32>
      %eq3A_2357 = arith.cmpi eq, %and3A_2354, %eq3A_2356 : vector<4x32x128xi32>
      %gt3A_2358 = arith.cmpf ogt, %select_n3A_2332, %reshape3A_2338 : vector<4x32x128xf32>
      %eq3A_2359 = arith.cmpf oeq, %select_n3A_2332, %reshape3A_2338 : vector<4x32x128xf32>
      %lt3A_2360 = arith.cmpi slt, %select_n3A_2333, %reshape3A_2343 : vector<4x32x128xi32>
      %and3A_2361 = arith.andi %eq3A_2359, %lt3A_2360 : vector<4x32x128xi1>
      %or3A_2362 = arith.ori %gt3A_2358, %and3A_2361 : vector<4x32x128xi1>
      %eq3A_2363 = arith.xori %eq3A_2350, %eq3A_2357 : vector<4x32x128xi1>
      %eq3A_2364 = arith.constant dense<true> : vector<4x32x128xi1>
      %eq3A_2365 = arith.xori %eq3A_2363, %eq3A_2364 : vector<4x32x128xi1>
      %eq3A_2366 = arith.xori %or3A_2362, %eq3A_2365 : vector<4x32x128xi1>
      %eq3A_2367 = arith.constant dense<true> : vector<4x32x128xi1>
      %eq3A_2368 = arith.xori %eq3A_2366, %eq3A_2367 : vector<4x32x128xi1>
      %select_n3A_2369 = arith.select %eq3A_2368, %select_n3A_2332, %reshape3A_2338 : vector<4x32x128xi1>, vector<4x32x128xf32>
      %select_n3A_2370 = arith.select %eq3A_2368, %select_n3A_2333, %reshape3A_2343 : vector<4x32x128xi1>, vector<4x32x128xi32>
      %roll3A_2371 = arith.constant 64 : i32
      %roll3A_2372 = tpu.dynamic_rotate %select_n3A_2369 by %roll3A_2371 dim 2 : vector<4x32x128xf32>, i32 -> vector<4x32x128xf32>
      %roll3A_2373 = arith.constant 64 : i32
      %roll3A_2374 = tpu.dynamic_rotate %select_n3A_2369 by %roll3A_2373 dim 2 : vector<4x32x128xf32>, i32 -> vector<4x32x128xf32>
      %iota3A_2375 = tpu.iota {dimensions = array<i32: 2>} : vector<4x32x128xi32>
      %and3A_2376 = arith.constant 64 : i32
      %and3A_2377 = vector.broadcast %and3A_2376 : i32 to vector<4x32x128xi32>
      %and3A_2378 = arith.andi %iota3A_2375, %and3A_2377 : vector<4x32x128xi32>
      %eq3A_2379 = arith.constant 0 : i32
      %eq3A_2380 = vector.broadcast %eq3A_2379 : i32 to vector<4x32x128xi32>
      %eq3A_2381 = arith.cmpi eq, %and3A_2378, %eq3A_2380 : vector<4x32x128xi32>
      %select_n3A_2382 = arith.select %eq3A_2381, %roll3A_2372, %roll3A_2374 : vector<4x32x128xi1>, vector<4x32x128xf32>
      %roll3A_2383 = arith.constant 64 : i32
      %roll3A_2384 = tpu.dynamic_rotate %select_n3A_2370 by %roll3A_2383 dim 2 : vector<4x32x128xi32>, i32 -> vector<4x32x128xi32>
      %roll3A_2385 = arith.constant 64 : i32
      %roll3A_2386 = tpu.dynamic_rotate %select_n3A_2370 by %roll3A_2385 dim 2 : vector<4x32x128xi32>, i32 -> vector<4x32x128xi32>
      %iota3A_2387 = tpu.iota {dimensions = array<i32: 2>} : vector<4x32x128xi32>
      %and3A_2388 = arith.constant 64 : i32
      %and3A_2389 = vector.broadcast %and3A_2388 : i32 to vector<4x32x128xi32>
      %and3A_2390 = arith.andi %iota3A_2387, %and3A_2389 : vector<4x32x128xi32>
      %eq3A_2391 = arith.constant 0 : i32
      %eq3A_2392 = vector.broadcast %eq3A_2391 : i32 to vector<4x32x128xi32>
      %eq3A_2393 = arith.cmpi eq, %and3A_2390, %eq3A_2392 : vector<4x32x128xi32>
      %select_n3A_2394 = arith.select %eq3A_2393, %roll3A_2384, %roll3A_2386 : vector<4x32x128xi1>, vector<4x32x128xi32>
      %iota3A_2395 = tpu.iota {dimensions = array<i32: 2>} : vector<4x32x128xi32>
      %and3A_2396 = arith.constant 64 : i32
      %and3A_2397 = vector.broadcast %and3A_2396 : i32 to vector<4x32x128xi32>
      %and3A_2398 = arith.andi %iota3A_2395, %and3A_2397 : vector<4x32x128xi32>
      %eq3A_2399 = arith.constant 0 : i32
      %eq3A_2400 = vector.broadcast %eq3A_2399 : i32 to vector<4x32x128xi32>
      %eq3A_2401 = arith.cmpi eq, %and3A_2398, %eq3A_2400 : vector<4x32x128xi32>
      %iota3A_2402 = tpu.iota {dimensions = array<i32: 1>} : vector<4x32x128xi32>
      %and3A_2403 = arith.constant 8 : i32
      %and3A_2404 = vector.broadcast %and3A_2403 : i32 to vector<4x32x128xi32>
      %and3A_2405 = arith.andi %iota3A_2402, %and3A_2404 : vector<4x32x128xi32>
      %eq3A_2406 = arith.constant 0 : i32
      %eq3A_2407 = vector.broadcast %eq3A_2406 : i32 to vector<4x32x128xi32>
      %eq3A_2408 = arith.cmpi eq, %and3A_2405, %eq3A_2407 : vector<4x32x128xi32>
      %gt3A_2409 = arith.cmpf ogt, %select_n3A_2369, %select_n3A_2382 : vector<4x32x128xf32>
      %eq3A_2410 = arith.cmpf oeq, %select_n3A_2369, %select_n3A_2382 : vector<4x32x128xf32>
      %lt3A_2411 = arith.cmpi slt, %select_n3A_2370, %select_n3A_2394 : vector<4x32x128xi32>
      %and3A_2412 = arith.andi %eq3A_2410, %lt3A_2411 : vector<4x32x128xi1>
      %or3A_2413 = arith.ori %gt3A_2409, %and3A_2412 : vector<4x32x128xi1>
      %eq3A_2414 = arith.xori %eq3A_2401, %eq3A_2408 : vector<4x32x128xi1>
      %eq3A_2415 = arith.constant dense<true> : vector<4x32x128xi1>
      %eq3A_2416 = arith.xori %eq3A_2414, %eq3A_2415 : vector<4x32x128xi1>
      %eq3A_2417 = arith.xori %or3A_2413, %eq3A_2416 : vector<4x32x128xi1>
      %eq3A_2418 = arith.constant dense<true> : vector<4x32x128xi1>
      %eq3A_2419 = arith.xori %eq3A_2417, %eq3A_2418 : vector<4x32x128xi1>
      %select_n3A_2420 = arith.select %eq3A_2419, %select_n3A_2369, %select_n3A_2382 : vector<4x32x128xi1>, vector<4x32x128xf32>
      %select_n3A_2421 = arith.select %eq3A_2419, %select_n3A_2370, %select_n3A_2394 : vector<4x32x128xi1>, vector<4x32x128xi32>
      %roll3A_2422 = arith.constant 96 : i32
      %roll3A_2423 = tpu.dynamic_rotate %select_n3A_2420 by %roll3A_2422 dim 2 : vector<4x32x128xf32>, i32 -> vector<4x32x128xf32>
      %roll3A_2424 = arith.constant 32 : i32
      %roll3A_2425 = tpu.dynamic_rotate %select_n3A_2420 by %roll3A_2424 dim 2 : vector<4x32x128xf32>, i32 -> vector<4x32x128xf32>
      %iota3A_2426 = tpu.iota {dimensions = array<i32: 2>} : vector<4x32x128xi32>
      %and3A_2427 = arith.constant 32 : i32
      %and3A_2428 = vector.broadcast %and3A_2427 : i32 to vector<4x32x128xi32>
      %and3A_2429 = arith.andi %iota3A_2426, %and3A_2428 : vector<4x32x128xi32>
      %eq3A_2430 = arith.constant 0 : i32
      %eq3A_2431 = vector.broadcast %eq3A_2430 : i32 to vector<4x32x128xi32>
      %eq3A_2432 = arith.cmpi eq, %and3A_2429, %eq3A_2431 : vector<4x32x128xi32>
      %select_n3A_2433 = arith.select %eq3A_2432, %roll3A_2423, %roll3A_2425 : vector<4x32x128xi1>, vector<4x32x128xf32>
      %roll3A_2434 = arith.constant 96 : i32
      %roll3A_2435 = tpu.dynamic_rotate %select_n3A_2421 by %roll3A_2434 dim 2 : vector<4x32x128xi32>, i32 -> vector<4x32x128xi32>
      %roll3A_2436 = arith.constant 32 : i32
      %roll3A_2437 = tpu.dynamic_rotate %select_n3A_2421 by %roll3A_2436 dim 2 : vector<4x32x128xi32>, i32 -> vector<4x32x128xi32>
      %iota3A_2438 = tpu.iota {dimensions = array<i32: 2>} : vector<4x32x128xi32>
      %and3A_2439 = arith.constant 32 : i32
      %and3A_2440 = vector.broadcast %and3A_2439 : i32 to vector<4x32x128xi32>
      %and3A_2441 = arith.andi %iota3A_2438, %and3A_2440 : vector<4x32x128xi32>
      %eq3A_2442 = arith.constant 0 : i32
      %eq3A_2443 = vector.broadcast %eq3A_2442 : i32 to vector<4x32x128xi32>
      %eq3A_2444 = arith.cmpi eq, %and3A_2441, %eq3A_2443 : vector<4x32x128xi32>
      %select_n3A_2445 = arith.select %eq3A_2444, %roll3A_2435, %roll3A_2437 : vector<4x32x128xi1>, vector<4x32x128xi32>
      %iota3A_2446 = tpu.iota {dimensions = array<i32: 2>} : vector<4x32x128xi32>
      %and3A_2447 = arith.constant 32 : i32
      %and3A_2448 = vector.broadcast %and3A_2447 : i32 to vector<4x32x128xi32>
      %and3A_2449 = arith.andi %iota3A_2446, %and3A_2448 : vector<4x32x128xi32>
      %eq3A_2450 = arith.constant 0 : i32
      %eq3A_2451 = vector.broadcast %eq3A_2450 : i32 to vector<4x32x128xi32>
      %eq3A_2452 = arith.cmpi eq, %and3A_2449, %eq3A_2451 : vector<4x32x128xi32>
      %iota3A_2453 = tpu.iota {dimensions = array<i32: 1>} : vector<4x32x128xi32>
      %and3A_2454 = arith.constant 8 : i32
      %and3A_2455 = vector.broadcast %and3A_2454 : i32 to vector<4x32x128xi32>
      %and3A_2456 = arith.andi %iota3A_2453, %and3A_2455 : vector<4x32x128xi32>
      %eq3A_2457 = arith.constant 0 : i32
      %eq3A_2458 = vector.broadcast %eq3A_2457 : i32 to vector<4x32x128xi32>
      %eq3A_2459 = arith.cmpi eq, %and3A_2456, %eq3A_2458 : vector<4x32x128xi32>
      %gt3A_2460 = arith.cmpf ogt, %select_n3A_2420, %select_n3A_2433 : vector<4x32x128xf32>
      %eq3A_2461 = arith.cmpf oeq, %select_n3A_2420, %select_n3A_2433 : vector<4x32x128xf32>
      %lt3A_2462 = arith.cmpi slt, %select_n3A_2421, %select_n3A_2445 : vector<4x32x128xi32>
      %and3A_2463 = arith.andi %eq3A_2461, %lt3A_2462 : vector<4x32x128xi1>
      %or3A_2464 = arith.ori %gt3A_2460, %and3A_2463 : vector<4x32x128xi1>
      %eq3A_2465 = arith.xori %eq3A_2452, %eq3A_2459 : vector<4x32x128xi1>
      %eq3A_2466 = arith.constant dense<true> : vector<4x32x128xi1>
      %eq3A_2467 = arith.xori %eq3A_2465, %eq3A_2466 : vector<4x32x128xi1>
      %eq3A_2468 = arith.xori %or3A_2464, %eq3A_2467 : vector<4x32x128xi1>
      %eq3A_2469 = arith.constant dense<true> : vector<4x32x128xi1>
      %eq3A_2470 = arith.xori %eq3A_2468, %eq3A_2469 : vector<4x32x128xi1>
      %select_n3A_2471 = arith.select %eq3A_2470, %select_n3A_2420, %select_n3A_2433 : vector<4x32x128xi1>, vector<4x32x128xf32>
      %select_n3A_2472 = arith.select %eq3A_2470, %select_n3A_2421, %select_n3A_2445 : vector<4x32x128xi1>, vector<4x32x128xi32>
      %roll3A_2473 = arith.constant 112 : i32
      %roll3A_2474 = tpu.dynamic_rotate %select_n3A_2471 by %roll3A_2473 dim 2 : vector<4x32x128xf32>, i32 -> vector<4x32x128xf32>
      %roll3A_2475 = arith.constant 16 : i32
      %roll3A_2476 = tpu.dynamic_rotate %select_n3A_2471 by %roll3A_2475 dim 2 : vector<4x32x128xf32>, i32 -> vector<4x32x128xf32>
      %iota3A_2477 = tpu.iota {dimensions = array<i32: 2>} : vector<4x32x128xi32>
      %and3A_2478 = arith.constant 16 : i32
      %and3A_2479 = vector.broadcast %and3A_2478 : i32 to vector<4x32x128xi32>
      %and3A_2480 = arith.andi %iota3A_2477, %and3A_2479 : vector<4x32x128xi32>
      %eq3A_2481 = arith.constant 0 : i32
      %eq3A_2482 = vector.broadcast %eq3A_2481 : i32 to vector<4x32x128xi32>
      %eq3A_2483 = arith.cmpi eq, %and3A_2480, %eq3A_2482 : vector<4x32x128xi32>
      %select_n3A_2484 = arith.select %eq3A_2483, %roll3A_2474, %roll3A_2476 : vector<4x32x128xi1>, vector<4x32x128xf32>
      %roll3A_2485 = arith.constant 112 : i32
      %roll3A_2486 = tpu.dynamic_rotate %select_n3A_2472 by %roll3A_2485 dim 2 : vector<4x32x128xi32>, i32 -> vector<4x32x128xi32>
      %roll3A_2487 = arith.constant 16 : i32
      %roll3A_2488 = tpu.dynamic_rotate %select_n3A_2472 by %roll3A_2487 dim 2 : vector<4x32x128xi32>, i32 -> vector<4x32x128xi32>
      %iota3A_2489 = tpu.iota {dimensions = array<i32: 2>} : vector<4x32x128xi32>
      %and3A_2490 = arith.constant 16 : i32
      %and3A_2491 = vector.broadcast %and3A_2490 : i32 to vector<4x32x128xi32>
      %and3A_2492 = arith.andi %iota3A_2489, %and3A_2491 : vector<4x32x128xi32>
      %eq3A_2493 = arith.constant 0 : i32
      %eq3A_2494 = vector.broadcast %eq3A_2493 : i32 to vector<4x32x128xi32>
      %eq3A_2495 = arith.cmpi eq, %and3A_2492, %eq3A_2494 : vector<4x32x128xi32>
      %select_n3A_2496 = arith.select %eq3A_2495, %roll3A_2486, %roll3A_2488 : vector<4x32x128xi1>, vector<4x32x128xi32>
      %iota3A_2497 = tpu.iota {dimensions = array<i32: 2>} : vector<4x32x128xi32>
      %and3A_2498 = arith.constant 16 : i32
      %and3A_2499 = vector.broadcast %and3A_2498 : i32 to vector<4x32x128xi32>
      %and3A_2500 = arith.andi %iota3A_2497, %and3A_2499 : vector<4x32x128xi32>
      %eq3A_2501 = arith.constant 0 : i32
      %eq3A_2502 = vector.broadcast %eq3A_2501 : i32 to vector<4x32x128xi32>
      %eq3A_2503 = arith.cmpi eq, %and3A_2500, %eq3A_2502 : vector<4x32x128xi32>
      %iota3A_2504 = tpu.iota {dimensions = array<i32: 1>} : vector<4x32x128xi32>
      %and3A_2505 = arith.constant 8 : i32
      %and3A_2506 = vector.broadcast %and3A_2505 : i32 to vector<4x32x128xi32>
      %and3A_2507 = arith.andi %iota3A_2504, %and3A_2506 : vector<4x32x128xi32>
      %eq3A_2508 = arith.constant 0 : i32
      %eq3A_2509 = vector.broadcast %eq3A_2508 : i32 to vector<4x32x128xi32>
      %eq3A_2510 = arith.cmpi eq, %and3A_2507, %eq3A_2509 : vector<4x32x128xi32>
      %gt3A_2511 = arith.cmpf ogt, %select_n3A_2471, %select_n3A_2484 : vector<4x32x128xf32>
      %eq3A_2512 = arith.cmpf oeq, %select_n3A_2471, %select_n3A_2484 : vector<4x32x128xf32>
      %lt3A_2513 = arith.cmpi slt, %select_n3A_2472, %select_n3A_2496 : vector<4x32x128xi32>
      %and3A_2514 = arith.andi %eq3A_2512, %lt3A_2513 : vector<4x32x128xi1>
      %or3A_2515 = arith.ori %gt3A_2511, %and3A_2514 : vector<4x32x128xi1>
      %eq3A_2516 = arith.xori %eq3A_2503, %eq3A_2510 : vector<4x32x128xi1>
      %eq3A_2517 = arith.constant dense<true> : vector<4x32x128xi1>
      %eq3A_2518 = arith.xori %eq3A_2516, %eq3A_2517 : vector<4x32x128xi1>
      %eq3A_2519 = arith.xori %or3A_2515, %eq3A_2518 : vector<4x32x128xi1>
      %eq3A_2520 = arith.constant dense<true> : vector<4x32x128xi1>
      %eq3A_2521 = arith.xori %eq3A_2519, %eq3A_2520 : vector<4x32x128xi1>
      %select_n3A_2522 = arith.select %eq3A_2521, %select_n3A_2471, %select_n3A_2484 : vector<4x32x128xi1>, vector<4x32x128xf32>
      %select_n3A_2523 = arith.select %eq3A_2521, %select_n3A_2472, %select_n3A_2496 : vector<4x32x128xi1>, vector<4x32x128xi32>
      %roll3A_2524 = arith.constant 120 : i32
      %roll3A_2525 = tpu.dynamic_rotate %select_n3A_2522 by %roll3A_2524 dim 2 : vector<4x32x128xf32>, i32 -> vector<4x32x128xf32>
      %roll3A_2526 = arith.constant 8 : i32
      %roll3A_2527 = tpu.dynamic_rotate %select_n3A_2522 by %roll3A_2526 dim 2 : vector<4x32x128xf32>, i32 -> vector<4x32x128xf32>
      %iota3A_2528 = tpu.iota {dimensions = array<i32: 2>} : vector<4x32x128xi32>
      %and3A_2529 = arith.constant 8 : i32
      %and3A_2530 = vector.broadcast %and3A_2529 : i32 to vector<4x32x128xi32>
      %and3A_2531 = arith.andi %iota3A_2528, %and3A_2530 : vector<4x32x128xi32>
      %eq3A_2532 = arith.constant 0 : i32
      %eq3A_2533 = vector.broadcast %eq3A_2532 : i32 to vector<4x32x128xi32>
      %eq3A_2534 = arith.cmpi eq, %and3A_2531, %eq3A_2533 : vector<4x32x128xi32>
      %select_n3A_2535 = arith.select %eq3A_2534, %roll3A_2525, %roll3A_2527 : vector<4x32x128xi1>, vector<4x32x128xf32>
      %roll3A_2536 = arith.constant 120 : i32
      %roll3A_2537 = tpu.dynamic_rotate %select_n3A_2523 by %roll3A_2536 dim 2 : vector<4x32x128xi32>, i32 -> vector<4x32x128xi32>
      %roll3A_2538 = arith.constant 8 : i32
      %roll3A_2539 = tpu.dynamic_rotate %select_n3A_2523 by %roll3A_2538 dim 2 : vector<4x32x128xi32>, i32 -> vector<4x32x128xi32>
      %iota3A_2540 = tpu.iota {dimensions = array<i32: 2>} : vector<4x32x128xi32>
      %and3A_2541 = arith.constant 8 : i32
      %and3A_2542 = vector.broadcast %and3A_2541 : i32 to vector<4x32x128xi32>
      %and3A_2543 = arith.andi %iota3A_2540, %and3A_2542 : vector<4x32x128xi32>
      %eq3A_2544 = arith.constant 0 : i32
      %eq3A_2545 = vector.broadcast %eq3A_2544 : i32 to vector<4x32x128xi32>
      %eq3A_2546 = arith.cmpi eq, %and3A_2543, %eq3A_2545 : vector<4x32x128xi32>
      %select_n3A_2547 = arith.select %eq3A_2546, %roll3A_2537, %roll3A_2539 : vector<4x32x128xi1>, vector<4x32x128xi32>
      %iota3A_2548 = tpu.iota {dimensions = array<i32: 2>} : vector<4x32x128xi32>
      %and3A_2549 = arith.constant 8 : i32
      %and3A_2550 = vector.broadcast %and3A_2549 : i32 to vector<4x32x128xi32>
      %and3A_2551 = arith.andi %iota3A_2548, %and3A_2550 : vector<4x32x128xi32>
      %eq3A_2552 = arith.constant 0 : i32
      %eq3A_2553 = vector.broadcast %eq3A_2552 : i32 to vector<4x32x128xi32>
      %eq3A_2554 = arith.cmpi eq, %and3A_2551, %eq3A_2553 : vector<4x32x128xi32>
      %iota3A_2555 = tpu.iota {dimensions = array<i32: 1>} : vector<4x32x128xi32>
      %and3A_2556 = arith.constant 8 : i32
      %and3A_2557 = vector.broadcast %and3A_2556 : i32 to vector<4x32x128xi32>
      %and3A_2558 = arith.andi %iota3A_2555, %and3A_2557 : vector<4x32x128xi32>
      %eq3A_2559 = arith.constant 0 : i32
      %eq3A_2560 = vector.broadcast %eq3A_2559 : i32 to vector<4x32x128xi32>
      %eq3A_2561 = arith.cmpi eq, %and3A_2558, %eq3A_2560 : vector<4x32x128xi32>
      %gt3A_2562 = arith.cmpf ogt, %select_n3A_2522, %select_n3A_2535 : vector<4x32x128xf32>
      %eq3A_2563 = arith.cmpf oeq, %select_n3A_2522, %select_n3A_2535 : vector<4x32x128xf32>
      %lt3A_2564 = arith.cmpi slt, %select_n3A_2523, %select_n3A_2547 : vector<4x32x128xi32>
      %and3A_2565 = arith.andi %eq3A_2563, %lt3A_2564 : vector<4x32x128xi1>
      %or3A_2566 = arith.ori %gt3A_2562, %and3A_2565 : vector<4x32x128xi1>
      %eq3A_2567 = arith.xori %eq3A_2554, %eq3A_2561 : vector<4x32x128xi1>
      %eq3A_2568 = arith.constant dense<true> : vector<4x32x128xi1>
      %eq3A_2569 = arith.xori %eq3A_2567, %eq3A_2568 : vector<4x32x128xi1>
      %eq3A_2570 = arith.xori %or3A_2566, %eq3A_2569 : vector<4x32x128xi1>
      %eq3A_2571 = arith.constant dense<true> : vector<4x32x128xi1>
      %eq3A_2572 = arith.xori %eq3A_2570, %eq3A_2571 : vector<4x32x128xi1>
      %select_n3A_2573 = arith.select %eq3A_2572, %select_n3A_2522, %select_n3A_2535 : vector<4x32x128xi1>, vector<4x32x128xf32>
      %select_n3A_2574 = arith.select %eq3A_2572, %select_n3A_2523, %select_n3A_2547 : vector<4x32x128xi1>, vector<4x32x128xi32>
      %roll3A_2575 = arith.constant 124 : i32
      %roll3A_2576 = tpu.dynamic_rotate %select_n3A_2573 by %roll3A_2575 dim 2 : vector<4x32x128xf32>, i32 -> vector<4x32x128xf32>
      %roll3A_2577 = arith.constant 4 : i32
      %roll3A_2578 = tpu.dynamic_rotate %select_n3A_2573 by %roll3A_2577 dim 2 : vector<4x32x128xf32>, i32 -> vector<4x32x128xf32>
      %iota3A_2579 = tpu.iota {dimensions = array<i32: 2>} : vector<4x32x128xi32>
      %and3A_2580 = arith.constant 4 : i32
      %and3A_2581 = vector.broadcast %and3A_2580 : i32 to vector<4x32x128xi32>
      %and3A_2582 = arith.andi %iota3A_2579, %and3A_2581 : vector<4x32x128xi32>
      %eq3A_2583 = arith.constant 0 : i32
      %eq3A_2584 = vector.broadcast %eq3A_2583 : i32 to vector<4x32x128xi32>
      %eq3A_2585 = arith.cmpi eq, %and3A_2582, %eq3A_2584 : vector<4x32x128xi32>
      %select_n3A_2586 = arith.select %eq3A_2585, %roll3A_2576, %roll3A_2578 : vector<4x32x128xi1>, vector<4x32x128xf32>
      %roll3A_2587 = arith.constant 124 : i32
      %roll3A_2588 = tpu.dynamic_rotate %select_n3A_2574 by %roll3A_2587 dim 2 : vector<4x32x128xi32>, i32 -> vector<4x32x128xi32>
      %roll3A_2589 = arith.constant 4 : i32
      %roll3A_2590 = tpu.dynamic_rotate %select_n3A_2574 by %roll3A_2589 dim 2 : vector<4x32x128xi32>, i32 -> vector<4x32x128xi32>
      %iota3A_2591 = tpu.iota {dimensions = array<i32: 2>} : vector<4x32x128xi32>
      %and3A_2592 = arith.constant 4 : i32
      %and3A_2593 = vector.broadcast %and3A_2592 : i32 to vector<4x32x128xi32>
      %and3A_2594 = arith.andi %iota3A_2591, %and3A_2593 : vector<4x32x128xi32>
      %eq3A_2595 = arith.constant 0 : i32
      %eq3A_2596 = vector.broadcast %eq3A_2595 : i32 to vector<4x32x128xi32>
      %eq3A_2597 = arith.cmpi eq, %and3A_2594, %eq3A_2596 : vector<4x32x128xi32>
      %select_n3A_2598 = arith.select %eq3A_2597, %roll3A_2588, %roll3A_2590 : vector<4x32x128xi1>, vector<4x32x128xi32>
      %iota3A_2599 = tpu.iota {dimensions = array<i32: 2>} : vector<4x32x128xi32>
      %and3A_2600 = arith.constant 4 : i32
      %and3A_2601 = vector.broadcast %and3A_2600 : i32 to vector<4x32x128xi32>
      %and3A_2602 = arith.andi %iota3A_2599, %and3A_2601 : vector<4x32x128xi32>
      %eq3A_2603 = arith.constant 0 : i32
      %eq3A_2604 = vector.broadcast %eq3A_2603 : i32 to vector<4x32x128xi32>
      %eq3A_2605 = arith.cmpi eq, %and3A_2602, %eq3A_2604 : vector<4x32x128xi32>
      %iota3A_2606 = tpu.iota {dimensions = array<i32: 1>} : vector<4x32x128xi32>
      %and3A_2607 = arith.constant 8 : i32
      %and3A_2608 = vector.broadcast %and3A_2607 : i32 to vector<4x32x128xi32>
      %and3A_2609 = arith.andi %iota3A_2606, %and3A_2608 : vector<4x32x128xi32>
      %eq3A_2610 = arith.constant 0 : i32
      %eq3A_2611 = vector.broadcast %eq3A_2610 : i32 to vector<4x32x128xi32>
      %eq3A_2612 = arith.cmpi eq, %and3A_2609, %eq3A_2611 : vector<4x32x128xi32>
      %gt3A_2613 = arith.cmpf ogt, %select_n3A_2573, %select_n3A_2586 : vector<4x32x128xf32>
      %eq3A_2614 = arith.cmpf oeq, %select_n3A_2573, %select_n3A_2586 : vector<4x32x128xf32>
      %lt3A_2615 = arith.cmpi slt, %select_n3A_2574, %select_n3A_2598 : vector<4x32x128xi32>
      %and3A_2616 = arith.andi %eq3A_2614, %lt3A_2615 : vector<4x32x128xi1>
      %or3A_2617 = arith.ori %gt3A_2613, %and3A_2616 : vector<4x32x128xi1>
      %eq3A_2618 = arith.xori %eq3A_2605, %eq3A_2612 : vector<4x32x128xi1>
      %eq3A_2619 = arith.constant dense<true> : vector<4x32x128xi1>
      %eq3A_2620 = arith.xori %eq3A_2618, %eq3A_2619 : vector<4x32x128xi1>
      %eq3A_2621 = arith.xori %or3A_2617, %eq3A_2620 : vector<4x32x128xi1>
      %eq3A_2622 = arith.constant dense<true> : vector<4x32x128xi1>
      %eq3A_2623 = arith.xori %eq3A_2621, %eq3A_2622 : vector<4x32x128xi1>
      %select_n3A_2624 = arith.select %eq3A_2623, %select_n3A_2573, %select_n3A_2586 : vector<4x32x128xi1>, vector<4x32x128xf32>
      %select_n3A_2625 = arith.select %eq3A_2623, %select_n3A_2574, %select_n3A_2598 : vector<4x32x128xi1>, vector<4x32x128xi32>
      %roll3A_2626 = arith.constant 126 : i32
      %roll3A_2627 = tpu.dynamic_rotate %select_n3A_2624 by %roll3A_2626 dim 2 : vector<4x32x128xf32>, i32 -> vector<4x32x128xf32>
      %roll3A_2628 = arith.constant 2 : i32
      %roll3A_2629 = tpu.dynamic_rotate %select_n3A_2624 by %roll3A_2628 dim 2 : vector<4x32x128xf32>, i32 -> vector<4x32x128xf32>
      %iota3A_2630 = tpu.iota {dimensions = array<i32: 2>} : vector<4x32x128xi32>
      %and3A_2631 = arith.constant 2 : i32
      %and3A_2632 = vector.broadcast %and3A_2631 : i32 to vector<4x32x128xi32>
      %and3A_2633 = arith.andi %iota3A_2630, %and3A_2632 : vector<4x32x128xi32>
      %eq3A_2634 = arith.constant 0 : i32
      %eq3A_2635 = vector.broadcast %eq3A_2634 : i32 to vector<4x32x128xi32>
      %eq3A_2636 = arith.cmpi eq, %and3A_2633, %eq3A_2635 : vector<4x32x128xi32>
      %select_n3A_2637 = arith.select %eq3A_2636, %roll3A_2627, %roll3A_2629 : vector<4x32x128xi1>, vector<4x32x128xf32>
      %roll3A_2638 = arith.constant 126 : i32
      %roll3A_2639 = tpu.dynamic_rotate %select_n3A_2625 by %roll3A_2638 dim 2 : vector<4x32x128xi32>, i32 -> vector<4x32x128xi32>
      %roll3A_2640 = arith.constant 2 : i32
      %roll3A_2641 = tpu.dynamic_rotate %select_n3A_2625 by %roll3A_2640 dim 2 : vector<4x32x128xi32>, i32 -> vector<4x32x128xi32>
      %iota3A_2642 = tpu.iota {dimensions = array<i32: 2>} : vector<4x32x128xi32>
      %and3A_2643 = arith.constant 2 : i32
      %and3A_2644 = vector.broadcast %and3A_2643 : i32 to vector<4x32x128xi32>
      %and3A_2645 = arith.andi %iota3A_2642, %and3A_2644 : vector<4x32x128xi32>
      %eq3A_2646 = arith.constant 0 : i32
      %eq3A_2647 = vector.broadcast %eq3A_2646 : i32 to vector<4x32x128xi32>
      %eq3A_2648 = arith.cmpi eq, %and3A_2645, %eq3A_2647 : vector<4x32x128xi32>
      %select_n3A_2649 = arith.select %eq3A_2648, %roll3A_2639, %roll3A_2641 : vector<4x32x128xi1>, vector<4x32x128xi32>
      %iota3A_2650 = tpu.iota {dimensions = array<i32: 2>} : vector<4x32x128xi32>
      %and3A_2651 = arith.constant 2 : i32
      %and3A_2652 = vector.broadcast %and3A_2651 : i32 to vector<4x32x128xi32>
      %and3A_2653 = arith.andi %iota3A_2650, %and3A_2652 : vector<4x32x128xi32>
      %eq3A_2654 = arith.constant 0 : i32
      %eq3A_2655 = vector.broadcast %eq3A_2654 : i32 to vector<4x32x128xi32>
      %eq3A_2656 = arith.cmpi eq, %and3A_2653, %eq3A_2655 : vector<4x32x128xi32>
      %iota3A_2657 = tpu.iota {dimensions = array<i32: 1>} : vector<4x32x128xi32>
      %and3A_2658 = arith.constant 8 : i32
      %and3A_2659 = vector.broadcast %and3A_2658 : i32 to vector<4x32x128xi32>
      %and3A_2660 = arith.andi %iota3A_2657, %and3A_2659 : vector<4x32x128xi32>
      %eq3A_2661 = arith.constant 0 : i32
      %eq3A_2662 = vector.broadcast %eq3A_2661 : i32 to vector<4x32x128xi32>
      %eq3A_2663 = arith.cmpi eq, %and3A_2660, %eq3A_2662 : vector<4x32x128xi32>
      %gt3A_2664 = arith.cmpf ogt, %select_n3A_2624, %select_n3A_2637 : vector<4x32x128xf32>
      %eq3A_2665 = arith.cmpf oeq, %select_n3A_2624, %select_n3A_2637 : vector<4x32x128xf32>
      %lt3A_2666 = arith.cmpi slt, %select_n3A_2625, %select_n3A_2649 : vector<4x32x128xi32>
      %and3A_2667 = arith.andi %eq3A_2665, %lt3A_2666 : vector<4x32x128xi1>
      %or3A_2668 = arith.ori %gt3A_2664, %and3A_2667 : vector<4x32x128xi1>
      %eq3A_2669 = arith.xori %eq3A_2656, %eq3A_2663 : vector<4x32x128xi1>
      %eq3A_2670 = arith.constant dense<true> : vector<4x32x128xi1>
      %eq3A_2671 = arith.xori %eq3A_2669, %eq3A_2670 : vector<4x32x128xi1>
      %eq3A_2672 = arith.xori %or3A_2668, %eq3A_2671 : vector<4x32x128xi1>
      %eq3A_2673 = arith.constant dense<true> : vector<4x32x128xi1>
      %eq3A_2674 = arith.xori %eq3A_2672, %eq3A_2673 : vector<4x32x128xi1>
      %select_n3A_2675 = arith.select %eq3A_2674, %select_n3A_2624, %select_n3A_2637 : vector<4x32x128xi1>, vector<4x32x128xf32>
      %select_n3A_2676 = arith.select %eq3A_2674, %select_n3A_2625, %select_n3A_2649 : vector<4x32x128xi1>, vector<4x32x128xi32>
      %roll3A_2677 = arith.constant 127 : i32
      %roll3A_2678 = tpu.dynamic_rotate %select_n3A_2675 by %roll3A_2677 dim 2 : vector<4x32x128xf32>, i32 -> vector<4x32x128xf32>
      %roll3A_2679 = arith.constant 1 : i32
      %roll3A_2680 = tpu.dynamic_rotate %select_n3A_2675 by %roll3A_2679 dim 2 : vector<4x32x128xf32>, i32 -> vector<4x32x128xf32>
      %iota3A_2681 = tpu.iota {dimensions = array<i32: 2>} : vector<4x32x128xi32>
      %and3A_2682 = arith.constant 1 : i32
      %and3A_2683 = vector.broadcast %and3A_2682 : i32 to vector<4x32x128xi32>
      %and3A_2684 = arith.andi %iota3A_2681, %and3A_2683 : vector<4x32x128xi32>
      %eq3A_2685 = arith.constant 0 : i32
      %eq3A_2686 = vector.broadcast %eq3A_2685 : i32 to vector<4x32x128xi32>
      %eq3A_2687 = arith.cmpi eq, %and3A_2684, %eq3A_2686 : vector<4x32x128xi32>
      %select_n3A_2688 = arith.select %eq3A_2687, %roll3A_2678, %roll3A_2680 : vector<4x32x128xi1>, vector<4x32x128xf32>
      %roll3A_2689 = arith.constant 127 : i32
      %roll3A_2690 = tpu.dynamic_rotate %select_n3A_2676 by %roll3A_2689 dim 2 : vector<4x32x128xi32>, i32 -> vector<4x32x128xi32>
      %roll3A_2691 = arith.constant 1 : i32
      %roll3A_2692 = tpu.dynamic_rotate %select_n3A_2676 by %roll3A_2691 dim 2 : vector<4x32x128xi32>, i32 -> vector<4x32x128xi32>
      %iota3A_2693 = tpu.iota {dimensions = array<i32: 2>} : vector<4x32x128xi32>
      %and3A_2694 = arith.constant 1 : i32
      %and3A_2695 = vector.broadcast %and3A_2694 : i32 to vector<4x32x128xi32>
      %and3A_2696 = arith.andi %iota3A_2693, %and3A_2695 : vector<4x32x128xi32>
      %eq3A_2697 = arith.constant 0 : i32
      %eq3A_2698 = vector.broadcast %eq3A_2697 : i32 to vector<4x32x128xi32>
      %eq3A_2699 = arith.cmpi eq, %and3A_2696, %eq3A_2698 : vector<4x32x128xi32>
      %select_n3A_2700 = arith.select %eq3A_2699, %roll3A_2690, %roll3A_2692 : vector<4x32x128xi1>, vector<4x32x128xi32>
      %iota3A_2701 = tpu.iota {dimensions = array<i32: 2>} : vector<4x32x128xi32>
      %and3A_2702 = arith.constant 1 : i32
      %and3A_2703 = vector.broadcast %and3A_2702 : i32 to vector<4x32x128xi32>
      %and3A_2704 = arith.andi %iota3A_2701, %and3A_2703 : vector<4x32x128xi32>
      %eq3A_2705 = arith.constant 0 : i32
      %eq3A_2706 = vector.broadcast %eq3A_2705 : i32 to vector<4x32x128xi32>
      %eq3A_2707 = arith.cmpi eq, %and3A_2704, %eq3A_2706 : vector<4x32x128xi32>
      %iota3A_2708 = tpu.iota {dimensions = array<i32: 1>} : vector<4x32x128xi32>
      %and3A_2709 = arith.constant 8 : i32
      %and3A_2710 = vector.broadcast %and3A_2709 : i32 to vector<4x32x128xi32>
      %and3A_2711 = arith.andi %iota3A_2708, %and3A_2710 : vector<4x32x128xi32>
      %eq3A_2712 = arith.constant 0 : i32
      %eq3A_2713 = vector.broadcast %eq3A_2712 : i32 to vector<4x32x128xi32>
      %eq3A_2714 = arith.cmpi eq, %and3A_2711, %eq3A_2713 : vector<4x32x128xi32>
      %gt3A_2715 = arith.cmpf ogt, %select_n3A_2675, %select_n3A_2688 : vector<4x32x128xf32>
      %eq3A_2716 = arith.cmpf oeq, %select_n3A_2675, %select_n3A_2688 : vector<4x32x128xf32>
      %lt3A_2717 = arith.cmpi slt, %select_n3A_2676, %select_n3A_2700 : vector<4x32x128xi32>
      %and3A_2718 = arith.andi %eq3A_2716, %lt3A_2717 : vector<4x32x128xi1>
      %or3A_2719 = arith.ori %gt3A_2715, %and3A_2718 : vector<4x32x128xi1>
      %eq3A_2720 = arith.xori %eq3A_2707, %eq3A_2714 : vector<4x32x128xi1>
      %eq3A_2721 = arith.constant dense<true> : vector<4x32x128xi1>
      %eq3A_2722 = arith.xori %eq3A_2720, %eq3A_2721 : vector<4x32x128xi1>
      %eq3A_2723 = arith.xori %or3A_2719, %eq3A_2722 : vector<4x32x128xi1>
      %eq3A_2724 = arith.constant dense<true> : vector<4x32x128xi1>
      %eq3A_2725 = arith.xori %eq3A_2723, %eq3A_2724 : vector<4x32x128xi1>
      %select_n3A_2726 = arith.select %eq3A_2725, %select_n3A_2675, %select_n3A_2688 : vector<4x32x128xi1>, vector<4x32x128xf32>
      %select_n3A_2727 = arith.select %eq3A_2725, %select_n3A_2676, %select_n3A_2700 : vector<4x32x128xi1>, vector<4x32x128xi32>
      %reshape3A_2728 = vector.shape_cast %select_n3A_2726 : vector<4x32x128xf32> to vector<4x2x2x8x128xf32>
      %slice3A_2729 = vector.extract_strided_slice %reshape3A_2728 {offsets = [0, 0, 1, 0, 0], sizes = [4, 2, 1, 8, 128], strides = [1, 1, 1, 1, 1]} : vector<4x2x2x8x128xf32> to vector<4x2x1x8x128xf32>
      %slice3A_2730 = vector.extract_strided_slice %reshape3A_2728 {offsets = [0, 0, 0, 0, 0], sizes = [4, 2, 1, 8, 128], strides = [1, 1, 1, 1, 1]} : vector<4x2x2x8x128xf32> to vector<4x2x1x8x128xf32>
      %concatenate3A_2731 = tpu.concatenate %slice3A_2729, %slice3A_2730 in 2 : vector<4x2x1x8x128xf32>, vector<4x2x1x8x128xf32> -> vector<4x2x2x8x128xf32>
      %reshape3A_2732 = vector.shape_cast %concatenate3A_2731 : vector<4x2x2x8x128xf32> to vector<4x32x128xf32>
      %reshape3A_2733 = vector.shape_cast %select_n3A_2727 : vector<4x32x128xi32> to vector<4x2x2x8x128xi32>
      %slice3A_2734 = vector.extract_strided_slice %reshape3A_2733 {offsets = [0, 0, 1, 0, 0], sizes = [4, 2, 1, 8, 128], strides = [1, 1, 1, 1, 1]} : vector<4x2x2x8x128xi32> to vector<4x2x1x8x128xi32>
      %slice3A_2735 = vector.extract_strided_slice %reshape3A_2733 {offsets = [0, 0, 0, 0, 0], sizes = [4, 2, 1, 8, 128], strides = [1, 1, 1, 1, 1]} : vector<4x2x2x8x128xi32> to vector<4x2x1x8x128xi32>
      %concatenate3A_2736 = tpu.concatenate %slice3A_2734, %slice3A_2735 in 2 : vector<4x2x1x8x128xi32>, vector<4x2x1x8x128xi32> -> vector<4x2x2x8x128xi32>
      %reshape3A_2737 = vector.shape_cast %concatenate3A_2736 : vector<4x2x2x8x128xi32> to vector<4x32x128xi32>
      %iota3A_2738 = tpu.iota {dimensions = array<i32: 1>} : vector<4x32x128xi32>
      %and3A_2739 = arith.constant 8 : i32
      %and3A_2740 = vector.broadcast %and3A_2739 : i32 to vector<4x32x128xi32>
      %and3A_2741 = arith.andi %iota3A_2738, %and3A_2740 : vector<4x32x128xi32>
      %eq3A_2742 = arith.constant 0 : i32
      %eq3A_2743 = vector.broadcast %eq3A_2742 : i32 to vector<4x32x128xi32>
      %eq3A_2744 = arith.cmpi eq, %and3A_2741, %eq3A_2743 : vector<4x32x128xi32>
      %iota3A_2745 = tpu.iota {dimensions = array<i32: 1>} : vector<4x32x128xi32>
      %and3A_2746 = arith.constant 16 : i32
      %and3A_2747 = vector.broadcast %and3A_2746 : i32 to vector<4x32x128xi32>
      %and3A_2748 = arith.andi %iota3A_2745, %and3A_2747 : vector<4x32x128xi32>
      %eq3A_2749 = arith.constant 0 : i32
      %eq3A_2750 = vector.broadcast %eq3A_2749 : i32 to vector<4x32x128xi32>
      %eq3A_2751 = arith.cmpi eq, %and3A_2748, %eq3A_2750 : vector<4x32x128xi32>
      %gt3A_2752 = arith.cmpf ogt, %select_n3A_2726, %reshape3A_2732 : vector<4x32x128xf32>
      %eq3A_2753 = arith.cmpf oeq, %select_n3A_2726, %reshape3A_2732 : vector<4x32x128xf32>
      %lt3A_2754 = arith.cmpi slt, %select_n3A_2727, %reshape3A_2737 : vector<4x32x128xi32>
      %and3A_2755 = arith.andi %eq3A_2753, %lt3A_2754 : vector<4x32x128xi1>
      %or3A_2756 = arith.ori %gt3A_2752, %and3A_2755 : vector<4x32x128xi1>
      %eq3A_2757 = arith.xori %eq3A_2744, %eq3A_2751 : vector<4x32x128xi1>
      %eq3A_2758 = arith.constant dense<true> : vector<4x32x128xi1>
      %eq3A_2759 = arith.xori %eq3A_2757, %eq3A_2758 : vector<4x32x128xi1>
      %eq3A_2760 = arith.xori %or3A_2756, %eq3A_2759 : vector<4x32x128xi1>
      %eq3A_2761 = arith.constant dense<true> : vector<4x32x128xi1>
      %eq3A_2762 = arith.xori %eq3A_2760, %eq3A_2761 : vector<4x32x128xi1>
      %select_n3A_2763 = arith.select %eq3A_2762, %select_n3A_2726, %reshape3A_2732 : vector<4x32x128xi1>, vector<4x32x128xf32>
      %select_n3A_2764 = arith.select %eq3A_2762, %select_n3A_2727, %reshape3A_2737 : vector<4x32x128xi1>, vector<4x32x128xi32>
      %reshape3A_2765 = vector.shape_cast %select_n3A_2763 : vector<4x32x128xf32> to vector<4x4x2x4x128xf32>
      %slice3A_2766 = vector.extract_strided_slice %reshape3A_2765 {offsets = [0, 0, 1, 0, 0], sizes = [4, 4, 1, 4, 128], strides = [1, 1, 1, 1, 1]} : vector<4x4x2x4x128xf32> to vector<4x4x1x4x128xf32>
      %slice3A_2767 = vector.extract_strided_slice %reshape3A_2765 {offsets = [0, 0, 0, 0, 0], sizes = [4, 4, 1, 4, 128], strides = [1, 1, 1, 1, 1]} : vector<4x4x2x4x128xf32> to vector<4x4x1x4x128xf32>
      %concatenate3A_2768 = tpu.concatenate %slice3A_2766, %slice3A_2767 in 2 : vector<4x4x1x4x128xf32>, vector<4x4x1x4x128xf32> -> vector<4x4x2x4x128xf32>
      %reshape3A_2769 = vector.shape_cast %concatenate3A_2768 : vector<4x4x2x4x128xf32> to vector<4x32x128xf32>
      %reshape3A_2770 = vector.shape_cast %select_n3A_2764 : vector<4x32x128xi32> to vector<4x4x2x4x128xi32>
      %slice3A_2771 = vector.extract_strided_slice %reshape3A_2770 {offsets = [0, 0, 1, 0, 0], sizes = [4, 4, 1, 4, 128], strides = [1, 1, 1, 1, 1]} : vector<4x4x2x4x128xi32> to vector<4x4x1x4x128xi32>
      %slice3A_2772 = vector.extract_strided_slice %reshape3A_2770 {offsets = [0, 0, 0, 0, 0], sizes = [4, 4, 1, 4, 128], strides = [1, 1, 1, 1, 1]} : vector<4x4x2x4x128xi32> to vector<4x4x1x4x128xi32>
      %concatenate3A_2773 = tpu.concatenate %slice3A_2771, %slice3A_2772 in 2 : vector<4x4x1x4x128xi32>, vector<4x4x1x4x128xi32> -> vector<4x4x2x4x128xi32>
      %reshape3A_2774 = vector.shape_cast %concatenate3A_2773 : vector<4x4x2x4x128xi32> to vector<4x32x128xi32>
      %iota3A_2775 = tpu.iota {dimensions = array<i32: 1>} : vector<4x32x128xi32>
      %and3A_2776 = arith.constant 4 : i32
      %and3A_2777 = vector.broadcast %and3A_2776 : i32 to vector<4x32x128xi32>
      %and3A_2778 = arith.andi %iota3A_2775, %and3A_2777 : vector<4x32x128xi32>
      %eq3A_2779 = arith.constant 0 : i32
      %eq3A_2780 = vector.broadcast %eq3A_2779 : i32 to vector<4x32x128xi32>
      %eq3A_2781 = arith.cmpi eq, %and3A_2778, %eq3A_2780 : vector<4x32x128xi32>
      %iota3A_2782 = tpu.iota {dimensions = array<i32: 1>} : vector<4x32x128xi32>
      %and3A_2783 = arith.constant 16 : i32
      %and3A_2784 = vector.broadcast %and3A_2783 : i32 to vector<4x32x128xi32>
      %and3A_2785 = arith.andi %iota3A_2782, %and3A_2784 : vector<4x32x128xi32>
      %eq3A_2786 = arith.constant 0 : i32
      %eq3A_2787 = vector.broadcast %eq3A_2786 : i32 to vector<4x32x128xi32>
      %eq3A_2788 = arith.cmpi eq, %and3A_2785, %eq3A_2787 : vector<4x32x128xi32>
      %gt3A_2789 = arith.cmpf ogt, %select_n3A_2763, %reshape3A_2769 : vector<4x32x128xf32>
      %eq3A_2790 = arith.cmpf oeq, %select_n3A_2763, %reshape3A_2769 : vector<4x32x128xf32>
      %lt3A_2791 = arith.cmpi slt, %select_n3A_2764, %reshape3A_2774 : vector<4x32x128xi32>
      %and3A_2792 = arith.andi %eq3A_2790, %lt3A_2791 : vector<4x32x128xi1>
      %or3A_2793 = arith.ori %gt3A_2789, %and3A_2792 : vector<4x32x128xi1>
      %eq3A_2794 = arith.xori %eq3A_2781, %eq3A_2788 : vector<4x32x128xi1>
      %eq3A_2795 = arith.constant dense<true> : vector<4x32x128xi1>
      %eq3A_2796 = arith.xori %eq3A_2794, %eq3A_2795 : vector<4x32x128xi1>
      %eq3A_2797 = arith.xori %or3A_2793, %eq3A_2796 : vector<4x32x128xi1>
      %eq3A_2798 = arith.constant dense<true> : vector<4x32x128xi1>
      %eq3A_2799 = arith.xori %eq3A_2797, %eq3A_2798 : vector<4x32x128xi1>
      %select_n3A_2800 = arith.select %eq3A_2799, %select_n3A_2763, %reshape3A_2769 : vector<4x32x128xi1>, vector<4x32x128xf32>
      %select_n3A_2801 = arith.select %eq3A_2799, %select_n3A_2764, %reshape3A_2774 : vector<4x32x128xi1>, vector<4x32x128xi32>
      %reshape3A_2802 = vector.shape_cast %select_n3A_2800 : vector<4x32x128xf32> to vector<4x8x2x2x128xf32>
      %slice3A_2803 = vector.extract_strided_slice %reshape3A_2802 {offsets = [0, 0, 1, 0, 0], sizes = [4, 8, 1, 2, 128], strides = [1, 1, 1, 1, 1]} : vector<4x8x2x2x128xf32> to vector<4x8x1x2x128xf32>
      %slice3A_2804 = vector.extract_strided_slice %reshape3A_2802 {offsets = [0, 0, 0, 0, 0], sizes = [4, 8, 1, 2, 128], strides = [1, 1, 1, 1, 1]} : vector<4x8x2x2x128xf32> to vector<4x8x1x2x128xf32>
      %concatenate3A_2805 = tpu.concatenate %slice3A_2803, %slice3A_2804 in 2 : vector<4x8x1x2x128xf32>, vector<4x8x1x2x128xf32> -> vector<4x8x2x2x128xf32>
      %reshape3A_2806 = vector.shape_cast %concatenate3A_2805 : vector<4x8x2x2x128xf32> to vector<4x32x128xf32>
      %reshape3A_2807 = vector.shape_cast %select_n3A_2801 : vector<4x32x128xi32> to vector<4x8x2x2x128xi32>
      %slice3A_2808 = vector.extract_strided_slice %reshape3A_2807 {offsets = [0, 0, 1, 0, 0], sizes = [4, 8, 1, 2, 128], strides = [1, 1, 1, 1, 1]} : vector<4x8x2x2x128xi32> to vector<4x8x1x2x128xi32>
      %slice3A_2809 = vector.extract_strided_slice %reshape3A_2807 {offsets = [0, 0, 0, 0, 0], sizes = [4, 8, 1, 2, 128], strides = [1, 1, 1, 1, 1]} : vector<4x8x2x2x128xi32> to vector<4x8x1x2x128xi32>
      %concatenate3A_2810 = tpu.concatenate %slice3A_2808, %slice3A_2809 in 2 : vector<4x8x1x2x128xi32>, vector<4x8x1x2x128xi32> -> vector<4x8x2x2x128xi32>
      %reshape3A_2811 = vector.shape_cast %concatenate3A_2810 : vector<4x8x2x2x128xi32> to vector<4x32x128xi32>
      %iota3A_2812 = tpu.iota {dimensions = array<i32: 1>} : vector<4x32x128xi32>
      %and3A_2813 = arith.constant 2 : i32
      %and3A_2814 = vector.broadcast %and3A_2813 : i32 to vector<4x32x128xi32>
      %and3A_2815 = arith.andi %iota3A_2812, %and3A_2814 : vector<4x32x128xi32>
      %eq3A_2816 = arith.constant 0 : i32
      %eq3A_2817 = vector.broadcast %eq3A_2816 : i32 to vector<4x32x128xi32>
      %eq3A_2818 = arith.cmpi eq, %and3A_2815, %eq3A_2817 : vector<4x32x128xi32>
      %iota3A_2819 = tpu.iota {dimensions = array<i32: 1>} : vector<4x32x128xi32>
      %and3A_2820 = arith.constant 16 : i32
      %and3A_2821 = vector.broadcast %and3A_2820 : i32 to vector<4x32x128xi32>
      %and3A_2822 = arith.andi %iota3A_2819, %and3A_2821 : vector<4x32x128xi32>
      %eq3A_2823 = arith.constant 0 : i32
      %eq3A_2824 = vector.broadcast %eq3A_2823 : i32 to vector<4x32x128xi32>
      %eq3A_2825 = arith.cmpi eq, %and3A_2822, %eq3A_2824 : vector<4x32x128xi32>
      %gt3A_2826 = arith.cmpf ogt, %select_n3A_2800, %reshape3A_2806 : vector<4x32x128xf32>
      %eq3A_2827 = arith.cmpf oeq, %select_n3A_2800, %reshape3A_2806 : vector<4x32x128xf32>
      %lt3A_2828 = arith.cmpi slt, %select_n3A_2801, %reshape3A_2811 : vector<4x32x128xi32>
      %and3A_2829 = arith.andi %eq3A_2827, %lt3A_2828 : vector<4x32x128xi1>
      %or3A_2830 = arith.ori %gt3A_2826, %and3A_2829 : vector<4x32x128xi1>
      %eq3A_2831 = arith.xori %eq3A_2818, %eq3A_2825 : vector<4x32x128xi1>
      %eq3A_2832 = arith.constant dense<true> : vector<4x32x128xi1>
      %eq3A_2833 = arith.xori %eq3A_2831, %eq3A_2832 : vector<4x32x128xi1>
      %eq3A_2834 = arith.xori %or3A_2830, %eq3A_2833 : vector<4x32x128xi1>
      %eq3A_2835 = arith.constant dense<true> : vector<4x32x128xi1>
      %eq3A_2836 = arith.xori %eq3A_2834, %eq3A_2835 : vector<4x32x128xi1>
      %select_n3A_2837 = arith.select %eq3A_2836, %select_n3A_2800, %reshape3A_2806 : vector<4x32x128xi1>, vector<4x32x128xf32>
      %select_n3A_2838 = arith.select %eq3A_2836, %select_n3A_2801, %reshape3A_2811 : vector<4x32x128xi1>, vector<4x32x128xi32>
      %reshape3A_2839 = vector.shape_cast %select_n3A_2837 : vector<4x32x128xf32> to vector<4x16x2x1x128xf32>
      %slice3A_2840 = vector.extract_strided_slice %reshape3A_2839 {offsets = [0, 0, 1, 0, 0], sizes = [4, 16, 1, 1, 128], strides = [1, 1, 1, 1, 1]} : vector<4x16x2x1x128xf32> to vector<4x16x1x1x128xf32>
      %slice3A_2841 = vector.extract_strided_slice %reshape3A_2839 {offsets = [0, 0, 0, 0, 0], sizes = [4, 16, 1, 1, 128], strides = [1, 1, 1, 1, 1]} : vector<4x16x2x1x128xf32> to vector<4x16x1x1x128xf32>
      %concatenate3A_2842 = tpu.concatenate %slice3A_2840, %slice3A_2841 in 2 : vector<4x16x1x1x128xf32>, vector<4x16x1x1x128xf32> -> vector<4x16x2x1x128xf32>
      %reshape3A_2843 = vector.shape_cast %concatenate3A_2842 : vector<4x16x2x1x128xf32> to vector<4x32x128xf32>
      %reshape3A_2844 = vector.shape_cast %select_n3A_2838 : vector<4x32x128xi32> to vector<4x16x2x1x128xi32>
      %slice3A_2845 = vector.extract_strided_slice %reshape3A_2844 {offsets = [0, 0, 1, 0, 0], sizes = [4, 16, 1, 1, 128], strides = [1, 1, 1, 1, 1]} : vector<4x16x2x1x128xi32> to vector<4x16x1x1x128xi32>
      %slice3A_2846 = vector.extract_strided_slice %reshape3A_2844 {offsets = [0, 0, 0, 0, 0], sizes = [4, 16, 1, 1, 128], strides = [1, 1, 1, 1, 1]} : vector<4x16x2x1x128xi32> to vector<4x16x1x1x128xi32>
      %concatenate3A_2847 = tpu.concatenate %slice3A_2845, %slice3A_2846 in 2 : vector<4x16x1x1x128xi32>, vector<4x16x1x1x128xi32> -> vector<4x16x2x1x128xi32>
      %reshape3A_2848 = vector.shape_cast %concatenate3A_2847 : vector<4x16x2x1x128xi32> to vector<4x32x128xi32>
      %iota3A_2849 = tpu.iota {dimensions = array<i32: 1>} : vector<4x32x128xi32>
      %and3A_2850 = arith.constant 1 : i32
      %and3A_2851 = vector.broadcast %and3A_2850 : i32 to vector<4x32x128xi32>
      %and3A_2852 = arith.andi %iota3A_2849, %and3A_2851 : vector<4x32x128xi32>
      %eq3A_2853 = arith.constant 0 : i32
      %eq3A_2854 = vector.broadcast %eq3A_2853 : i32 to vector<4x32x128xi32>
      %eq3A_2855 = arith.cmpi eq, %and3A_2852, %eq3A_2854 : vector<4x32x128xi32>
      %iota3A_2856 = tpu.iota {dimensions = array<i32: 1>} : vector<4x32x128xi32>
      %and3A_2857 = arith.constant 16 : i32
      %and3A_2858 = vector.broadcast %and3A_2857 : i32 to vector<4x32x128xi32>
      %and3A_2859 = arith.andi %iota3A_2856, %and3A_2858 : vector<4x32x128xi32>
      %eq3A_2860 = arith.constant 0 : i32
      %eq3A_2861 = vector.broadcast %eq3A_2860 : i32 to vector<4x32x128xi32>
      %eq3A_2862 = arith.cmpi eq, %and3A_2859, %eq3A_2861 : vector<4x32x128xi32>
      %gt3A_2863 = arith.cmpf ogt, %select_n3A_2837, %reshape3A_2843 : vector<4x32x128xf32>
      %eq3A_2864 = arith.cmpf oeq, %select_n3A_2837, %reshape3A_2843 : vector<4x32x128xf32>
      %lt3A_2865 = arith.cmpi slt, %select_n3A_2838, %reshape3A_2848 : vector<4x32x128xi32>
      %and3A_2866 = arith.andi %eq3A_2864, %lt3A_2865 : vector<4x32x128xi1>
      %or3A_2867 = arith.ori %gt3A_2863, %and3A_2866 : vector<4x32x128xi1>
      %eq3A_2868 = arith.xori %eq3A_2855, %eq3A_2862 : vector<4x32x128xi1>
      %eq3A_2869 = arith.constant dense<true> : vector<4x32x128xi1>
      %eq3A_2870 = arith.xori %eq3A_2868, %eq3A_2869 : vector<4x32x128xi1>
      %eq3A_2871 = arith.xori %or3A_2867, %eq3A_2870 : vector<4x32x128xi1>
      %eq3A_2872 = arith.constant dense<true> : vector<4x32x128xi1>
      %eq3A_2873 = arith.xori %eq3A_2871, %eq3A_2872 : vector<4x32x128xi1>
      %select_n3A_2874 = arith.select %eq3A_2873, %select_n3A_2837, %reshape3A_2843 : vector<4x32x128xi1>, vector<4x32x128xf32>
      %select_n3A_2875 = arith.select %eq3A_2873, %select_n3A_2838, %reshape3A_2848 : vector<4x32x128xi1>, vector<4x32x128xi32>
      %roll3A_2876 = arith.constant 64 : i32
      %roll3A_2877 = tpu.dynamic_rotate %select_n3A_2874 by %roll3A_2876 dim 2 : vector<4x32x128xf32>, i32 -> vector<4x32x128xf32>
      %roll3A_2878 = arith.constant 64 : i32
      %roll3A_2879 = tpu.dynamic_rotate %select_n3A_2874 by %roll3A_2878 dim 2 : vector<4x32x128xf32>, i32 -> vector<4x32x128xf32>
      %iota3A_2880 = tpu.iota {dimensions = array<i32: 2>} : vector<4x32x128xi32>
      %and3A_2881 = arith.constant 64 : i32
      %and3A_2882 = vector.broadcast %and3A_2881 : i32 to vector<4x32x128xi32>
      %and3A_2883 = arith.andi %iota3A_2880, %and3A_2882 : vector<4x32x128xi32>
      %eq3A_2884 = arith.constant 0 : i32
      %eq3A_2885 = vector.broadcast %eq3A_2884 : i32 to vector<4x32x128xi32>
      %eq3A_2886 = arith.cmpi eq, %and3A_2883, %eq3A_2885 : vector<4x32x128xi32>
      %select_n3A_2887 = arith.select %eq3A_2886, %roll3A_2877, %roll3A_2879 : vector<4x32x128xi1>, vector<4x32x128xf32>
      %roll3A_2888 = arith.constant 64 : i32
      %roll3A_2889 = tpu.dynamic_rotate %select_n3A_2875 by %roll3A_2888 dim 2 : vector<4x32x128xi32>, i32 -> vector<4x32x128xi32>
      %roll3A_2890 = arith.constant 64 : i32
      %roll3A_2891 = tpu.dynamic_rotate %select_n3A_2875 by %roll3A_2890 dim 2 : vector<4x32x128xi32>, i32 -> vector<4x32x128xi32>
      %iota3A_2892 = tpu.iota {dimensions = array<i32: 2>} : vector<4x32x128xi32>
      %and3A_2893 = arith.constant 64 : i32
      %and3A_2894 = vector.broadcast %and3A_2893 : i32 to vector<4x32x128xi32>
      %and3A_2895 = arith.andi %iota3A_2892, %and3A_2894 : vector<4x32x128xi32>
      %eq3A_2896 = arith.constant 0 : i32
      %eq3A_2897 = vector.broadcast %eq3A_2896 : i32 to vector<4x32x128xi32>
      %eq3A_2898 = arith.cmpi eq, %and3A_2895, %eq3A_2897 : vector<4x32x128xi32>
      %select_n3A_2899 = arith.select %eq3A_2898, %roll3A_2889, %roll3A_2891 : vector<4x32x128xi1>, vector<4x32x128xi32>
      %iota3A_2900 = tpu.iota {dimensions = array<i32: 2>} : vector<4x32x128xi32>
      %and3A_2901 = arith.constant 64 : i32
      %and3A_2902 = vector.broadcast %and3A_2901 : i32 to vector<4x32x128xi32>
      %and3A_2903 = arith.andi %iota3A_2900, %and3A_2902 : vector<4x32x128xi32>
      %eq3A_2904 = arith.constant 0 : i32
      %eq3A_2905 = vector.broadcast %eq3A_2904 : i32 to vector<4x32x128xi32>
      %eq3A_2906 = arith.cmpi eq, %and3A_2903, %eq3A_2905 : vector<4x32x128xi32>
      %iota3A_2907 = tpu.iota {dimensions = array<i32: 1>} : vector<4x32x128xi32>
      %and3A_2908 = arith.constant 16 : i32
      %and3A_2909 = vector.broadcast %and3A_2908 : i32 to vector<4x32x128xi32>
      %and3A_2910 = arith.andi %iota3A_2907, %and3A_2909 : vector<4x32x128xi32>
      %eq3A_2911 = arith.constant 0 : i32
      %eq3A_2912 = vector.broadcast %eq3A_2911 : i32 to vector<4x32x128xi32>
      %eq3A_2913 = arith.cmpi eq, %and3A_2910, %eq3A_2912 : vector<4x32x128xi32>
      %gt3A_2914 = arith.cmpf ogt, %select_n3A_2874, %select_n3A_2887 : vector<4x32x128xf32>
      %eq3A_2915 = arith.cmpf oeq, %select_n3A_2874, %select_n3A_2887 : vector<4x32x128xf32>
      %lt3A_2916 = arith.cmpi slt, %select_n3A_2875, %select_n3A_2899 : vector<4x32x128xi32>
      %and3A_2917 = arith.andi %eq3A_2915, %lt3A_2916 : vector<4x32x128xi1>
      %or3A_2918 = arith.ori %gt3A_2914, %and3A_2917 : vector<4x32x128xi1>
      %eq3A_2919 = arith.xori %eq3A_2906, %eq3A_2913 : vector<4x32x128xi1>
      %eq3A_2920 = arith.constant dense<true> : vector<4x32x128xi1>
      %eq3A_2921 = arith.xori %eq3A_2919, %eq3A_2920 : vector<4x32x128xi1>
      %eq3A_2922 = arith.xori %or3A_2918, %eq3A_2921 : vector<4x32x128xi1>
      %eq3A_2923 = arith.constant dense<true> : vector<4x32x128xi1>
      %eq3A_2924 = arith.xori %eq3A_2922, %eq3A_2923 : vector<4x32x128xi1>
      %select_n3A_2925 = arith.select %eq3A_2924, %select_n3A_2874, %select_n3A_2887 : vector<4x32x128xi1>, vector<4x32x128xf32>
      %select_n3A_2926 = arith.select %eq3A_2924, %select_n3A_2875, %select_n3A_2899 : vector<4x32x128xi1>, vector<4x32x128xi32>
      %roll3A_2927 = arith.constant 96 : i32
      %roll3A_2928 = tpu.dynamic_rotate %select_n3A_2925 by %roll3A_2927 dim 2 : vector<4x32x128xf32>, i32 -> vector<4x32x128xf32>
      %roll3A_2929 = arith.constant 32 : i32
      %roll3A_2930 = tpu.dynamic_rotate %select_n3A_2925 by %roll3A_2929 dim 2 : vector<4x32x128xf32>, i32 -> vector<4x32x128xf32>
      %iota3A_2931 = tpu.iota {dimensions = array<i32: 2>} : vector<4x32x128xi32>
      %and3A_2932 = arith.constant 32 : i32
      %and3A_2933 = vector.broadcast %and3A_2932 : i32 to vector<4x32x128xi32>
      %and3A_2934 = arith.andi %iota3A_2931, %and3A_2933 : vector<4x32x128xi32>
      %eq3A_2935 = arith.constant 0 : i32
      %eq3A_2936 = vector.broadcast %eq3A_2935 : i32 to vector<4x32x128xi32>
      %eq3A_2937 = arith.cmpi eq, %and3A_2934, %eq3A_2936 : vector<4x32x128xi32>
      %select_n3A_2938 = arith.select %eq3A_2937, %roll3A_2928, %roll3A_2930 : vector<4x32x128xi1>, vector<4x32x128xf32>
      %roll3A_2939 = arith.constant 96 : i32
      %roll3A_2940 = tpu.dynamic_rotate %select_n3A_2926 by %roll3A_2939 dim 2 : vector<4x32x128xi32>, i32 -> vector<4x32x128xi32>
      %roll3A_2941 = arith.constant 32 : i32
      %roll3A_2942 = tpu.dynamic_rotate %select_n3A_2926 by %roll3A_2941 dim 2 : vector<4x32x128xi32>, i32 -> vector<4x32x128xi32>
      %iota3A_2943 = tpu.iota {dimensions = array<i32: 2>} : vector<4x32x128xi32>
      %and3A_2944 = arith.constant 32 : i32
      %and3A_2945 = vector.broadcast %and3A_2944 : i32 to vector<4x32x128xi32>
      %and3A_2946 = arith.andi %iota3A_2943, %and3A_2945 : vector<4x32x128xi32>
      %eq3A_2947 = arith.constant 0 : i32
      %eq3A_2948 = vector.broadcast %eq3A_2947 : i32 to vector<4x32x128xi32>
      %eq3A_2949 = arith.cmpi eq, %and3A_2946, %eq3A_2948 : vector<4x32x128xi32>
      %select_n3A_2950 = arith.select %eq3A_2949, %roll3A_2940, %roll3A_2942 : vector<4x32x128xi1>, vector<4x32x128xi32>
      %iota3A_2951 = tpu.iota {dimensions = array<i32: 2>} : vector<4x32x128xi32>
      %and3A_2952 = arith.constant 32 : i32
      %and3A_2953 = vector.broadcast %and3A_2952 : i32 to vector<4x32x128xi32>
      %and3A_2954 = arith.andi %iota3A_2951, %and3A_2953 : vector<4x32x128xi32>
      %eq3A_2955 = arith.constant 0 : i32
      %eq3A_2956 = vector.broadcast %eq3A_2955 : i32 to vector<4x32x128xi32>
      %eq3A_2957 = arith.cmpi eq, %and3A_2954, %eq3A_2956 : vector<4x32x128xi32>
      %iota3A_2958 = tpu.iota {dimensions = array<i32: 1>} : vector<4x32x128xi32>
      %and3A_2959 = arith.constant 16 : i32
      %and3A_2960 = vector.broadcast %and3A_2959 : i32 to vector<4x32x128xi32>
      %and3A_2961 = arith.andi %iota3A_2958, %and3A_2960 : vector<4x32x128xi32>
      %eq3A_2962 = arith.constant 0 : i32
      %eq3A_2963 = vector.broadcast %eq3A_2962 : i32 to vector<4x32x128xi32>
      %eq3A_2964 = arith.cmpi eq, %and3A_2961, %eq3A_2963 : vector<4x32x128xi32>
      %gt3A_2965 = arith.cmpf ogt, %select_n3A_2925, %select_n3A_2938 : vector<4x32x128xf32>
      %eq3A_2966 = arith.cmpf oeq, %select_n3A_2925, %select_n3A_2938 : vector<4x32x128xf32>
      %lt3A_2967 = arith.cmpi slt, %select_n3A_2926, %select_n3A_2950 : vector<4x32x128xi32>
      %and3A_2968 = arith.andi %eq3A_2966, %lt3A_2967 : vector<4x32x128xi1>
      %or3A_2969 = arith.ori %gt3A_2965, %and3A_2968 : vector<4x32x128xi1>
      %eq3A_2970 = arith.xori %eq3A_2957, %eq3A_2964 : vector<4x32x128xi1>
      %eq3A_2971 = arith.constant dense<true> : vector<4x32x128xi1>
      %eq3A_2972 = arith.xori %eq3A_2970, %eq3A_2971 : vector<4x32x128xi1>
      %eq3A_2973 = arith.xori %or3A_2969, %eq3A_2972 : vector<4x32x128xi1>
      %eq3A_2974 = arith.constant dense<true> : vector<4x32x128xi1>
      %eq3A_2975 = arith.xori %eq3A_2973, %eq3A_2974 : vector<4x32x128xi1>
      %select_n3A_2976 = arith.select %eq3A_2975, %select_n3A_2925, %select_n3A_2938 : vector<4x32x128xi1>, vector<4x32x128xf32>
      %select_n3A_2977 = arith.select %eq3A_2975, %select_n3A_2926, %select_n3A_2950 : vector<4x32x128xi1>, vector<4x32x128xi32>
      %roll3A_2978 = arith.constant 112 : i32
      %roll3A_2979 = tpu.dynamic_rotate %select_n3A_2976 by %roll3A_2978 dim 2 : vector<4x32x128xf32>, i32 -> vector<4x32x128xf32>
      %roll3A_2980 = arith.constant 16 : i32
      %roll3A_2981 = tpu.dynamic_rotate %select_n3A_2976 by %roll3A_2980 dim 2 : vector<4x32x128xf32>, i32 -> vector<4x32x128xf32>
      %iota3A_2982 = tpu.iota {dimensions = array<i32: 2>} : vector<4x32x128xi32>
      %and3A_2983 = arith.constant 16 : i32
      %and3A_2984 = vector.broadcast %and3A_2983 : i32 to vector<4x32x128xi32>
      %and3A_2985 = arith.andi %iota3A_2982, %and3A_2984 : vector<4x32x128xi32>
      %eq3A_2986 = arith.constant 0 : i32
      %eq3A_2987 = vector.broadcast %eq3A_2986 : i32 to vector<4x32x128xi32>
      %eq3A_2988 = arith.cmpi eq, %and3A_2985, %eq3A_2987 : vector<4x32x128xi32>
      %select_n3A_2989 = arith.select %eq3A_2988, %roll3A_2979, %roll3A_2981 : vector<4x32x128xi1>, vector<4x32x128xf32>
      %roll3A_2990 = arith.constant 112 : i32
      %roll3A_2991 = tpu.dynamic_rotate %select_n3A_2977 by %roll3A_2990 dim 2 : vector<4x32x128xi32>, i32 -> vector<4x32x128xi32>
      %roll3A_2992 = arith.constant 16 : i32
      %roll3A_2993 = tpu.dynamic_rotate %select_n3A_2977 by %roll3A_2992 dim 2 : vector<4x32x128xi32>, i32 -> vector<4x32x128xi32>
      %iota3A_2994 = tpu.iota {dimensions = array<i32: 2>} : vector<4x32x128xi32>
      %and3A_2995 = arith.constant 16 : i32
      %and3A_2996 = vector.broadcast %and3A_2995 : i32 to vector<4x32x128xi32>
      %and3A_2997 = arith.andi %iota3A_2994, %and3A_2996 : vector<4x32x128xi32>
      %eq3A_2998 = arith.constant 0 : i32
      %eq3A_2999 = vector.broadcast %eq3A_2998 : i32 to vector<4x32x128xi32>
      %eq3A_3000 = arith.cmpi eq, %and3A_2997, %eq3A_2999 : vector<4x32x128xi32>
      %select_n3A_3001 = arith.select %eq3A_3000, %roll3A_2991, %roll3A_2993 : vector<4x32x128xi1>, vector<4x32x128xi32>
      %iota3A_3002 = tpu.iota {dimensions = array<i32: 2>} : vector<4x32x128xi32>
      %and3A_3003 = arith.constant 16 : i32
      %and3A_3004 = vector.broadcast %and3A_3003 : i32 to vector<4x32x128xi32>
      %and3A_3005 = arith.andi %iota3A_3002, %and3A_3004 : vector<4x32x128xi32>
      %eq3A_3006 = arith.constant 0 : i32
      %eq3A_3007 = vector.broadcast %eq3A_3006 : i32 to vector<4x32x128xi32>
      %eq3A_3008 = arith.cmpi eq, %and3A_3005, %eq3A_3007 : vector<4x32x128xi32>
      %iota3A_3009 = tpu.iota {dimensions = array<i32: 1>} : vector<4x32x128xi32>
      %and3A_3010 = arith.constant 16 : i32
      %and3A_3011 = vector.broadcast %and3A_3010 : i32 to vector<4x32x128xi32>
      %and3A_3012 = arith.andi %iota3A_3009, %and3A_3011 : vector<4x32x128xi32>
      %eq3A_3013 = arith.constant 0 : i32
      %eq3A_3014 = vector.broadcast %eq3A_3013 : i32 to vector<4x32x128xi32>
      %eq3A_3015 = arith.cmpi eq, %and3A_3012, %eq3A_3014 : vector<4x32x128xi32>
      %gt3A_3016 = arith.cmpf ogt, %select_n3A_2976, %select_n3A_2989 : vector<4x32x128xf32>
      %eq3A_3017 = arith.cmpf oeq, %select_n3A_2976, %select_n3A_2989 : vector<4x32x128xf32>
      %lt3A_3018 = arith.cmpi slt, %select_n3A_2977, %select_n3A_3001 : vector<4x32x128xi32>
      %and3A_3019 = arith.andi %eq3A_3017, %lt3A_3018 : vector<4x32x128xi1>
      %or3A_3020 = arith.ori %gt3A_3016, %and3A_3019 : vector<4x32x128xi1>
      %eq3A_3021 = arith.xori %eq3A_3008, %eq3A_3015 : vector<4x32x128xi1>
      %eq3A_3022 = arith.constant dense<true> : vector<4x32x128xi1>
      %eq3A_3023 = arith.xori %eq3A_3021, %eq3A_3022 : vector<4x32x128xi1>
      %eq3A_3024 = arith.xori %or3A_3020, %eq3A_3023 : vector<4x32x128xi1>
      %eq3A_3025 = arith.constant dense<true> : vector<4x32x128xi1>
      %eq3A_3026 = arith.xori %eq3A_3024, %eq3A_3025 : vector<4x32x128xi1>
      %select_n3A_3027 = arith.select %eq3A_3026, %select_n3A_2976, %select_n3A_2989 : vector<4x32x128xi1>, vector<4x32x128xf32>
      %select_n3A_3028 = arith.select %eq3A_3026, %select_n3A_2977, %select_n3A_3001 : vector<4x32x128xi1>, vector<4x32x128xi32>
      %roll3A_3029 = arith.constant 120 : i32
      %roll3A_3030 = tpu.dynamic_rotate %select_n3A_3027 by %roll3A_3029 dim 2 : vector<4x32x128xf32>, i32 -> vector<4x32x128xf32>
      %roll3A_3031 = arith.constant 8 : i32
      %roll3A_3032 = tpu.dynamic_rotate %select_n3A_3027 by %roll3A_3031 dim 2 : vector<4x32x128xf32>, i32 -> vector<4x32x128xf32>
      %iota3A_3033 = tpu.iota {dimensions = array<i32: 2>} : vector<4x32x128xi32>
      %and3A_3034 = arith.constant 8 : i32
      %and3A_3035 = vector.broadcast %and3A_3034 : i32 to vector<4x32x128xi32>
      %and3A_3036 = arith.andi %iota3A_3033, %and3A_3035 : vector<4x32x128xi32>
      %eq3A_3037 = arith.constant 0 : i32
      %eq3A_3038 = vector.broadcast %eq3A_3037 : i32 to vector<4x32x128xi32>
      %eq3A_3039 = arith.cmpi eq, %and3A_3036, %eq3A_3038 : vector<4x32x128xi32>
      %select_n3A_3040 = arith.select %eq3A_3039, %roll3A_3030, %roll3A_3032 : vector<4x32x128xi1>, vector<4x32x128xf32>
      %roll3A_3041 = arith.constant 120 : i32
      %roll3A_3042 = tpu.dynamic_rotate %select_n3A_3028 by %roll3A_3041 dim 2 : vector<4x32x128xi32>, i32 -> vector<4x32x128xi32>
      %roll3A_3043 = arith.constant 8 : i32
      %roll3A_3044 = tpu.dynamic_rotate %select_n3A_3028 by %roll3A_3043 dim 2 : vector<4x32x128xi32>, i32 -> vector<4x32x128xi32>
      %iota3A_3045 = tpu.iota {dimensions = array<i32: 2>} : vector<4x32x128xi32>
      %and3A_3046 = arith.constant 8 : i32
      %and3A_3047 = vector.broadcast %and3A_3046 : i32 to vector<4x32x128xi32>
      %and3A_3048 = arith.andi %iota3A_3045, %and3A_3047 : vector<4x32x128xi32>
      %eq3A_3049 = arith.constant 0 : i32
      %eq3A_3050 = vector.broadcast %eq3A_3049 : i32 to vector<4x32x128xi32>
      %eq3A_3051 = arith.cmpi eq, %and3A_3048, %eq3A_3050 : vector<4x32x128xi32>
      %select_n3A_3052 = arith.select %eq3A_3051, %roll3A_3042, %roll3A_3044 : vector<4x32x128xi1>, vector<4x32x128xi32>
      %iota3A_3053 = tpu.iota {dimensions = array<i32: 2>} : vector<4x32x128xi32>
      %and3A_3054 = arith.constant 8 : i32
      %and3A_3055 = vector.broadcast %and3A_3054 : i32 to vector<4x32x128xi32>
      %and3A_3056 = arith.andi %iota3A_3053, %and3A_3055 : vector<4x32x128xi32>
      %eq3A_3057 = arith.constant 0 : i32
      %eq3A_3058 = vector.broadcast %eq3A_3057 : i32 to vector<4x32x128xi32>
      %eq3A_3059 = arith.cmpi eq, %and3A_3056, %eq3A_3058 : vector<4x32x128xi32>
      %iota3A_3060 = tpu.iota {dimensions = array<i32: 1>} : vector<4x32x128xi32>
      %and3A_3061 = arith.constant 16 : i32
      %and3A_3062 = vector.broadcast %and3A_3061 : i32 to vector<4x32x128xi32>
      %and3A_3063 = arith.andi %iota3A_3060, %and3A_3062 : vector<4x32x128xi32>
      %eq3A_3064 = arith.constant 0 : i32
      %eq3A_3065 = vector.broadcast %eq3A_3064 : i32 to vector<4x32x128xi32>
      %eq3A_3066 = arith.cmpi eq, %and3A_3063, %eq3A_3065 : vector<4x32x128xi32>
      %gt3A_3067 = arith.cmpf ogt, %select_n3A_3027, %select_n3A_3040 : vector<4x32x128xf32>
      %eq3A_3068 = arith.cmpf oeq, %select_n3A_3027, %select_n3A_3040 : vector<4x32x128xf32>
      %lt3A_3069 = arith.cmpi slt, %select_n3A_3028, %select_n3A_3052 : vector<4x32x128xi32>
      %and3A_3070 = arith.andi %eq3A_3068, %lt3A_3069 : vector<4x32x128xi1>
      %or3A_3071 = arith.ori %gt3A_3067, %and3A_3070 : vector<4x32x128xi1>
      %eq3A_3072 = arith.xori %eq3A_3059, %eq3A_3066 : vector<4x32x128xi1>
      %eq3A_3073 = arith.constant dense<true> : vector<4x32x128xi1>
      %eq3A_3074 = arith.xori %eq3A_3072, %eq3A_3073 : vector<4x32x128xi1>
      %eq3A_3075 = arith.xori %or3A_3071, %eq3A_3074 : vector<4x32x128xi1>
      %eq3A_3076 = arith.constant dense<true> : vector<4x32x128xi1>
      %eq3A_3077 = arith.xori %eq3A_3075, %eq3A_3076 : vector<4x32x128xi1>
      %select_n3A_3078 = arith.select %eq3A_3077, %select_n3A_3027, %select_n3A_3040 : vector<4x32x128xi1>, vector<4x32x128xf32>
      %select_n3A_3079 = arith.select %eq3A_3077, %select_n3A_3028, %select_n3A_3052 : vector<4x32x128xi1>, vector<4x32x128xi32>
      %roll3A_3080 = arith.constant 124 : i32
      %roll3A_3081 = tpu.dynamic_rotate %select_n3A_3078 by %roll3A_3080 dim 2 : vector<4x32x128xf32>, i32 -> vector<4x32x128xf32>
      %roll3A_3082 = arith.constant 4 : i32
      %roll3A_3083 = tpu.dynamic_rotate %select_n3A_3078 by %roll3A_3082 dim 2 : vector<4x32x128xf32>, i32 -> vector<4x32x128xf32>
      %iota3A_3084 = tpu.iota {dimensions = array<i32: 2>} : vector<4x32x128xi32>
      %and3A_3085 = arith.constant 4 : i32
      %and3A_3086 = vector.broadcast %and3A_3085 : i32 to vector<4x32x128xi32>
      %and3A_3087 = arith.andi %iota3A_3084, %and3A_3086 : vector<4x32x128xi32>
      %eq3A_3088 = arith.constant 0 : i32
      %eq3A_3089 = vector.broadcast %eq3A_3088 : i32 to vector<4x32x128xi32>
      %eq3A_3090 = arith.cmpi eq, %and3A_3087, %eq3A_3089 : vector<4x32x128xi32>
      %select_n3A_3091 = arith.select %eq3A_3090, %roll3A_3081, %roll3A_3083 : vector<4x32x128xi1>, vector<4x32x128xf32>
      %roll3A_3092 = arith.constant 124 : i32
      %roll3A_3093 = tpu.dynamic_rotate %select_n3A_3079 by %roll3A_3092 dim 2 : vector<4x32x128xi32>, i32 -> vector<4x32x128xi32>
      %roll3A_3094 = arith.constant 4 : i32
      %roll3A_3095 = tpu.dynamic_rotate %select_n3A_3079 by %roll3A_3094 dim 2 : vector<4x32x128xi32>, i32 -> vector<4x32x128xi32>
      %iota3A_3096 = tpu.iota {dimensions = array<i32: 2>} : vector<4x32x128xi32>
      %and3A_3097 = arith.constant 4 : i32
      %and3A_3098 = vector.broadcast %and3A_3097 : i32 to vector<4x32x128xi32>
      %and3A_3099 = arith.andi %iota3A_3096, %and3A_3098 : vector<4x32x128xi32>
      %eq3A_3100 = arith.constant 0 : i32
      %eq3A_3101 = vector.broadcast %eq3A_3100 : i32 to vector<4x32x128xi32>
      %eq3A_3102 = arith.cmpi eq, %and3A_3099, %eq3A_3101 : vector<4x32x128xi32>
      %select_n3A_3103 = arith.select %eq3A_3102, %roll3A_3093, %roll3A_3095 : vector<4x32x128xi1>, vector<4x32x128xi32>
      %iota3A_3104 = tpu.iota {dimensions = array<i32: 2>} : vector<4x32x128xi32>
      %and3A_3105 = arith.constant 4 : i32
      %and3A_3106 = vector.broadcast %and3A_3105 : i32 to vector<4x32x128xi32>
      %and3A_3107 = arith.andi %iota3A_3104, %and3A_3106 : vector<4x32x128xi32>
      %eq3A_3108 = arith.constant 0 : i32
      %eq3A_3109 = vector.broadcast %eq3A_3108 : i32 to vector<4x32x128xi32>
      %eq3A_3110 = arith.cmpi eq, %and3A_3107, %eq3A_3109 : vector<4x32x128xi32>
      %iota3A_3111 = tpu.iota {dimensions = array<i32: 1>} : vector<4x32x128xi32>
      %and3A_3112 = arith.constant 16 : i32
      %and3A_3113 = vector.broadcast %and3A_3112 : i32 to vector<4x32x128xi32>
      %and3A_3114 = arith.andi %iota3A_3111, %and3A_3113 : vector<4x32x128xi32>
      %eq3A_3115 = arith.constant 0 : i32
      %eq3A_3116 = vector.broadcast %eq3A_3115 : i32 to vector<4x32x128xi32>
      %eq3A_3117 = arith.cmpi eq, %and3A_3114, %eq3A_3116 : vector<4x32x128xi32>
      %gt3A_3118 = arith.cmpf ogt, %select_n3A_3078, %select_n3A_3091 : vector<4x32x128xf32>
      %eq3A_3119 = arith.cmpf oeq, %select_n3A_3078, %select_n3A_3091 : vector<4x32x128xf32>
      %lt3A_3120 = arith.cmpi slt, %select_n3A_3079, %select_n3A_3103 : vector<4x32x128xi32>
      %and3A_3121 = arith.andi %eq3A_3119, %lt3A_3120 : vector<4x32x128xi1>
      %or3A_3122 = arith.ori %gt3A_3118, %and3A_3121 : vector<4x32x128xi1>
      %eq3A_3123 = arith.xori %eq3A_3110, %eq3A_3117 : vector<4x32x128xi1>
      %eq3A_3124 = arith.constant dense<true> : vector<4x32x128xi1>
      %eq3A_3125 = arith.xori %eq3A_3123, %eq3A_3124 : vector<4x32x128xi1>
      %eq3A_3126 = arith.xori %or3A_3122, %eq3A_3125 : vector<4x32x128xi1>
      %eq3A_3127 = arith.constant dense<true> : vector<4x32x128xi1>
      %eq3A_3128 = arith.xori %eq3A_3126, %eq3A_3127 : vector<4x32x128xi1>
      %select_n3A_3129 = arith.select %eq3A_3128, %select_n3A_3078, %select_n3A_3091 : vector<4x32x128xi1>, vector<4x32x128xf32>
      %select_n3A_3130 = arith.select %eq3A_3128, %select_n3A_3079, %select_n3A_3103 : vector<4x32x128xi1>, vector<4x32x128xi32>
      %roll3A_3131 = arith.constant 126 : i32
      %roll3A_3132 = tpu.dynamic_rotate %select_n3A_3129 by %roll3A_3131 dim 2 : vector<4x32x128xf32>, i32 -> vector<4x32x128xf32>
      %roll3A_3133 = arith.constant 2 : i32
      %roll3A_3134 = tpu.dynamic_rotate %select_n3A_3129 by %roll3A_3133 dim 2 : vector<4x32x128xf32>, i32 -> vector<4x32x128xf32>
      %iota3A_3135 = tpu.iota {dimensions = array<i32: 2>} : vector<4x32x128xi32>
      %and3A_3136 = arith.constant 2 : i32
      %and3A_3137 = vector.broadcast %and3A_3136 : i32 to vector<4x32x128xi32>
      %and3A_3138 = arith.andi %iota3A_3135, %and3A_3137 : vector<4x32x128xi32>
      %eq3A_3139 = arith.constant 0 : i32
      %eq3A_3140 = vector.broadcast %eq3A_3139 : i32 to vector<4x32x128xi32>
      %eq3A_3141 = arith.cmpi eq, %and3A_3138, %eq3A_3140 : vector<4x32x128xi32>
      %select_n3A_3142 = arith.select %eq3A_3141, %roll3A_3132, %roll3A_3134 : vector<4x32x128xi1>, vector<4x32x128xf32>
      %roll3A_3143 = arith.constant 126 : i32
      %roll3A_3144 = tpu.dynamic_rotate %select_n3A_3130 by %roll3A_3143 dim 2 : vector<4x32x128xi32>, i32 -> vector<4x32x128xi32>
      %roll3A_3145 = arith.constant 2 : i32
      %roll3A_3146 = tpu.dynamic_rotate %select_n3A_3130 by %roll3A_3145 dim 2 : vector<4x32x128xi32>, i32 -> vector<4x32x128xi32>
      %iota3A_3147 = tpu.iota {dimensions = array<i32: 2>} : vector<4x32x128xi32>
      %and3A_3148 = arith.constant 2 : i32
      %and3A_3149 = vector.broadcast %and3A_3148 : i32 to vector<4x32x128xi32>
      %and3A_3150 = arith.andi %iota3A_3147, %and3A_3149 : vector<4x32x128xi32>
      %eq3A_3151 = arith.constant 0 : i32
      %eq3A_3152 = vector.broadcast %eq3A_3151 : i32 to vector<4x32x128xi32>
      %eq3A_3153 = arith.cmpi eq, %and3A_3150, %eq3A_3152 : vector<4x32x128xi32>
      %select_n3A_3154 = arith.select %eq3A_3153, %roll3A_3144, %roll3A_3146 : vector<4x32x128xi1>, vector<4x32x128xi32>
      %iota3A_3155 = tpu.iota {dimensions = array<i32: 2>} : vector<4x32x128xi32>
      %and3A_3156 = arith.constant 2 : i32
      %and3A_3157 = vector.broadcast %and3A_3156 : i32 to vector<4x32x128xi32>
      %and3A_3158 = arith.andi %iota3A_3155, %and3A_3157 : vector<4x32x128xi32>
      %eq3A_3159 = arith.constant 0 : i32
      %eq3A_3160 = vector.broadcast %eq3A_3159 : i32 to vector<4x32x128xi32>
      %eq3A_3161 = arith.cmpi eq, %and3A_3158, %eq3A_3160 : vector<4x32x128xi32>
      %iota3A_3162 = tpu.iota {dimensions = array<i32: 1>} : vector<4x32x128xi32>
      %and3A_3163 = arith.constant 16 : i32
      %and3A_3164 = vector.broadcast %and3A_3163 : i32 to vector<4x32x128xi32>
      %and3A_3165 = arith.andi %iota3A_3162, %and3A_3164 : vector<4x32x128xi32>
      %eq3A_3166 = arith.constant 0 : i32
      %eq3A_3167 = vector.broadcast %eq3A_3166 : i32 to vector<4x32x128xi32>
      %eq3A_3168 = arith.cmpi eq, %and3A_3165, %eq3A_3167 : vector<4x32x128xi32>
      %gt3A_3169 = arith.cmpf ogt, %select_n3A_3129, %select_n3A_3142 : vector<4x32x128xf32>
      %eq3A_3170 = arith.cmpf oeq, %select_n3A_3129, %select_n3A_3142 : vector<4x32x128xf32>
      %lt3A_3171 = arith.cmpi slt, %select_n3A_3130, %select_n3A_3154 : vector<4x32x128xi32>
      %and3A_3172 = arith.andi %eq3A_3170, %lt3A_3171 : vector<4x32x128xi1>
      %or3A_3173 = arith.ori %gt3A_3169, %and3A_3172 : vector<4x32x128xi1>
      %eq3A_3174 = arith.xori %eq3A_3161, %eq3A_3168 : vector<4x32x128xi1>
      %eq3A_3175 = arith.constant dense<true> : vector<4x32x128xi1>
      %eq3A_3176 = arith.xori %eq3A_3174, %eq3A_3175 : vector<4x32x128xi1>
      %eq3A_3177 = arith.xori %or3A_3173, %eq3A_3176 : vector<4x32x128xi1>
      %eq3A_3178 = arith.constant dense<true> : vector<4x32x128xi1>
      %eq3A_3179 = arith.xori %eq3A_3177, %eq3A_3178 : vector<4x32x128xi1>
      %select_n3A_3180 = arith.select %eq3A_3179, %select_n3A_3129, %select_n3A_3142 : vector<4x32x128xi1>, vector<4x32x128xf32>
      %select_n3A_3181 = arith.select %eq3A_3179, %select_n3A_3130, %select_n3A_3154 : vector<4x32x128xi1>, vector<4x32x128xi32>
      %roll3A_3182 = arith.constant 127 : i32
      %roll3A_3183 = tpu.dynamic_rotate %select_n3A_3180 by %roll3A_3182 dim 2 : vector<4x32x128xf32>, i32 -> vector<4x32x128xf32>
      %roll3A_3184 = arith.constant 1 : i32
      %roll3A_3185 = tpu.dynamic_rotate %select_n3A_3180 by %roll3A_3184 dim 2 : vector<4x32x128xf32>, i32 -> vector<4x32x128xf32>
      %iota3A_3186 = tpu.iota {dimensions = array<i32: 2>} : vector<4x32x128xi32>
      %and3A_3187 = arith.constant 1 : i32
      %and3A_3188 = vector.broadcast %and3A_3187 : i32 to vector<4x32x128xi32>
      %and3A_3189 = arith.andi %iota3A_3186, %and3A_3188 : vector<4x32x128xi32>
      %eq3A_3190 = arith.constant 0 : i32
      %eq3A_3191 = vector.broadcast %eq3A_3190 : i32 to vector<4x32x128xi32>
      %eq3A_3192 = arith.cmpi eq, %and3A_3189, %eq3A_3191 : vector<4x32x128xi32>
      %select_n3A_3193 = arith.select %eq3A_3192, %roll3A_3183, %roll3A_3185 : vector<4x32x128xi1>, vector<4x32x128xf32>
      %roll3A_3194 = arith.constant 127 : i32
      %roll3A_3195 = tpu.dynamic_rotate %select_n3A_3181 by %roll3A_3194 dim 2 : vector<4x32x128xi32>, i32 -> vector<4x32x128xi32>
      %roll3A_3196 = arith.constant 1 : i32
      %roll3A_3197 = tpu.dynamic_rotate %select_n3A_3181 by %roll3A_3196 dim 2 : vector<4x32x128xi32>, i32 -> vector<4x32x128xi32>
      %iota3A_3198 = tpu.iota {dimensions = array<i32: 2>} : vector<4x32x128xi32>
      %and3A_3199 = arith.constant 1 : i32
      %and3A_3200 = vector.broadcast %and3A_3199 : i32 to vector<4x32x128xi32>
      %and3A_3201 = arith.andi %iota3A_3198, %and3A_3200 : vector<4x32x128xi32>
      %eq3A_3202 = arith.constant 0 : i32
      %eq3A_3203 = vector.broadcast %eq3A_3202 : i32 to vector<4x32x128xi32>
      %eq3A_3204 = arith.cmpi eq, %and3A_3201, %eq3A_3203 : vector<4x32x128xi32>
      %select_n3A_3205 = arith.select %eq3A_3204, %roll3A_3195, %roll3A_3197 : vector<4x32x128xi1>, vector<4x32x128xi32>
      %iota3A_3206 = tpu.iota {dimensions = array<i32: 2>} : vector<4x32x128xi32>
      %and3A_3207 = arith.constant 1 : i32
      %and3A_3208 = vector.broadcast %and3A_3207 : i32 to vector<4x32x128xi32>
      %and3A_3209 = arith.andi %iota3A_3206, %and3A_3208 : vector<4x32x128xi32>
      %eq3A_3210 = arith.constant 0 : i32
      %eq3A_3211 = vector.broadcast %eq3A_3210 : i32 to vector<4x32x128xi32>
      %eq3A_3212 = arith.cmpi eq, %and3A_3209, %eq3A_3211 : vector<4x32x128xi32>
      %iota3A_3213 = tpu.iota {dimensions = array<i32: 1>} : vector<4x32x128xi32>
      %and3A_3214 = arith.constant 16 : i32
      %and3A_3215 = vector.broadcast %and3A_3214 : i32 to vector<4x32x128xi32>
      %and3A_3216 = arith.andi %iota3A_3213, %and3A_3215 : vector<4x32x128xi32>
      %eq3A_3217 = arith.constant 0 : i32
      %eq3A_3218 = vector.broadcast %eq3A_3217 : i32 to vector<4x32x128xi32>
      %eq3A_3219 = arith.cmpi eq, %and3A_3216, %eq3A_3218 : vector<4x32x128xi32>
      %gt3A_3220 = arith.cmpf ogt, %select_n3A_3180, %select_n3A_3193 : vector<4x32x128xf32>
      %eq3A_3221 = arith.cmpf oeq, %select_n3A_3180, %select_n3A_3193 : vector<4x32x128xf32>
      %lt3A_3222 = arith.cmpi slt, %select_n3A_3181, %select_n3A_3205 : vector<4x32x128xi32>
      %and3A_3223 = arith.andi %eq3A_3221, %lt3A_3222 : vector<4x32x128xi1>
      %or3A_3224 = arith.ori %gt3A_3220, %and3A_3223 : vector<4x32x128xi1>
      %eq3A_3225 = arith.xori %eq3A_3212, %eq3A_3219 : vector<4x32x128xi1>
      %eq3A_3226 = arith.constant dense<true> : vector<4x32x128xi1>
      %eq3A_3227 = arith.xori %eq3A_3225, %eq3A_3226 : vector<4x32x128xi1>
      %eq3A_3228 = arith.xori %or3A_3224, %eq3A_3227 : vector<4x32x128xi1>
      %eq3A_3229 = arith.constant dense<true> : vector<4x32x128xi1>
      %eq3A_3230 = arith.xori %eq3A_3228, %eq3A_3229 : vector<4x32x128xi1>
      %select_n3A_3231 = arith.select %eq3A_3230, %select_n3A_3180, %select_n3A_3193 : vector<4x32x128xi1>, vector<4x32x128xf32>
      %select_n3A_3232 = arith.select %eq3A_3230, %select_n3A_3181, %select_n3A_3205 : vector<4x32x128xi1>, vector<4x32x128xi32>
      %reshape3A_3233 = vector.shape_cast %select_n3A_3231 : vector<4x32x128xf32> to vector<4x1x2x16x128xf32>
      %slice3A_3234 = vector.extract_strided_slice %reshape3A_3233 {offsets = [0, 0, 1, 0, 0], sizes = [4, 1, 1, 16, 128], strides = [1, 1, 1, 1, 1]} : vector<4x1x2x16x128xf32> to vector<4x1x1x16x128xf32>
      %slice3A_3235 = vector.extract_strided_slice %reshape3A_3233 {offsets = [0, 0, 0, 0, 0], sizes = [4, 1, 1, 16, 128], strides = [1, 1, 1, 1, 1]} : vector<4x1x2x16x128xf32> to vector<4x1x1x16x128xf32>
      %concatenate3A_3236 = tpu.concatenate %slice3A_3234, %slice3A_3235 in 2 : vector<4x1x1x16x128xf32>, vector<4x1x1x16x128xf32> -> vector<4x1x2x16x128xf32>
      %reshape3A_3237 = vector.shape_cast %concatenate3A_3236 : vector<4x1x2x16x128xf32> to vector<4x32x128xf32>
      %reshape3A_3238 = vector.shape_cast %select_n3A_3232 : vector<4x32x128xi32> to vector<4x1x2x16x128xi32>
      %slice3A_3239 = vector.extract_strided_slice %reshape3A_3238 {offsets = [0, 0, 1, 0, 0], sizes = [4, 1, 1, 16, 128], strides = [1, 1, 1, 1, 1]} : vector<4x1x2x16x128xi32> to vector<4x1x1x16x128xi32>
      %slice3A_3240 = vector.extract_strided_slice %reshape3A_3238 {offsets = [0, 0, 0, 0, 0], sizes = [4, 1, 1, 16, 128], strides = [1, 1, 1, 1, 1]} : vector<4x1x2x16x128xi32> to vector<4x1x1x16x128xi32>
      %concatenate3A_3241 = tpu.concatenate %slice3A_3239, %slice3A_3240 in 2 : vector<4x1x1x16x128xi32>, vector<4x1x1x16x128xi32> -> vector<4x1x2x16x128xi32>
      %reshape3A_3242 = vector.shape_cast %concatenate3A_3241 : vector<4x1x2x16x128xi32> to vector<4x32x128xi32>
      %iota3A_3243 = tpu.iota {dimensions = array<i32: 1>} : vector<4x32x128xi32>
      %and3A_3244 = arith.constant 16 : i32
      %and3A_3245 = vector.broadcast %and3A_3244 : i32 to vector<4x32x128xi32>
      %and3A_3246 = arith.andi %iota3A_3243, %and3A_3245 : vector<4x32x128xi32>
      %eq3A_3247 = arith.constant 0 : i32
      %eq3A_3248 = vector.broadcast %eq3A_3247 : i32 to vector<4x32x128xi32>
      %eq3A_3249 = arith.cmpi eq, %and3A_3246, %eq3A_3248 : vector<4x32x128xi32>
      %iota3A_3250 = tpu.iota {dimensions = array<i32: 1>} : vector<4x32x128xi32>
      %and3A_3251 = arith.constant 32 : i32
      %and3A_3252 = vector.broadcast %and3A_3251 : i32 to vector<4x32x128xi32>
      %and3A_3253 = arith.andi %iota3A_3250, %and3A_3252 : vector<4x32x128xi32>
      %eq3A_3254 = arith.constant 0 : i32
      %eq3A_3255 = vector.broadcast %eq3A_3254 : i32 to vector<4x32x128xi32>
      %eq3A_3256 = arith.cmpi eq, %and3A_3253, %eq3A_3255 : vector<4x32x128xi32>
      %gt3A_3257 = arith.cmpf ogt, %select_n3A_3231, %reshape3A_3237 : vector<4x32x128xf32>
      %eq3A_3258 = arith.cmpf oeq, %select_n3A_3231, %reshape3A_3237 : vector<4x32x128xf32>
      %lt3A_3259 = arith.cmpi slt, %select_n3A_3232, %reshape3A_3242 : vector<4x32x128xi32>
      %and3A_3260 = arith.andi %eq3A_3258, %lt3A_3259 : vector<4x32x128xi1>
      %or3A_3261 = arith.ori %gt3A_3257, %and3A_3260 : vector<4x32x128xi1>
      %eq3A_3262 = arith.xori %eq3A_3249, %eq3A_3256 : vector<4x32x128xi1>
      %eq3A_3263 = arith.constant dense<true> : vector<4x32x128xi1>
      %eq3A_3264 = arith.xori %eq3A_3262, %eq3A_3263 : vector<4x32x128xi1>
      %eq3A_3265 = arith.xori %or3A_3261, %eq3A_3264 : vector<4x32x128xi1>
      %eq3A_3266 = arith.constant dense<true> : vector<4x32x128xi1>
      %eq3A_3267 = arith.xori %eq3A_3265, %eq3A_3266 : vector<4x32x128xi1>
      %select_n3A_3268 = arith.select %eq3A_3267, %select_n3A_3231, %reshape3A_3237 : vector<4x32x128xi1>, vector<4x32x128xf32>
      %select_n3A_3269 = arith.select %eq3A_3267, %select_n3A_3232, %reshape3A_3242 : vector<4x32x128xi1>, vector<4x32x128xi32>
      %reshape3A_3270 = vector.shape_cast %select_n3A_3268 : vector<4x32x128xf32> to vector<4x2x2x8x128xf32>
      %slice3A_3271 = vector.extract_strided_slice %reshape3A_3270 {offsets = [0, 0, 1, 0, 0], sizes = [4, 2, 1, 8, 128], strides = [1, 1, 1, 1, 1]} : vector<4x2x2x8x128xf32> to vector<4x2x1x8x128xf32>
      %slice3A_3272 = vector.extract_strided_slice %reshape3A_3270 {offsets = [0, 0, 0, 0, 0], sizes = [4, 2, 1, 8, 128], strides = [1, 1, 1, 1, 1]} : vector<4x2x2x8x128xf32> to vector<4x2x1x8x128xf32>
      %concatenate3A_3273 = tpu.concatenate %slice3A_3271, %slice3A_3272 in 2 : vector<4x2x1x8x128xf32>, vector<4x2x1x8x128xf32> -> vector<4x2x2x8x128xf32>
      %reshape3A_3274 = vector.shape_cast %concatenate3A_3273 : vector<4x2x2x8x128xf32> to vector<4x32x128xf32>
      %reshape3A_3275 = vector.shape_cast %select_n3A_3269 : vector<4x32x128xi32> to vector<4x2x2x8x128xi32>
      %slice3A_3276 = vector.extract_strided_slice %reshape3A_3275 {offsets = [0, 0, 1, 0, 0], sizes = [4, 2, 1, 8, 128], strides = [1, 1, 1, 1, 1]} : vector<4x2x2x8x128xi32> to vector<4x2x1x8x128xi32>
      %slice3A_3277 = vector.extract_strided_slice %reshape3A_3275 {offsets = [0, 0, 0, 0, 0], sizes = [4, 2, 1, 8, 128], strides = [1, 1, 1, 1, 1]} : vector<4x2x2x8x128xi32> to vector<4x2x1x8x128xi32>
      %concatenate3A_3278 = tpu.concatenate %slice3A_3276, %slice3A_3277 in 2 : vector<4x2x1x8x128xi32>, vector<4x2x1x8x128xi32> -> vector<4x2x2x8x128xi32>
      %reshape3A_3279 = vector.shape_cast %concatenate3A_3278 : vector<4x2x2x8x128xi32> to vector<4x32x128xi32>
      %iota3A_3280 = tpu.iota {dimensions = array<i32: 1>} : vector<4x32x128xi32>
      %and3A_3281 = arith.constant 8 : i32
      %and3A_3282 = vector.broadcast %and3A_3281 : i32 to vector<4x32x128xi32>
      %and3A_3283 = arith.andi %iota3A_3280, %and3A_3282 : vector<4x32x128xi32>
      %eq3A_3284 = arith.constant 0 : i32
      %eq3A_3285 = vector.broadcast %eq3A_3284 : i32 to vector<4x32x128xi32>
      %eq3A_3286 = arith.cmpi eq, %and3A_3283, %eq3A_3285 : vector<4x32x128xi32>
      %iota3A_3287 = tpu.iota {dimensions = array<i32: 1>} : vector<4x32x128xi32>
      %and3A_3288 = arith.constant 32 : i32
      %and3A_3289 = vector.broadcast %and3A_3288 : i32 to vector<4x32x128xi32>
      %and3A_3290 = arith.andi %iota3A_3287, %and3A_3289 : vector<4x32x128xi32>
      %eq3A_3291 = arith.constant 0 : i32
      %eq3A_3292 = vector.broadcast %eq3A_3291 : i32 to vector<4x32x128xi32>
      %eq3A_3293 = arith.cmpi eq, %and3A_3290, %eq3A_3292 : vector<4x32x128xi32>
      %gt3A_3294 = arith.cmpf ogt, %select_n3A_3268, %reshape3A_3274 : vector<4x32x128xf32>
      %eq3A_3295 = arith.cmpf oeq, %select_n3A_3268, %reshape3A_3274 : vector<4x32x128xf32>
      %lt3A_3296 = arith.cmpi slt, %select_n3A_3269, %reshape3A_3279 : vector<4x32x128xi32>
      %and3A_3297 = arith.andi %eq3A_3295, %lt3A_3296 : vector<4x32x128xi1>
      %or3A_3298 = arith.ori %gt3A_3294, %and3A_3297 : vector<4x32x128xi1>
      %eq3A_3299 = arith.xori %eq3A_3286, %eq3A_3293 : vector<4x32x128xi1>
      %eq3A_3300 = arith.constant dense<true> : vector<4x32x128xi1>
      %eq3A_3301 = arith.xori %eq3A_3299, %eq3A_3300 : vector<4x32x128xi1>
      %eq3A_3302 = arith.xori %or3A_3298, %eq3A_3301 : vector<4x32x128xi1>
      %eq3A_3303 = arith.constant dense<true> : vector<4x32x128xi1>
      %eq3A_3304 = arith.xori %eq3A_3302, %eq3A_3303 : vector<4x32x128xi1>
      %select_n3A_3305 = arith.select %eq3A_3304, %select_n3A_3268, %reshape3A_3274 : vector<4x32x128xi1>, vector<4x32x128xf32>
      %select_n3A_3306 = arith.select %eq3A_3304, %select_n3A_3269, %reshape3A_3279 : vector<4x32x128xi1>, vector<4x32x128xi32>
      %reshape3A_3307 = vector.shape_cast %select_n3A_3305 : vector<4x32x128xf32> to vector<4x4x2x4x128xf32>
      %slice3A_3308 = vector.extract_strided_slice %reshape3A_3307 {offsets = [0, 0, 1, 0, 0], sizes = [4, 4, 1, 4, 128], strides = [1, 1, 1, 1, 1]} : vector<4x4x2x4x128xf32> to vector<4x4x1x4x128xf32>
      %slice3A_3309 = vector.extract_strided_slice %reshape3A_3307 {offsets = [0, 0, 0, 0, 0], sizes = [4, 4, 1, 4, 128], strides = [1, 1, 1, 1, 1]} : vector<4x4x2x4x128xf32> to vector<4x4x1x4x128xf32>
      %concatenate3A_3310 = tpu.concatenate %slice3A_3308, %slice3A_3309 in 2 : vector<4x4x1x4x128xf32>, vector<4x4x1x4x128xf32> -> vector<4x4x2x4x128xf32>
      %reshape3A_3311 = vector.shape_cast %concatenate3A_3310 : vector<4x4x2x4x128xf32> to vector<4x32x128xf32>
      %reshape3A_3312 = vector.shape_cast %select_n3A_3306 : vector<4x32x128xi32> to vector<4x4x2x4x128xi32>
      %slice3A_3313 = vector.extract_strided_slice %reshape3A_3312 {offsets = [0, 0, 1, 0, 0], sizes = [4, 4, 1, 4, 128], strides = [1, 1, 1, 1, 1]} : vector<4x4x2x4x128xi32> to vector<4x4x1x4x128xi32>
      %slice3A_3314 = vector.extract_strided_slice %reshape3A_3312 {offsets = [0, 0, 0, 0, 0], sizes = [4, 4, 1, 4, 128], strides = [1, 1, 1, 1, 1]} : vector<4x4x2x4x128xi32> to vector<4x4x1x4x128xi32>
      %concatenate3A_3315 = tpu.concatenate %slice3A_3313, %slice3A_3314 in 2 : vector<4x4x1x4x128xi32>, vector<4x4x1x4x128xi32> -> vector<4x4x2x4x128xi32>
      %reshape3A_3316 = vector.shape_cast %concatenate3A_3315 : vector<4x4x2x4x128xi32> to vector<4x32x128xi32>
      %iota3A_3317 = tpu.iota {dimensions = array<i32: 1>} : vector<4x32x128xi32>
      %and3A_3318 = arith.constant 4 : i32
      %and3A_3319 = vector.broadcast %and3A_3318 : i32 to vector<4x32x128xi32>
      %and3A_3320 = arith.andi %iota3A_3317, %and3A_3319 : vector<4x32x128xi32>
      %eq3A_3321 = arith.constant 0 : i32
      %eq3A_3322 = vector.broadcast %eq3A_3321 : i32 to vector<4x32x128xi32>
      %eq3A_3323 = arith.cmpi eq, %and3A_3320, %eq3A_3322 : vector<4x32x128xi32>
      %iota3A_3324 = tpu.iota {dimensions = array<i32: 1>} : vector<4x32x128xi32>
      %and3A_3325 = arith.constant 32 : i32
      %and3A_3326 = vector.broadcast %and3A_3325 : i32 to vector<4x32x128xi32>
      %and3A_3327 = arith.andi %iota3A_3324, %and3A_3326 : vector<4x32x128xi32>
      %eq3A_3328 = arith.constant 0 : i32
      %eq3A_3329 = vector.broadcast %eq3A_3328 : i32 to vector<4x32x128xi32>
      %eq3A_3330 = arith.cmpi eq, %and3A_3327, %eq3A_3329 : vector<4x32x128xi32>
      %gt3A_3331 = arith.cmpf ogt, %select_n3A_3305, %reshape3A_3311 : vector<4x32x128xf32>
      %eq3A_3332 = arith.cmpf oeq, %select_n3A_3305, %reshape3A_3311 : vector<4x32x128xf32>
      %lt3A_3333 = arith.cmpi slt, %select_n3A_3306, %reshape3A_3316 : vector<4x32x128xi32>
      %and3A_3334 = arith.andi %eq3A_3332, %lt3A_3333 : vector<4x32x128xi1>
      %or3A_3335 = arith.ori %gt3A_3331, %and3A_3334 : vector<4x32x128xi1>
      %eq3A_3336 = arith.xori %eq3A_3323, %eq3A_3330 : vector<4x32x128xi1>
      %eq3A_3337 = arith.constant dense<true> : vector<4x32x128xi1>
      %eq3A_3338 = arith.xori %eq3A_3336, %eq3A_3337 : vector<4x32x128xi1>
      %eq3A_3339 = arith.xori %or3A_3335, %eq3A_3338 : vector<4x32x128xi1>
      %eq3A_3340 = arith.constant dense<true> : vector<4x32x128xi1>
      %eq3A_3341 = arith.xori %eq3A_3339, %eq3A_3340 : vector<4x32x128xi1>
      %select_n3A_3342 = arith.select %eq3A_3341, %select_n3A_3305, %reshape3A_3311 : vector<4x32x128xi1>, vector<4x32x128xf32>
      %select_n3A_3343 = arith.select %eq3A_3341, %select_n3A_3306, %reshape3A_3316 : vector<4x32x128xi1>, vector<4x32x128xi32>
      %reshape3A_3344 = vector.shape_cast %select_n3A_3342 : vector<4x32x128xf32> to vector<4x8x2x2x128xf32>
      %slice3A_3345 = vector.extract_strided_slice %reshape3A_3344 {offsets = [0, 0, 1, 0, 0], sizes = [4, 8, 1, 2, 128], strides = [1, 1, 1, 1, 1]} : vector<4x8x2x2x128xf32> to vector<4x8x1x2x128xf32>
      %slice3A_3346 = vector.extract_strided_slice %reshape3A_3344 {offsets = [0, 0, 0, 0, 0], sizes = [4, 8, 1, 2, 128], strides = [1, 1, 1, 1, 1]} : vector<4x8x2x2x128xf32> to vector<4x8x1x2x128xf32>
      %concatenate3A_3347 = tpu.concatenate %slice3A_3345, %slice3A_3346 in 2 : vector<4x8x1x2x128xf32>, vector<4x8x1x2x128xf32> -> vector<4x8x2x2x128xf32>
      %reshape3A_3348 = vector.shape_cast %concatenate3A_3347 : vector<4x8x2x2x128xf32> to vector<4x32x128xf32>
      %reshape3A_3349 = vector.shape_cast %select_n3A_3343 : vector<4x32x128xi32> to vector<4x8x2x2x128xi32>
      %slice3A_3350 = vector.extract_strided_slice %reshape3A_3349 {offsets = [0, 0, 1, 0, 0], sizes = [4, 8, 1, 2, 128], strides = [1, 1, 1, 1, 1]} : vector<4x8x2x2x128xi32> to vector<4x8x1x2x128xi32>
      %slice3A_3351 = vector.extract_strided_slice %reshape3A_3349 {offsets = [0, 0, 0, 0, 0], sizes = [4, 8, 1, 2, 128], strides = [1, 1, 1, 1, 1]} : vector<4x8x2x2x128xi32> to vector<4x8x1x2x128xi32>
      %concatenate3A_3352 = tpu.concatenate %slice3A_3350, %slice3A_3351 in 2 : vector<4x8x1x2x128xi32>, vector<4x8x1x2x128xi32> -> vector<4x8x2x2x128xi32>
      %reshape3A_3353 = vector.shape_cast %concatenate3A_3352 : vector<4x8x2x2x128xi32> to vector<4x32x128xi32>
      %iota3A_3354 = tpu.iota {dimensions = array<i32: 1>} : vector<4x32x128xi32>
      %and3A_3355 = arith.constant 2 : i32
      %and3A_3356 = vector.broadcast %and3A_3355 : i32 to vector<4x32x128xi32>
      %and3A_3357 = arith.andi %iota3A_3354, %and3A_3356 : vector<4x32x128xi32>
      %eq3A_3358 = arith.constant 0 : i32
      %eq3A_3359 = vector.broadcast %eq3A_3358 : i32 to vector<4x32x128xi32>
      %eq3A_3360 = arith.cmpi eq, %and3A_3357, %eq3A_3359 : vector<4x32x128xi32>
      %iota3A_3361 = tpu.iota {dimensions = array<i32: 1>} : vector<4x32x128xi32>
      %and3A_3362 = arith.constant 32 : i32
      %and3A_3363 = vector.broadcast %and3A_3362 : i32 to vector<4x32x128xi32>
      %and3A_3364 = arith.andi %iota3A_3361, %and3A_3363 : vector<4x32x128xi32>
      %eq3A_3365 = arith.constant 0 : i32
      %eq3A_3366 = vector.broadcast %eq3A_3365 : i32 to vector<4x32x128xi32>
      %eq3A_3367 = arith.cmpi eq, %and3A_3364, %eq3A_3366 : vector<4x32x128xi32>
      %gt3A_3368 = arith.cmpf ogt, %select_n3A_3342, %reshape3A_3348 : vector<4x32x128xf32>
      %eq3A_3369 = arith.cmpf oeq, %select_n3A_3342, %reshape3A_3348 : vector<4x32x128xf32>
      %lt3A_3370 = arith.cmpi slt, %select_n3A_3343, %reshape3A_3353 : vector<4x32x128xi32>
      %and3A_3371 = arith.andi %eq3A_3369, %lt3A_3370 : vector<4x32x128xi1>
      %or3A_3372 = arith.ori %gt3A_3368, %and3A_3371 : vector<4x32x128xi1>
      %eq3A_3373 = arith.xori %eq3A_3360, %eq3A_3367 : vector<4x32x128xi1>
      %eq3A_3374 = arith.constant dense<true> : vector<4x32x128xi1>
      %eq3A_3375 = arith.xori %eq3A_3373, %eq3A_3374 : vector<4x32x128xi1>
      %eq3A_3376 = arith.xori %or3A_3372, %eq3A_3375 : vector<4x32x128xi1>
      %eq3A_3377 = arith.constant dense<true> : vector<4x32x128xi1>
      %eq3A_3378 = arith.xori %eq3A_3376, %eq3A_3377 : vector<4x32x128xi1>
      %select_n3A_3379 = arith.select %eq3A_3378, %select_n3A_3342, %reshape3A_3348 : vector<4x32x128xi1>, vector<4x32x128xf32>
      %select_n3A_3380 = arith.select %eq3A_3378, %select_n3A_3343, %reshape3A_3353 : vector<4x32x128xi1>, vector<4x32x128xi32>
      %reshape3A_3381 = vector.shape_cast %select_n3A_3379 : vector<4x32x128xf32> to vector<4x16x2x1x128xf32>
      %slice3A_3382 = vector.extract_strided_slice %reshape3A_3381 {offsets = [0, 0, 1, 0, 0], sizes = [4, 16, 1, 1, 128], strides = [1, 1, 1, 1, 1]} : vector<4x16x2x1x128xf32> to vector<4x16x1x1x128xf32>
      %slice3A_3383 = vector.extract_strided_slice %reshape3A_3381 {offsets = [0, 0, 0, 0, 0], sizes = [4, 16, 1, 1, 128], strides = [1, 1, 1, 1, 1]} : vector<4x16x2x1x128xf32> to vector<4x16x1x1x128xf32>
      %concatenate3A_3384 = tpu.concatenate %slice3A_3382, %slice3A_3383 in 2 : vector<4x16x1x1x128xf32>, vector<4x16x1x1x128xf32> -> vector<4x16x2x1x128xf32>
      %reshape3A_3385 = vector.shape_cast %concatenate3A_3384 : vector<4x16x2x1x128xf32> to vector<4x32x128xf32>
      %reshape3A_3386 = vector.shape_cast %select_n3A_3380 : vector<4x32x128xi32> to vector<4x16x2x1x128xi32>
      %slice3A_3387 = vector.extract_strided_slice %reshape3A_3386 {offsets = [0, 0, 1, 0, 0], sizes = [4, 16, 1, 1, 128], strides = [1, 1, 1, 1, 1]} : vector<4x16x2x1x128xi32> to vector<4x16x1x1x128xi32>
      %slice3A_3388 = vector.extract_strided_slice %reshape3A_3386 {offsets = [0, 0, 0, 0, 0], sizes = [4, 16, 1, 1, 128], strides = [1, 1, 1, 1, 1]} : vector<4x16x2x1x128xi32> to vector<4x16x1x1x128xi32>
      %concatenate3A_3389 = tpu.concatenate %slice3A_3387, %slice3A_3388 in 2 : vector<4x16x1x1x128xi32>, vector<4x16x1x1x128xi32> -> vector<4x16x2x1x128xi32>
      %reshape3A_3390 = vector.shape_cast %concatenate3A_3389 : vector<4x16x2x1x128xi32> to vector<4x32x128xi32>
      %iota3A_3391 = tpu.iota {dimensions = array<i32: 1>} : vector<4x32x128xi32>
      %and3A_3392 = arith.constant 1 : i32
      %and3A_3393 = vector.broadcast %and3A_3392 : i32 to vector<4x32x128xi32>
      %and3A_3394 = arith.andi %iota3A_3391, %and3A_3393 : vector<4x32x128xi32>
      %eq3A_3395 = arith.constant 0 : i32
      %eq3A_3396 = vector.broadcast %eq3A_3395 : i32 to vector<4x32x128xi32>
      %eq3A_3397 = arith.cmpi eq, %and3A_3394, %eq3A_3396 : vector<4x32x128xi32>
      %iota3A_3398 = tpu.iota {dimensions = array<i32: 1>} : vector<4x32x128xi32>
      %and3A_3399 = arith.constant 32 : i32
      %and3A_3400 = vector.broadcast %and3A_3399 : i32 to vector<4x32x128xi32>
      %and3A_3401 = arith.andi %iota3A_3398, %and3A_3400 : vector<4x32x128xi32>
      %eq3A_3402 = arith.constant 0 : i32
      %eq3A_3403 = vector.broadcast %eq3A_3402 : i32 to vector<4x32x128xi32>
      %eq3A_3404 = arith.cmpi eq, %and3A_3401, %eq3A_3403 : vector<4x32x128xi32>
      %gt3A_3405 = arith.cmpf ogt, %select_n3A_3379, %reshape3A_3385 : vector<4x32x128xf32>
      %eq3A_3406 = arith.cmpf oeq, %select_n3A_3379, %reshape3A_3385 : vector<4x32x128xf32>
      %lt3A_3407 = arith.cmpi slt, %select_n3A_3380, %reshape3A_3390 : vector<4x32x128xi32>
      %and3A_3408 = arith.andi %eq3A_3406, %lt3A_3407 : vector<4x32x128xi1>
      %or3A_3409 = arith.ori %gt3A_3405, %and3A_3408 : vector<4x32x128xi1>
      %eq3A_3410 = arith.xori %eq3A_3397, %eq3A_3404 : vector<4x32x128xi1>
      %eq3A_3411 = arith.constant dense<true> : vector<4x32x128xi1>
      %eq3A_3412 = arith.xori %eq3A_3410, %eq3A_3411 : vector<4x32x128xi1>
      %eq3A_3413 = arith.xori %or3A_3409, %eq3A_3412 : vector<4x32x128xi1>
      %eq3A_3414 = arith.constant dense<true> : vector<4x32x128xi1>
      %eq3A_3415 = arith.xori %eq3A_3413, %eq3A_3414 : vector<4x32x128xi1>
      %select_n3A_3416 = arith.select %eq3A_3415, %select_n3A_3379, %reshape3A_3385 : vector<4x32x128xi1>, vector<4x32x128xf32>
      %select_n3A_3417 = arith.select %eq3A_3415, %select_n3A_3380, %reshape3A_3390 : vector<4x32x128xi1>, vector<4x32x128xi32>
      %roll3A_3418 = arith.constant 64 : i32
      %roll3A_3419 = tpu.dynamic_rotate %select_n3A_3416 by %roll3A_3418 dim 2 : vector<4x32x128xf32>, i32 -> vector<4x32x128xf32>
      %roll3A_3420 = arith.constant 64 : i32
      %roll3A_3421 = tpu.dynamic_rotate %select_n3A_3416 by %roll3A_3420 dim 2 : vector<4x32x128xf32>, i32 -> vector<4x32x128xf32>
      %iota3A_3422 = tpu.iota {dimensions = array<i32: 2>} : vector<4x32x128xi32>
      %and3A_3423 = arith.constant 64 : i32
      %and3A_3424 = vector.broadcast %and3A_3423 : i32 to vector<4x32x128xi32>
      %and3A_3425 = arith.andi %iota3A_3422, %and3A_3424 : vector<4x32x128xi32>
      %eq3A_3426 = arith.constant 0 : i32
      %eq3A_3427 = vector.broadcast %eq3A_3426 : i32 to vector<4x32x128xi32>
      %eq3A_3428 = arith.cmpi eq, %and3A_3425, %eq3A_3427 : vector<4x32x128xi32>
      %select_n3A_3429 = arith.select %eq3A_3428, %roll3A_3419, %roll3A_3421 : vector<4x32x128xi1>, vector<4x32x128xf32>
      %roll3A_3430 = arith.constant 64 : i32
      %roll3A_3431 = tpu.dynamic_rotate %select_n3A_3417 by %roll3A_3430 dim 2 : vector<4x32x128xi32>, i32 -> vector<4x32x128xi32>
      %roll3A_3432 = arith.constant 64 : i32
      %roll3A_3433 = tpu.dynamic_rotate %select_n3A_3417 by %roll3A_3432 dim 2 : vector<4x32x128xi32>, i32 -> vector<4x32x128xi32>
      %iota3A_3434 = tpu.iota {dimensions = array<i32: 2>} : vector<4x32x128xi32>
      %and3A_3435 = arith.constant 64 : i32
      %and3A_3436 = vector.broadcast %and3A_3435 : i32 to vector<4x32x128xi32>
      %and3A_3437 = arith.andi %iota3A_3434, %and3A_3436 : vector<4x32x128xi32>
      %eq3A_3438 = arith.constant 0 : i32
      %eq3A_3439 = vector.broadcast %eq3A_3438 : i32 to vector<4x32x128xi32>
      %eq3A_3440 = arith.cmpi eq, %and3A_3437, %eq3A_3439 : vector<4x32x128xi32>
      %select_n3A_3441 = arith.select %eq3A_3440, %roll3A_3431, %roll3A_3433 : vector<4x32x128xi1>, vector<4x32x128xi32>
      %iota3A_3442 = tpu.iota {dimensions = array<i32: 2>} : vector<4x32x128xi32>
      %and3A_3443 = arith.constant 64 : i32
      %and3A_3444 = vector.broadcast %and3A_3443 : i32 to vector<4x32x128xi32>
      %and3A_3445 = arith.andi %iota3A_3442, %and3A_3444 : vector<4x32x128xi32>
      %eq3A_3446 = arith.constant 0 : i32
      %eq3A_3447 = vector.broadcast %eq3A_3446 : i32 to vector<4x32x128xi32>
      %eq3A_3448 = arith.cmpi eq, %and3A_3445, %eq3A_3447 : vector<4x32x128xi32>
      %iota3A_3449 = tpu.iota {dimensions = array<i32: 1>} : vector<4x32x128xi32>
      %and3A_3450 = arith.constant 32 : i32
      %and3A_3451 = vector.broadcast %and3A_3450 : i32 to vector<4x32x128xi32>
      %and3A_3452 = arith.andi %iota3A_3449, %and3A_3451 : vector<4x32x128xi32>
      %eq3A_3453 = arith.constant 0 : i32
      %eq3A_3454 = vector.broadcast %eq3A_3453 : i32 to vector<4x32x128xi32>
      %eq3A_3455 = arith.cmpi eq, %and3A_3452, %eq3A_3454 : vector<4x32x128xi32>
      %gt3A_3456 = arith.cmpf ogt, %select_n3A_3416, %select_n3A_3429 : vector<4x32x128xf32>
      %eq3A_3457 = arith.cmpf oeq, %select_n3A_3416, %select_n3A_3429 : vector<4x32x128xf32>
      %lt3A_3458 = arith.cmpi slt, %select_n3A_3417, %select_n3A_3441 : vector<4x32x128xi32>
      %and3A_3459 = arith.andi %eq3A_3457, %lt3A_3458 : vector<4x32x128xi1>
      %or3A_3460 = arith.ori %gt3A_3456, %and3A_3459 : vector<4x32x128xi1>
      %eq3A_3461 = arith.xori %eq3A_3448, %eq3A_3455 : vector<4x32x128xi1>
      %eq3A_3462 = arith.constant dense<true> : vector<4x32x128xi1>
      %eq3A_3463 = arith.xori %eq3A_3461, %eq3A_3462 : vector<4x32x128xi1>
      %eq3A_3464 = arith.xori %or3A_3460, %eq3A_3463 : vector<4x32x128xi1>
      %eq3A_3465 = arith.constant dense<true> : vector<4x32x128xi1>
      %eq3A_3466 = arith.xori %eq3A_3464, %eq3A_3465 : vector<4x32x128xi1>
      %select_n3A_3467 = arith.select %eq3A_3466, %select_n3A_3416, %select_n3A_3429 : vector<4x32x128xi1>, vector<4x32x128xf32>
      %select_n3A_3468 = arith.select %eq3A_3466, %select_n3A_3417, %select_n3A_3441 : vector<4x32x128xi1>, vector<4x32x128xi32>
      %roll3A_3469 = arith.constant 96 : i32
      %roll3A_3470 = tpu.dynamic_rotate %select_n3A_3467 by %roll3A_3469 dim 2 : vector<4x32x128xf32>, i32 -> vector<4x32x128xf32>
      %roll3A_3471 = arith.constant 32 : i32
      %roll3A_3472 = tpu.dynamic_rotate %select_n3A_3467 by %roll3A_3471 dim 2 : vector<4x32x128xf32>, i32 -> vector<4x32x128xf32>
      %iota3A_3473 = tpu.iota {dimensions = array<i32: 2>} : vector<4x32x128xi32>
      %and3A_3474 = arith.constant 32 : i32
      %and3A_3475 = vector.broadcast %and3A_3474 : i32 to vector<4x32x128xi32>
      %and3A_3476 = arith.andi %iota3A_3473, %and3A_3475 : vector<4x32x128xi32>
      %eq3A_3477 = arith.constant 0 : i32
      %eq3A_3478 = vector.broadcast %eq3A_3477 : i32 to vector<4x32x128xi32>
      %eq3A_3479 = arith.cmpi eq, %and3A_3476, %eq3A_3478 : vector<4x32x128xi32>
      %select_n3A_3480 = arith.select %eq3A_3479, %roll3A_3470, %roll3A_3472 : vector<4x32x128xi1>, vector<4x32x128xf32>
      %roll3A_3481 = arith.constant 96 : i32
      %roll3A_3482 = tpu.dynamic_rotate %select_n3A_3468 by %roll3A_3481 dim 2 : vector<4x32x128xi32>, i32 -> vector<4x32x128xi32>
      %roll3A_3483 = arith.constant 32 : i32
      %roll3A_3484 = tpu.dynamic_rotate %select_n3A_3468 by %roll3A_3483 dim 2 : vector<4x32x128xi32>, i32 -> vector<4x32x128xi32>
      %iota3A_3485 = tpu.iota {dimensions = array<i32: 2>} : vector<4x32x128xi32>
      %and3A_3486 = arith.constant 32 : i32
      %and3A_3487 = vector.broadcast %and3A_3486 : i32 to vector<4x32x128xi32>
      %and3A_3488 = arith.andi %iota3A_3485, %and3A_3487 : vector<4x32x128xi32>
      %eq3A_3489 = arith.constant 0 : i32
      %eq3A_3490 = vector.broadcast %eq3A_3489 : i32 to vector<4x32x128xi32>
      %eq3A_3491 = arith.cmpi eq, %and3A_3488, %eq3A_3490 : vector<4x32x128xi32>
      %select_n3A_3492 = arith.select %eq3A_3491, %roll3A_3482, %roll3A_3484 : vector<4x32x128xi1>, vector<4x32x128xi32>
      %iota3A_3493 = tpu.iota {dimensions = array<i32: 2>} : vector<4x32x128xi32>
      %and3A_3494 = arith.constant 32 : i32
      %and3A_3495 = vector.broadcast %and3A_3494 : i32 to vector<4x32x128xi32>
      %and3A_3496 = arith.andi %iota3A_3493, %and3A_3495 : vector<4x32x128xi32>
      %eq3A_3497 = arith.constant 0 : i32
      %eq3A_3498 = vector.broadcast %eq3A_3497 : i32 to vector<4x32x128xi32>
      %eq3A_3499 = arith.cmpi eq, %and3A_3496, %eq3A_3498 : vector<4x32x128xi32>
      %iota3A_3500 = tpu.iota {dimensions = array<i32: 1>} : vector<4x32x128xi32>
      %and3A_3501 = arith.constant 32 : i32
      %and3A_3502 = vector.broadcast %and3A_3501 : i32 to vector<4x32x128xi32>
      %and3A_3503 = arith.andi %iota3A_3500, %and3A_3502 : vector<4x32x128xi32>
      %eq3A_3504 = arith.constant 0 : i32
      %eq3A_3505 = vector.broadcast %eq3A_3504 : i32 to vector<4x32x128xi32>
      %eq3A_3506 = arith.cmpi eq, %and3A_3503, %eq3A_3505 : vector<4x32x128xi32>
      %gt3A_3507 = arith.cmpf ogt, %select_n3A_3467, %select_n3A_3480 : vector<4x32x128xf32>
      %eq3A_3508 = arith.cmpf oeq, %select_n3A_3467, %select_n3A_3480 : vector<4x32x128xf32>
      %lt3A_3509 = arith.cmpi slt, %select_n3A_3468, %select_n3A_3492 : vector<4x32x128xi32>
      %and3A_3510 = arith.andi %eq3A_3508, %lt3A_3509 : vector<4x32x128xi1>
      %or3A_3511 = arith.ori %gt3A_3507, %and3A_3510 : vector<4x32x128xi1>
      %eq3A_3512 = arith.xori %eq3A_3499, %eq3A_3506 : vector<4x32x128xi1>
      %eq3A_3513 = arith.constant dense<true> : vector<4x32x128xi1>
      %eq3A_3514 = arith.xori %eq3A_3512, %eq3A_3513 : vector<4x32x128xi1>
      %eq3A_3515 = arith.xori %or3A_3511, %eq3A_3514 : vector<4x32x128xi1>
      %eq3A_3516 = arith.constant dense<true> : vector<4x32x128xi1>
      %eq3A_3517 = arith.xori %eq3A_3515, %eq3A_3516 : vector<4x32x128xi1>
      %select_n3A_3518 = arith.select %eq3A_3517, %select_n3A_3467, %select_n3A_3480 : vector<4x32x128xi1>, vector<4x32x128xf32>
      %select_n3A_3519 = arith.select %eq3A_3517, %select_n3A_3468, %select_n3A_3492 : vector<4x32x128xi1>, vector<4x32x128xi32>
      %roll3A_3520 = arith.constant 112 : i32
      %roll3A_3521 = tpu.dynamic_rotate %select_n3A_3518 by %roll3A_3520 dim 2 : vector<4x32x128xf32>, i32 -> vector<4x32x128xf32>
      %roll3A_3522 = arith.constant 16 : i32
      %roll3A_3523 = tpu.dynamic_rotate %select_n3A_3518 by %roll3A_3522 dim 2 : vector<4x32x128xf32>, i32 -> vector<4x32x128xf32>
      %iota3A_3524 = tpu.iota {dimensions = array<i32: 2>} : vector<4x32x128xi32>
      %and3A_3525 = arith.constant 16 : i32
      %and3A_3526 = vector.broadcast %and3A_3525 : i32 to vector<4x32x128xi32>
      %and3A_3527 = arith.andi %iota3A_3524, %and3A_3526 : vector<4x32x128xi32>
      %eq3A_3528 = arith.constant 0 : i32
      %eq3A_3529 = vector.broadcast %eq3A_3528 : i32 to vector<4x32x128xi32>
      %eq3A_3530 = arith.cmpi eq, %and3A_3527, %eq3A_3529 : vector<4x32x128xi32>
      %select_n3A_3531 = arith.select %eq3A_3530, %roll3A_3521, %roll3A_3523 : vector<4x32x128xi1>, vector<4x32x128xf32>
      %roll3A_3532 = arith.constant 112 : i32
      %roll3A_3533 = tpu.dynamic_rotate %select_n3A_3519 by %roll3A_3532 dim 2 : vector<4x32x128xi32>, i32 -> vector<4x32x128xi32>
      %roll3A_3534 = arith.constant 16 : i32
      %roll3A_3535 = tpu.dynamic_rotate %select_n3A_3519 by %roll3A_3534 dim 2 : vector<4x32x128xi32>, i32 -> vector<4x32x128xi32>
      %iota3A_3536 = tpu.iota {dimensions = array<i32: 2>} : vector<4x32x128xi32>
      %and3A_3537 = arith.constant 16 : i32
      %and3A_3538 = vector.broadcast %and3A_3537 : i32 to vector<4x32x128xi32>
      %and3A_3539 = arith.andi %iota3A_3536, %and3A_3538 : vector<4x32x128xi32>
      %eq3A_3540 = arith.constant 0 : i32
      %eq3A_3541 = vector.broadcast %eq3A_3540 : i32 to vector<4x32x128xi32>
      %eq3A_3542 = arith.cmpi eq, %and3A_3539, %eq3A_3541 : vector<4x32x128xi32>
      %select_n3A_3543 = arith.select %eq3A_3542, %roll3A_3533, %roll3A_3535 : vector<4x32x128xi1>, vector<4x32x128xi32>
      %iota3A_3544 = tpu.iota {dimensions = array<i32: 2>} : vector<4x32x128xi32>
      %and3A_3545 = arith.constant 16 : i32
      %and3A_3546 = vector.broadcast %and3A_3545 : i32 to vector<4x32x128xi32>
      %and3A_3547 = arith.andi %iota3A_3544, %and3A_3546 : vector<4x32x128xi32>
      %eq3A_3548 = arith.constant 0 : i32
      %eq3A_3549 = vector.broadcast %eq3A_3548 : i32 to vector<4x32x128xi32>
      %eq3A_3550 = arith.cmpi eq, %and3A_3547, %eq3A_3549 : vector<4x32x128xi32>
      %iota3A_3551 = tpu.iota {dimensions = array<i32: 1>} : vector<4x32x128xi32>
      %and3A_3552 = arith.constant 32 : i32
      %and3A_3553 = vector.broadcast %and3A_3552 : i32 to vector<4x32x128xi32>
      %and3A_3554 = arith.andi %iota3A_3551, %and3A_3553 : vector<4x32x128xi32>
      %eq3A_3555 = arith.constant 0 : i32
      %eq3A_3556 = vector.broadcast %eq3A_3555 : i32 to vector<4x32x128xi32>
      %eq3A_3557 = arith.cmpi eq, %and3A_3554, %eq3A_3556 : vector<4x32x128xi32>
      %gt3A_3558 = arith.cmpf ogt, %select_n3A_3518, %select_n3A_3531 : vector<4x32x128xf32>
      %eq3A_3559 = arith.cmpf oeq, %select_n3A_3518, %select_n3A_3531 : vector<4x32x128xf32>
      %lt3A_3560 = arith.cmpi slt, %select_n3A_3519, %select_n3A_3543 : vector<4x32x128xi32>
      %and3A_3561 = arith.andi %eq3A_3559, %lt3A_3560 : vector<4x32x128xi1>
      %or3A_3562 = arith.ori %gt3A_3558, %and3A_3561 : vector<4x32x128xi1>
      %eq3A_3563 = arith.xori %eq3A_3550, %eq3A_3557 : vector<4x32x128xi1>
      %eq3A_3564 = arith.constant dense<true> : vector<4x32x128xi1>
      %eq3A_3565 = arith.xori %eq3A_3563, %eq3A_3564 : vector<4x32x128xi1>
      %eq3A_3566 = arith.xori %or3A_3562, %eq3A_3565 : vector<4x32x128xi1>
      %eq3A_3567 = arith.constant dense<true> : vector<4x32x128xi1>
      %eq3A_3568 = arith.xori %eq3A_3566, %eq3A_3567 : vector<4x32x128xi1>
      %select_n3A_3569 = arith.select %eq3A_3568, %select_n3A_3518, %select_n3A_3531 : vector<4x32x128xi1>, vector<4x32x128xf32>
      %select_n3A_3570 = arith.select %eq3A_3568, %select_n3A_3519, %select_n3A_3543 : vector<4x32x128xi1>, vector<4x32x128xi32>
      %roll3A_3571 = arith.constant 120 : i32
      %roll3A_3572 = tpu.dynamic_rotate %select_n3A_3569 by %roll3A_3571 dim 2 : vector<4x32x128xf32>, i32 -> vector<4x32x128xf32>
      %roll3A_3573 = arith.constant 8 : i32
      %roll3A_3574 = tpu.dynamic_rotate %select_n3A_3569 by %roll3A_3573 dim 2 : vector<4x32x128xf32>, i32 -> vector<4x32x128xf32>
      %iota3A_3575 = tpu.iota {dimensions = array<i32: 2>} : vector<4x32x128xi32>
      %and3A_3576 = arith.constant 8 : i32
      %and3A_3577 = vector.broadcast %and3A_3576 : i32 to vector<4x32x128xi32>
      %and3A_3578 = arith.andi %iota3A_3575, %and3A_3577 : vector<4x32x128xi32>
      %eq3A_3579 = arith.constant 0 : i32
      %eq3A_3580 = vector.broadcast %eq3A_3579 : i32 to vector<4x32x128xi32>
      %eq3A_3581 = arith.cmpi eq, %and3A_3578, %eq3A_3580 : vector<4x32x128xi32>
      %select_n3A_3582 = arith.select %eq3A_3581, %roll3A_3572, %roll3A_3574 : vector<4x32x128xi1>, vector<4x32x128xf32>
      %roll3A_3583 = arith.constant 120 : i32
      %roll3A_3584 = tpu.dynamic_rotate %select_n3A_3570 by %roll3A_3583 dim 2 : vector<4x32x128xi32>, i32 -> vector<4x32x128xi32>
      %roll3A_3585 = arith.constant 8 : i32
      %roll3A_3586 = tpu.dynamic_rotate %select_n3A_3570 by %roll3A_3585 dim 2 : vector<4x32x128xi32>, i32 -> vector<4x32x128xi32>
      %iota3A_3587 = tpu.iota {dimensions = array<i32: 2>} : vector<4x32x128xi32>
      %and3A_3588 = arith.constant 8 : i32
      %and3A_3589 = vector.broadcast %and3A_3588 : i32 to vector<4x32x128xi32>
      %and3A_3590 = arith.andi %iota3A_3587, %and3A_3589 : vector<4x32x128xi32>
      %eq3A_3591 = arith.constant 0 : i32
      %eq3A_3592 = vector.broadcast %eq3A_3591 : i32 to vector<4x32x128xi32>
      %eq3A_3593 = arith.cmpi eq, %and3A_3590, %eq3A_3592 : vector<4x32x128xi32>
      %select_n3A_3594 = arith.select %eq3A_3593, %roll3A_3584, %roll3A_3586 : vector<4x32x128xi1>, vector<4x32x128xi32>
      %iota3A_3595 = tpu.iota {dimensions = array<i32: 2>} : vector<4x32x128xi32>
      %and3A_3596 = arith.constant 8 : i32
      %and3A_3597 = vector.broadcast %and3A_3596 : i32 to vector<4x32x128xi32>
      %and3A_3598 = arith.andi %iota3A_3595, %and3A_3597 : vector<4x32x128xi32>
      %eq3A_3599 = arith.constant 0 : i32
      %eq3A_3600 = vector.broadcast %eq3A_3599 : i32 to vector<4x32x128xi32>
      %eq3A_3601 = arith.cmpi eq, %and3A_3598, %eq3A_3600 : vector<4x32x128xi32>
      %iota3A_3602 = tpu.iota {dimensions = array<i32: 1>} : vector<4x32x128xi32>
      %and3A_3603 = arith.constant 32 : i32
      %and3A_3604 = vector.broadcast %and3A_3603 : i32 to vector<4x32x128xi32>
      %and3A_3605 = arith.andi %iota3A_3602, %and3A_3604 : vector<4x32x128xi32>
      %eq3A_3606 = arith.constant 0 : i32
      %eq3A_3607 = vector.broadcast %eq3A_3606 : i32 to vector<4x32x128xi32>
      %eq3A_3608 = arith.cmpi eq, %and3A_3605, %eq3A_3607 : vector<4x32x128xi32>
      %gt3A_3609 = arith.cmpf ogt, %select_n3A_3569, %select_n3A_3582 : vector<4x32x128xf32>
      %eq3A_3610 = arith.cmpf oeq, %select_n3A_3569, %select_n3A_3582 : vector<4x32x128xf32>
      %lt3A_3611 = arith.cmpi slt, %select_n3A_3570, %select_n3A_3594 : vector<4x32x128xi32>
      %and3A_3612 = arith.andi %eq3A_3610, %lt3A_3611 : vector<4x32x128xi1>
      %or3A_3613 = arith.ori %gt3A_3609, %and3A_3612 : vector<4x32x128xi1>
      %eq3A_3614 = arith.xori %eq3A_3601, %eq3A_3608 : vector<4x32x128xi1>
      %eq3A_3615 = arith.constant dense<true> : vector<4x32x128xi1>
      %eq3A_3616 = arith.xori %eq3A_3614, %eq3A_3615 : vector<4x32x128xi1>
      %eq3A_3617 = arith.xori %or3A_3613, %eq3A_3616 : vector<4x32x128xi1>
      %eq3A_3618 = arith.constant dense<true> : vector<4x32x128xi1>
      %eq3A_3619 = arith.xori %eq3A_3617, %eq3A_3618 : vector<4x32x128xi1>
      %select_n3A_3620 = arith.select %eq3A_3619, %select_n3A_3569, %select_n3A_3582 : vector<4x32x128xi1>, vector<4x32x128xf32>
      %select_n3A_3621 = arith.select %eq3A_3619, %select_n3A_3570, %select_n3A_3594 : vector<4x32x128xi1>, vector<4x32x128xi32>
      %roll3A_3622 = arith.constant 124 : i32
      %roll3A_3623 = tpu.dynamic_rotate %select_n3A_3620 by %roll3A_3622 dim 2 : vector<4x32x128xf32>, i32 -> vector<4x32x128xf32>
      %roll3A_3624 = arith.constant 4 : i32
      %roll3A_3625 = tpu.dynamic_rotate %select_n3A_3620 by %roll3A_3624 dim 2 : vector<4x32x128xf32>, i32 -> vector<4x32x128xf32>
      %iota3A_3626 = tpu.iota {dimensions = array<i32: 2>} : vector<4x32x128xi32>
      %and3A_3627 = arith.constant 4 : i32
      %and3A_3628 = vector.broadcast %and3A_3627 : i32 to vector<4x32x128xi32>
      %and3A_3629 = arith.andi %iota3A_3626, %and3A_3628 : vector<4x32x128xi32>
      %eq3A_3630 = arith.constant 0 : i32
      %eq3A_3631 = vector.broadcast %eq3A_3630 : i32 to vector<4x32x128xi32>
      %eq3A_3632 = arith.cmpi eq, %and3A_3629, %eq3A_3631 : vector<4x32x128xi32>
      %select_n3A_3633 = arith.select %eq3A_3632, %roll3A_3623, %roll3A_3625 : vector<4x32x128xi1>, vector<4x32x128xf32>
      %roll3A_3634 = arith.constant 124 : i32
      %roll3A_3635 = tpu.dynamic_rotate %select_n3A_3621 by %roll3A_3634 dim 2 : vector<4x32x128xi32>, i32 -> vector<4x32x128xi32>
      %roll3A_3636 = arith.constant 4 : i32
      %roll3A_3637 = tpu.dynamic_rotate %select_n3A_3621 by %roll3A_3636 dim 2 : vector<4x32x128xi32>, i32 -> vector<4x32x128xi32>
      %iota3A_3638 = tpu.iota {dimensions = array<i32: 2>} : vector<4x32x128xi32>
      %and3A_3639 = arith.constant 4 : i32
      %and3A_3640 = vector.broadcast %and3A_3639 : i32 to vector<4x32x128xi32>
      %and3A_3641 = arith.andi %iota3A_3638, %and3A_3640 : vector<4x32x128xi32>
      %eq3A_3642 = arith.constant 0 : i32
      %eq3A_3643 = vector.broadcast %eq3A_3642 : i32 to vector<4x32x128xi32>
      %eq3A_3644 = arith.cmpi eq, %and3A_3641, %eq3A_3643 : vector<4x32x128xi32>
      %select_n3A_3645 = arith.select %eq3A_3644, %roll3A_3635, %roll3A_3637 : vector<4x32x128xi1>, vector<4x32x128xi32>
      %iota3A_3646 = tpu.iota {dimensions = array<i32: 2>} : vector<4x32x128xi32>
      %and3A_3647 = arith.constant 4 : i32
      %and3A_3648 = vector.broadcast %and3A_3647 : i32 to vector<4x32x128xi32>
      %and3A_3649 = arith.andi %iota3A_3646, %and3A_3648 : vector<4x32x128xi32>
      %eq3A_3650 = arith.constant 0 : i32
      %eq3A_3651 = vector.broadcast %eq3A_3650 : i32 to vector<4x32x128xi32>
      %eq3A_3652 = arith.cmpi eq, %and3A_3649, %eq3A_3651 : vector<4x32x128xi32>
      %iota3A_3653 = tpu.iota {dimensions = array<i32: 1>} : vector<4x32x128xi32>
      %and3A_3654 = arith.constant 32 : i32
      %and3A_3655 = vector.broadcast %and3A_3654 : i32 to vector<4x32x128xi32>
      %and3A_3656 = arith.andi %iota3A_3653, %and3A_3655 : vector<4x32x128xi32>
      %eq3A_3657 = arith.constant 0 : i32
      %eq3A_3658 = vector.broadcast %eq3A_3657 : i32 to vector<4x32x128xi32>
      %eq3A_3659 = arith.cmpi eq, %and3A_3656, %eq3A_3658 : vector<4x32x128xi32>
      %gt3A_3660 = arith.cmpf ogt, %select_n3A_3620, %select_n3A_3633 : vector<4x32x128xf32>
      %eq3A_3661 = arith.cmpf oeq, %select_n3A_3620, %select_n3A_3633 : vector<4x32x128xf32>
      %lt3A_3662 = arith.cmpi slt, %select_n3A_3621, %select_n3A_3645 : vector<4x32x128xi32>
      %and3A_3663 = arith.andi %eq3A_3661, %lt3A_3662 : vector<4x32x128xi1>
      %or3A_3664 = arith.ori %gt3A_3660, %and3A_3663 : vector<4x32x128xi1>
      %eq3A_3665 = arith.xori %eq3A_3652, %eq3A_3659 : vector<4x32x128xi1>
      %eq3A_3666 = arith.constant dense<true> : vector<4x32x128xi1>
      %eq3A_3667 = arith.xori %eq3A_3665, %eq3A_3666 : vector<4x32x128xi1>
      %eq3A_3668 = arith.xori %or3A_3664, %eq3A_3667 : vector<4x32x128xi1>
      %eq3A_3669 = arith.constant dense<true> : vector<4x32x128xi1>
      %eq3A_3670 = arith.xori %eq3A_3668, %eq3A_3669 : vector<4x32x128xi1>
      %select_n3A_3671 = arith.select %eq3A_3670, %select_n3A_3620, %select_n3A_3633 : vector<4x32x128xi1>, vector<4x32x128xf32>
      %select_n3A_3672 = arith.select %eq3A_3670, %select_n3A_3621, %select_n3A_3645 : vector<4x32x128xi1>, vector<4x32x128xi32>
      %roll3A_3673 = arith.constant 126 : i32
      %roll3A_3674 = tpu.dynamic_rotate %select_n3A_3671 by %roll3A_3673 dim 2 : vector<4x32x128xf32>, i32 -> vector<4x32x128xf32>
      %roll3A_3675 = arith.constant 2 : i32
      %roll3A_3676 = tpu.dynamic_rotate %select_n3A_3671 by %roll3A_3675 dim 2 : vector<4x32x128xf32>, i32 -> vector<4x32x128xf32>
      %iota3A_3677 = tpu.iota {dimensions = array<i32: 2>} : vector<4x32x128xi32>
      %and3A_3678 = arith.constant 2 : i32
      %and3A_3679 = vector.broadcast %and3A_3678 : i32 to vector<4x32x128xi32>
      %and3A_3680 = arith.andi %iota3A_3677, %and3A_3679 : vector<4x32x128xi32>
      %eq3A_3681 = arith.constant 0 : i32
      %eq3A_3682 = vector.broadcast %eq3A_3681 : i32 to vector<4x32x128xi32>
      %eq3A_3683 = arith.cmpi eq, %and3A_3680, %eq3A_3682 : vector<4x32x128xi32>
      %select_n3A_3684 = arith.select %eq3A_3683, %roll3A_3674, %roll3A_3676 : vector<4x32x128xi1>, vector<4x32x128xf32>
      %roll3A_3685 = arith.constant 126 : i32
      %roll3A_3686 = tpu.dynamic_rotate %select_n3A_3672 by %roll3A_3685 dim 2 : vector<4x32x128xi32>, i32 -> vector<4x32x128xi32>
      %roll3A_3687 = arith.constant 2 : i32
      %roll3A_3688 = tpu.dynamic_rotate %select_n3A_3672 by %roll3A_3687 dim 2 : vector<4x32x128xi32>, i32 -> vector<4x32x128xi32>
      %iota3A_3689 = tpu.iota {dimensions = array<i32: 2>} : vector<4x32x128xi32>
      %and3A_3690 = arith.constant 2 : i32
      %and3A_3691 = vector.broadcast %and3A_3690 : i32 to vector<4x32x128xi32>
      %and3A_3692 = arith.andi %iota3A_3689, %and3A_3691 : vector<4x32x128xi32>
      %eq3A_3693 = arith.constant 0 : i32
      %eq3A_3694 = vector.broadcast %eq3A_3693 : i32 to vector<4x32x128xi32>
      %eq3A_3695 = arith.cmpi eq, %and3A_3692, %eq3A_3694 : vector<4x32x128xi32>
      %select_n3A_3696 = arith.select %eq3A_3695, %roll3A_3686, %roll3A_3688 : vector<4x32x128xi1>, vector<4x32x128xi32>
      %iota3A_3697 = tpu.iota {dimensions = array<i32: 2>} : vector<4x32x128xi32>
      %and3A_3698 = arith.constant 2 : i32
      %and3A_3699 = vector.broadcast %and3A_3698 : i32 to vector<4x32x128xi32>
      %and3A_3700 = arith.andi %iota3A_3697, %and3A_3699 : vector<4x32x128xi32>
      %eq3A_3701 = arith.constant 0 : i32
      %eq3A_3702 = vector.broadcast %eq3A_3701 : i32 to vector<4x32x128xi32>
      %eq3A_3703 = arith.cmpi eq, %and3A_3700, %eq3A_3702 : vector<4x32x128xi32>
      %iota3A_3704 = tpu.iota {dimensions = array<i32: 1>} : vector<4x32x128xi32>
      %and3A_3705 = arith.constant 32 : i32
      %and3A_3706 = vector.broadcast %and3A_3705 : i32 to vector<4x32x128xi32>
      %and3A_3707 = arith.andi %iota3A_3704, %and3A_3706 : vector<4x32x128xi32>
      %eq3A_3708 = arith.constant 0 : i32
      %eq3A_3709 = vector.broadcast %eq3A_3708 : i32 to vector<4x32x128xi32>
      %eq3A_3710 = arith.cmpi eq, %and3A_3707, %eq3A_3709 : vector<4x32x128xi32>
      %gt3A_3711 = arith.cmpf ogt, %select_n3A_3671, %select_n3A_3684 : vector<4x32x128xf32>
      %eq3A_3712 = arith.cmpf oeq, %select_n3A_3671, %select_n3A_3684 : vector<4x32x128xf32>
      %lt3A_3713 = arith.cmpi slt, %select_n3A_3672, %select_n3A_3696 : vector<4x32x128xi32>
      %and3A_3714 = arith.andi %eq3A_3712, %lt3A_3713 : vector<4x32x128xi1>
      %or3A_3715 = arith.ori %gt3A_3711, %and3A_3714 : vector<4x32x128xi1>
      %eq3A_3716 = arith.xori %eq3A_3703, %eq3A_3710 : vector<4x32x128xi1>
      %eq3A_3717 = arith.constant dense<true> : vector<4x32x128xi1>
      %eq3A_3718 = arith.xori %eq3A_3716, %eq3A_3717 : vector<4x32x128xi1>
      %eq3A_3719 = arith.xori %or3A_3715, %eq3A_3718 : vector<4x32x128xi1>
      %eq3A_3720 = arith.constant dense<true> : vector<4x32x128xi1>
      %eq3A_3721 = arith.xori %eq3A_3719, %eq3A_3720 : vector<4x32x128xi1>
      %select_n3A_3722 = arith.select %eq3A_3721, %select_n3A_3671, %select_n3A_3684 : vector<4x32x128xi1>, vector<4x32x128xf32>
      %select_n3A_3723 = arith.select %eq3A_3721, %select_n3A_3672, %select_n3A_3696 : vector<4x32x128xi1>, vector<4x32x128xi32>
      %roll3A_3724 = arith.constant 127 : i32
      %roll3A_3725 = tpu.dynamic_rotate %select_n3A_3722 by %roll3A_3724 dim 2 : vector<4x32x128xf32>, i32 -> vector<4x32x128xf32>
      %roll3A_3726 = arith.constant 1 : i32
      %roll3A_3727 = tpu.dynamic_rotate %select_n3A_3722 by %roll3A_3726 dim 2 : vector<4x32x128xf32>, i32 -> vector<4x32x128xf32>
      %iota3A_3728 = tpu.iota {dimensions = array<i32: 2>} : vector<4x32x128xi32>
      %and3A_3729 = arith.constant 1 : i32
      %and3A_3730 = vector.broadcast %and3A_3729 : i32 to vector<4x32x128xi32>
      %and3A_3731 = arith.andi %iota3A_3728, %and3A_3730 : vector<4x32x128xi32>
      %eq3A_3732 = arith.constant 0 : i32
      %eq3A_3733 = vector.broadcast %eq3A_3732 : i32 to vector<4x32x128xi32>
      %eq3A_3734 = arith.cmpi eq, %and3A_3731, %eq3A_3733 : vector<4x32x128xi32>
      %select_n3A_3735 = arith.select %eq3A_3734, %roll3A_3725, %roll3A_3727 : vector<4x32x128xi1>, vector<4x32x128xf32>
      %roll3A_3736 = arith.constant 127 : i32
      %roll3A_3737 = tpu.dynamic_rotate %select_n3A_3723 by %roll3A_3736 dim 2 : vector<4x32x128xi32>, i32 -> vector<4x32x128xi32>
      %roll3A_3738 = arith.constant 1 : i32
      %roll3A_3739 = tpu.dynamic_rotate %select_n3A_3723 by %roll3A_3738 dim 2 : vector<4x32x128xi32>, i32 -> vector<4x32x128xi32>
      %iota3A_3740 = tpu.iota {dimensions = array<i32: 2>} : vector<4x32x128xi32>
      %and3A_3741 = arith.constant 1 : i32
      %and3A_3742 = vector.broadcast %and3A_3741 : i32 to vector<4x32x128xi32>
      %and3A_3743 = arith.andi %iota3A_3740, %and3A_3742 : vector<4x32x128xi32>
      %eq3A_3744 = arith.constant 0 : i32
      %eq3A_3745 = vector.broadcast %eq3A_3744 : i32 to vector<4x32x128xi32>
      %eq3A_3746 = arith.cmpi eq, %and3A_3743, %eq3A_3745 : vector<4x32x128xi32>
      %select_n3A_3747 = arith.select %eq3A_3746, %roll3A_3737, %roll3A_3739 : vector<4x32x128xi1>, vector<4x32x128xi32>
      %iota3A_3748 = tpu.iota {dimensions = array<i32: 2>} : vector<4x32x128xi32>
      %and3A_3749 = arith.constant 1 : i32
      %and3A_3750 = vector.broadcast %and3A_3749 : i32 to vector<4x32x128xi32>
      %and3A_3751 = arith.andi %iota3A_3748, %and3A_3750 : vector<4x32x128xi32>
      %eq3A_3752 = arith.constant 0 : i32
      %eq3A_3753 = vector.broadcast %eq3A_3752 : i32 to vector<4x32x128xi32>
      %eq3A_3754 = arith.cmpi eq, %and3A_3751, %eq3A_3753 : vector<4x32x128xi32>
      %iota3A_3755 = tpu.iota {dimensions = array<i32: 1>} : vector<4x32x128xi32>
      %and3A_3756 = arith.constant 32 : i32
      %and3A_3757 = vector.broadcast %and3A_3756 : i32 to vector<4x32x128xi32>
      %and3A_3758 = arith.andi %iota3A_3755, %and3A_3757 : vector<4x32x128xi32>
      %eq3A_3759 = arith.constant 0 : i32
      %eq3A_3760 = vector.broadcast %eq3A_3759 : i32 to vector<4x32x128xi32>
      %eq3A_3761 = arith.cmpi eq, %and3A_3758, %eq3A_3760 : vector<4x32x128xi32>
      %gt3A_3762 = arith.cmpf ogt, %select_n3A_3722, %select_n3A_3735 : vector<4x32x128xf32>
      %eq3A_3763 = arith.cmpf oeq, %select_n3A_3722, %select_n3A_3735 : vector<4x32x128xf32>
      %lt3A_3764 = arith.cmpi slt, %select_n3A_3723, %select_n3A_3747 : vector<4x32x128xi32>
      %and3A_3765 = arith.andi %eq3A_3763, %lt3A_3764 : vector<4x32x128xi1>
      %or3A_3766 = arith.ori %gt3A_3762, %and3A_3765 : vector<4x32x128xi1>
      %eq3A_3767 = arith.xori %eq3A_3754, %eq3A_3761 : vector<4x32x128xi1>
      %eq3A_3768 = arith.constant dense<true> : vector<4x32x128xi1>
      %eq3A_3769 = arith.xori %eq3A_3767, %eq3A_3768 : vector<4x32x128xi1>
      %eq3A_3770 = arith.xori %or3A_3766, %eq3A_3769 : vector<4x32x128xi1>
      %eq3A_3771 = arith.constant dense<true> : vector<4x32x128xi1>
      %eq3A_3772 = arith.xori %eq3A_3770, %eq3A_3771 : vector<4x32x128xi1>
      %select_n3A_3773 = arith.select %eq3A_3772, %select_n3A_3723, %select_n3A_3747 : vector<4x32x128xi1>, vector<4x32x128xi32>
      %swap3A = arith.constant 0 : index
      %swap3A_3774 = arith.constant 0 : index
      %swap3A_3775 = arith.constant 0 : index
      %swap3A_3776 = vector.load %arg3[%swap3A, %swap3A_3774, %swap3A_3775] : memref<4x32x128xi32, #tpu.memory_space<vmem>>, vector<4x32x128xi32>
      tpu.vector_store %arg3[%swap3A, %swap3A_3774, %swap3A_3775], %select_n3A_3773 {strides = array<i32>} : memref<4x32x128xi32, #tpu.memory_space<vmem>>, vector<4x32x128xi32>,
    } else {
    }
    return
  }
  func.func @transform_0(%arg0: i32, %arg1: i32) -> (i32, i32, i32) {
    %lt3A = arith.constant 2 : i32
    %lt3A_0 = arith.cmpi slt, %arg1, %lt3A : i32
    %jit3A = arith.constant 1 : i32
    %select_n3A = arith.select %lt3A_0, %arg1, %jit3A : i32
    %c0_i32 = arith.constant 0 : i32
    %c0_i32_1 = arith.constant 0 : i32
    return %arg0, %select_n3A, %c0_i32 : i32, i32, i32
  }
  func.func @transform_1(%arg0: i32, %arg1: i32) -> (i32, i32, i32) {
    %c0_i32 = arith.constant 0 : i32
    %c0_i32_0 = arith.constant 0 : i32
    %c0_i32_1 = arith.constant 0 : i32
    %c0_i32_2 = arith.constant 0 : i32
    return %c0_i32, %c0_i32_0, %c0_i32_1 : i32, i32, i32
  }
}

</mosaic_0001>

<sc_bundles>
// kernel: kernel.5.cloned.1.call-start
scs
__scs_entry_jumppad:
0x0: {  	(pc) =	sbr.rel $0x88, $3  }
0x1: {  	(tag) =	ssettag $0x0;
	lr =	simm.s32 $0x1  }
0x2: {  	[smem:$0x3F9F] =	sst lr;
	_ =	strace $0xD0000000  }
0x3: {  	_ = 	snop  }
0x4: {  	_ = 	snop  }
0x5: {  	_ = 	snop  }
0x6: {  	_ = 	snop  }
0x7: {  	_ = 	snop  }
__scs_overlays_trampoline_lowered:
0x8: {  	[smem:$0x3FAE] =	sst s0  }
0x9: {  	[smem:$0x3FAF] =	sst s1  }
0xa: {  	[smem:$0x3FB0] =	sst s2  }
0xb: {  	[smem:$0x3FB1] =	sst s3  }
0xc: {  	[smem:$0x3FB2] =	sst s4  }
0xd: {  	[smem:$0x3FB3] =	sst s5  }
0xe: {  	[smem:$0x3FB4] =	sst s6  }
0xf: {  	[smem:$0x3FB5] =	sst s7  }
0x10: {  	[smem:$0x3FB6] =	sst s8  }
0x11: {  	[smem:$0x3FB7] =	sst s9;
	s0 =	simm.s32 @!p0 $0x0  }
0x12: {  	s1 =	sld [smem:$0x3F9D];
	s0 =	simm.s32 @p0 $0x1  }
0x13: {  	[smem:$0x3FB8] =	sst s0;
	s0 =	simm.s32 @!p1 $0x0  }
0x14: {  	s2 =	sld [smem:$0x3F9C];
	s0 =	simm.s32 @p1 $0x1  }
0x15: {  	[smem:$0x3FB9] =	sst s0;
	s0 =	simm.s32 @!p2 $0x0  }
0x16: {  	s3 =	sld [smem:$0x3FDB];
	s0 =	simm.s32 @p2 $0x1  }
0x17: {  	s4 =	simm.s32 $0x1BF5;
	[smem:$0x3FBB] =	sst s0  }
0x18: {  	s0 =	sld [smem:$0x3F9E];
	_ =	swait.ge [sflag:s4], $0x0  }
0x19: {  	s7 =	sld [smem:$0x3F9F]  }
0x1a: {  	s8 =	sadd.s32 $0xFFFFE003, lr  }
0x1b: {  	s9 =	sadd.s32 $0xFFFFFEF7, lr;
	s5 =	simm.s32 $0xFFFFFFFF;
	p2 =	slt.u32 s8, $0xFFFFF086  }
0x1c: {  	p1 =	slt.u32 s9, $0xF7A;
	s5 =	simm.s32 @!p2 $0x0  }
0x1d: {  	s5 =	simm.s32 @p1 $0x1;
	p0 =	seq.s32 s7, s2  }
0x1e: {  	s7 =	smul.u32 @!p0 $0xF7A, s2;
	p2 =	seq.s32 @!p0 s5, $0x0  }
0x1f: {  	s9 =	smul.u32 $0xF7A, s1;
	s8 =	simm.s32 @!p0 $0x1BF5;
	p2 =	por !p2, p0  }
0x20: {  	[sflag:s8] =	ssyncset.s32 @!p0 $0xFFFFF086;
	s6 =	sadd.s32 @!p0 s3, s7;
	s7 =	simm.s32 @!p0 $0x108  }
0x21: {  	s3 =	sadd.s32 s3, s9;
	s6 =	sadd.s32 @!p0 $0x88, s6;
	s7 =	simm.s32 @p2 $0x1082  }
0x22: {  	[simem:s7], [sflag:s8] =	dma.local @!p0 [hbm:s6], $0xF7A  }
0x23: {  	s9 =	sor.u32 $0xD0000000, s2;
	s6 =	simm.s32 $0x108;
	_ =	swait.ge @!p0 [sflag:s8], $0x0  }
0x24: {  	s3 =	sadd.s32 $0x88, s3;
	s6 =	simm.s32 @!p1 $0x1082;
	[sflag:s4] =	ssyncset.s32 $0xFFFFF086  }
0x25: {  	[simem:s6], [sflag:s4] =	dma.local [hbm:s3], $0xF7A  }
0x26: {  	[smem:$0x3F9F] =	sst s1;
	(tag) =	ssettag s2;
	_ =	strace s9  }
0x27: {  	s1 =	sld [smem:$0x3FAF]  }
0x28: {  	s2 =	sld [smem:$0x3FB0]  }
0x29: {  	s4 =	sld [smem:$0x3FB2]  }
0x2a: {  	p0 =	seq.s32 s5, $0x0;
	s5 =	sld [smem:$0x3FB3]  }
0x2b: {  	s6 =	sld [smem:$0x3FB4]  }
0x2c: {  	s7 =	sld [smem:$0x3FB5]  }
0x2d: {  	s3 =	simm.s32 $0x108;
	s8 =	sld [smem:$0x3FB6]  }
0x2e: {  	s3 =	simm.s32 @!p0 $0x1082;
	s9 =	sld [smem:$0x3FB7]  }
0x2f: {  	lr =	sadd.s32 s0, s3;
	s0 =	sld [smem:$0x3FAE]  }
0x30: {  	s3 =	sld [smem:$0x3FB1]  }
0x31: {  	[smem:$0x3FBA] =	sst s10  }
0x32: {  	s10 =	sld [smem:$0x3FB8];
	_ =	sdelay $0x3  }
0x33: {  	p0 =	seq.s32 s10, $0x1;
	s10 =	sld [smem:$0x3FBA];
	_ =	sdelay $0x3  }
0x34: {  	[smem:$0x3FBA] =	sst s10  }
0x35: {  	s10 =	sld [smem:$0x3FB9];
	_ =	sdelay $0x3  }
0x36: {  	p1 =	seq.s32 s10, $0x1;
	s10 =	sld [smem:$0x3FBA];
	_ =	sdelay $0x3  }
0x37: {  	[smem:$0x3FBA] =	sst s10  }
0x38: {  	s10 =	sld [smem:$0x3FBB]  }
0x39: {  	_ = 	snop;
	(pc) =	sbr.ind lr, $3  }
0x3a: {  	_ = 	snop  }
0x3b: {  	_ = 	snop  }
0x3c: {  	p2 =	seq.s32 s10, $0x1;
	s10 =	sld [smem:$0x3FBA]  }
0x3d: {  	_ =	shalt  }
0x3e: {  	_ =	shalt  }
0x3f: {  	_ =	shalt  }
0x40: {  	_ =	shalt  }
0x41: {  	_ =	shalt  }
0x42: {  	_ =	shalt  }
0x43: {  	_ =	shalt  }
0x44: {  	_ =	shalt  }
0x45: {  	_ =	shalt  }
0x46: {  	_ =	shalt  }
0x47: {  	_ =	shalt  }
0x48: {  	_ =	shalt  }
0x49: {  	_ =	shalt  }
0x4a: {  	_ =	shalt  }
0x4b: {  	_ =	shalt  }
0x4c: {  	_ =	shalt  }
0x4d: {  	_ =	shalt  }
0x4e: {  	_ =	shalt  }
0x4f: {  	_ =	shalt  }
0x50: {  	_ =	shalt  }
0x51: {  	_ =	shalt  }
0x52: {  	_ =	shalt  }
0x53: {  	_ =	shalt  }
0x54: {  	_ =	shalt  }
0x55: {  	_ =	shalt  }
0x56: {  	_ =	shalt  }
0x57: {  	_ =	shalt  }
0x58: {  	_ =	shalt  }
0x59: {  	_ =	shalt  }
0x5a: {  	_ =	shalt  }
0x5b: {  	_ =	shalt  }
0x5c: {  	_ =	shalt  }
0x5d: {  	_ =	shalt  }
0x5e: {  	_ =	shalt  }
0x5f: {  	_ =	shalt  }
0x60: {  	_ =	shalt  }
0x61: {  	_ =	shalt  }
0x62: {  	_ =	shalt  }
0x63: {  	_ =	shalt  }
0x64: {  	_ =	shalt  }
0x65: {  	_ =	shalt  }
0x66: {  	_ =	shalt  }
0x67: {  	_ =	shalt  }
0x68: {  	_ =	shalt  }
0x69: {  	_ =	shalt  }
0x6a: {  	_ =	shalt  }
0x6b: {  	_ =	shalt  }
0x6c: {  	_ =	shalt  }
0x6d: {  	_ =	shalt  }
0x6e: {  	_ =	shalt  }
0x6f: {  	_ =	shalt  }
0x70: {  	_ =	shalt  }
0x71: {  	_ =	shalt  }
0x72: {  	_ =	shalt  }
0x73: {  	_ =	shalt  }
0x74: {  	_ =	shalt  }
0x75: {  	_ =	shalt  }
0x76: {  	_ =	shalt  }
0x77: {  	_ =	shalt  }
0x78: {  	_ =	shalt  }
0x79: {  	_ =	shalt  }
0x7a: {  	_ =	shalt  }
0x7b: {  	_ =	shalt  }
0x7c: {  	_ =	shalt  }
0x7d: {  	_ =	shalt  }
0x7e: {  	_ =	shalt  }
0x7f: {  	_ =	shalt  }
0x80: {  	_ =	shalt  }
0x81: {  	_ =	shalt  }
0x82: {  	_ =	shalt  }
0x83: {  	_ =	shalt  }
0x84: {  	_ =	shalt  }
0x85: {  	_ =	shalt  }
0x86: {  	_ =	shalt  }
0x87: {  	_ =	shalt  }
.Lfunc_end0:
.L_simem_size_0:
called_computation_lowered:
.L_overlay_start_0:
0x88: {  	s2 =	sld [smem:$0x3FD9]  }
0x89: {  	s3 =	sld [smem:$0x3FFE];
	_ =	sdelay $0x1  }
0x8a: {  	s1 =	srdreg.scid  }
0x8b: {  	s0 =	sand.u32 $0x1, s1  }
0x8c: {  	s14 =	sshll.u32 s0, $0xA;
	s2 =	sadd.s32 s3, s2  }
0x8d: {  	s2 =	sadd.s32 s2, s14  }
0x8e: {  	[smem:$0x3FC6] =	sst s2  }
0x8f: {  	_ = 	snop  }
0x90: {  	s2 =	sld [smem:$0x3FD0];
	_ =	sdelay $0x2  }
0x91: {  	s15 =	simm.s32 $0xA;
	s4 =	simm.s32 $0x10  }
0x92: {  	[smem:s4], [sflag:s15] =	dma.local [hbm:s2], $0x1  }
0x93: {  	_ =	swait.eq [sflag:s15], $0x1  }
0x94: {  	[sflag:s15] =	ssyncset.done $0x0  }
0x95: {  	[sflag:s15] =	ssyncadd.s32 $0xFFFFFFFF  }
0x96: {  	s16 =	sld [smem:$0x10];
	(tm) =	ssettm $0x1  }
0x97: {  	s17 =	sld [smem:$0x3FFB];
	_ =	sdelay $0x3  }
0x98: {  	_ =	strace s17  }
0x99: {  	s3 =	sld [smem:$0x3FFC];
	_ =	sdelay $0x3  }
0x9a: {  	_ =	strace s3  }
0x9b: {  	s3 =	sld [smem:$0x3FFD];
	_ =	sdelay $0x3  }
0x9c: {  	_ =	strace s3  }
0x9d: {  	_ =	strace $0x8FFFFFFF  }
0x9e: {  	s18 =	sld [smem:$0x3FDB];
	_ =	sdelay $0x1  }
0x9f: {  	s19 =	simm.s32 $_scs_section_size  }
0xa0: {  	s5 =	simm.s32 $_size__tile_overlayer_lowered;
	s6 =	simm.s32 $_tile_overlayer_lowered  }
0xa1: {  	s22 =	simm.s32 $0x1BFF;
	s21 =	sshll.u32 s6, $0x1;
	s3 =	sadd.s32 s19, s18  }
0xa2: {  	s7 =	simm.s32 $0x0;
	s20 =	sshll.u32 s5, $0x1;
	s5 =	sadd.s32 s21, s3  }
0xa3: {  	[timem:s7], [sflag:s22] =	dma.local [hbm:s5], s20  }
0xa4: {  	_ =	swait.ge [sflag:s22], s20  }
0xa5: {  	s4 =	ssub.s32 $0x0, s20;
	[sflag:s22] =	ssyncset.done $0x0  }
0xa6: {  	[sflag:s22] =	ssyncadd.s32 s4;
	_ =	sdelay $0x1  }
0xa7: {  	s23 =	simm.s32 $0x1B8B  }
0xa8: {  	_ =	swait.ge [sflag:s23], $0x1  }
0xa9: {  	[sflag:s23] =	ssyncset.done $0x0  }
0xaa: {  	s25 =	simm.s32 $0x1B8E;
	s24 =	sld [smem:$0x3FFE];
	[sflag:s23] =	ssyncadd.s32 $0xFFFFFFFF  }
0xab: {  	s26 =	simm.s32 $execute0_lowered;
	[smem:$0x3FD2] =	sst s25  }
0xac: {  	s5 =	sshll.u32 s26, $0x1;
	_ =	strace $0x80000046;
	[dreg:$0x1] =	wrdreg $0xFFFFFFFF  }
0xad: {  	s28 =	simm.s32 $_size_execute0_lowered;
	s3 =	sadd.s32 s3, s5;
	[dreg:$0x0] =	wrdreg $0x0  }
0xae: {  	s5 =	sshll.u32 s28, $0x1;
	[dreg:$0x2] =	wrdreg s3  }
0xaf: {  	[dreg:$0x3] =	wrdreg s5  }
0xb0: {  	[dreg:$0x4] =	wrdreg $0xC0  }
0xb1: {  	_ =	task [dreg:s7], $0x5FFFF  }
0xb2: {  	[dreg:$0x1] =	wrdreg $0xFFFFFFFF  }
0xb3: {  	[dreg:$0x0] =	wrdreg $0x60  }
0xb4: {  	[dreg:$0x2] =	wrdreg s16  }
0xb5: {  	[dreg:$0x3] =	wrdreg s24  }
0xb6: {  	[dreg:$0x4] =	wrdreg $0x9  }
0xb7: {  	_ =	task.clear_ibuf [dreg:s7], $0x5FFFF;
	_ =	strace $0x90000046  }
0xb8: {  	s29 =	simm.s32 $0x9;
	_ =	strace $0x80000048  }
0xb9: {  	_ =	swait.ge [sflag:s29], $0x1  }
0xba: {  	[sflag:s29] =	ssyncadd.s32 $0xFFFFFFFF  }
0xbb: {  	_ =	strace $0x90000048  }
0xbc: {  	_ =	sfence  }
0xbd: {  	s30 =	sld [smem:$0x0];
	_ =	sdelay $0x2  }
0xbe: {  	s31 =	sshll.u32 s1, $0xD;
	s1 =	sshrl.u32 s1, $0x2  }
0xbf: {  	s3 =	sand.u32 $0x4000, s31;
	s1 =	sadd.s32 s1, s30  }
0xc0: {  	s0 =	sor.u32 s3, s0;
	s1 =	sshll.u32 s1, $0x11  }
0xc1: {  	s0 =	sor.u32 s1, s0  }
0xc2: {  	s0 =	sadd.s32 $0x8F2B, s0  }
0xc3: {  	[sflag:s0] =	ssyncadd.remote.s32 $0x1  }
0xc4: {  	_ =	sfence.sel $0xFFFF  }
0xc5: {  	[dreg:$0x0] =	wrdreg $0xFFFFFFFF;
	(pc) =	sbr.abs _section_cstart, $3  }
0xc6: {  	[dreg:$0x1] =	wrdreg $0xFFFFFFFF  }
0xc7: {  	_ =	task.clear_ibuf [dreg:s7], $0x2FFFF;
	_ =	strace $0x9FFFFFFF  }
0xc8: {  	(tm) =	ssettm $0x7FFFFFFF  }
0xc9: {  	_ =	shalt  }
tec
execute0_lowered:
.L_overlay_start_1:
0x0: {  	(tag) =	ssettag $0x1  }
0x1: {  	s1 =	stileid.u32  }
0x2: {  	p0 =	sgt.u32 s1, $0x1  }
.Ltmp0:
0x3: {  	_ = 	snop;
	(pc) =	sbr.rel @p0 .LBB2_5-.Ltmp0, $4  }
0x4: {  	s4 =	rddreg [dreg:$0x0]  }
0x5: {  	s3 =	rddreg [dreg:$0x1];
	s2 =	simm.s32 $0x0  }
0x6: {  	[smem:$0x7FF] =	sst s2  }
0x7: {  	s0 =	rddreg [dreg:$0x2];
	_ =	strace $0x80000047  }
0x8: {  	s5 =	srdreg.scid  }
0x9: {  	s6 =	sshll.u32 s1, $0x5;
	s8 =	simm.s32 $0x1;
	s5 =	sand.u32 $0x1, s5  }
0xa: {  	s9 =	simm.s32 $0x1000;
	s7 =	sshll.u32 s5, $0x4;
	s5 =	ssub.s32 $0x2, s5  }
0xb: {  	s6 =	sor.u32 s7, s6;
	s31 =	sshrl.u32 s5, $0x1;
	s7 =	simm.s32 $0x200  }
0xc: {  	s3 =	sadd.s32 s6, s3;
	s5 =	ssub.s32 s5, s31;
	s4 =	sadd.s32 s4, s6  }
0xd: {  	v0 =	vlaneseq.u32;
	s6 =	simm.s32 $0x80;
	s3 =	sadd.s32 $0x600, s3;
	s5 =	smax.u32 s5, $0x1  }
.LBB2_2:
0xe: {  	s10 =	simm.s32 $0x0  }
0xf: {  	[tilespmem:s10], [sflag:$0x1] =	stream.strided.gather [hbm4b:s4+s6], $0x1000, s7, s6, $0x38;
	[tilespmem:$0x2000] =	vst v63  }
0x10: {  	_ =	swait.ge [sflag:s8], $0x1000  }
0x11: {  	[sflag:s8] =	ssyncset.done $0x0  }
0x12: {  	[sflag:s8] =	ssyncadd.s32 $0xFFFFF000  }
0x13: {  	s11 =	simm.s32 $0x10;
	s12 =	simm.s32 $0x0;
	v1 =	vld [tilespmem:s10+$0x0]  }
.LBB2_3:
0x14: {  	p0 =	sne.s32 s11, $0xFF0;
	_ =	sdelay $0x3  }
.Ltmp1:
0x15: {  	(pc) =	sbr.rel @p0 .LBB2_3-.Ltmp1, $4  }
0x16: {  	_ = 	snop  }
0x17: {  	v2 =	vor.u32 s10, v0;
	s10 =	smov.u32 s11  }
0x18: {  	s12 =	sadd.s32 $0x10, s12;
	[tilespmem:v1+s9+$0x0] =	vst.idx.msk $0xffff, v2  }
0x19: {  	s11 =	sadd.s32 $0x10, s11;
	v1 =	vld [tilespmem:s12+$0x0]  }
0x1a: {  	_ =	sdelay $0x5  }
0x1b: {  	s2 =	sadd.s32 $0x1, s2  }
0x1c: {  	v2 =	vor.u32 s10, v0;
	p0 =	sne.s32 s2, s5  }
.Ltmp2:
0x1d: {  	[tilespmem:v1+s9+$0x0] =	vst.idx.msk $0xffff, v2;
	(pc) =	sbr.rel @p0 .LBB2_2-.Ltmp2, $4  }
0x1e: {  	[hbm4b:s3+s6] =	stream.strided.scatter [tilespmem:s9], [sflag:$0x1], $0x1000, s7, s6, $0x38;
	[tilespmem:$0x2000] =	vst v63  }
0x1f: {  	_ =	swait.ge [sflag:s8], $0x1000  }
0x20: {  	[sflag:s8] =	ssyncset.done $0x0  }
0x21: {  	[sflag:s8] =	ssyncadd.s32 $0xFFFFF000  }
.LBB2_5:
0x22: {  	_ =	sfence.sel $0x180000  }
0x23: {  	[bflag:$0x0] =	sbarrier.arrive $0xFFFF  }
0x24: {  	p0 =	sne.s32 s1, $0x0;
	_ =	strace $0x90000047  }
0x25: {  	s0 =	sadd.s32 @!p0 $0x100000, s0;
	[bflag:$0x2] =	sbarrier.arrive $0xFFFF  }
0x26: {  	[sflag:s0] =	ssyncadd.tile.s32 @!p0 $0x1;
	_ =	shalt  }
.Lfunc_end2:
_tile_overlayer_lowered:
.L_overlay_start_2:
0x27: {  	(tag) =	ssettag $0x2  }
0x28: {  	s0 =	rddreg [dreg:$0x0];
	s2 =	stileid.u32  }
0x29: {  	s1 =	rddreg [dreg:$0x1];
	p0 =	sne.s32 s2, $0x0  }
0x2a: {  	s3 =	rddreg [dreg:$0x2];
	[bflag:$0x3] =	sbarrier.arrive $0xFFFF;
	s2 =	simm.s32 @!p0 $0x1C01  }
0x2b: {  	[timem:s3], [sflag:s2] =	dma.local @!p0 [hbm:s0], s1  }
0x2c: {  	s0 =	simm.s32 @!p0 $0x1  }
0x2d: {  	_ =	swait.ge @!p0 [sflag:s0], s1  }
0x2e: {  	s1 =	ssub.s32 @!p0 $0x0, s1;
	[sflag:s0] =	ssyncset.done @!p0 $0x0  }
0x2f: {  	[sflag:s0] =	ssyncadd.s32 @!p0 s1  }
0x30: {  	[bflag:$0x3] =	sbarrier.arrive $0xFFFF  }
0x31: {  	_ =	shalt  }

</sc_bundles>
